<compile_context>
chip_gen: v7x
topology: tpu7x:2x2x1
jax: 0.10.2.dev20260603
libtpu: 0.0.44.dev20260713+nightly
codegen_flags: <defaults>
</compile_context>

<pallas_src>
import functools

import jax
import jax.numpy as jnp
from jax import lax
from jax.experimental import pallas as pl
from jax.experimental.pallas import tpu as pltpu
from jax.experimental.pallas import tpu_sc as plsc

N = 10000
E = 160000
M = 256
GAMMA = 0.8
MAX_ITER = 30
EPS_F = 1e-12

K = MAX_ITER - 1
NC, NS, LANES = 2, 16, 16
NW = NC * NS
FPW = 4
NSLICE = M // FPW
NPAD = 10240
SLICE_WORDS = NPAD * FPW
CHUNK = 8000
NCHUNK = E // CHUNK
CGROUPS = CHUNK // LANES
UNROLL = 10


def _sc_mesh():
    return plsc.VectorSubcoreMesh(core_axis_name="c", subcore_axis_name="s",
                                  num_cores=NC, num_subcores=NS)


def _issue_chunk(ci, rc_hbm, w_hbm, rcb, wb, sem):
    off = ci * CHUNK
    pltpu.async_copy(rc_hbm.at[pl.ds(off, CHUNK)], rcb, sem)
    pltpu.async_copy(w_hbm.at[pl.ds(off, CHUNK)], wb, sem)


def _wait_chunk(ci, rc_hbm, w_hbm, rcb, wb, sem):
    off = ci * CHUNK
    pltpu.make_async_copy(rc_hbm.at[pl.ds(off, CHUNK)], rcb, sem).wait()
    pltpu.make_async_copy(w_hbm.at[pl.ds(off, CHUNK)], wb, sem).wait()


def _process_chunk(rcb, wb, src, dst):

    src_p = [src.at[pl.ds(j * NPAD, NPAD)] for j in range(FPW)]
    dst_p = [dst.at[pl.ds(j * NPAD, NPAD)] for j in range(FPW)]

    @plsc.parallel_loop(0, CGROUPS, unroll=UNROLL)
    def _group(gi):
        b0 = gi * LANES
        rc = rcb[pl.ds(b0, LANES)]
        w = wb[pl.ds(b0, LANES)]
        r = rc & 0xFFFF
        c = lax.shift_right_logical(rc, 16)
        for j in range(FPW):
            zj = plsc.load_gather(src_p[j], [r])
            plsc.addupdate_scatter(dst_p[j], [c], zj * w)


def _zero_buf(buf):
    zeros = jnp.zeros((LANES,), jnp.float32)

    @plsc.parallel_loop(0, SLICE_WORDS // LANES, unroll=UNROLL)
    def _z(i):
        buf[pl.ds(i * LANES, LANES)] = zeros


def _scan_edges(rc_hbm, w_hbm, bufs_a, bufs_b, sem_a, sem_b, src, dst):

    def pair_body(i, _):
        cbase = i * 2
        for b, (bufs, sem, nbufs, nsem) in enumerate(
                ((bufs_a, sem_a, bufs_b, sem_b),
                 (bufs_b, sem_b, bufs_a, sem_a))):
            ci = cbase + b
            _wait_chunk(ci, rc_hbm, w_hbm, *bufs, sem)

            @pl.when(ci + 1 < NCHUNK)
            def _():
                _issue_chunk(ci + 1, rc_hbm, w_hbm, *nbufs, nsem)

            _process_chunk(*bufs, src, dst)
        return 0

    lax.fori_loop(0, NCHUNK // 2, pair_body, 0)


@functools.partial(
    pl.kernel,
    out_type=jax.ShapeDtypeStruct((K, NSLICE, SLICE_WORDS), jnp.float32),
    mesh=_sc_mesh(),
    compiler_params=pltpu.CompilerParams(needs_layout_passes=False,
                                         disable_bounds_checks=True),
    scratch_types=[
        pltpu.VMEM((SLICE_WORDS,), jnp.float32),
        pltpu.VMEM((SLICE_WORDS,), jnp.float32),
        pltpu.VMEM((CHUNK,), jnp.int32),
        pltpu.VMEM((CHUNK,), jnp.float32),
        pltpu.VMEM((CHUNK,), jnp.int32),
        pltpu.VMEM((CHUNK,), jnp.float32),
        pltpu.SemaphoreType.DMA,
        pltpu.SemaphoreType.DMA,
        pltpu.SemaphoreType.DMA,
    ],
)
def _sc_propagate(x_hbm, rc_hbm, w_hbm, p_hbm,
                  ping, pong, rca, wa, rcb, wb, sem_a, sem_b, sem_o):
    wid = lax.axis_index("s") * NC + lax.axis_index("c")
    bufs_a = (rca, wa)
    bufs_b = (rcb, wb)

    def step(k, s, src, dst):
        @pl.when(k >= 2)
        def _():
            pltpu.make_async_copy(dst, p_hbm.at[k - 2, s], sem_o).wait()

        _issue_chunk(0, rc_hbm, w_hbm, *bufs_a, sem_a)
        _zero_buf(dst)
        _scan_edges(rc_hbm, w_hbm, bufs_a, bufs_b, sem_a, sem_b, src, dst)
        pltpu.async_copy(dst, p_hbm.at[k, s], sem_o)

    for slice_i in range(NSLICE // NW):
        s = slice_i * NW + wid
        pltpu.async_copy(x_hbm.at[s], ping, sem_o).wait()

        def pair_body(i, _):
            step(2 * i, s, ping, pong)
            step(2 * i + 1, s, pong, ping)
            return 0

        lax.fori_loop(0, (K - 1) // 2, pair_body, 0)
        step(K - 1, s, ping, pong)

        for k in (K - 2, K - 1):
            dst = pong if k % 2 == 0 else ping
            pltpu.make_async_copy(dst, p_hbm.at[k, s], sem_o).wait()


def _cchain_body(f_ref, out_ref, base_ref, c_ref):
    k = pl.program_id(0)

    @pl.when(k == 0)
    def _():
        ff = lax.dot_general(f_ref[...], f_ref[...],
                             (((0,), (0,)), ((), ())),
                             preferred_element_type=jnp.float32)
        nrm = jnp.sqrt(jnp.sum(ff * ff))
        base_ref[...] = (GAMMA / (nrm + EPS_F)) * ff
        c_ref[...] = base_ref[...]

    @pl.when(k > 0)
    def _():
        c_ref[...] = jnp.dot(c_ref[...], base_ref[...],
                             preferred_element_type=jnp.float32)

    out_ref[0] = c_ref[...]


def _cchain(F):
    return pl.pallas_call(
        _cchain_body,
        grid=(K,),
        in_specs=[pl.BlockSpec((M, M), lambda k: (0, 0))],
        out_specs=pl.BlockSpec((1, M, M), lambda k: (k, 0, 0)),
        out_shape=jax.ShapeDtypeStruct((K, M, M), jnp.float32),
        scratch_shapes=[pltpu.VMEM((M, M), jnp.float32),
                        pltpu.VMEM((M, M), jnp.float32)],
    )(F)


BN = 2048


def _accum_body(x_ref, p_ref, c_ref, out_ref, acc_ref):
    k = pl.program_id(1)

    @pl.when(k == 0)
    def _():
        acc_ref[...] = x_ref[...]

    @pl.when(k > 0)
    def _():
        acc_ref[...] += lax.dot_general(p_ref[0], c_ref[0],
                                        (((0,), (0,)), ((), ())),
                                        preferred_element_type=jnp.float32)

    @pl.when(k == MAX_ITER - 1)
    def _():
        out_ref[...] = acc_ref[...]


def _accumulate(Xp, Pt, C):
    nb = NPAD // BN
    return pl.pallas_call(
        _accum_body,
        grid=(nb, MAX_ITER),
        in_specs=[
            pl.BlockSpec((BN, M), lambda b, k: (b, 0)),
            pl.BlockSpec((1, M, BN), lambda b, k: (jnp.maximum(k - 1, 0), 0, b)),
            pl.BlockSpec((1, M, M), lambda b, k: (jnp.maximum(k - 1, 0), 0, 0)),
        ],
        out_specs=pl.BlockSpec((BN, M), lambda b, k: (b, 0)),
        out_shape=jax.ShapeDtypeStruct((NPAD, M), jnp.float32),
        scratch_shapes=[pltpu.VMEM((BN, M), jnp.float32)],
    )(Xp, Pt, C)


def kernel(X, edge_index, edge_weight, F):
    rows = edge_index[0].astype(jnp.int32)
    cols = edge_index[1].astype(jnp.int32)
    rc = rows | (cols << 16)
    w = edge_weight.astype(jnp.float32)

    Xp = jnp.pad(X, ((0, NPAD - N), (0, 0)))
    x_sl = Xp.reshape(NPAD, NSLICE, FPW).transpose(1, 2, 0).reshape(NSLICE, SLICE_WORDS)
    p_sl = _sc_propagate(x_sl, rc, w)
    Pt = p_sl.reshape(K, M, NPAD)

    C = _cchain(F)
    return _accumulate(Xp, Pt, C)[:N]

# --- scband reference (transcript-rebuilt; emitter-appended) ---
"""Pipeline reference for scband-eignn-scale-w-iter-broyden-52733608461006 (READ-ONLY COPY).

The authoritative reference and input builder live on the scoring server;
editing this copy changes nothing except your own understanding.
"""

import jax, jax.numpy as jnp
import numpy as np

N = 10000
E = 160000
M = 256
GAMMA = 0.8
MAX_ITER = 30
EPS_F = 1e-12


def setup_inputs(seed: int = 0) -> dict:
    key = jax.random.key(seed)
    k1, k2, k3, k4 = jax.random.split(key, 4)
    X = jax.random.normal(k1, (N, M), dtype=jnp.float32)
    edge_index = jax.random.randint(k2, (2, E), 0, N)
    # edge weights scaled so gamma * ||S|| * ||g(F)|| < 1 (contraction -> Broyden/fixed-point converges)
    edge_weight = jax.random.uniform(k3, (E,), dtype=jnp.float32) / 32.0
    # xavier_uniform init for parameter F (m x m)
    bound = float(np.sqrt(6.0 / (M + M)))
    Fm = jax.random.uniform(k4, (M, M), minval=-bound, maxval=bound, dtype=jnp.float32)
    return {"X": X, "edge_index": edge_index, "edge_weight": edge_weight, "F": Fm}


def g(Fm):
    FF = Fm.T @ Fm
    FF_norm = jnp.linalg.norm(FF)  # frobenius
    return FF / (FF_norm + EPS_F)


def spmm_transpose(edge_index, vals, Z):
    # (S^T @ Z)[i] = sum_j S[j, i] * Z[j]; S stored as COO (rows, cols, vals)
    rows = edge_index[0]
    cols = edge_index[1]
    msgs = vals[:, None] * jnp.take(Z, rows, axis=0)
    return jax.ops.segment_sum(msgs, cols, num_segments=N)


def reference(X, edge_index, edge_weight, F):
    # k=1 -> S_k = adj (no extra sparse powers); solve Z = gamma * S^T Z g(F)^T + X
    gFt = g(F).T
    Z = jnp.zeros_like(X)
    for _ in range(MAX_ITER):
        Z = GAMMA * (spmm_transpose(edge_index, edge_weight, Z) @ gFt) + X
    return Z

if __name__ == "__main__":
    import jax
    _d = setup_inputs()
    print(jax.jit(kernel)(*tuple(_d.values())))

</pallas_src>

<mosaic_0001>
#map = affine_map<(d0, d1) -> (0, 0)>
#map1 = affine_map<(d0, d1) -> (0)>
#map2 = affine_map<(d0, d1) -> (0, 0, 0)>
module attributes {stable_mosaic.version = 14 : i64} {
  func.func @_sc_propagate(%arg0: i32, %arg1: i32, %arg2: memref<64x40960xf32, #tpu.memory_space<hbm>>, %arg3: memref<160000xi32, #tpu.memory_space<hbm>>, %arg4: memref<160000xf32, #tpu.memory_space<hbm>>, %arg5: memref<29x64x40960xf32, #tpu.memory_space<hbm>>, %arg6: memref<40960xf32, #tpu.memory_space<vmem>>, %arg7: memref<40960xf32, #tpu.memory_space<vmem>>, %arg8: memref<8000xi32, #tpu.memory_space<vmem>>, %arg9: memref<8000xf32, #tpu.memory_space<vmem>>, %arg10: memref<8000xi32, #tpu.memory_space<vmem>>, %arg11: memref<8000xf32, #tpu.memory_space<vmem>>, %arg12: memref<!tpu.dma_semaphore, #tpu.memory_space<semaphore_mem>>, %arg13: memref<!tpu.dma_semaphore, #tpu.memory_space<semaphore_mem>>, %arg14: memref<!tpu.dma_semaphore, #tpu.memory_space<semaphore_mem>>) attributes {dimension_semantics = [#tpu.dimension_semantics<core_parallel>, #tpu.dimension_semantics<subcore_parallel>], iteration_bounds = array<i64: 2, 16>, scalar_prefetch = 0 : i64, scratch_operands = 9 : i64, tpu.core_type = #tpu.core_type<sc_vector_subcore>, window_params = [{transform_indices = #map}, {transform_indices = #map1}, {transform_indices = #map1}, {transform_indices = #map2}]} {
    %mul3A = arith.constant 2 : i32
    %mul3A_0 = arith.muli %arg1, %mul3A : i32
    %add3A = arith.addi %mul3A_0, %arg0 : i32
    %add3A_1 = arith.constant 0 : i32
    %add3A_2 = arith.addi %add3A_1, %add3A : i32
    %dma_start3A = arith.constant 0 : i32
    %dma_start3A_3 = tpu.memref_slice %arg2[%add3A_2, %dma_start3A] : memref<64x40960xf32, #tpu.memory_space<hbm>> -> memref<1x40960xf32, #tpu.memory_space<hbm>>
    %dma_start3A_4 = tpu.memref_squeeze %dma_start3A_3 : memref<1x40960xf32, #tpu.memory_space<hbm>> -> memref<40960xf32, #tpu.memory_space<hbm>>
    %dma_start3A_5 = arith.constant 0 : i32
    %dma_start3A_6 = tpu.memref_slice %arg2[%add3A_2, %dma_start3A_5] : memref<64x40960xf32, #tpu.memory_space<hbm>> -> memref<1x40960xf32, #tpu.memory_space<hbm>>
    %dma_start3A_7 = tpu.memref_squeeze %dma_start3A_6 : memref<1x40960xf32, #tpu.memory_space<hbm>> -> memref<40960xf32, #tpu.memory_space<hbm>>
    tpu.enqueue_dma source(%dma_start3A_7 : memref<40960xf32, #tpu.memory_space<hbm>>) target(%arg6 : memref<40960xf32, #tpu.memory_space<vmem>>) target_semaphore(%arg14 : memref<!tpu.dma_semaphore, #tpu.memory_space<semaphore_mem>>)
    %dma_wait3A = arith.constant 0 : i32
    %dma_wait3A_8 = tpu.memref_slice %arg2[%add3A_2, %dma_wait3A] : memref<64x40960xf32, #tpu.memory_space<hbm>> -> memref<1x40960xf32, #tpu.memory_space<hbm>>
    %dma_wait3A_9 = tpu.memref_squeeze %dma_wait3A_8 : memref<1x40960xf32, #tpu.memory_space<hbm>> -> memref<40960xf32, #tpu.memory_space<hbm>>
    %dma_wait3A_10 = arith.constant 0 : i32
    %dma_wait3A_11 = tpu.memref_slice %arg2[%add3A_2, %dma_wait3A_10] : memref<64x40960xf32, #tpu.memory_space<hbm>> -> memref<1x40960xf32, #tpu.memory_space<hbm>>
    %dma_wait3A_12 = tpu.memref_squeeze %dma_wait3A_11 : memref<1x40960xf32, #tpu.memory_space<hbm>> -> memref<40960xf32, #tpu.memory_space<hbm>>
    tpu.wait_dma2 semaphore(%arg14 : memref<!tpu.dma_semaphore, #tpu.memory_space<semaphore_mem>>) src(%dma_wait3A_12 : memref<40960xf32, #tpu.memory_space<hbm>>) dst(%arg6 : memref<40960xf32, #tpu.memory_space<vmem>>)
    %scan3A = arith.constant 0 : i32
    %scan3A_13 = arith.constant 0 : i32
    %scan3A_14 = arith.constant 14 : i32
    %scan3A_15 = arith.addi %scan3A_13, %scan3A_14 : i32
    %scan3A_16 = arith.constant 1 : i32
    %scan3A_17 = scf.for %scan3A_134 = %scan3A_13 to %scan3A_15 step %scan3A_16 iter_args(%scan3A_135 = %scan3A) -> (i32)  : i32 {
      %mul3A_136 = arith.constant 2 : i32
      %mul3A_137 = arith.muli %mul3A_136, %scan3A_134 : i32
      %ge3A = arith.constant 2 : i32
      %ge3A_138 = arith.cmpi sge, %mul3A_137, %ge3A : i32
      %convert_element_type3A = arith.extui %ge3A_138 : i1 to i32
      %cond3A = arith.constant 0 : i32
      %cond3A_139 = arith.cmpi ne, %convert_element_type3A, %cond3A : i32
      scf.if %cond3A_139 {
        %sub3A = arith.constant 2 : i32
        %sub3A_202 = arith.subi %mul3A_137, %sub3A : i32
        %dma_wait3A_203 = arith.constant 0 : i32
        %dma_wait3A_204 = tpu.memref_slice %arg5[%sub3A_202, %add3A_2, %dma_wait3A_203] : memref<29x64x40960xf32, #tpu.memory_space<hbm>> -> memref<1x1x40960xf32, #tpu.memory_space<hbm>>
        %dma_wait3A_205 = tpu.memref_squeeze %dma_wait3A_204 : memref<1x1x40960xf32, #tpu.memory_space<hbm>> -> memref<40960xf32, #tpu.memory_space<hbm>>
        %dma_wait3A_206 = arith.constant 0 : i32
        %dma_wait3A_207 = tpu.memref_slice %arg5[%sub3A_202, %add3A_2, %dma_wait3A_206] : memref<29x64x40960xf32, #tpu.memory_space<hbm>> -> memref<1x1x40960xf32, #tpu.memory_space<hbm>>
        %dma_wait3A_208 = tpu.memref_squeeze %dma_wait3A_207 : memref<1x1x40960xf32, #tpu.memory_space<hbm>> -> memref<40960xf32, #tpu.memory_space<hbm>>
        tpu.wait_dma2 semaphore(%arg14 : memref<!tpu.dma_semaphore, #tpu.memory_space<semaphore_mem>>) src(%arg7 : memref<40960xf32, #tpu.memory_space<vmem>>) dst(%dma_wait3A_208 : memref<40960xf32, #tpu.memory_space<hbm>>)
      } else {
      }
      %dma_start3A_140 = arith.constant 0 : i32
      %dma_start3A_141 = tpu.memref_slice %arg3[%dma_start3A_140] : memref<160000xi32, #tpu.memory_space<hbm>> -> memref<8000xi32, #tpu.memory_space<hbm>>
      %dma_start3A_142 = arith.constant 0 : i32
      %dma_start3A_143 = tpu.memref_slice %arg3[%dma_start3A_142] : memref<160000xi32, #tpu.memory_space<hbm>> -> memref<8000xi32, #tpu.memory_space<hbm>>
      tpu.enqueue_dma source(%dma_start3A_143 : memref<8000xi32, #tpu.memory_space<hbm>>) target(%arg8 : memref<8000xi32, #tpu.memory_space<vmem>>) target_semaphore(%arg12 : memref<!tpu.dma_semaphore, #tpu.memory_space<semaphore_mem>>)
      %dma_start3A_144 = arith.constant 0 : i32
      %dma_start3A_145 = tpu.memref_slice %arg4[%dma_start3A_144] : memref<160000xf32, #tpu.memory_space<hbm>> -> memref<8000xf32, #tpu.memory_space<hbm>>
      %dma_start3A_146 = arith.constant 0 : i32
      %dma_start3A_147 = tpu.memref_slice %arg4[%dma_start3A_146] : memref<160000xf32, #tpu.memory_space<hbm>> -> memref<8000xf32, #tpu.memory_space<hbm>>
      tpu.enqueue_dma source(%dma_start3A_147 : memref<8000xf32, #tpu.memory_space<hbm>>) target(%arg9 : memref<8000xf32, #tpu.memory_space<vmem>>) target_semaphore(%arg12 : memref<!tpu.dma_semaphore, #tpu.memory_space<semaphore_mem>>)
      %broadcast_in_dim3A_148 = arith.constant 0.000000e+00 : f32
      %broadcast_in_dim3A_149 = vector.broadcast %broadcast_in_dim3A_148 : f32 to vector<16xf32>
      %parallel_loop3A_150 = arith.constant 0 : i32
      %parallel_loop3A_151 = arith.constant 2560 : i32
      %parallel_loop3A_152 = arith.constant 1 : i32
      scf.for %parallel_loop3A_202 = %parallel_loop3A_150 to %parallel_loop3A_151 step %parallel_loop3A_152  : i32 {
        %parallel_loop3A_203 = arith.constant 16 : i32
        %parallel_loop3A_204 = arith.muli %parallel_loop3A_202, %parallel_loop3A_203 : i32
        %parallel_loop3A_205 = arith.index_cast %parallel_loop3A_204 : i32 to index
        %parallel_loop3A_206 = tpu.vector_load %arg7[%parallel_loop3A_205] {strides = array<i32>} : memref<40960xf32, #tpu.memory_space<vmem>>, vector<16xf32>,
        tpu.vector_store %arg7[%parallel_loop3A_205], %broadcast_in_dim3A_149 {strides = array<i32>} : memref<40960xf32, #tpu.memory_space<vmem>>, vector<16xf32>,
      } {sc.loop_unroll_factor = 10 : i64, sc.parallel_access}
      %scan3A_153 = arith.constant 0 : i32
      %scan3A_154 = arith.constant 0 : i32
      %scan3A_155 = arith.constant 10 : i32
      %scan3A_156 = arith.addi %scan3A_154, %scan3A_155 : i32
      %scan3A_157 = arith.constant 1 : i32
      %scan3A_158 = scf.for %scan3A_202 = %scan3A_154 to %scan3A_156 step %scan3A_157 iter_args(%scan3A_203 = %scan3A_153) -> (i32)  : i32 {
        %mul3A_204 = arith.constant 2 : i32
        %mul3A_205 = arith.muli %scan3A_202, %mul3A_204 : i32
        %add3A_206 = arith.constant 0 : i32
        %add3A_207 = arith.addi %mul3A_205, %add3A_206 : i32
        %mul3A_208 = arith.constant 8000 : i32
        %mul3A_209 = arith.muli %add3A_207, %mul3A_208 : i32
        %dma_wait3A_210 = tpu.memref_slice %arg3[%mul3A_209] : memref<160000xi32, #tpu.memory_space<hbm>> -> memref<8000xi32, #tpu.memory_space<hbm>>
        %dma_wait3A_211 = tpu.memref_slice %arg3[%mul3A_209] : memref<160000xi32, #tpu.memory_space<hbm>> -> memref<8000xi32, #tpu.memory_space<hbm>>
        tpu.wait_dma2 semaphore(%arg12 : memref<!tpu.dma_semaphore, #tpu.memory_space<semaphore_mem>>) src(%dma_wait3A_211 : memref<8000xi32, #tpu.memory_space<hbm>>) dst(%arg8 : memref<8000xi32, #tpu.memory_space<vmem>>)
        %dma_wait3A_212 = tpu.memref_slice %arg4[%mul3A_209] : memref<160000xf32, #tpu.memory_space<hbm>> -> memref<8000xf32, #tpu.memory_space<hbm>>
        %dma_wait3A_213 = tpu.memref_slice %arg4[%mul3A_209] : memref<160000xf32, #tpu.memory_space<hbm>> -> memref<8000xf32, #tpu.memory_space<hbm>>
        tpu.wait_dma2 semaphore(%arg12 : memref<!tpu.dma_semaphore, #tpu.memory_space<semaphore_mem>>) src(%dma_wait3A_213 : memref<8000xf32, #tpu.memory_space<hbm>>) dst(%arg9 : memref<8000xf32, #tpu.memory_space<vmem>>)
        %add3A_214 = arith.constant 1 : i32
        %add3A_215 = arith.addi %add3A_207, %add3A_214 : i32
        %lt3A = arith.constant 20 : i32
        %lt3A_216 = arith.cmpi slt, %add3A_215, %lt3A : i32
        %convert_element_type3A_217 = arith.extui %lt3A_216 : i1 to i32
        %cond3A_218 = arith.constant 0 : i32
        %cond3A_219 = arith.cmpi ne, %convert_element_type3A_217, %cond3A_218 : i32
        scf.if %cond3A_219 {
          %add3A_242 = arith.constant 1 : i32
          %add3A_243 = arith.addi %add3A_207, %add3A_242 : i32
          %mul3A_244 = arith.constant 8000 : i32
          %mul3A_245 = arith.muli %add3A_243, %mul3A_244 : i32
          %dma_start3A_246 = tpu.memref_slice %arg3[%mul3A_245] : memref<160000xi32, #tpu.memory_space<hbm>> -> memref<8000xi32, #tpu.memory_space<hbm>>
          %dma_start3A_247 = tpu.memref_slice %arg3[%mul3A_245] : memref<160000xi32, #tpu.memory_space<hbm>> -> memref<8000xi32, #tpu.memory_space<hbm>>
          tpu.enqueue_dma source(%dma_start3A_247 : memref<8000xi32, #tpu.memory_space<hbm>>) target(%arg10 : memref<8000xi32, #tpu.memory_space<vmem>>) target_semaphore(%arg13 : memref<!tpu.dma_semaphore, #tpu.memory_space<semaphore_mem>>)
          %dma_start3A_248 = tpu.memref_slice %arg4[%mul3A_245] : memref<160000xf32, #tpu.memory_space<hbm>> -> memref<8000xf32, #tpu.memory_space<hbm>>
          %dma_start3A_249 = tpu.memref_slice %arg4[%mul3A_245] : memref<160000xf32, #tpu.memory_space<hbm>> -> memref<8000xf32, #tpu.memory_space<hbm>>
          tpu.enqueue_dma source(%dma_start3A_249 : memref<8000xf32, #tpu.memory_space<hbm>>) target(%arg11 : memref<8000xf32, #tpu.memory_space<vmem>>) target_semaphore(%arg13 : memref<!tpu.dma_semaphore, #tpu.memory_space<semaphore_mem>>)
        } else {
        }
        %parallel_loop3A_220 = arith.constant 0 : i32
        %parallel_loop3A_221 = arith.constant 500 : i32
        %parallel_loop3A_222 = arith.constant 1 : i32
        scf.for %parallel_loop3A_242 = %parallel_loop3A_220 to %parallel_loop3A_221 step %parallel_loop3A_222  : i32 {
          %parallel_loop3A_243 = arith.constant 16 : i32
          %parallel_loop3A_244 = arith.muli %parallel_loop3A_242, %parallel_loop3A_243 : i32
          %parallel_loop3A_245 = arith.index_cast %parallel_loop3A_244 : i32 to index
          %parallel_loop3A_246 = tpu.vector_load %arg8[%parallel_loop3A_245] {strides = array<i32>} : memref<8000xi32, #tpu.memory_space<vmem>>, vector<16xi32>,
          %parallel_loop3A_247 = arith.index_cast %parallel_loop3A_244 : i32 to index
          %parallel_loop3A_248 = tpu.vector_load %arg9[%parallel_loop3A_247] {strides = array<i32>} : memref<8000xf32, #tpu.memory_space<vmem>>, vector<16xf32>,
          %parallel_loop3A_249 = arith.constant 65535 : i32
          %parallel_loop3A_250 = vector.broadcast %parallel_loop3A_249 : i32 to vector<16xi32>
          %parallel_loop3A_251 = arith.andi %parallel_loop3A_246, %parallel_loop3A_250 : vector<16xi32>
          %parallel_loop3A_252 = arith.constant 16 : i32
          %parallel_loop3A_253 = vector.broadcast %parallel_loop3A_252 : i32 to vector<16xi32>
          %parallel_loop3A_254 = arith.shrui %parallel_loop3A_246, %parallel_loop3A_253 : vector<16xi32>
          %parallel_loop3A_255 = arith.constant 0 : i32
          %parallel_loop3A_256 = tpu.memref_slice %arg6[%parallel_loop3A_255] : memref<40960xf32, #tpu.memory_space<vmem>> -> memref<10240xf32, #tpu.memory_space<vmem>>
          %parallel_loop3A_257 = tpu.vector_load_idx %parallel_loop3A_256[%parallel_loop3A_251] : memref<10240xf32, #tpu.memory_space<vmem>>[vector<16xi32>], vector<16xf32>,
          %parallel_loop3A_258 = arith.mulf %parallel_loop3A_257, %parallel_loop3A_248 : vector<16xf32>
          %parallel_loop3A_259 = arith.constant 0 : i32
          %parallel_loop3A_260 = tpu.memref_slice %arg7[%parallel_loop3A_259] : memref<40960xf32, #tpu.memory_space<vmem>> -> memref<10240xf32, #tpu.memory_space<vmem>>
          tpu.vector_store_idx %parallel_loop3A_260[%parallel_loop3A_254], %parallel_loop3A_258 {add = true} : memref<10240xf32, #tpu.memory_space<vmem>>[vector<16xi32>], vector<16xf32>,
          %parallel_loop3A_261 = arith.constant 10240 : i32
          %parallel_loop3A_262 = tpu.memref_slice %arg6[%parallel_loop3A_261] : memref<40960xf32, #tpu.memory_space<vmem>> -> memref<10240xf32, #tpu.memory_space<vmem>>
          %parallel_loop3A_263 = tpu.vector_load_idx %parallel_loop3A_262[%parallel_loop3A_251] : memref<10240xf32, #tpu.memory_space<vmem>>[vector<16xi32>], vector<16xf32>,
          %parallel_loop3A_264 = arith.mulf %parallel_loop3A_263, %parallel_loop3A_248 : vector<16xf32>
          %parallel_loop3A_265 = arith.constant 10240 : i32
          %parallel_loop3A_266 = tpu.memref_slice %arg7[%parallel_loop3A_265] : memref<40960xf32, #tpu.memory_space<vmem>> -> memref<10240xf32, #tpu.memory_space<vmem>>
          tpu.vector_store_idx %parallel_loop3A_266[%parallel_loop3A_254], %parallel_loop3A_264 {add = true} : memref<10240xf32, #tpu.memory_space<vmem>>[vector<16xi32>], vector<16xf32>,
          %parallel_loop3A_267 = arith.constant 20480 : i32
          %parallel_loop3A_268 = tpu.memref_slice %arg6[%parallel_loop3A_267] : memref<40960xf32, #tpu.memory_space<vmem>> -> memref<10240xf32, #tpu.memory_space<vmem>>
          %parallel_loop3A_269 = tpu.vector_load_idx %parallel_loop3A_268[%parallel_loop3A_251] : memref<10240xf32, #tpu.memory_space<vmem>>[vector<16xi32>], vector<16xf32>,
          %parallel_loop3A_270 = arith.mulf %parallel_loop3A_269, %parallel_loop3A_248 : vector<16xf32>
          %parallel_loop3A_271 = arith.constant 20480 : i32
          %parallel_loop3A_272 = tpu.memref_slice %arg7[%parallel_loop3A_271] : memref<40960xf32, #tpu.memory_space<vmem>> -> memref<10240xf32, #tpu.memory_space<vmem>>
          tpu.vector_store_idx %parallel_loop3A_272[%parallel_loop3A_254], %parallel_loop3A_270 {add = true} : memref<10240xf32, #tpu.memory_space<vmem>>[vector<16xi32>], vector<16xf32>,
          %parallel_loop3A_273 = arith.constant 30720 : i32
          %parallel_loop3A_274 = tpu.memref_slice %arg6[%parallel_loop3A_273] : memref<40960xf32, #tpu.memory_space<vmem>> -> memref<10240xf32, #tpu.memory_space<vmem>>
          %parallel_loop3A_275 = tpu.vector_load_idx %parallel_loop3A_274[%parallel_loop3A_251] : memref<10240xf32, #tpu.memory_space<vmem>>[vector<16xi32>], vector<16xf32>,
          %parallel_loop3A_276 = arith.mulf %parallel_loop3A_275, %parallel_loop3A_248 : vector<16xf32>
          %parallel_loop3A_277 = arith.constant 30720 : i32
          %parallel_loop3A_278 = tpu.memref_slice %arg7[%parallel_loop3A_277] : memref<40960xf32, #tpu.memory_space<vmem>> -> memref<10240xf32, #tpu.memory_space<vmem>>
          tpu.vector_store_idx %parallel_loop3A_278[%parallel_loop3A_254], %parallel_loop3A_276 {add = true} : memref<10240xf32, #tpu.memory_space<vmem>>[vector<16xi32>], vector<16xf32>,
        } {sc.loop_unroll_factor = 10 : i64, sc.parallel_access}
        %add3A_223 = arith.constant 1 : i32
        %add3A_224 = arith.addi %mul3A_205, %add3A_223 : i32
        %mul3A_225 = arith.constant 8000 : i32
        %mul3A_226 = arith.muli %add3A_224, %mul3A_225 : i32
        %dma_wait3A_227 = tpu.memref_slice %arg3[%mul3A_226] : memref<160000xi32, #tpu.memory_space<hbm>> -> memref<8000xi32, #tpu.memory_space<hbm>>
        %dma_wait3A_228 = tpu.memref_slice %arg3[%mul3A_226] : memref<160000xi32, #tpu.memory_space<hbm>> -> memref<8000xi32, #tpu.memory_space<hbm>>
        tpu.wait_dma2 semaphore(%arg13 : memref<!tpu.dma_semaphore, #tpu.memory_space<semaphore_mem>>) src(%dma_wait3A_228 : memref<8000xi32, #tpu.memory_space<hbm>>) dst(%arg10 : memref<8000xi32, #tpu.memory_space<vmem>>)
        %dma_wait3A_229 = tpu.memref_slice %arg4[%mul3A_226] : memref<160000xf32, #tpu.memory_space<hbm>> -> memref<8000xf32, #tpu.memory_space<hbm>>
        %dma_wait3A_230 = tpu.memref_slice %arg4[%mul3A_226] : memref<160000xf32, #tpu.memory_space<hbm>> -> memref<8000xf32, #tpu.memory_space<hbm>>
        tpu.wait_dma2 semaphore(%arg13 : memref<!tpu.dma_semaphore, #tpu.memory_space<semaphore_mem>>) src(%dma_wait3A_230 : memref<8000xf32, #tpu.memory_space<hbm>>) dst(%arg11 : memref<8000xf32, #tpu.memory_space<vmem>>)
        %add3A_231 = arith.constant 1 : i32
        %add3A_232 = arith.addi %add3A_224, %add3A_231 : i32
        %lt3A_233 = arith.constant 20 : i32
        %lt3A_234 = arith.cmpi slt, %add3A_232, %lt3A_233 : i32
        %convert_element_type3A_235 = arith.extui %lt3A_234 : i1 to i32
        %cond3A_236 = arith.constant 0 : i32
        %cond3A_237 = arith.cmpi ne, %convert_element_type3A_235, %cond3A_236 : i32
        scf.if %cond3A_237 {
          %add3A_242 = arith.constant 1 : i32
          %add3A_243 = arith.addi %add3A_224, %add3A_242 : i32
          %mul3A_244 = arith.constant 8000 : i32
          %mul3A_245 = arith.muli %add3A_243, %mul3A_244 : i32
          %dma_start3A_246 = tpu.memref_slice %arg3[%mul3A_245] : memref<160000xi32, #tpu.memory_space<hbm>> -> memref<8000xi32, #tpu.memory_space<hbm>>
          %dma_start3A_247 = tpu.memref_slice %arg3[%mul3A_245] : memref<160000xi32, #tpu.memory_space<hbm>> -> memref<8000xi32, #tpu.memory_space<hbm>>
          tpu.enqueue_dma source(%dma_start3A_247 : memref<8000xi32, #tpu.memory_space<hbm>>) target(%arg8 : memref<8000xi32, #tpu.memory_space<vmem>>) target_semaphore(%arg12 : memref<!tpu.dma_semaphore, #tpu.memory_space<semaphore_mem>>)
          %dma_start3A_248 = tpu.memref_slice %arg4[%mul3A_245] : memref<160000xf32, #tpu.memory_space<hbm>> -> memref<8000xf32, #tpu.memory_space<hbm>>
          %dma_start3A_249 = tpu.memref_slice %arg4[%mul3A_245] : memref<160000xf32, #tpu.memory_space<hbm>> -> memref<8000xf32, #tpu.memory_space<hbm>>
          tpu.enqueue_dma source(%dma_start3A_249 : memref<8000xf32, #tpu.memory_space<hbm>>) target(%arg9 : memref<8000xf32, #tpu.memory_space<vmem>>) target_semaphore(%arg12 : memref<!tpu.dma_semaphore, #tpu.memory_space<semaphore_mem>>)
        } else {
        }
        %parallel_loop3A_238 = arith.constant 0 : i32
        %parallel_loop3A_239 = arith.constant 500 : i32
        %parallel_loop3A_240 = arith.constant 1 : i32
        scf.for %parallel_loop3A_242 = %parallel_loop3A_238 to %parallel_loop3A_239 step %parallel_loop3A_240  : i32 {
          %parallel_loop3A_243 = arith.constant 16 : i32
          %parallel_loop3A_244 = arith.muli %parallel_loop3A_242, %parallel_loop3A_243 : i32
          %parallel_loop3A_245 = arith.index_cast %parallel_loop3A_244 : i32 to index
          %parallel_loop3A_246 = tpu.vector_load %arg10[%parallel_loop3A_245] {strides = array<i32>} : memref<8000xi32, #tpu.memory_space<vmem>>, vector<16xi32>,
          %parallel_loop3A_247 = arith.index_cast %parallel_loop3A_244 : i32 to index
          %parallel_loop3A_248 = tpu.vector_load %arg11[%parallel_loop3A_247] {strides = array<i32>} : memref<8000xf32, #tpu.memory_space<vmem>>, vector<16xf32>,
          %parallel_loop3A_249 = arith.constant 65535 : i32
          %parallel_loop3A_250 = vector.broadcast %parallel_loop3A_249 : i32 to vector<16xi32>
          %parallel_loop3A_251 = arith.andi %parallel_loop3A_246, %parallel_loop3A_250 : vector<16xi32>
          %parallel_loop3A_252 = arith.constant 16 : i32
          %parallel_loop3A_253 = vector.broadcast %parallel_loop3A_252 : i32 to vector<16xi32>
          %parallel_loop3A_254 = arith.shrui %parallel_loop3A_246, %parallel_loop3A_253 : vector<16xi32>
          %parallel_loop3A_255 = arith.constant 0 : i32
          %parallel_loop3A_256 = tpu.memref_slice %arg6[%parallel_loop3A_255] : memref<40960xf32, #tpu.memory_space<vmem>> -> memref<10240xf32, #tpu.memory_space<vmem>>
          %parallel_loop3A_257 = tpu.vector_load_idx %parallel_loop3A_256[%parallel_loop3A_251] : memref<10240xf32, #tpu.memory_space<vmem>>[vector<16xi32>], vector<16xf32>,
          %parallel_loop3A_258 = arith.mulf %parallel_loop3A_257, %parallel_loop3A_248 : vector<16xf32>
          %parallel_loop3A_259 = arith.constant 0 : i32
          %parallel_loop3A_260 = tpu.memref_slice %arg7[%parallel_loop3A_259] : memref<40960xf32, #tpu.memory_space<vmem>> -> memref<10240xf32, #tpu.memory_space<vmem>>
          tpu.vector_store_idx %parallel_loop3A_260[%parallel_loop3A_254], %parallel_loop3A_258 {add = true} : memref<10240xf32, #tpu.memory_space<vmem>>[vector<16xi32>], vector<16xf32>,
          %parallel_loop3A_261 = arith.constant 10240 : i32
          %parallel_loop3A_262 = tpu.memref_slice %arg6[%parallel_loop3A_261] : memref<40960xf32, #tpu.memory_space<vmem>> -> memref<10240xf32, #tpu.memory_space<vmem>>
          %parallel_loop3A_263 = tpu.vector_load_idx %parallel_loop3A_262[%parallel_loop3A_251] : memref<10240xf32, #tpu.memory_space<vmem>>[vector<16xi32>], vector<16xf32>,
          %parallel_loop3A_264 = arith.mulf %parallel_loop3A_263, %parallel_loop3A_248 : vector<16xf32>
          %parallel_loop3A_265 = arith.constant 10240 : i32
          %parallel_loop3A_266 = tpu.memref_slice %arg7[%parallel_loop3A_265] : memref<40960xf32, #tpu.memory_space<vmem>> -> memref<10240xf32, #tpu.memory_space<vmem>>
          tpu.vector_store_idx %parallel_loop3A_266[%parallel_loop3A_254], %parallel_loop3A_264 {add = true} : memref<10240xf32, #tpu.memory_space<vmem>>[vector<16xi32>], vector<16xf32>,
          %parallel_loop3A_267 = arith.constant 20480 : i32
          %parallel_loop3A_268 = tpu.memref_slice %arg6[%parallel_loop3A_267] : memref<40960xf32, #tpu.memory_space<vmem>> -> memref<10240xf32, #tpu.memory_space<vmem>>
          %parallel_loop3A_269 = tpu.vector_load_idx %parallel_loop3A_268[%parallel_loop3A_251] : memref<10240xf32, #tpu.memory_space<vmem>>[vector<16xi32>], vector<16xf32>,
          %parallel_loop3A_270 = arith.mulf %parallel_loop3A_269, %parallel_loop3A_248 : vector<16xf32>
          %parallel_loop3A_271 = arith.constant 20480 : i32
          %parallel_loop3A_272 = tpu.memref_slice %arg7[%parallel_loop3A_271] : memref<40960xf32, #tpu.memory_space<vmem>> -> memref<10240xf32, #tpu.memory_space<vmem>>
          tpu.vector_store_idx %parallel_loop3A_272[%parallel_loop3A_254], %parallel_loop3A_270 {add = true} : memref<10240xf32, #tpu.memory_space<vmem>>[vector<16xi32>], vector<16xf32>,
          %parallel_loop3A_273 = arith.constant 30720 : i32
          %parallel_loop3A_274 = tpu.memref_slice %arg6[%parallel_loop3A_273] : memref<40960xf32, #tpu.memory_space<vmem>> -> memref<10240xf32, #tpu.memory_space<vmem>>
          %parallel_loop3A_275 = tpu.vector_load_idx %parallel_loop3A_274[%parallel_loop3A_251] : memref<10240xf32, #tpu.memory_space<vmem>>[vector<16xi32>], vector<16xf32>,
          %parallel_loop3A_276 = arith.mulf %parallel_loop3A_275, %parallel_loop3A_248 : vector<16xf32>
          %parallel_loop3A_277 = arith.constant 30720 : i32
          %parallel_loop3A_278 = tpu.memref_slice %arg7[%parallel_loop3A_277] : memref<40960xf32, #tpu.memory_space<vmem>> -> memref<10240xf32, #tpu.memory_space<vmem>>
          tpu.vector_store_idx %parallel_loop3A_278[%parallel_loop3A_254], %parallel_loop3A_276 {add = true} : memref<10240xf32, #tpu.memory_space<vmem>>[vector<16xi32>], vector<16xf32>,
        } {sc.loop_unroll_factor = 10 : i64, sc.parallel_access}
        %scan3A_241 = arith.constant 0 : i32
        scf.yield %scan3A_241 : i32
      }
      %scan3A_159 = arith.constant 10 : i32
      %dma_start3A_160 = arith.constant 0 : i32
      %dma_start3A_161 = tpu.memref_slice %arg5[%mul3A_137, %add3A_2, %dma_start3A_160] : memref<29x64x40960xf32, #tpu.memory_space<hbm>> -> memref<1x1x40960xf32, #tpu.memory_space<hbm>>
      %dma_start3A_162 = tpu.memref_squeeze %dma_start3A_161 : memref<1x1x40960xf32, #tpu.memory_space<hbm>> -> memref<40960xf32, #tpu.memory_space<hbm>>
      %dma_start3A_163 = arith.constant 0 : i32
      %dma_start3A_164 = tpu.memref_slice %arg5[%mul3A_137, %add3A_2, %dma_start3A_163] : memref<29x64x40960xf32, #tpu.memory_space<hbm>> -> memref<1x1x40960xf32, #tpu.memory_space<hbm>>
      %dma_start3A_165 = tpu.memref_squeeze %dma_start3A_164 : memref<1x1x40960xf32, #tpu.memory_space<hbm>> -> memref<40960xf32, #tpu.memory_space<hbm>>
      tpu.enqueue_dma source(%arg7 : memref<40960xf32, #tpu.memory_space<vmem>>) target(%dma_start3A_165 : memref<40960xf32, #tpu.memory_space<hbm>>) target_semaphore(%arg14 : memref<!tpu.dma_semaphore, #tpu.memory_space<semaphore_mem>>)
      %mul3A_166 = arith.constant 2 : i32
      %mul3A_167 = arith.muli %mul3A_166, %scan3A_134 : i32
      %add3A_168 = arith.constant 1 : i32
      %add3A_169 = arith.addi %mul3A_167, %add3A_168 : i32
      %ge3A_170 = arith.constant 2 : i32
      %ge3A_171 = arith.cmpi sge, %add3A_169, %ge3A_170 : i32
      %convert_element_type3A_172 = arith.extui %ge3A_171 : i1 to i32
      %cond3A_173 = arith.constant 0 : i32
      %cond3A_174 = arith.cmpi ne, %convert_element_type3A_172, %cond3A_173 : i32
      scf.if %cond3A_174 {
        %sub3A = arith.constant 2 : i32
        %sub3A_202 = arith.subi %add3A_169, %sub3A : i32
        %dma_wait3A_203 = arith.constant 0 : i32
        %dma_wait3A_204 = tpu.memref_slice %arg5[%sub3A_202, %add3A_2, %dma_wait3A_203] : memref<29x64x40960xf32, #tpu.memory_space<hbm>> -> memref<1x1x40960xf32, #tpu.memory_space<hbm>>
        %dma_wait3A_205 = tpu.memref_squeeze %dma_wait3A_204 : memref<1x1x40960xf32, #tpu.memory_space<hbm>> -> memref<40960xf32, #tpu.memory_space<hbm>>
        %dma_wait3A_206 = arith.constant 0 : i32
        %dma_wait3A_207 = tpu.memref_slice %arg5[%sub3A_202, %add3A_2, %dma_wait3A_206] : memref<29x64x40960xf32, #tpu.memory_space<hbm>> -> memref<1x1x40960xf32, #tpu.memory_space<hbm>>
        %dma_wait3A_208 = tpu.memref_squeeze %dma_wait3A_207 : memref<1x1x40960xf32, #tpu.memory_space<hbm>> -> memref<40960xf32, #tpu.memory_space<hbm>>
        tpu.wait_dma2 semaphore(%arg14 : memref<!tpu.dma_semaphore, #tpu.memory_space<semaphore_mem>>) src(%arg6 : memref<40960xf32, #tpu.memory_space<vmem>>) dst(%dma_wait3A_208 : memref<40960xf32, #tpu.memory_space<hbm>>)
      } else {
      }
      %dma_start3A_175 = arith.constant 0 : i32
      %dma_start3A_176 = tpu.memref_slice %arg3[%dma_start3A_175] : memref<160000xi32, #tpu.memory_space<hbm>> -> memref<8000xi32, #tpu.memory_space<hbm>>
      %dma_start3A_177 = arith.constant 0 : i32
      %dma_start3A_178 = tpu.memref_slice %arg3[%dma_start3A_177] : memref<160000xi32, #tpu.memory_space<hbm>> -> memref<8000xi32, #tpu.memory_space<hbm>>
      tpu.enqueue_dma source(%dma_start3A_178 : memref<8000xi32, #tpu.memory_space<hbm>>) target(%arg8 : memref<8000xi32, #tpu.memory_space<vmem>>) target_semaphore(%arg12 : memref<!tpu.dma_semaphore, #tpu.memory_space<semaphore_mem>>)
      %dma_start3A_179 = arith.constant 0 : i32
      %dma_start3A_180 = tpu.memref_slice %arg4[%dma_start3A_179] : memref<160000xf32, #tpu.memory_space<hbm>> -> memref<8000xf32, #tpu.memory_space<hbm>>
      %dma_start3A_181 = arith.constant 0 : i32
      %dma_start3A_182 = tpu.memref_slice %arg4[%dma_start3A_181] : memref<160000xf32, #tpu.memory_space<hbm>> -> memref<8000xf32, #tpu.memory_space<hbm>>
      tpu.enqueue_dma source(%dma_start3A_182 : memref<8000xf32, #tpu.memory_space<hbm>>) target(%arg9 : memref<8000xf32, #tpu.memory_space<vmem>>) target_semaphore(%arg12 : memref<!tpu.dma_semaphore, #tpu.memory_space<semaphore_mem>>)
      %broadcast_in_dim3A_183 = arith.constant 0.000000e+00 : f32
      %broadcast_in_dim3A_184 = vector.broadcast %broadcast_in_dim3A_183 : f32 to vector<16xf32>
      %parallel_loop3A_185 = arith.constant 0 : i32
      %parallel_loop3A_186 = arith.constant 2560 : i32
      %parallel_loop3A_187 = arith.constant 1 : i32
      scf.for %parallel_loop3A_202 = %parallel_loop3A_185 to %parallel_loop3A_186 step %parallel_loop3A_187  : i32 {
        %parallel_loop3A_203 = arith.constant 16 : i32
        %parallel_loop3A_204 = arith.muli %parallel_loop3A_202, %parallel_loop3A_203 : i32
        %parallel_loop3A_205 = arith.index_cast %parallel_loop3A_204 : i32 to index
        %parallel_loop3A_206 = tpu.vector_load %arg6[%parallel_loop3A_205] {strides = array<i32>} : memref<40960xf32, #tpu.memory_space<vmem>>, vector<16xf32>,
        tpu.vector_store %arg6[%parallel_loop3A_205], %broadcast_in_dim3A_184 {strides = array<i32>} : memref<40960xf32, #tpu.memory_space<vmem>>, vector<16xf32>,
      } {sc.loop_unroll_factor = 10 : i64, sc.parallel_access}
      %scan3A_188 = arith.constant 0 : i32
      %scan3A_189 = arith.constant 0 : i32
      %scan3A_190 = arith.constant 10 : i32
      %scan3A_191 = arith.addi %scan3A_189, %scan3A_190 : i32
      %scan3A_192 = arith.constant 1 : i32
      %scan3A_193 = scf.for %scan3A_202 = %scan3A_189 to %scan3A_191 step %scan3A_192 iter_args(%scan3A_203 = %scan3A_188) -> (i32)  : i32 {
        %mul3A_204 = arith.constant 2 : i32
        %mul3A_205 = arith.muli %scan3A_202, %mul3A_204 : i32
        %add3A_206 = arith.constant 0 : i32
        %add3A_207 = arith.addi %mul3A_205, %add3A_206 : i32
        %mul3A_208 = arith.constant 8000 : i32
        %mul3A_209 = arith.muli %add3A_207, %mul3A_208 : i32
        %dma_wait3A_210 = tpu.memref_slice %arg3[%mul3A_209] : memref<160000xi32, #tpu.memory_space<hbm>> -> memref<8000xi32, #tpu.memory_space<hbm>>
        %dma_wait3A_211 = tpu.memref_slice %arg3[%mul3A_209] : memref<160000xi32, #tpu.memory_space<hbm>> -> memref<8000xi32, #tpu.memory_space<hbm>>
        tpu.wait_dma2 semaphore(%arg12 : memref<!tpu.dma_semaphore, #tpu.memory_space<semaphore_mem>>) src(%dma_wait3A_211 : memref<8000xi32, #tpu.memory_space<hbm>>) dst(%arg8 : memref<8000xi32, #tpu.memory_space<vmem>>)
        %dma_wait3A_212 = tpu.memref_slice %arg4[%mul3A_209] : memref<160000xf32, #tpu.memory_space<hbm>> -> memref<8000xf32, #tpu.memory_space<hbm>>
        %dma_wait3A_213 = tpu.memref_slice %arg4[%mul3A_209] : memref<160000xf32, #tpu.memory_space<hbm>> -> memref<8000xf32, #tpu.memory_space<hbm>>
        tpu.wait_dma2 semaphore(%arg12 : memref<!tpu.dma_semaphore, #tpu.memory_space<semaphore_mem>>) src(%dma_wait3A_213 : memref<8000xf32, #tpu.memory_space<hbm>>) dst(%arg9 : memref<8000xf32, #tpu.memory_space<vmem>>)
        %add3A_214 = arith.constant 1 : i32
        %add3A_215 = arith.addi %add3A_207, %add3A_214 : i32
        %lt3A = arith.constant 20 : i32
        %lt3A_216 = arith.cmpi slt, %add3A_215, %lt3A : i32
        %convert_element_type3A_217 = arith.extui %lt3A_216 : i1 to i32
        %cond3A_218 = arith.constant 0 : i32
        %cond3A_219 = arith.cmpi ne, %convert_element_type3A_217, %cond3A_218 : i32
        scf.if %cond3A_219 {
          %add3A_242 = arith.constant 1 : i32
          %add3A_243 = arith.addi %add3A_207, %add3A_242 : i32
          %mul3A_244 = arith.constant 8000 : i32
          %mul3A_245 = arith.muli %add3A_243, %mul3A_244 : i32
          %dma_start3A_246 = tpu.memref_slice %arg3[%mul3A_245] : memref<160000xi32, #tpu.memory_space<hbm>> -> memref<8000xi32, #tpu.memory_space<hbm>>
          %dma_start3A_247 = tpu.memref_slice %arg3[%mul3A_245] : memref<160000xi32, #tpu.memory_space<hbm>> -> memref<8000xi32, #tpu.memory_space<hbm>>
          tpu.enqueue_dma source(%dma_start3A_247 : memref<8000xi32, #tpu.memory_space<hbm>>) target(%arg10 : memref<8000xi32, #tpu.memory_space<vmem>>) target_semaphore(%arg13 : memref<!tpu.dma_semaphore, #tpu.memory_space<semaphore_mem>>)
          %dma_start3A_248 = tpu.memref_slice %arg4[%mul3A_245] : memref<160000xf32, #tpu.memory_space<hbm>> -> memref<8000xf32, #tpu.memory_space<hbm>>
          %dma_start3A_249 = tpu.memref_slice %arg4[%mul3A_245] : memref<160000xf32, #tpu.memory_space<hbm>> -> memref<8000xf32, #tpu.memory_space<hbm>>
          tpu.enqueue_dma source(%dma_start3A_249 : memref<8000xf32, #tpu.memory_space<hbm>>) target(%arg11 : memref<8000xf32, #tpu.memory_space<vmem>>) target_semaphore(%arg13 : memref<!tpu.dma_semaphore, #tpu.memory_space<semaphore_mem>>)
        } else {
        }
        %parallel_loop3A_220 = arith.constant 0 : i32
        %parallel_loop3A_221 = arith.constant 500 : i32
        %parallel_loop3A_222 = arith.constant 1 : i32
        scf.for %parallel_loop3A_242 = %parallel_loop3A_220 to %parallel_loop3A_221 step %parallel_loop3A_222  : i32 {
          %parallel_loop3A_243 = arith.constant 16 : i32
          %parallel_loop3A_244 = arith.muli %parallel_loop3A_242, %parallel_loop3A_243 : i32
          %parallel_loop3A_245 = arith.index_cast %parallel_loop3A_244 : i32 to index
          %parallel_loop3A_246 = tpu.vector_load %arg8[%parallel_loop3A_245] {strides = array<i32>} : memref<8000xi32, #tpu.memory_space<vmem>>, vector<16xi32>,
          %parallel_loop3A_247 = arith.index_cast %parallel_loop3A_244 : i32 to index
          %parallel_loop3A_248 = tpu.vector_load %arg9[%parallel_loop3A_247] {strides = array<i32>} : memref<8000xf32, #tpu.memory_space<vmem>>, vector<16xf32>,
          %parallel_loop3A_249 = arith.constant 65535 : i32
          %parallel_loop3A_250 = vector.broadcast %parallel_loop3A_249 : i32 to vector<16xi32>
          %parallel_loop3A_251 = arith.andi %parallel_loop3A_246, %parallel_loop3A_250 : vector<16xi32>
          %parallel_loop3A_252 = arith.constant 16 : i32
          %parallel_loop3A_253 = vector.broadcast %parallel_loop3A_252 : i32 to vector<16xi32>
          %parallel_loop3A_254 = arith.shrui %parallel_loop3A_246, %parallel_loop3A_253 : vector<16xi32>
          %parallel_loop3A_255 = arith.constant 0 : i32
          %parallel_loop3A_256 = tpu.memref_slice %arg7[%parallel_loop3A_255] : memref<40960xf32, #tpu.memory_space<vmem>> -> memref<10240xf32, #tpu.memory_space<vmem>>
          %parallel_loop3A_257 = tpu.vector_load_idx %parallel_loop3A_256[%parallel_loop3A_251] : memref<10240xf32, #tpu.memory_space<vmem>>[vector<16xi32>], vector<16xf32>,
          %parallel_loop3A_258 = arith.mulf %parallel_loop3A_257, %parallel_loop3A_248 : vector<16xf32>
          %parallel_loop3A_259 = arith.constant 0 : i32
          %parallel_loop3A_260 = tpu.memref_slice %arg6[%parallel_loop3A_259] : memref<40960xf32, #tpu.memory_space<vmem>> -> memref<10240xf32, #tpu.memory_space<vmem>>
          tpu.vector_store_idx %parallel_loop3A_260[%parallel_loop3A_254], %parallel_loop3A_258 {add = true} : memref<10240xf32, #tpu.memory_space<vmem>>[vector<16xi32>], vector<16xf32>,
          %parallel_loop3A_261 = arith.constant 10240 : i32
          %parallel_loop3A_262 = tpu.memref_slice %arg7[%parallel_loop3A_261] : memref<40960xf32, #tpu.memory_space<vmem>> -> memref<10240xf32, #tpu.memory_space<vmem>>
          %parallel_loop3A_263 = tpu.vector_load_idx %parallel_loop3A_262[%parallel_loop3A_251] : memref<10240xf32, #tpu.memory_space<vmem>>[vector<16xi32>], vector<16xf32>,
          %parallel_loop3A_264 = arith.mulf %parallel_loop3A_263, %parallel_loop3A_248 : vector<16xf32>
          %parallel_loop3A_265 = arith.constant 10240 : i32
          %parallel_loop3A_266 = tpu.memref_slice %arg6[%parallel_loop3A_265] : memref<40960xf32, #tpu.memory_space<vmem>> -> memref<10240xf32, #tpu.memory_space<vmem>>
          tpu.vector_store_idx %parallel_loop3A_266[%parallel_loop3A_254], %parallel_loop3A_264 {add = true} : memref<10240xf32, #tpu.memory_space<vmem>>[vector<16xi32>], vector<16xf32>,
          %parallel_loop3A_267 = arith.constant 20480 : i32
          %parallel_loop3A_268 = tpu.memref_slice %arg7[%parallel_loop3A_267] : memref<40960xf32, #tpu.memory_space<vmem>> -> memref<10240xf32, #tpu.memory_space<vmem>>
          %parallel_loop3A_269 = tpu.vector_load_idx %parallel_loop3A_268[%parallel_loop3A_251] : memref<10240xf32, #tpu.memory_space<vmem>>[vector<16xi32>], vector<16xf32>,
          %parallel_loop3A_270 = arith.mulf %parallel_loop3A_269, %parallel_loop3A_248 : vector<16xf32>
          %parallel_loop3A_271 = arith.constant 20480 : i32
          %parallel_loop3A_272 = tpu.memref_slice %arg6[%parallel_loop3A_271] : memref<40960xf32, #tpu.memory_space<vmem>> -> memref<10240xf32, #tpu.memory_space<vmem>>
          tpu.vector_store_idx %parallel_loop3A_272[%parallel_loop3A_254], %parallel_loop3A_270 {add = true} : memref<10240xf32, #tpu.memory_space<vmem>>[vector<16xi32>], vector<16xf32>,
          %parallel_loop3A_273 = arith.constant 30720 : i32
          %parallel_loop3A_274 = tpu.memref_slice %arg7[%parallel_loop3A_273] : memref<40960xf32, #tpu.memory_space<vmem>> -> memref<10240xf32, #tpu.memory_space<vmem>>
          %parallel_loop3A_275 = tpu.vector_load_idx %parallel_loop3A_274[%parallel_loop3A_251] : memref<10240xf32, #tpu.memory_space<vmem>>[vector<16xi32>], vector<16xf32>,
          %parallel_loop3A_276 = arith.mulf %parallel_loop3A_275, %parallel_loop3A_248 : vector<16xf32>
          %parallel_loop3A_277 = arith.constant 30720 : i32
          %parallel_loop3A_278 = tpu.memref_slice %arg6[%parallel_loop3A_277] : memref<40960xf32, #tpu.memory_space<vmem>> -> memref<10240xf32, #tpu.memory_space<vmem>>
          tpu.vector_store_idx %parallel_loop3A_278[%parallel_loop3A_254], %parallel_loop3A_276 {add = true} : memref<10240xf32, #tpu.memory_space<vmem>>[vector<16xi32>], vector<16xf32>,
        } {sc.loop_unroll_factor = 10 : i64, sc.parallel_access}
        %add3A_223 = arith.constant 1 : i32
        %add3A_224 = arith.addi %mul3A_205, %add3A_223 : i32
        %mul3A_225 = arith.constant 8000 : i32
        %mul3A_226 = arith.muli %add3A_224, %mul3A_225 : i32
        %dma_wait3A_227 = tpu.memref_slice %arg3[%mul3A_226] : memref<160000xi32, #tpu.memory_space<hbm>> -> memref<8000xi32, #tpu.memory_space<hbm>>
        %dma_wait3A_228 = tpu.memref_slice %arg3[%mul3A_226] : memref<160000xi32, #tpu.memory_space<hbm>> -> memref<8000xi32, #tpu.memory_space<hbm>>
        tpu.wait_dma2 semaphore(%arg13 : memref<!tpu.dma_semaphore, #tpu.memory_space<semaphore_mem>>) src(%dma_wait3A_228 : memref<8000xi32, #tpu.memory_space<hbm>>) dst(%arg10 : memref<8000xi32, #tpu.memory_space<vmem>>)
        %dma_wait3A_229 = tpu.memref_slice %arg4[%mul3A_226] : memref<160000xf32, #tpu.memory_space<hbm>> -> memref<8000xf32, #tpu.memory_space<hbm>>
        %dma_wait3A_230 = tpu.memref_slice %arg4[%mul3A_226] : memref<160000xf32, #tpu.memory_space<hbm>> -> memref<8000xf32, #tpu.memory_space<hbm>>
        tpu.wait_dma2 semaphore(%arg13 : memref<!tpu.dma_semaphore, #tpu.memory_space<semaphore_mem>>) src(%dma_wait3A_230 : memref<8000xf32, #tpu.memory_space<hbm>>) dst(%arg11 : memref<8000xf32, #tpu.memory_space<vmem>>)
        %add3A_231 = arith.constant 1 : i32
        %add3A_232 = arith.addi %add3A_224, %add3A_231 : i32
        %lt3A_233 = arith.constant 20 : i32
        %lt3A_234 = arith.cmpi slt, %add3A_232, %lt3A_233 : i32
        %convert_element_type3A_235 = arith.extui %lt3A_234 : i1 to i32
        %cond3A_236 = arith.constant 0 : i32
        %cond3A_237 = arith.cmpi ne, %convert_element_type3A_235, %cond3A_236 : i32
        scf.if %cond3A_237 {
          %add3A_242 = arith.constant 1 : i32
          %add3A_243 = arith.addi %add3A_224, %add3A_242 : i32
          %mul3A_244 = arith.constant 8000 : i32
          %mul3A_245 = arith.muli %add3A_243, %mul3A_244 : i32
          %dma_start3A_246 = tpu.memref_slice %arg3[%mul3A_245] : memref<160000xi32, #tpu.memory_space<hbm>> -> memref<8000xi32, #tpu.memory_space<hbm>>
          %dma_start3A_247 = tpu.memref_slice %arg3[%mul3A_245] : memref<160000xi32, #tpu.memory_space<hbm>> -> memref<8000xi32, #tpu.memory_space<hbm>>
          tpu.enqueue_dma source(%dma_start3A_247 : memref<8000xi32, #tpu.memory_space<hbm>>) target(%arg8 : memref<8000xi32, #tpu.memory_space<vmem>>) target_semaphore(%arg12 : memref<!tpu.dma_semaphore, #tpu.memory_space<semaphore_mem>>)
          %dma_start3A_248 = tpu.memref_slice %arg4[%mul3A_245] : memref<160000xf32, #tpu.memory_space<hbm>> -> memref<8000xf32, #tpu.memory_space<hbm>>
          %dma_start3A_249 = tpu.memref_slice %arg4[%mul3A_245] : memref<160000xf32, #tpu.memory_space<hbm>> -> memref<8000xf32, #tpu.memory_space<hbm>>
          tpu.enqueue_dma source(%dma_start3A_249 : memref<8000xf32, #tpu.memory_space<hbm>>) target(%arg9 : memref<8000xf32, #tpu.memory_space<vmem>>) target_semaphore(%arg12 : memref<!tpu.dma_semaphore, #tpu.memory_space<semaphore_mem>>)
        } else {
        }
        %parallel_loop3A_238 = arith.constant 0 : i32
        %parallel_loop3A_239 = arith.constant 500 : i32
        %parallel_loop3A_240 = arith.constant 1 : i32
        scf.for %parallel_loop3A_242 = %parallel_loop3A_238 to %parallel_loop3A_239 step %parallel_loop3A_240  : i32 {
          %parallel_loop3A_243 = arith.constant 16 : i32
          %parallel_loop3A_244 = arith.muli %parallel_loop3A_242, %parallel_loop3A_243 : i32
          %parallel_loop3A_245 = arith.index_cast %parallel_loop3A_244 : i32 to index
          %parallel_loop3A_246 = tpu.vector_load %arg10[%parallel_loop3A_245] {strides = array<i32>} : memref<8000xi32, #tpu.memory_space<vmem>>, vector<16xi32>,
          %parallel_loop3A_247 = arith.index_cast %parallel_loop3A_244 : i32 to index
          %parallel_loop3A_248 = tpu.vector_load %arg11[%parallel_loop3A_247] {strides = array<i32>} : memref<8000xf32, #tpu.memory_space<vmem>>, vector<16xf32>,
          %parallel_loop3A_249 = arith.constant 65535 : i32
          %parallel_loop3A_250 = vector.broadcast %parallel_loop3A_249 : i32 to vector<16xi32>
          %parallel_loop3A_251 = arith.andi %parallel_loop3A_246, %parallel_loop3A_250 : vector<16xi32>
          %parallel_loop3A_252 = arith.constant 16 : i32
          %parallel_loop3A_253 = vector.broadcast %parallel_loop3A_252 : i32 to vector<16xi32>
          %parallel_loop3A_254 = arith.shrui %parallel_loop3A_246, %parallel_loop3A_253 : vector<16xi32>
          %parallel_loop3A_255 = arith.constant 0 : i32
          %parallel_loop3A_256 = tpu.memref_slice %arg7[%parallel_loop3A_255] : memref<40960xf32, #tpu.memory_space<vmem>> -> memref<10240xf32, #tpu.memory_space<vmem>>
          %parallel_loop3A_257 = tpu.vector_load_idx %parallel_loop3A_256[%parallel_loop3A_251] : memref<10240xf32, #tpu.memory_space<vmem>>[vector<16xi32>], vector<16xf32>,
          %parallel_loop3A_258 = arith.mulf %parallel_loop3A_257, %parallel_loop3A_248 : vector<16xf32>
          %parallel_loop3A_259 = arith.constant 0 : i32
          %parallel_loop3A_260 = tpu.memref_slice %arg6[%parallel_loop3A_259] : memref<40960xf32, #tpu.memory_space<vmem>> -> memref<10240xf32, #tpu.memory_space<vmem>>
          tpu.vector_store_idx %parallel_loop3A_260[%parallel_loop3A_254], %parallel_loop3A_258 {add = true} : memref<10240xf32, #tpu.memory_space<vmem>>[vector<16xi32>], vector<16xf32>,
          %parallel_loop3A_261 = arith.constant 10240 : i32
          %parallel_loop3A_262 = tpu.memref_slice %arg7[%parallel_loop3A_261] : memref<40960xf32, #tpu.memory_space<vmem>> -> memref<10240xf32, #tpu.memory_space<vmem>>
          %parallel_loop3A_263 = tpu.vector_load_idx %parallel_loop3A_262[%parallel_loop3A_251] : memref<10240xf32, #tpu.memory_space<vmem>>[vector<16xi32>], vector<16xf32>,
          %parallel_loop3A_264 = arith.mulf %parallel_loop3A_263, %parallel_loop3A_248 : vector<16xf32>
          %parallel_loop3A_265 = arith.constant 10240 : i32
          %parallel_loop3A_266 = tpu.memref_slice %arg6[%parallel_loop3A_265] : memref<40960xf32, #tpu.memory_space<vmem>> -> memref<10240xf32, #tpu.memory_space<vmem>>
          tpu.vector_store_idx %parallel_loop3A_266[%parallel_loop3A_254], %parallel_loop3A_264 {add = true} : memref<10240xf32, #tpu.memory_space<vmem>>[vector<16xi32>], vector<16xf32>,
          %parallel_loop3A_267 = arith.constant 20480 : i32
          %parallel_loop3A_268 = tpu.memref_slice %arg7[%parallel_loop3A_267] : memref<40960xf32, #tpu.memory_space<vmem>> -> memref<10240xf32, #tpu.memory_space<vmem>>
          %parallel_loop3A_269 = tpu.vector_load_idx %parallel_loop3A_268[%parallel_loop3A_251] : memref<10240xf32, #tpu.memory_space<vmem>>[vector<16xi32>], vector<16xf32>,
          %parallel_loop3A_270 = arith.mulf %parallel_loop3A_269, %parallel_loop3A_248 : vector<16xf32>
          %parallel_loop3A_271 = arith.constant 20480 : i32
          %parallel_loop3A_272 = tpu.memref_slice %arg6[%parallel_loop3A_271] : memref<40960xf32, #tpu.memory_space<vmem>> -> memref<10240xf32, #tpu.memory_space<vmem>>
          tpu.vector_store_idx %parallel_loop3A_272[%parallel_loop3A_254], %parallel_loop3A_270 {add = true} : memref<10240xf32, #tpu.memory_space<vmem>>[vector<16xi32>], vector<16xf32>,
          %parallel_loop3A_273 = arith.constant 30720 : i32
          %parallel_loop3A_274 = tpu.memref_slice %arg7[%parallel_loop3A_273] : memref<40960xf32, #tpu.memory_space<vmem>> -> memref<10240xf32, #tpu.memory_space<vmem>>
          %parallel_loop3A_275 = tpu.vector_load_idx %parallel_loop3A_274[%parallel_loop3A_251] : memref<10240xf32, #tpu.memory_space<vmem>>[vector<16xi32>], vector<16xf32>,
          %parallel_loop3A_276 = arith.mulf %parallel_loop3A_275, %parallel_loop3A_248 : vector<16xf32>
          %parallel_loop3A_277 = arith.constant 30720 : i32
          %parallel_loop3A_278 = tpu.memref_slice %arg6[%parallel_loop3A_277] : memref<40960xf32, #tpu.memory_space<vmem>> -> memref<10240xf32, #tpu.memory_space<vmem>>
          tpu.vector_store_idx %parallel_loop3A_278[%parallel_loop3A_254], %parallel_loop3A_276 {add = true} : memref<10240xf32, #tpu.memory_space<vmem>>[vector<16xi32>], vector<16xf32>,
        } {sc.loop_unroll_factor = 10 : i64, sc.parallel_access}
        %scan3A_241 = arith.constant 0 : i32
        scf.yield %scan3A_241 : i32
      }
      %scan3A_194 = arith.constant 10 : i32
      %dma_start3A_195 = arith.constant 0 : i32
      %dma_start3A_196 = tpu.memref_slice %arg5[%add3A_169, %add3A_2, %dma_start3A_195] : memref<29x64x40960xf32, #tpu.memory_space<hbm>> -> memref<1x1x40960xf32, #tpu.memory_space<hbm>>
      %dma_start3A_197 = tpu.memref_squeeze %dma_start3A_196 : memref<1x1x40960xf32, #tpu.memory_space<hbm>> -> memref<40960xf32, #tpu.memory_space<hbm>>
      %dma_start3A_198 = arith.constant 0 : i32
      %dma_start3A_199 = tpu.memref_slice %arg5[%add3A_169, %add3A_2, %dma_start3A_198] : memref<29x64x40960xf32, #tpu.memory_space<hbm>> -> memref<1x1x40960xf32, #tpu.memory_space<hbm>>
      %dma_start3A_200 = tpu.memref_squeeze %dma_start3A_199 : memref<1x1x40960xf32, #tpu.memory_space<hbm>> -> memref<40960xf32, #tpu.memory_space<hbm>>
      tpu.enqueue_dma source(%arg6 : memref<40960xf32, #tpu.memory_space<vmem>>) target(%dma_start3A_200 : memref<40960xf32, #tpu.memory_space<hbm>>) target_semaphore(%arg14 : memref<!tpu.dma_semaphore, #tpu.memory_space<semaphore_mem>>)
      %scan3A_201 = arith.constant 0 : i32
      scf.yield %scan3A_201 : i32
    }
    %scan3A_18 = arith.constant 14 : i32
    %dma_wait3A_19 = arith.constant 26 : i32
    %dma_wait3A_20 = arith.constant 0 : i32
    %dma_wait3A_21 = tpu.memref_slice %arg5[%dma_wait3A_19, %add3A_2, %dma_wait3A_20] : memref<29x64x40960xf32, #tpu.memory_space<hbm>> -> memref<1x1x40960xf32, #tpu.memory_space<hbm>>
    %dma_wait3A_22 = tpu.memref_squeeze %dma_wait3A_21 : memref<1x1x40960xf32, #tpu.memory_space<hbm>> -> memref<40960xf32, #tpu.memory_space<hbm>>
    %dma_wait3A_23 = arith.constant 0 : i32
    %dma_wait3A_24 = tpu.memref_slice %arg5[%dma_wait3A_19, %add3A_2, %dma_wait3A_23] : memref<29x64x40960xf32, #tpu.memory_space<hbm>> -> memref<1x1x40960xf32, #tpu.memory_space<hbm>>
    %dma_wait3A_25 = tpu.memref_squeeze %dma_wait3A_24 : memref<1x1x40960xf32, #tpu.memory_space<hbm>> -> memref<40960xf32, #tpu.memory_space<hbm>>
    tpu.wait_dma2 semaphore(%arg14 : memref<!tpu.dma_semaphore, #tpu.memory_space<semaphore_mem>>) src(%arg7 : memref<40960xf32, #tpu.memory_space<vmem>>) dst(%dma_wait3A_25 : memref<40960xf32, #tpu.memory_space<hbm>>)
    %dma_start3A_26 = arith.constant 0 : i32
    %dma_start3A_27 = tpu.memref_slice %arg3[%dma_start3A_26] : memref<160000xi32, #tpu.memory_space<hbm>> -> memref<8000xi32, #tpu.memory_space<hbm>>
    %dma_start3A_28 = arith.constant 0 : i32
    %dma_start3A_29 = tpu.memref_slice %arg3[%dma_start3A_28] : memref<160000xi32, #tpu.memory_space<hbm>> -> memref<8000xi32, #tpu.memory_space<hbm>>
    tpu.enqueue_dma source(%dma_start3A_29 : memref<8000xi32, #tpu.memory_space<hbm>>) target(%arg8 : memref<8000xi32, #tpu.memory_space<vmem>>) target_semaphore(%arg12 : memref<!tpu.dma_semaphore, #tpu.memory_space<semaphore_mem>>)
    %dma_start3A_30 = arith.constant 0 : i32
    %dma_start3A_31 = tpu.memref_slice %arg4[%dma_start3A_30] : memref<160000xf32, #tpu.memory_space<hbm>> -> memref<8000xf32, #tpu.memory_space<hbm>>
    %dma_start3A_32 = arith.constant 0 : i32
    %dma_start3A_33 = tpu.memref_slice %arg4[%dma_start3A_32] : memref<160000xf32, #tpu.memory_space<hbm>> -> memref<8000xf32, #tpu.memory_space<hbm>>
    tpu.enqueue_dma source(%dma_start3A_33 : memref<8000xf32, #tpu.memory_space<hbm>>) target(%arg9 : memref<8000xf32, #tpu.memory_space<vmem>>) target_semaphore(%arg12 : memref<!tpu.dma_semaphore, #tpu.memory_space<semaphore_mem>>)
    %broadcast_in_dim3A = arith.constant 0.000000e+00 : f32
    %broadcast_in_dim3A_34 = vector.broadcast %broadcast_in_dim3A : f32 to vector<16xf32>
    %parallel_loop3A = arith.constant 0 : i32
    %parallel_loop3A_35 = arith.constant 2560 : i32
    %parallel_loop3A_36 = arith.constant 1 : i32
    scf.for %parallel_loop3A_134 = %parallel_loop3A to %parallel_loop3A_35 step %parallel_loop3A_36  : i32 {
      %parallel_loop3A_135 = arith.constant 16 : i32
      %parallel_loop3A_136 = arith.muli %parallel_loop3A_134, %parallel_loop3A_135 : i32
      %parallel_loop3A_137 = arith.index_cast %parallel_loop3A_136 : i32 to index
      %parallel_loop3A_138 = tpu.vector_load %arg7[%parallel_loop3A_137] {strides = array<i32>} : memref<40960xf32, #tpu.memory_space<vmem>>, vector<16xf32>,
      tpu.vector_store %arg7[%parallel_loop3A_137], %broadcast_in_dim3A_34 {strides = array<i32>} : memref<40960xf32, #tpu.memory_space<vmem>>, vector<16xf32>,
    } {sc.loop_unroll_factor = 10 : i64, sc.parallel_access}
    %scan3A_37 = arith.constant 0 : i32
    %scan3A_38 = arith.constant 0 : i32
    %scan3A_39 = arith.constant 10 : i32
    %scan3A_40 = arith.addi %scan3A_38, %scan3A_39 : i32
    %scan3A_41 = arith.constant 1 : i32
    %scan3A_42 = scf.for %scan3A_134 = %scan3A_38 to %scan3A_40 step %scan3A_41 iter_args(%scan3A_135 = %scan3A_37) -> (i32)  : i32 {
      %mul3A_136 = arith.constant 2 : i32
      %mul3A_137 = arith.muli %scan3A_134, %mul3A_136 : i32
      %add3A_138 = arith.constant 0 : i32
      %add3A_139 = arith.addi %mul3A_137, %add3A_138 : i32
      %mul3A_140 = arith.constant 8000 : i32
      %mul3A_141 = arith.muli %add3A_139, %mul3A_140 : i32
      %dma_wait3A_142 = tpu.memref_slice %arg3[%mul3A_141] : memref<160000xi32, #tpu.memory_space<hbm>> -> memref<8000xi32, #tpu.memory_space<hbm>>
      %dma_wait3A_143 = tpu.memref_slice %arg3[%mul3A_141] : memref<160000xi32, #tpu.memory_space<hbm>> -> memref<8000xi32, #tpu.memory_space<hbm>>
      tpu.wait_dma2 semaphore(%arg12 : memref<!tpu.dma_semaphore, #tpu.memory_space<semaphore_mem>>) src(%dma_wait3A_143 : memref<8000xi32, #tpu.memory_space<hbm>>) dst(%arg8 : memref<8000xi32, #tpu.memory_space<vmem>>)
      %dma_wait3A_144 = tpu.memref_slice %arg4[%mul3A_141] : memref<160000xf32, #tpu.memory_space<hbm>> -> memref<8000xf32, #tpu.memory_space<hbm>>
      %dma_wait3A_145 = tpu.memref_slice %arg4[%mul3A_141] : memref<160000xf32, #tpu.memory_space<hbm>> -> memref<8000xf32, #tpu.memory_space<hbm>>
      tpu.wait_dma2 semaphore(%arg12 : memref<!tpu.dma_semaphore, #tpu.memory_space<semaphore_mem>>) src(%dma_wait3A_145 : memref<8000xf32, #tpu.memory_space<hbm>>) dst(%arg9 : memref<8000xf32, #tpu.memory_space<vmem>>)
      %add3A_146 = arith.constant 1 : i32
      %add3A_147 = arith.addi %add3A_139, %add3A_146 : i32
      %lt3A = arith.constant 20 : i32
      %lt3A_148 = arith.cmpi slt, %add3A_147, %lt3A : i32
      %convert_element_type3A = arith.extui %lt3A_148 : i1 to i32
      %cond3A = arith.constant 0 : i32
      %cond3A_149 = arith.cmpi ne, %convert_element_type3A, %cond3A : i32
      scf.if %cond3A_149 {
        %add3A_172 = arith.constant 1 : i32
        %add3A_173 = arith.addi %add3A_139, %add3A_172 : i32
        %mul3A_174 = arith.constant 8000 : i32
        %mul3A_175 = arith.muli %add3A_173, %mul3A_174 : i32
        %dma_start3A_176 = tpu.memref_slice %arg3[%mul3A_175] : memref<160000xi32, #tpu.memory_space<hbm>> -> memref<8000xi32, #tpu.memory_space<hbm>>
        %dma_start3A_177 = tpu.memref_slice %arg3[%mul3A_175] : memref<160000xi32, #tpu.memory_space<hbm>> -> memref<8000xi32, #tpu.memory_space<hbm>>
        tpu.enqueue_dma source(%dma_start3A_177 : memref<8000xi32, #tpu.memory_space<hbm>>) target(%arg10 : memref<8000xi32, #tpu.memory_space<vmem>>) target_semaphore(%arg13 : memref<!tpu.dma_semaphore, #tpu.memory_space<semaphore_mem>>)
        %dma_start3A_178 = tpu.memref_slice %arg4[%mul3A_175] : memref<160000xf32, #tpu.memory_space<hbm>> -> memref<8000xf32, #tpu.memory_space<hbm>>
        %dma_start3A_179 = tpu.memref_slice %arg4[%mul3A_175] : memref<160000xf32, #tpu.memory_space<hbm>> -> memref<8000xf32, #tpu.memory_space<hbm>>
        tpu.enqueue_dma source(%dma_start3A_179 : memref<8000xf32, #tpu.memory_space<hbm>>) target(%arg11 : memref<8000xf32, #tpu.memory_space<vmem>>) target_semaphore(%arg13 : memref<!tpu.dma_semaphore, #tpu.memory_space<semaphore_mem>>)
      } else {
      }
      %parallel_loop3A_150 = arith.constant 0 : i32
      %parallel_loop3A_151 = arith.constant 500 : i32
      %parallel_loop3A_152 = arith.constant 1 : i32
      scf.for %parallel_loop3A_172 = %parallel_loop3A_150 to %parallel_loop3A_151 step %parallel_loop3A_152  : i32 {
        %parallel_loop3A_173 = arith.constant 16 : i32
        %parallel_loop3A_174 = arith.muli %parallel_loop3A_172, %parallel_loop3A_173 : i32
        %parallel_loop3A_175 = arith.index_cast %parallel_loop3A_174 : i32 to index
        %parallel_loop3A_176 = tpu.vector_load %arg8[%parallel_loop3A_175] {strides = array<i32>} : memref<8000xi32, #tpu.memory_space<vmem>>, vector<16xi32>,
        %parallel_loop3A_177 = arith.index_cast %parallel_loop3A_174 : i32 to index
        %parallel_loop3A_178 = tpu.vector_load %arg9[%parallel_loop3A_177] {strides = array<i32>} : memref<8000xf32, #tpu.memory_space<vmem>>, vector<16xf32>,
        %parallel_loop3A_179 = arith.constant 65535 : i32
        %parallel_loop3A_180 = vector.broadcast %parallel_loop3A_179 : i32 to vector<16xi32>
        %parallel_loop3A_181 = arith.andi %parallel_loop3A_176, %parallel_loop3A_180 : vector<16xi32>
        %parallel_loop3A_182 = arith.constant 16 : i32
        %parallel_loop3A_183 = vector.broadcast %parallel_loop3A_182 : i32 to vector<16xi32>
        %parallel_loop3A_184 = arith.shrui %parallel_loop3A_176, %parallel_loop3A_183 : vector<16xi32>
        %parallel_loop3A_185 = arith.constant 0 : i32
        %parallel_loop3A_186 = tpu.memref_slice %arg6[%parallel_loop3A_185] : memref<40960xf32, #tpu.memory_space<vmem>> -> memref<10240xf32, #tpu.memory_space<vmem>>
        %parallel_loop3A_187 = tpu.vector_load_idx %parallel_loop3A_186[%parallel_loop3A_181] : memref<10240xf32, #tpu.memory_space<vmem>>[vector<16xi32>], vector<16xf32>,
        %parallel_loop3A_188 = arith.mulf %parallel_loop3A_187, %parallel_loop3A_178 : vector<16xf32>
        %parallel_loop3A_189 = arith.constant 0 : i32
        %parallel_loop3A_190 = tpu.memref_slice %arg7[%parallel_loop3A_189] : memref<40960xf32, #tpu.memory_space<vmem>> -> memref<10240xf32, #tpu.memory_space<vmem>>
        tpu.vector_store_idx %parallel_loop3A_190[%parallel_loop3A_184], %parallel_loop3A_188 {add = true} : memref<10240xf32, #tpu.memory_space<vmem>>[vector<16xi32>], vector<16xf32>,
        %parallel_loop3A_191 = arith.constant 10240 : i32
        %parallel_loop3A_192 = tpu.memref_slice %arg6[%parallel_loop3A_191] : memref<40960xf32, #tpu.memory_space<vmem>> -> memref<10240xf32, #tpu.memory_space<vmem>>
        %parallel_loop3A_193 = tpu.vector_load_idx %parallel_loop3A_192[%parallel_loop3A_181] : memref<10240xf32, #tpu.memory_space<vmem>>[vector<16xi32>], vector<16xf32>,
        %parallel_loop3A_194 = arith.mulf %parallel_loop3A_193, %parallel_loop3A_178 : vector<16xf32>
        %parallel_loop3A_195 = arith.constant 10240 : i32
        %parallel_loop3A_196 = tpu.memref_slice %arg7[%parallel_loop3A_195] : memref<40960xf32, #tpu.memory_space<vmem>> -> memref<10240xf32, #tpu.memory_space<vmem>>
        tpu.vector_store_idx %parallel_loop3A_196[%parallel_loop3A_184], %parallel_loop3A_194 {add = true} : memref<10240xf32, #tpu.memory_space<vmem>>[vector<16xi32>], vector<16xf32>,
        %parallel_loop3A_197 = arith.constant 20480 : i32
        %parallel_loop3A_198 = tpu.memref_slice %arg6[%parallel_loop3A_197] : memref<40960xf32, #tpu.memory_space<vmem>> -> memref<10240xf32, #tpu.memory_space<vmem>>
        %parallel_loop3A_199 = tpu.vector_load_idx %parallel_loop3A_198[%parallel_loop3A_181] : memref<10240xf32, #tpu.memory_space<vmem>>[vector<16xi32>], vector<16xf32>,
        %parallel_loop3A_200 = arith.mulf %parallel_loop3A_199, %parallel_loop3A_178 : vector<16xf32>
        %parallel_loop3A_201 = arith.constant 20480 : i32
        %parallel_loop3A_202 = tpu.memref_slice %arg7[%parallel_loop3A_201] : memref<40960xf32, #tpu.memory_space<vmem>> -> memref<10240xf32, #tpu.memory_space<vmem>>
        tpu.vector_store_idx %parallel_loop3A_202[%parallel_loop3A_184], %parallel_loop3A_200 {add = true} : memref<10240xf32, #tpu.memory_space<vmem>>[vector<16xi32>], vector<16xf32>,
        %parallel_loop3A_203 = arith.constant 30720 : i32
        %parallel_loop3A_204 = tpu.memref_slice %arg6[%parallel_loop3A_203] : memref<40960xf32, #tpu.memory_space<vmem>> -> memref<10240xf32, #tpu.memory_space<vmem>>
        %parallel_loop3A_205 = tpu.vector_load_idx %parallel_loop3A_204[%parallel_loop3A_181] : memref<10240xf32, #tpu.memory_space<vmem>>[vector<16xi32>], vector<16xf32>,
        %parallel_loop3A_206 = arith.mulf %parallel_loop3A_205, %parallel_loop3A_178 : vector<16xf32>
        %parallel_loop3A_207 = arith.constant 30720 : i32
        %parallel_loop3A_208 = tpu.memref_slice %arg7[%parallel_loop3A_207] : memref<40960xf32, #tpu.memory_space<vmem>> -> memref<10240xf32, #tpu.memory_space<vmem>>
        tpu.vector_store_idx %parallel_loop3A_208[%parallel_loop3A_184], %parallel_loop3A_206 {add = true} : memref<10240xf32, #tpu.memory_space<vmem>>[vector<16xi32>], vector<16xf32>,
      } {sc.loop_unroll_factor = 10 : i64, sc.parallel_access}
      %add3A_153 = arith.constant 1 : i32
      %add3A_154 = arith.addi %mul3A_137, %add3A_153 : i32
      %mul3A_155 = arith.constant 8000 : i32
      %mul3A_156 = arith.muli %add3A_154, %mul3A_155 : i32
      %dma_wait3A_157 = tpu.memref_slice %arg3[%mul3A_156] : memref<160000xi32, #tpu.memory_space<hbm>> -> memref<8000xi32, #tpu.memory_space<hbm>>
      %dma_wait3A_158 = tpu.memref_slice %arg3[%mul3A_156] : memref<160000xi32, #tpu.memory_space<hbm>> -> memref<8000xi32, #tpu.memory_space<hbm>>
      tpu.wait_dma2 semaphore(%arg13 : memref<!tpu.dma_semaphore, #tpu.memory_space<semaphore_mem>>) src(%dma_wait3A_158 : memref<8000xi32, #tpu.memory_space<hbm>>) dst(%arg10 : memref<8000xi32, #tpu.memory_space<vmem>>)
      %dma_wait3A_159 = tpu.memref_slice %arg4[%mul3A_156] : memref<160000xf32, #tpu.memory_space<hbm>> -> memref<8000xf32, #tpu.memory_space<hbm>>
      %dma_wait3A_160 = tpu.memref_slice %arg4[%mul3A_156] : memref<160000xf32, #tpu.memory_space<hbm>> -> memref<8000xf32, #tpu.memory_space<hbm>>
      tpu.wait_dma2 semaphore(%arg13 : memref<!tpu.dma_semaphore, #tpu.memory_space<semaphore_mem>>) src(%dma_wait3A_160 : memref<8000xf32, #tpu.memory_space<hbm>>) dst(%arg11 : memref<8000xf32, #tpu.memory_space<vmem>>)
      %add3A_161 = arith.constant 1 : i32
      %add3A_162 = arith.addi %add3A_154, %add3A_161 : i32
      %lt3A_163 = arith.constant 20 : i32
      %lt3A_164 = arith.cmpi slt, %add3A_162, %lt3A_163 : i32
      %convert_element_type3A_165 = arith.extui %lt3A_164 : i1 to i32
      %cond3A_166 = arith.constant 0 : i32
      %cond3A_167 = arith.cmpi ne, %convert_element_type3A_165, %cond3A_166 : i32
      scf.if %cond3A_167 {
        %add3A_172 = arith.constant 1 : i32
        %add3A_173 = arith.addi %add3A_154, %add3A_172 : i32
        %mul3A_174 = arith.constant 8000 : i32
        %mul3A_175 = arith.muli %add3A_173, %mul3A_174 : i32
        %dma_start3A_176 = tpu.memref_slice %arg3[%mul3A_175] : memref<160000xi32, #tpu.memory_space<hbm>> -> memref<8000xi32, #tpu.memory_space<hbm>>
        %dma_start3A_177 = tpu.memref_slice %arg3[%mul3A_175] : memref<160000xi32, #tpu.memory_space<hbm>> -> memref<8000xi32, #tpu.memory_space<hbm>>
        tpu.enqueue_dma source(%dma_start3A_177 : memref<8000xi32, #tpu.memory_space<hbm>>) target(%arg8 : memref<8000xi32, #tpu.memory_space<vmem>>) target_semaphore(%arg12 : memref<!tpu.dma_semaphore, #tpu.memory_space<semaphore_mem>>)
        %dma_start3A_178 = tpu.memref_slice %arg4[%mul3A_175] : memref<160000xf32, #tpu.memory_space<hbm>> -> memref<8000xf32, #tpu.memory_space<hbm>>
        %dma_start3A_179 = tpu.memref_slice %arg4[%mul3A_175] : memref<160000xf32, #tpu.memory_space<hbm>> -> memref<8000xf32, #tpu.memory_space<hbm>>
        tpu.enqueue_dma source(%dma_start3A_179 : memref<8000xf32, #tpu.memory_space<hbm>>) target(%arg9 : memref<8000xf32, #tpu.memory_space<vmem>>) target_semaphore(%arg12 : memref<!tpu.dma_semaphore, #tpu.memory_space<semaphore_mem>>)
      } else {
      }
      %parallel_loop3A_168 = arith.constant 0 : i32
      %parallel_loop3A_169 = arith.constant 500 : i32
      %parallel_loop3A_170 = arith.constant 1 : i32
      scf.for %parallel_loop3A_172 = %parallel_loop3A_168 to %parallel_loop3A_169 step %parallel_loop3A_170  : i32 {
        %parallel_loop3A_173 = arith.constant 16 : i32
        %parallel_loop3A_174 = arith.muli %parallel_loop3A_172, %parallel_loop3A_173 : i32
        %parallel_loop3A_175 = arith.index_cast %parallel_loop3A_174 : i32 to index
        %parallel_loop3A_176 = tpu.vector_load %arg10[%parallel_loop3A_175] {strides = array<i32>} : memref<8000xi32, #tpu.memory_space<vmem>>, vector<16xi32>,
        %parallel_loop3A_177 = arith.index_cast %parallel_loop3A_174 : i32 to index
        %parallel_loop3A_178 = tpu.vector_load %arg11[%parallel_loop3A_177] {strides = array<i32>} : memref<8000xf32, #tpu.memory_space<vmem>>, vector<16xf32>,
        %parallel_loop3A_179 = arith.constant 65535 : i32
        %parallel_loop3A_180 = vector.broadcast %parallel_loop3A_179 : i32 to vector<16xi32>
        %parallel_loop3A_181 = arith.andi %parallel_loop3A_176, %parallel_loop3A_180 : vector<16xi32>
        %parallel_loop3A_182 = arith.constant 16 : i32
        %parallel_loop3A_183 = vector.broadcast %parallel_loop3A_182 : i32 to vector<16xi32>
        %parallel_loop3A_184 = arith.shrui %parallel_loop3A_176, %parallel_loop3A_183 : vector<16xi32>
        %parallel_loop3A_185 = arith.constant 0 : i32
        %parallel_loop3A_186 = tpu.memref_slice %arg6[%parallel_loop3A_185] : memref<40960xf32, #tpu.memory_space<vmem>> -> memref<10240xf32, #tpu.memory_space<vmem>>
        %parallel_loop3A_187 = tpu.vector_load_idx %parallel_loop3A_186[%parallel_loop3A_181] : memref<10240xf32, #tpu.memory_space<vmem>>[vector<16xi32>], vector<16xf32>,
        %parallel_loop3A_188 = arith.mulf %parallel_loop3A_187, %parallel_loop3A_178 : vector<16xf32>
        %parallel_loop3A_189 = arith.constant 0 : i32
        %parallel_loop3A_190 = tpu.memref_slice %arg7[%parallel_loop3A_189] : memref<40960xf32, #tpu.memory_space<vmem>> -> memref<10240xf32, #tpu.memory_space<vmem>>
        tpu.vector_store_idx %parallel_loop3A_190[%parallel_loop3A_184], %parallel_loop3A_188 {add = true} : memref<10240xf32, #tpu.memory_space<vmem>>[vector<16xi32>], vector<16xf32>,
        %parallel_loop3A_191 = arith.constant 10240 : i32
        %parallel_loop3A_192 = tpu.memref_slice %arg6[%parallel_loop3A_191] : memref<40960xf32, #tpu.memory_space<vmem>> -> memref<10240xf32, #tpu.memory_space<vmem>>
        %parallel_loop3A_193 = tpu.vector_load_idx %parallel_loop3A_192[%parallel_loop3A_181] : memref<10240xf32, #tpu.memory_space<vmem>>[vector<16xi32>], vector<16xf32>,
        %parallel_loop3A_194 = arith.mulf %parallel_loop3A_193, %parallel_loop3A_178 : vector<16xf32>
        %parallel_loop3A_195 = arith.constant 10240 : i32
        %parallel_loop3A_196 = tpu.memref_slice %arg7[%parallel_loop3A_195] : memref<40960xf32, #tpu.memory_space<vmem>> -> memref<10240xf32, #tpu.memory_space<vmem>>
        tpu.vector_store_idx %parallel_loop3A_196[%parallel_loop3A_184], %parallel_loop3A_194 {add = true} : memref<10240xf32, #tpu.memory_space<vmem>>[vector<16xi32>], vector<16xf32>,
        %parallel_loop3A_197 = arith.constant 20480 : i32
        %parallel_loop3A_198 = tpu.memref_slice %arg6[%parallel_loop3A_197] : memref<40960xf32, #tpu.memory_space<vmem>> -> memref<10240xf32, #tpu.memory_space<vmem>>
        %parallel_loop3A_199 = tpu.vector_load_idx %parallel_loop3A_198[%parallel_loop3A_181] : memref<10240xf32, #tpu.memory_space<vmem>>[vector<16xi32>], vector<16xf32>,
        %parallel_loop3A_200 = arith.mulf %parallel_loop3A_199, %parallel_loop3A_178 : vector<16xf32>
        %parallel_loop3A_201 = arith.constant 20480 : i32
        %parallel_loop3A_202 = tpu.memref_slice %arg7[%parallel_loop3A_201] : memref<40960xf32, #tpu.memory_space<vmem>> -> memref<10240xf32, #tpu.memory_space<vmem>>
        tpu.vector_store_idx %parallel_loop3A_202[%parallel_loop3A_184], %parallel_loop3A_200 {add = true} : memref<10240xf32, #tpu.memory_space<vmem>>[vector<16xi32>], vector<16xf32>,
        %parallel_loop3A_203 = arith.constant 30720 : i32
        %parallel_loop3A_204 = tpu.memref_slice %arg6[%parallel_loop3A_203] : memref<40960xf32, #tpu.memory_space<vmem>> -> memref<10240xf32, #tpu.memory_space<vmem>>
        %parallel_loop3A_205 = tpu.vector_load_idx %parallel_loop3A_204[%parallel_loop3A_181] : memref<10240xf32, #tpu.memory_space<vmem>>[vector<16xi32>], vector<16xf32>,
        %parallel_loop3A_206 = arith.mulf %parallel_loop3A_205, %parallel_loop3A_178 : vector<16xf32>
        %parallel_loop3A_207 = arith.constant 30720 : i32
        %parallel_loop3A_208 = tpu.memref_slice %arg7[%parallel_loop3A_207] : memref<40960xf32, #tpu.memory_space<vmem>> -> memref<10240xf32, #tpu.memory_space<vmem>>
        tpu.vector_store_idx %parallel_loop3A_208[%parallel_loop3A_184], %parallel_loop3A_206 {add = true} : memref<10240xf32, #tpu.memory_space<vmem>>[vector<16xi32>], vector<16xf32>,
      } {sc.loop_unroll_factor = 10 : i64, sc.parallel_access}
      %scan3A_171 = arith.constant 0 : i32
      scf.yield %scan3A_171 : i32
    }
    %scan3A_43 = arith.constant 10 : i32
    %dma_start3A_44 = arith.constant 28 : i32
    %dma_start3A_45 = arith.constant 0 : i32
    %dma_start3A_46 = tpu.memref_slice %arg5[%dma_start3A_44, %add3A_2, %dma_start3A_45] : memref<29x64x40960xf32, #tpu.memory_space<hbm>> -> memref<1x1x40960xf32, #tpu.memory_space<hbm>>
    %dma_start3A_47 = tpu.memref_squeeze %dma_start3A_46 : memref<1x1x40960xf32, #tpu.memory_space<hbm>> -> memref<40960xf32, #tpu.memory_space<hbm>>
    %dma_start3A_48 = arith.constant 0 : i32
    %dma_start3A_49 = tpu.memref_slice %arg5[%dma_start3A_44, %add3A_2, %dma_start3A_48] : memref<29x64x40960xf32, #tpu.memory_space<hbm>> -> memref<1x1x40960xf32, #tpu.memory_space<hbm>>
    %dma_start3A_50 = tpu.memref_squeeze %dma_start3A_49 : memref<1x1x40960xf32, #tpu.memory_space<hbm>> -> memref<40960xf32, #tpu.memory_space<hbm>>
    tpu.enqueue_dma source(%arg7 : memref<40960xf32, #tpu.memory_space<vmem>>) target(%dma_start3A_50 : memref<40960xf32, #tpu.memory_space<hbm>>) target_semaphore(%arg14 : memref<!tpu.dma_semaphore, #tpu.memory_space<semaphore_mem>>)
    %dma_wait3A_51 = arith.constant 27 : i32
    %dma_wait3A_52 = arith.constant 0 : i32
    %dma_wait3A_53 = tpu.memref_slice %arg5[%dma_wait3A_51, %add3A_2, %dma_wait3A_52] : memref<29x64x40960xf32, #tpu.memory_space<hbm>> -> memref<1x1x40960xf32, #tpu.memory_space<hbm>>
    %dma_wait3A_54 = tpu.memref_squeeze %dma_wait3A_53 : memref<1x1x40960xf32, #tpu.memory_space<hbm>> -> memref<40960xf32, #tpu.memory_space<hbm>>
    %dma_wait3A_55 = arith.constant 0 : i32
    %dma_wait3A_56 = tpu.memref_slice %arg5[%dma_wait3A_51, %add3A_2, %dma_wait3A_55] : memref<29x64x40960xf32, #tpu.memory_space<hbm>> -> memref<1x1x40960xf32, #tpu.memory_space<hbm>>
    %dma_wait3A_57 = tpu.memref_squeeze %dma_wait3A_56 : memref<1x1x40960xf32, #tpu.memory_space<hbm>> -> memref<40960xf32, #tpu.memory_space<hbm>>
    tpu.wait_dma2 semaphore(%arg14 : memref<!tpu.dma_semaphore, #tpu.memory_space<semaphore_mem>>) src(%arg6 : memref<40960xf32, #tpu.memory_space<vmem>>) dst(%dma_wait3A_57 : memref<40960xf32, #tpu.memory_space<hbm>>)
    %dma_wait3A_58 = arith.constant 28 : i32
    %dma_wait3A_59 = arith.constant 0 : i32
    %dma_wait3A_60 = tpu.memref_slice %arg5[%dma_wait3A_58, %add3A_2, %dma_wait3A_59] : memref<29x64x40960xf32, #tpu.memory_space<hbm>> -> memref<1x1x40960xf32, #tpu.memory_space<hbm>>
    %dma_wait3A_61 = tpu.memref_squeeze %dma_wait3A_60 : memref<1x1x40960xf32, #tpu.memory_space<hbm>> -> memref<40960xf32, #tpu.memory_space<hbm>>
    %dma_wait3A_62 = arith.constant 0 : i32
    %dma_wait3A_63 = tpu.memref_slice %arg5[%dma_wait3A_58, %add3A_2, %dma_wait3A_62] : memref<29x64x40960xf32, #tpu.memory_space<hbm>> -> memref<1x1x40960xf32, #tpu.memory_space<hbm>>
    %dma_wait3A_64 = tpu.memref_squeeze %dma_wait3A_63 : memref<1x1x40960xf32, #tpu.memory_space<hbm>> -> memref<40960xf32, #tpu.memory_space<hbm>>
    tpu.wait_dma2 semaphore(%arg14 : memref<!tpu.dma_semaphore, #tpu.memory_space<semaphore_mem>>) src(%arg7 : memref<40960xf32, #tpu.memory_space<vmem>>) dst(%dma_wait3A_64 : memref<40960xf32, #tpu.memory_space<hbm>>)
    %add3A_65 = arith.constant 32 : i32
    %add3A_66 = arith.addi %add3A_65, %add3A : i32
    %dma_start3A_67 = arith.constant 0 : i32
    %dma_start3A_68 = tpu.memref_slice %arg2[%add3A_66, %dma_start3A_67] : memref<64x40960xf32, #tpu.memory_space<hbm>> -> memref<1x40960xf32, #tpu.memory_space<hbm>>
    %dma_start3A_69 = tpu.memref_squeeze %dma_start3A_68 : memref<1x40960xf32, #tpu.memory_space<hbm>> -> memref<40960xf32, #tpu.memory_space<hbm>>
    %dma_start3A_70 = arith.constant 0 : i32
    %dma_start3A_71 = tpu.memref_slice %arg2[%add3A_66, %dma_start3A_70] : memref<64x40960xf32, #tpu.memory_space<hbm>> -> memref<1x40960xf32, #tpu.memory_space<hbm>>
    %dma_start3A_72 = tpu.memref_squeeze %dma_start3A_71 : memref<1x40960xf32, #tpu.memory_space<hbm>> -> memref<40960xf32, #tpu.memory_space<hbm>>
    tpu.enqueue_dma source(%dma_start3A_72 : memref<40960xf32, #tpu.memory_space<hbm>>) target(%arg6 : memref<40960xf32, #tpu.memory_space<vmem>>) target_semaphore(%arg14 : memref<!tpu.dma_semaphore, #tpu.memory_space<semaphore_mem>>)
    %dma_wait3A_73 = arith.constant 0 : i32
    %dma_wait3A_74 = tpu.memref_slice %arg2[%add3A_66, %dma_wait3A_73] : memref<64x40960xf32, #tpu.memory_space<hbm>> -> memref<1x40960xf32, #tpu.memory_space<hbm>>
    %dma_wait3A_75 = tpu.memref_squeeze %dma_wait3A_74 : memref<1x40960xf32, #tpu.memory_space<hbm>> -> memref<40960xf32, #tpu.memory_space<hbm>>
    %dma_wait3A_76 = arith.constant 0 : i32
    %dma_wait3A_77 = tpu.memref_slice %arg2[%add3A_66, %dma_wait3A_76] : memref<64x40960xf32, #tpu.memory_space<hbm>> -> memref<1x40960xf32, #tpu.memory_space<hbm>>
    %dma_wait3A_78 = tpu.memref_squeeze %dma_wait3A_77 : memref<1x40960xf32, #tpu.memory_space<hbm>> -> memref<40960xf32, #tpu.memory_space<hbm>>
    tpu.wait_dma2 semaphore(%arg14 : memref<!tpu.dma_semaphore, #tpu.memory_space<semaphore_mem>>) src(%dma_wait3A_78 : memref<40960xf32, #tpu.memory_space<hbm>>) dst(%arg6 : memref<40960xf32, #tpu.memory_space<vmem>>)
    %scan3A_79 = arith.constant 0 : i32
    %scan3A_80 = arith.constant 0 : i32
    %scan3A_81 = arith.constant 14 : i32
    %scan3A_82 = arith.addi %scan3A_80, %scan3A_81 : i32
    %scan3A_83 = arith.constant 1 : i32
    %scan3A_84 = scf.for %scan3A_134 = %scan3A_80 to %scan3A_82 step %scan3A_83 iter_args(%scan3A_135 = %scan3A_79) -> (i32)  : i32 {
      %mul3A_136 = arith.constant 2 : i32
      %mul3A_137 = arith.muli %mul3A_136, %scan3A_134 : i32
      %ge3A = arith.constant 2 : i32
      %ge3A_138 = arith.cmpi sge, %mul3A_137, %ge3A : i32
      %convert_element_type3A = arith.extui %ge3A_138 : i1 to i32
      %cond3A = arith.constant 0 : i32
      %cond3A_139 = arith.cmpi ne, %convert_element_type3A, %cond3A : i32
      scf.if %cond3A_139 {
        %sub3A = arith.constant 2 : i32
        %sub3A_202 = arith.subi %mul3A_137, %sub3A : i32
        %dma_wait3A_203 = arith.constant 0 : i32
        %dma_wait3A_204 = tpu.memref_slice %arg5[%sub3A_202, %add3A_66, %dma_wait3A_203] : memref<29x64x40960xf32, #tpu.memory_space<hbm>> -> memref<1x1x40960xf32, #tpu.memory_space<hbm>>
        %dma_wait3A_205 = tpu.memref_squeeze %dma_wait3A_204 : memref<1x1x40960xf32, #tpu.memory_space<hbm>> -> memref<40960xf32, #tpu.memory_space<hbm>>
        %dma_wait3A_206 = arith.constant 0 : i32
        %dma_wait3A_207 = tpu.memref_slice %arg5[%sub3A_202, %add3A_66, %dma_wait3A_206] : memref<29x64x40960xf32, #tpu.memory_space<hbm>> -> memref<1x1x40960xf32, #tpu.memory_space<hbm>>
        %dma_wait3A_208 = tpu.memref_squeeze %dma_wait3A_207 : memref<1x1x40960xf32, #tpu.memory_space<hbm>> -> memref<40960xf32, #tpu.memory_space<hbm>>
        tpu.wait_dma2 semaphore(%arg14 : memref<!tpu.dma_semaphore, #tpu.memory_space<semaphore_mem>>) src(%arg7 : memref<40960xf32, #tpu.memory_space<vmem>>) dst(%dma_wait3A_208 : memref<40960xf32, #tpu.memory_space<hbm>>)
      } else {
      }
      %dma_start3A_140 = arith.constant 0 : i32
      %dma_start3A_141 = tpu.memref_slice %arg3[%dma_start3A_140] : memref<160000xi32, #tpu.memory_space<hbm>> -> memref<8000xi32, #tpu.memory_space<hbm>>
      %dma_start3A_142 = arith.constant 0 : i32
      %dma_start3A_143 = tpu.memref_slice %arg3[%dma_start3A_142] : memref<160000xi32, #tpu.memory_space<hbm>> -> memref<8000xi32, #tpu.memory_space<hbm>>
      tpu.enqueue_dma source(%dma_start3A_143 : memref<8000xi32, #tpu.memory_space<hbm>>) target(%arg8 : memref<8000xi32, #tpu.memory_space<vmem>>) target_semaphore(%arg12 : memref<!tpu.dma_semaphore, #tpu.memory_space<semaphore_mem>>)
      %dma_start3A_144 = arith.constant 0 : i32
      %dma_start3A_145 = tpu.memref_slice %arg4[%dma_start3A_144] : memref<160000xf32, #tpu.memory_space<hbm>> -> memref<8000xf32, #tpu.memory_space<hbm>>
      %dma_start3A_146 = arith.constant 0 : i32
      %dma_start3A_147 = tpu.memref_slice %arg4[%dma_start3A_146] : memref<160000xf32, #tpu.memory_space<hbm>> -> memref<8000xf32, #tpu.memory_space<hbm>>
      tpu.enqueue_dma source(%dma_start3A_147 : memref<8000xf32, #tpu.memory_space<hbm>>) target(%arg9 : memref<8000xf32, #tpu.memory_space<vmem>>) target_semaphore(%arg12 : memref<!tpu.dma_semaphore, #tpu.memory_space<semaphore_mem>>)
      %broadcast_in_dim3A_148 = arith.constant 0.000000e+00 : f32
      %broadcast_in_dim3A_149 = vector.broadcast %broadcast_in_dim3A_148 : f32 to vector<16xf32>
      %parallel_loop3A_150 = arith.constant 0 : i32
      %parallel_loop3A_151 = arith.constant 2560 : i32
      %parallel_loop3A_152 = arith.constant 1 : i32
      scf.for %parallel_loop3A_202 = %parallel_loop3A_150 to %parallel_loop3A_151 step %parallel_loop3A_152  : i32 {
        %parallel_loop3A_203 = arith.constant 16 : i32
        %parallel_loop3A_204 = arith.muli %parallel_loop3A_202, %parallel_loop3A_203 : i32
        %parallel_loop3A_205 = arith.index_cast %parallel_loop3A_204 : i32 to index
        %parallel_loop3A_206 = tpu.vector_load %arg7[%parallel_loop3A_205] {strides = array<i32>} : memref<40960xf32, #tpu.memory_space<vmem>>, vector<16xf32>,
        tpu.vector_store %arg7[%parallel_loop3A_205], %broadcast_in_dim3A_149 {strides = array<i32>} : memref<40960xf32, #tpu.memory_space<vmem>>, vector<16xf32>,
      } {sc.loop_unroll_factor = 10 : i64, sc.parallel_access}
      %scan3A_153 = arith.constant 0 : i32
      %scan3A_154 = arith.constant 0 : i32
      %scan3A_155 = arith.constant 10 : i32
      %scan3A_156 = arith.addi %scan3A_154, %scan3A_155 : i32
      %scan3A_157 = arith.constant 1 : i32
      %scan3A_158 = scf.for %scan3A_202 = %scan3A_154 to %scan3A_156 step %scan3A_157 iter_args(%scan3A_203 = %scan3A_153) -> (i32)  : i32 {
        %mul3A_204 = arith.constant 2 : i32
        %mul3A_205 = arith.muli %scan3A_202, %mul3A_204 : i32
        %add3A_206 = arith.constant 0 : i32
        %add3A_207 = arith.addi %mul3A_205, %add3A_206 : i32
        %mul3A_208 = arith.constant 8000 : i32
        %mul3A_209 = arith.muli %add3A_207, %mul3A_208 : i32
        %dma_wait3A_210 = tpu.memref_slice %arg3[%mul3A_209] : memref<160000xi32, #tpu.memory_space<hbm>> -> memref<8000xi32, #tpu.memory_space<hbm>>
        %dma_wait3A_211 = tpu.memref_slice %arg3[%mul3A_209] : memref<160000xi32, #tpu.memory_space<hbm>> -> memref<8000xi32, #tpu.memory_space<hbm>>
        tpu.wait_dma2 semaphore(%arg12 : memref<!tpu.dma_semaphore, #tpu.memory_space<semaphore_mem>>) src(%dma_wait3A_211 : memref<8000xi32, #tpu.memory_space<hbm>>) dst(%arg8 : memref<8000xi32, #tpu.memory_space<vmem>>)
        %dma_wait3A_212 = tpu.memref_slice %arg4[%mul3A_209] : memref<160000xf32, #tpu.memory_space<hbm>> -> memref<8000xf32, #tpu.memory_space<hbm>>
        %dma_wait3A_213 = tpu.memref_slice %arg4[%mul3A_209] : memref<160000xf32, #tpu.memory_space<hbm>> -> memref<8000xf32, #tpu.memory_space<hbm>>
        tpu.wait_dma2 semaphore(%arg12 : memref<!tpu.dma_semaphore, #tpu.memory_space<semaphore_mem>>) src(%dma_wait3A_213 : memref<8000xf32, #tpu.memory_space<hbm>>) dst(%arg9 : memref<8000xf32, #tpu.memory_space<vmem>>)
        %add3A_214 = arith.constant 1 : i32
        %add3A_215 = arith.addi %add3A_207, %add3A_214 : i32
        %lt3A = arith.constant 20 : i32
        %lt3A_216 = arith.cmpi slt, %add3A_215, %lt3A : i32
        %convert_element_type3A_217 = arith.extui %lt3A_216 : i1 to i32
        %cond3A_218 = arith.constant 0 : i32
        %cond3A_219 = arith.cmpi ne, %convert_element_type3A_217, %cond3A_218 : i32
        scf.if %cond3A_219 {
          %add3A_242 = arith.constant 1 : i32
          %add3A_243 = arith.addi %add3A_207, %add3A_242 : i32
          %mul3A_244 = arith.constant 8000 : i32
          %mul3A_245 = arith.muli %add3A_243, %mul3A_244 : i32
          %dma_start3A_246 = tpu.memref_slice %arg3[%mul3A_245] : memref<160000xi32, #tpu.memory_space<hbm>> -> memref<8000xi32, #tpu.memory_space<hbm>>
          %dma_start3A_247 = tpu.memref_slice %arg3[%mul3A_245] : memref<160000xi32, #tpu.memory_space<hbm>> -> memref<8000xi32, #tpu.memory_space<hbm>>
          tpu.enqueue_dma source(%dma_start3A_247 : memref<8000xi32, #tpu.memory_space<hbm>>) target(%arg10 : memref<8000xi32, #tpu.memory_space<vmem>>) target_semaphore(%arg13 : memref<!tpu.dma_semaphore, #tpu.memory_space<semaphore_mem>>)
          %dma_start3A_248 = tpu.memref_slice %arg4[%mul3A_245] : memref<160000xf32, #tpu.memory_space<hbm>> -> memref<8000xf32, #tpu.memory_space<hbm>>
          %dma_start3A_249 = tpu.memref_slice %arg4[%mul3A_245] : memref<160000xf32, #tpu.memory_space<hbm>> -> memref<8000xf32, #tpu.memory_space<hbm>>
          tpu.enqueue_dma source(%dma_start3A_249 : memref<8000xf32, #tpu.memory_space<hbm>>) target(%arg11 : memref<8000xf32, #tpu.memory_space<vmem>>) target_semaphore(%arg13 : memref<!tpu.dma_semaphore, #tpu.memory_space<semaphore_mem>>)
        } else {
        }
        %parallel_loop3A_220 = arith.constant 0 : i32
        %parallel_loop3A_221 = arith.constant 500 : i32
        %parallel_loop3A_222 = arith.constant 1 : i32
        scf.for %parallel_loop3A_242 = %parallel_loop3A_220 to %parallel_loop3A_221 step %parallel_loop3A_222  : i32 {
          %parallel_loop3A_243 = arith.constant 16 : i32
          %parallel_loop3A_244 = arith.muli %parallel_loop3A_242, %parallel_loop3A_243 : i32
          %parallel_loop3A_245 = arith.index_cast %parallel_loop3A_244 : i32 to index
          %parallel_loop3A_246 = tpu.vector_load %arg8[%parallel_loop3A_245] {strides = array<i32>} : memref<8000xi32, #tpu.memory_space<vmem>>, vector<16xi32>,
          %parallel_loop3A_247 = arith.index_cast %parallel_loop3A_244 : i32 to index
          %parallel_loop3A_248 = tpu.vector_load %arg9[%parallel_loop3A_247] {strides = array<i32>} : memref<8000xf32, #tpu.memory_space<vmem>>, vector<16xf32>,
          %parallel_loop3A_249 = arith.constant 65535 : i32
          %parallel_loop3A_250 = vector.broadcast %parallel_loop3A_249 : i32 to vector<16xi32>
          %parallel_loop3A_251 = arith.andi %parallel_loop3A_246, %parallel_loop3A_250 : vector<16xi32>
          %parallel_loop3A_252 = arith.constant 16 : i32
          %parallel_loop3A_253 = vector.broadcast %parallel_loop3A_252 : i32 to vector<16xi32>
          %parallel_loop3A_254 = arith.shrui %parallel_loop3A_246, %parallel_loop3A_253 : vector<16xi32>
          %parallel_loop3A_255 = arith.constant 0 : i32
          %parallel_loop3A_256 = tpu.memref_slice %arg6[%parallel_loop3A_255] : memref<40960xf32, #tpu.memory_space<vmem>> -> memref<10240xf32, #tpu.memory_space<vmem>>
          %parallel_loop3A_257 = tpu.vector_load_idx %parallel_loop3A_256[%parallel_loop3A_251] : memref<10240xf32, #tpu.memory_space<vmem>>[vector<16xi32>], vector<16xf32>,
          %parallel_loop3A_258 = arith.mulf %parallel_loop3A_257, %parallel_loop3A_248 : vector<16xf32>
          %parallel_loop3A_259 = arith.constant 0 : i32
          %parallel_loop3A_260 = tpu.memref_slice %arg7[%parallel_loop3A_259] : memref<40960xf32, #tpu.memory_space<vmem>> -> memref<10240xf32, #tpu.memory_space<vmem>>
          tpu.vector_store_idx %parallel_loop3A_260[%parallel_loop3A_254], %parallel_loop3A_258 {add = true} : memref<10240xf32, #tpu.memory_space<vmem>>[vector<16xi32>], vector<16xf32>,
          %parallel_loop3A_261 = arith.constant 10240 : i32
          %parallel_loop3A_262 = tpu.memref_slice %arg6[%parallel_loop3A_261] : memref<40960xf32, #tpu.memory_space<vmem>> -> memref<10240xf32, #tpu.memory_space<vmem>>
          %parallel_loop3A_263 = tpu.vector_load_idx %parallel_loop3A_262[%parallel_loop3A_251] : memref<10240xf32, #tpu.memory_space<vmem>>[vector<16xi32>], vector<16xf32>,
          %parallel_loop3A_264 = arith.mulf %parallel_loop3A_263, %parallel_loop3A_248 : vector<16xf32>
          %parallel_loop3A_265 = arith.constant 10240 : i32
          %parallel_loop3A_266 = tpu.memref_slice %arg7[%parallel_loop3A_265] : memref<40960xf32, #tpu.memory_space<vmem>> -> memref<10240xf32, #tpu.memory_space<vmem>>
          tpu.vector_store_idx %parallel_loop3A_266[%parallel_loop3A_254], %parallel_loop3A_264 {add = true} : memref<10240xf32, #tpu.memory_space<vmem>>[vector<16xi32>], vector<16xf32>,
          %parallel_loop3A_267 = arith.constant 20480 : i32
          %parallel_loop3A_268 = tpu.memref_slice %arg6[%parallel_loop3A_267] : memref<40960xf32, #tpu.memory_space<vmem>> -> memref<10240xf32, #tpu.memory_space<vmem>>
          %parallel_loop3A_269 = tpu.vector_load_idx %parallel_loop3A_268[%parallel_loop3A_251] : memref<10240xf32, #tpu.memory_space<vmem>>[vector<16xi32>], vector<16xf32>,
          %parallel_loop3A_270 = arith.mulf %parallel_loop3A_269, %parallel_loop3A_248 : vector<16xf32>
          %parallel_loop3A_271 = arith.constant 20480 : i32
          %parallel_loop3A_272 = tpu.memref_slice %arg7[%parallel_loop3A_271] : memref<40960xf32, #tpu.memory_space<vmem>> -> memref<10240xf32, #tpu.memory_space<vmem>>
          tpu.vector_store_idx %parallel_loop3A_272[%parallel_loop3A_254], %parallel_loop3A_270 {add = true} : memref<10240xf32, #tpu.memory_space<vmem>>[vector<16xi32>], vector<16xf32>,
          %parallel_loop3A_273 = arith.constant 30720 : i32
          %parallel_loop3A_274 = tpu.memref_slice %arg6[%parallel_loop3A_273] : memref<40960xf32, #tpu.memory_space<vmem>> -> memref<10240xf32, #tpu.memory_space<vmem>>
          %parallel_loop3A_275 = tpu.vector_load_idx %parallel_loop3A_274[%parallel_loop3A_251] : memref<10240xf32, #tpu.memory_space<vmem>>[vector<16xi32>], vector<16xf32>,
          %parallel_loop3A_276 = arith.mulf %parallel_loop3A_275, %parallel_loop3A_248 : vector<16xf32>
          %parallel_loop3A_277 = arith.constant 30720 : i32
          %parallel_loop3A_278 = tpu.memref_slice %arg7[%parallel_loop3A_277] : memref<40960xf32, #tpu.memory_space<vmem>> -> memref<10240xf32, #tpu.memory_space<vmem>>
          tpu.vector_store_idx %parallel_loop3A_278[%parallel_loop3A_254], %parallel_loop3A_276 {add = true} : memref<10240xf32, #tpu.memory_space<vmem>>[vector<16xi32>], vector<16xf32>,
        } {sc.loop_unroll_factor = 10 : i64, sc.parallel_access}
        %add3A_223 = arith.constant 1 : i32
        %add3A_224 = arith.addi %mul3A_205, %add3A_223 : i32
        %mul3A_225 = arith.constant 8000 : i32
        %mul3A_226 = arith.muli %add3A_224, %mul3A_225 : i32
        %dma_wait3A_227 = tpu.memref_slice %arg3[%mul3A_226] : memref<160000xi32, #tpu.memory_space<hbm>> -> memref<8000xi32, #tpu.memory_space<hbm>>
        %dma_wait3A_228 = tpu.memref_slice %arg3[%mul3A_226] : memref<160000xi32, #tpu.memory_space<hbm>> -> memref<8000xi32, #tpu.memory_space<hbm>>
        tpu.wait_dma2 semaphore(%arg13 : memref<!tpu.dma_semaphore, #tpu.memory_space<semaphore_mem>>) src(%dma_wait3A_228 : memref<8000xi32, #tpu.memory_space<hbm>>) dst(%arg10 : memref<8000xi32, #tpu.memory_space<vmem>>)
        %dma_wait3A_229 = tpu.memref_slice %arg4[%mul3A_226] : memref<160000xf32, #tpu.memory_space<hbm>> -> memref<8000xf32, #tpu.memory_space<hbm>>
        %dma_wait3A_230 = tpu.memref_slice %arg4[%mul3A_226] : memref<160000xf32, #tpu.memory_space<hbm>> -> memref<8000xf32, #tpu.memory_space<hbm>>
        tpu.wait_dma2 semaphore(%arg13 : memref<!tpu.dma_semaphore, #tpu.memory_space<semaphore_mem>>) src(%dma_wait3A_230 : memref<8000xf32, #tpu.memory_space<hbm>>) dst(%arg11 : memref<8000xf32, #tpu.memory_space<vmem>>)
        %add3A_231 = arith.constant 1 : i32
        %add3A_232 = arith.addi %add3A_224, %add3A_231 : i32
        %lt3A_233 = arith.constant 20 : i32
        %lt3A_234 = arith.cmpi slt, %add3A_232, %lt3A_233 : i32
        %convert_element_type3A_235 = arith.extui %lt3A_234 : i1 to i32
        %cond3A_236 = arith.constant 0 : i32
        %cond3A_237 = arith.cmpi ne, %convert_element_type3A_235, %cond3A_236 : i32
        scf.if %cond3A_237 {
          %add3A_242 = arith.constant 1 : i32
          %add3A_243 = arith.addi %add3A_224, %add3A_242 : i32
          %mul3A_244 = arith.constant 8000 : i32
          %mul3A_245 = arith.muli %add3A_243, %mul3A_244 : i32
          %dma_start3A_246 = tpu.memref_slice %arg3[%mul3A_245] : memref<160000xi32, #tpu.memory_space<hbm>> -> memref<8000xi32, #tpu.memory_space<hbm>>
          %dma_start3A_247 = tpu.memref_slice %arg3[%mul3A_245] : memref<160000xi32, #tpu.memory_space<hbm>> -> memref<8000xi32, #tpu.memory_space<hbm>>
          tpu.enqueue_dma source(%dma_start3A_247 : memref<8000xi32, #tpu.memory_space<hbm>>) target(%arg8 : memref<8000xi32, #tpu.memory_space<vmem>>) target_semaphore(%arg12 : memref<!tpu.dma_semaphore, #tpu.memory_space<semaphore_mem>>)
          %dma_start3A_248 = tpu.memref_slice %arg4[%mul3A_245] : memref<160000xf32, #tpu.memory_space<hbm>> -> memref<8000xf32, #tpu.memory_space<hbm>>
          %dma_start3A_249 = tpu.memref_slice %arg4[%mul3A_245] : memref<160000xf32, #tpu.memory_space<hbm>> -> memref<8000xf32, #tpu.memory_space<hbm>>
          tpu.enqueue_dma source(%dma_start3A_249 : memref<8000xf32, #tpu.memory_space<hbm>>) target(%arg9 : memref<8000xf32, #tpu.memory_space<vmem>>) target_semaphore(%arg12 : memref<!tpu.dma_semaphore, #tpu.memory_space<semaphore_mem>>)
        } else {
        }
        %parallel_loop3A_238 = arith.constant 0 : i32
        %parallel_loop3A_239 = arith.constant 500 : i32
        %parallel_loop3A_240 = arith.constant 1 : i32
        scf.for %parallel_loop3A_242 = %parallel_loop3A_238 to %parallel_loop3A_239 step %parallel_loop3A_240  : i32 {
          %parallel_loop3A_243 = arith.constant 16 : i32
          %parallel_loop3A_244 = arith.muli %parallel_loop3A_242, %parallel_loop3A_243 : i32
          %parallel_loop3A_245 = arith.index_cast %parallel_loop3A_244 : i32 to index
          %parallel_loop3A_246 = tpu.vector_load %arg10[%parallel_loop3A_245] {strides = array<i32>} : memref<8000xi32, #tpu.memory_space<vmem>>, vector<16xi32>,
          %parallel_loop3A_247 = arith.index_cast %parallel_loop3A_244 : i32 to index
          %parallel_loop3A_248 = tpu.vector_load %arg11[%parallel_loop3A_247] {strides = array<i32>} : memref<8000xf32, #tpu.memory_space<vmem>>, vector<16xf32>,
          %parallel_loop3A_249 = arith.constant 65535 : i32
          %parallel_loop3A_250 = vector.broadcast %parallel_loop3A_249 : i32 to vector<16xi32>
          %parallel_loop3A_251 = arith.andi %parallel_loop3A_246, %parallel_loop3A_250 : vector<16xi32>
          %parallel_loop3A_252 = arith.constant 16 : i32
          %parallel_loop3A_253 = vector.broadcast %parallel_loop3A_252 : i32 to vector<16xi32>
          %parallel_loop3A_254 = arith.shrui %parallel_loop3A_246, %parallel_loop3A_253 : vector<16xi32>
          %parallel_loop3A_255 = arith.constant 0 : i32
          %parallel_loop3A_256 = tpu.memref_slice %arg6[%parallel_loop3A_255] : memref<40960xf32, #tpu.memory_space<vmem>> -> memref<10240xf32, #tpu.memory_space<vmem>>
          %parallel_loop3A_257 = tpu.vector_load_idx %parallel_loop3A_256[%parallel_loop3A_251] : memref<10240xf32, #tpu.memory_space<vmem>>[vector<16xi32>], vector<16xf32>,
          %parallel_loop3A_258 = arith.mulf %parallel_loop3A_257, %parallel_loop3A_248 : vector<16xf32>
          %parallel_loop3A_259 = arith.constant 0 : i32
          %parallel_loop3A_260 = tpu.memref_slice %arg7[%parallel_loop3A_259] : memref<40960xf32, #tpu.memory_space<vmem>> -> memref<10240xf32, #tpu.memory_space<vmem>>
          tpu.vector_store_idx %parallel_loop3A_260[%parallel_loop3A_254], %parallel_loop3A_258 {add = true} : memref<10240xf32, #tpu.memory_space<vmem>>[vector<16xi32>], vector<16xf32>,
          %parallel_loop3A_261 = arith.constant 10240 : i32
          %parallel_loop3A_262 = tpu.memref_slice %arg6[%parallel_loop3A_261] : memref<40960xf32, #tpu.memory_space<vmem>> -> memref<10240xf32, #tpu.memory_space<vmem>>
          %parallel_loop3A_263 = tpu.vector_load_idx %parallel_loop3A_262[%parallel_loop3A_251] : memref<10240xf32, #tpu.memory_space<vmem>>[vector<16xi32>], vector<16xf32>,
          %parallel_loop3A_264 = arith.mulf %parallel_loop3A_263, %parallel_loop3A_248 : vector<16xf32>
          %parallel_loop3A_265 = arith.constant 10240 : i32
          %parallel_loop3A_266 = tpu.memref_slice %arg7[%parallel_loop3A_265] : memref<40960xf32, #tpu.memory_space<vmem>> -> memref<10240xf32, #tpu.memory_space<vmem>>
          tpu.vector_store_idx %parallel_loop3A_266[%parallel_loop3A_254], %parallel_loop3A_264 {add = true} : memref<10240xf32, #tpu.memory_space<vmem>>[vector<16xi32>], vector<16xf32>,
          %parallel_loop3A_267 = arith.constant 20480 : i32
          %parallel_loop3A_268 = tpu.memref_slice %arg6[%parallel_loop3A_267] : memref<40960xf32, #tpu.memory_space<vmem>> -> memref<10240xf32, #tpu.memory_space<vmem>>
          %parallel_loop3A_269 = tpu.vector_load_idx %parallel_loop3A_268[%parallel_loop3A_251] : memref<10240xf32, #tpu.memory_space<vmem>>[vector<16xi32>], vector<16xf32>,
          %parallel_loop3A_270 = arith.mulf %parallel_loop3A_269, %parallel_loop3A_248 : vector<16xf32>
          %parallel_loop3A_271 = arith.constant 20480 : i32
          %parallel_loop3A_272 = tpu.memref_slice %arg7[%parallel_loop3A_271] : memref<40960xf32, #tpu.memory_space<vmem>> -> memref<10240xf32, #tpu.memory_space<vmem>>
          tpu.vector_store_idx %parallel_loop3A_272[%parallel_loop3A_254], %parallel_loop3A_270 {add = true} : memref<10240xf32, #tpu.memory_space<vmem>>[vector<16xi32>], vector<16xf32>,
          %parallel_loop3A_273 = arith.constant 30720 : i32
          %parallel_loop3A_274 = tpu.memref_slice %arg6[%parallel_loop3A_273] : memref<40960xf32, #tpu.memory_space<vmem>> -> memref<10240xf32, #tpu.memory_space<vmem>>
          %parallel_loop3A_275 = tpu.vector_load_idx %parallel_loop3A_274[%parallel_loop3A_251] : memref<10240xf32, #tpu.memory_space<vmem>>[vector<16xi32>], vector<16xf32>,
          %parallel_loop3A_276 = arith.mulf %parallel_loop3A_275, %parallel_loop3A_248 : vector<16xf32>
          %parallel_loop3A_277 = arith.constant 30720 : i32
          %parallel_loop3A_278 = tpu.memref_slice %arg7[%parallel_loop3A_277] : memref<40960xf32, #tpu.memory_space<vmem>> -> memref<10240xf32, #tpu.memory_space<vmem>>
          tpu.vector_store_idx %parallel_loop3A_278[%parallel_loop3A_254], %parallel_loop3A_276 {add = true} : memref<10240xf32, #tpu.memory_space<vmem>>[vector<16xi32>], vector<16xf32>,
        } {sc.loop_unroll_factor = 10 : i64, sc.parallel_access}
        %scan3A_241 = arith.constant 0 : i32
        scf.yield %scan3A_241 : i32
      }
      %scan3A_159 = arith.constant 10 : i32
      %dma_start3A_160 = arith.constant 0 : i32
      %dma_start3A_161 = tpu.memref_slice %arg5[%mul3A_137, %add3A_66, %dma_start3A_160] : memref<29x64x40960xf32, #tpu.memory_space<hbm>> -> memref<1x1x40960xf32, #tpu.memory_space<hbm>>
      %dma_start3A_162 = tpu.memref_squeeze %dma_start3A_161 : memref<1x1x40960xf32, #tpu.memory_space<hbm>> -> memref<40960xf32, #tpu.memory_space<hbm>>
      %dma_start3A_163 = arith.constant 0 : i32
      %dma_start3A_164 = tpu.memref_slice %arg5[%mul3A_137, %add3A_66, %dma_start3A_163] : memref<29x64x40960xf32, #tpu.memory_space<hbm>> -> memref<1x1x40960xf32, #tpu.memory_space<hbm>>
      %dma_start3A_165 = tpu.memref_squeeze %dma_start3A_164 : memref<1x1x40960xf32, #tpu.memory_space<hbm>> -> memref<40960xf32, #tpu.memory_space<hbm>>
      tpu.enqueue_dma source(%arg7 : memref<40960xf32, #tpu.memory_space<vmem>>) target(%dma_start3A_165 : memref<40960xf32, #tpu.memory_space<hbm>>) target_semaphore(%arg14 : memref<!tpu.dma_semaphore, #tpu.memory_space<semaphore_mem>>)
      %mul3A_166 = arith.constant 2 : i32
      %mul3A_167 = arith.muli %mul3A_166, %scan3A_134 : i32
      %add3A_168 = arith.constant 1 : i32
      %add3A_169 = arith.addi %mul3A_167, %add3A_168 : i32
      %ge3A_170 = arith.constant 2 : i32
      %ge3A_171 = arith.cmpi sge, %add3A_169, %ge3A_170 : i32
      %convert_element_type3A_172 = arith.extui %ge3A_171 : i1 to i32
      %cond3A_173 = arith.constant 0 : i32
      %cond3A_174 = arith.cmpi ne, %convert_element_type3A_172, %cond3A_173 : i32
      scf.if %cond3A_174 {
        %sub3A = arith.constant 2 : i32
        %sub3A_202 = arith.subi %add3A_169, %sub3A : i32
        %dma_wait3A_203 = arith.constant 0 : i32
        %dma_wait3A_204 = tpu.memref_slice %arg5[%sub3A_202, %add3A_66, %dma_wait3A_203] : memref<29x64x40960xf32, #tpu.memory_space<hbm>> -> memref<1x1x40960xf32, #tpu.memory_space<hbm>>
        %dma_wait3A_205 = tpu.memref_squeeze %dma_wait3A_204 : memref<1x1x40960xf32, #tpu.memory_space<hbm>> -> memref<40960xf32, #tpu.memory_space<hbm>>
        %dma_wait3A_206 = arith.constant 0 : i32
        %dma_wait3A_207 = tpu.memref_slice %arg5[%sub3A_202, %add3A_66, %dma_wait3A_206] : memref<29x64x40960xf32, #tpu.memory_space<hbm>> -> memref<1x1x40960xf32, #tpu.memory_space<hbm>>
        %dma_wait3A_208 = tpu.memref_squeeze %dma_wait3A_207 : memref<1x1x40960xf32, #tpu.memory_space<hbm>> -> memref<40960xf32, #tpu.memory_space<hbm>>
        tpu.wait_dma2 semaphore(%arg14 : memref<!tpu.dma_semaphore, #tpu.memory_space<semaphore_mem>>) src(%arg6 : memref<40960xf32, #tpu.memory_space<vmem>>) dst(%dma_wait3A_208 : memref<40960xf32, #tpu.memory_space<hbm>>)
      } else {
      }
      %dma_start3A_175 = arith.constant 0 : i32
      %dma_start3A_176 = tpu.memref_slice %arg3[%dma_start3A_175] : memref<160000xi32, #tpu.memory_space<hbm>> -> memref<8000xi32, #tpu.memory_space<hbm>>
      %dma_start3A_177 = arith.constant 0 : i32
      %dma_start3A_178 = tpu.memref_slice %arg3[%dma_start3A_177] : memref<160000xi32, #tpu.memory_space<hbm>> -> memref<8000xi32, #tpu.memory_space<hbm>>
      tpu.enqueue_dma source(%dma_start3A_178 : memref<8000xi32, #tpu.memory_space<hbm>>) target(%arg8 : memref<8000xi32, #tpu.memory_space<vmem>>) target_semaphore(%arg12 : memref<!tpu.dma_semaphore, #tpu.memory_space<semaphore_mem>>)
      %dma_start3A_179 = arith.constant 0 : i32
      %dma_start3A_180 = tpu.memref_slice %arg4[%dma_start3A_179] : memref<160000xf32, #tpu.memory_space<hbm>> -> memref<8000xf32, #tpu.memory_space<hbm>>
      %dma_start3A_181 = arith.constant 0 : i32
      %dma_start3A_182 = tpu.memref_slice %arg4[%dma_start3A_181] : memref<160000xf32, #tpu.memory_space<hbm>> -> memref<8000xf32, #tpu.memory_space<hbm>>
      tpu.enqueue_dma source(%dma_start3A_182 : memref<8000xf32, #tpu.memory_space<hbm>>) target(%arg9 : memref<8000xf32, #tpu.memory_space<vmem>>) target_semaphore(%arg12 : memref<!tpu.dma_semaphore, #tpu.memory_space<semaphore_mem>>)
      %broadcast_in_dim3A_183 = arith.constant 0.000000e+00 : f32
      %broadcast_in_dim3A_184 = vector.broadcast %broadcast_in_dim3A_183 : f32 to vector<16xf32>
      %parallel_loop3A_185 = arith.constant 0 : i32
      %parallel_loop3A_186 = arith.constant 2560 : i32
      %parallel_loop3A_187 = arith.constant 1 : i32
      scf.for %parallel_loop3A_202 = %parallel_loop3A_185 to %parallel_loop3A_186 step %parallel_loop3A_187  : i32 {
        %parallel_loop3A_203 = arith.constant 16 : i32
        %parallel_loop3A_204 = arith.muli %parallel_loop3A_202, %parallel_loop3A_203 : i32
        %parallel_loop3A_205 = arith.index_cast %parallel_loop3A_204 : i32 to index
        %parallel_loop3A_206 = tpu.vector_load %arg6[%parallel_loop3A_205] {strides = array<i32>} : memref<40960xf32, #tpu.memory_space<vmem>>, vector<16xf32>,
        tpu.vector_store %arg6[%parallel_loop3A_205], %broadcast_in_dim3A_184 {strides = array<i32>} : memref<40960xf32, #tpu.memory_space<vmem>>, vector<16xf32>,
      } {sc.loop_unroll_factor = 10 : i64, sc.parallel_access}
      %scan3A_188 = arith.constant 0 : i32
      %scan3A_189 = arith.constant 0 : i32
      %scan3A_190 = arith.constant 10 : i32
      %scan3A_191 = arith.addi %scan3A_189, %scan3A_190 : i32
      %scan3A_192 = arith.constant 1 : i32
      %scan3A_193 = scf.for %scan3A_202 = %scan3A_189 to %scan3A_191 step %scan3A_192 iter_args(%scan3A_203 = %scan3A_188) -> (i32)  : i32 {
        %mul3A_204 = arith.constant 2 : i32
        %mul3A_205 = arith.muli %scan3A_202, %mul3A_204 : i32
        %add3A_206 = arith.constant 0 : i32
        %add3A_207 = arith.addi %mul3A_205, %add3A_206 : i32
        %mul3A_208 = arith.constant 8000 : i32
        %mul3A_209 = arith.muli %add3A_207, %mul3A_208 : i32
        %dma_wait3A_210 = tpu.memref_slice %arg3[%mul3A_209] : memref<160000xi32, #tpu.memory_space<hbm>> -> memref<8000xi32, #tpu.memory_space<hbm>>
        %dma_wait3A_211 = tpu.memref_slice %arg3[%mul3A_209] : memref<160000xi32, #tpu.memory_space<hbm>> -> memref<8000xi32, #tpu.memory_space<hbm>>
        tpu.wait_dma2 semaphore(%arg12 : memref<!tpu.dma_semaphore, #tpu.memory_space<semaphore_mem>>) src(%dma_wait3A_211 : memref<8000xi32, #tpu.memory_space<hbm>>) dst(%arg8 : memref<8000xi32, #tpu.memory_space<vmem>>)
        %dma_wait3A_212 = tpu.memref_slice %arg4[%mul3A_209] : memref<160000xf32, #tpu.memory_space<hbm>> -> memref<8000xf32, #tpu.memory_space<hbm>>
        %dma_wait3A_213 = tpu.memref_slice %arg4[%mul3A_209] : memref<160000xf32, #tpu.memory_space<hbm>> -> memref<8000xf32, #tpu.memory_space<hbm>>
        tpu.wait_dma2 semaphore(%arg12 : memref<!tpu.dma_semaphore, #tpu.memory_space<semaphore_mem>>) src(%dma_wait3A_213 : memref<8000xf32, #tpu.memory_space<hbm>>) dst(%arg9 : memref<8000xf32, #tpu.memory_space<vmem>>)
        %add3A_214 = arith.constant 1 : i32
        %add3A_215 = arith.addi %add3A_207, %add3A_214 : i32
        %lt3A = arith.constant 20 : i32
        %lt3A_216 = arith.cmpi slt, %add3A_215, %lt3A : i32
        %convert_element_type3A_217 = arith.extui %lt3A_216 : i1 to i32
        %cond3A_218 = arith.constant 0 : i32
        %cond3A_219 = arith.cmpi ne, %convert_element_type3A_217, %cond3A_218 : i32
        scf.if %cond3A_219 {
          %add3A_242 = arith.constant 1 : i32
          %add3A_243 = arith.addi %add3A_207, %add3A_242 : i32
          %mul3A_244 = arith.constant 8000 : i32
          %mul3A_245 = arith.muli %add3A_243, %mul3A_244 : i32
          %dma_start3A_246 = tpu.memref_slice %arg3[%mul3A_245] : memref<160000xi32, #tpu.memory_space<hbm>> -> memref<8000xi32, #tpu.memory_space<hbm>>
          %dma_start3A_247 = tpu.memref_slice %arg3[%mul3A_245] : memref<160000xi32, #tpu.memory_space<hbm>> -> memref<8000xi32, #tpu.memory_space<hbm>>
          tpu.enqueue_dma source(%dma_start3A_247 : memref<8000xi32, #tpu.memory_space<hbm>>) target(%arg10 : memref<8000xi32, #tpu.memory_space<vmem>>) target_semaphore(%arg13 : memref<!tpu.dma_semaphore, #tpu.memory_space<semaphore_mem>>)
          %dma_start3A_248 = tpu.memref_slice %arg4[%mul3A_245] : memref<160000xf32, #tpu.memory_space<hbm>> -> memref<8000xf32, #tpu.memory_space<hbm>>
          %dma_start3A_249 = tpu.memref_slice %arg4[%mul3A_245] : memref<160000xf32, #tpu.memory_space<hbm>> -> memref<8000xf32, #tpu.memory_space<hbm>>
          tpu.enqueue_dma source(%dma_start3A_249 : memref<8000xf32, #tpu.memory_space<hbm>>) target(%arg11 : memref<8000xf32, #tpu.memory_space<vmem>>) target_semaphore(%arg13 : memref<!tpu.dma_semaphore, #tpu.memory_space<semaphore_mem>>)
        } else {
        }
        %parallel_loop3A_220 = arith.constant 0 : i32
        %parallel_loop3A_221 = arith.constant 500 : i32
        %parallel_loop3A_222 = arith.constant 1 : i32
        scf.for %parallel_loop3A_242 = %parallel_loop3A_220 to %parallel_loop3A_221 step %parallel_loop3A_222  : i32 {
          %parallel_loop3A_243 = arith.constant 16 : i32
          %parallel_loop3A_244 = arith.muli %parallel_loop3A_242, %parallel_loop3A_243 : i32
          %parallel_loop3A_245 = arith.index_cast %parallel_loop3A_244 : i32 to index
          %parallel_loop3A_246 = tpu.vector_load %arg8[%parallel_loop3A_245] {strides = array<i32>} : memref<8000xi32, #tpu.memory_space<vmem>>, vector<16xi32>,
          %parallel_loop3A_247 = arith.index_cast %parallel_loop3A_244 : i32 to index
          %parallel_loop3A_248 = tpu.vector_load %arg9[%parallel_loop3A_247] {strides = array<i32>} : memref<8000xf32, #tpu.memory_space<vmem>>, vector<16xf32>,
          %parallel_loop3A_249 = arith.constant 65535 : i32
          %parallel_loop3A_250 = vector.broadcast %parallel_loop3A_249 : i32 to vector<16xi32>
          %parallel_loop3A_251 = arith.andi %parallel_loop3A_246, %parallel_loop3A_250 : vector<16xi32>
          %parallel_loop3A_252 = arith.constant 16 : i32
          %parallel_loop3A_253 = vector.broadcast %parallel_loop3A_252 : i32 to vector<16xi32>
          %parallel_loop3A_254 = arith.shrui %parallel_loop3A_246, %parallel_loop3A_253 : vector<16xi32>
          %parallel_loop3A_255 = arith.constant 0 : i32
          %parallel_loop3A_256 = tpu.memref_slice %arg7[%parallel_loop3A_255] : memref<40960xf32, #tpu.memory_space<vmem>> -> memref<10240xf32, #tpu.memory_space<vmem>>
          %parallel_loop3A_257 = tpu.vector_load_idx %parallel_loop3A_256[%parallel_loop3A_251] : memref<10240xf32, #tpu.memory_space<vmem>>[vector<16xi32>], vector<16xf32>,
          %parallel_loop3A_258 = arith.mulf %parallel_loop3A_257, %parallel_loop3A_248 : vector<16xf32>
          %parallel_loop3A_259 = arith.constant 0 : i32
          %parallel_loop3A_260 = tpu.memref_slice %arg6[%parallel_loop3A_259] : memref<40960xf32, #tpu.memory_space<vmem>> -> memref<10240xf32, #tpu.memory_space<vmem>>
          tpu.vector_store_idx %parallel_loop3A_260[%parallel_loop3A_254], %parallel_loop3A_258 {add = true} : memref<10240xf32, #tpu.memory_space<vmem>>[vector<16xi32>], vector<16xf32>,
          %parallel_loop3A_261 = arith.constant 10240 : i32
          %parallel_loop3A_262 = tpu.memref_slice %arg7[%parallel_loop3A_261] : memref<40960xf32, #tpu.memory_space<vmem>> -> memref<10240xf32, #tpu.memory_space<vmem>>
          %parallel_loop3A_263 = tpu.vector_load_idx %parallel_loop3A_262[%parallel_loop3A_251] : memref<10240xf32, #tpu.memory_space<vmem>>[vector<16xi32>], vector<16xf32>,
          %parallel_loop3A_264 = arith.mulf %parallel_loop3A_263, %parallel_loop3A_248 : vector<16xf32>
          %parallel_loop3A_265 = arith.constant 10240 : i32
          %parallel_loop3A_266 = tpu.memref_slice %arg6[%parallel_loop3A_265] : memref<40960xf32, #tpu.memory_space<vmem>> -> memref<10240xf32, #tpu.memory_space<vmem>>
          tpu.vector_store_idx %parallel_loop3A_266[%parallel_loop3A_254], %parallel_loop3A_264 {add = true} : memref<10240xf32, #tpu.memory_space<vmem>>[vector<16xi32>], vector<16xf32>,
          %parallel_loop3A_267 = arith.constant 20480 : i32
          %parallel_loop3A_268 = tpu.memref_slice %arg7[%parallel_loop3A_267] : memref<40960xf32, #tpu.memory_space<vmem>> -> memref<10240xf32, #tpu.memory_space<vmem>>
          %parallel_loop3A_269 = tpu.vector_load_idx %parallel_loop3A_268[%parallel_loop3A_251] : memref<10240xf32, #tpu.memory_space<vmem>>[vector<16xi32>], vector<16xf32>,
          %parallel_loop3A_270 = arith.mulf %parallel_loop3A_269, %parallel_loop3A_248 : vector<16xf32>
          %parallel_loop3A_271 = arith.constant 20480 : i32
          %parallel_loop3A_272 = tpu.memref_slice %arg6[%parallel_loop3A_271] : memref<40960xf32, #tpu.memory_space<vmem>> -> memref<10240xf32, #tpu.memory_space<vmem>>
          tpu.vector_store_idx %parallel_loop3A_272[%parallel_loop3A_254], %parallel_loop3A_270 {add = true} : memref<10240xf32, #tpu.memory_space<vmem>>[vector<16xi32>], vector<16xf32>,
          %parallel_loop3A_273 = arith.constant 30720 : i32
          %parallel_loop3A_274 = tpu.memref_slice %arg7[%parallel_loop3A_273] : memref<40960xf32, #tpu.memory_space<vmem>> -> memref<10240xf32, #tpu.memory_space<vmem>>
          %parallel_loop3A_275 = tpu.vector_load_idx %parallel_loop3A_274[%parallel_loop3A_251] : memref<10240xf32, #tpu.memory_space<vmem>>[vector<16xi32>], vector<16xf32>,
          %parallel_loop3A_276 = arith.mulf %parallel_loop3A_275, %parallel_loop3A_248 : vector<16xf32>
          %parallel_loop3A_277 = arith.constant 30720 : i32
          %parallel_loop3A_278 = tpu.memref_slice %arg6[%parallel_loop3A_277] : memref<40960xf32, #tpu.memory_space<vmem>> -> memref<10240xf32, #tpu.memory_space<vmem>>
          tpu.vector_store_idx %parallel_loop3A_278[%parallel_loop3A_254], %parallel_loop3A_276 {add = true} : memref<10240xf32, #tpu.memory_space<vmem>>[vector<16xi32>], vector<16xf32>,
        } {sc.loop_unroll_factor = 10 : i64, sc.parallel_access}
        %add3A_223 = arith.constant 1 : i32
        %add3A_224 = arith.addi %mul3A_205, %add3A_223 : i32
        %mul3A_225 = arith.constant 8000 : i32
        %mul3A_226 = arith.muli %add3A_224, %mul3A_225 : i32
        %dma_wait3A_227 = tpu.memref_slice %arg3[%mul3A_226] : memref<160000xi32, #tpu.memory_space<hbm>> -> memref<8000xi32, #tpu.memory_space<hbm>>
        %dma_wait3A_228 = tpu.memref_slice %arg3[%mul3A_226] : memref<160000xi32, #tpu.memory_space<hbm>> -> memref<8000xi32, #tpu.memory_space<hbm>>
        tpu.wait_dma2 semaphore(%arg13 : memref<!tpu.dma_semaphore, #tpu.memory_space<semaphore_mem>>) src(%dma_wait3A_228 : memref<8000xi32, #tpu.memory_space<hbm>>) dst(%arg10 : memref<8000xi32, #tpu.memory_space<vmem>>)
        %dma_wait3A_229 = tpu.memref_slice %arg4[%mul3A_226] : memref<160000xf32, #tpu.memory_space<hbm>> -> memref<8000xf32, #tpu.memory_space<hbm>>
        %dma_wait3A_230 = tpu.memref_slice %arg4[%mul3A_226] : memref<160000xf32, #tpu.memory_space<hbm>> -> memref<8000xf32, #tpu.memory_space<hbm>>
        tpu.wait_dma2 semaphore(%arg13 : memref<!tpu.dma_semaphore, #tpu.memory_space<semaphore_mem>>) src(%dma_wait3A_230 : memref<8000xf32, #tpu.memory_space<hbm>>) dst(%arg11 : memref<8000xf32, #tpu.memory_space<vmem>>)
        %add3A_231 = arith.constant 1 : i32
        %add3A_232 = arith.addi %add3A_224, %add3A_231 : i32
        %lt3A_233 = arith.constant 20 : i32
        %lt3A_234 = arith.cmpi slt, %add3A_232, %lt3A_233 : i32
        %convert_element_type3A_235 = arith.extui %lt3A_234 : i1 to i32
        %cond3A_236 = arith.constant 0 : i32
        %cond3A_237 = arith.cmpi ne, %convert_element_type3A_235, %cond3A_236 : i32
        scf.if %cond3A_237 {
          %add3A_242 = arith.constant 1 : i32
          %add3A_243 = arith.addi %add3A_224, %add3A_242 : i32
          %mul3A_244 = arith.constant 8000 : i32
          %mul3A_245 = arith.muli %add3A_243, %mul3A_244 : i32
          %dma_start3A_246 = tpu.memref_slice %arg3[%mul3A_245] : memref<160000xi32, #tpu.memory_space<hbm>> -> memref<8000xi32, #tpu.memory_space<hbm>>
          %dma_start3A_247 = tpu.memref_slice %arg3[%mul3A_245] : memref<160000xi32, #tpu.memory_space<hbm>> -> memref<8000xi32, #tpu.memory_space<hbm>>
          tpu.enqueue_dma source(%dma_start3A_247 : memref<8000xi32, #tpu.memory_space<hbm>>) target(%arg8 : memref<8000xi32, #tpu.memory_space<vmem>>) target_semaphore(%arg12 : memref<!tpu.dma_semaphore, #tpu.memory_space<semaphore_mem>>)
          %dma_start3A_248 = tpu.memref_slice %arg4[%mul3A_245] : memref<160000xf32, #tpu.memory_space<hbm>> -> memref<8000xf32, #tpu.memory_space<hbm>>
          %dma_start3A_249 = tpu.memref_slice %arg4[%mul3A_245] : memref<160000xf32, #tpu.memory_space<hbm>> -> memref<8000xf32, #tpu.memory_space<hbm>>
          tpu.enqueue_dma source(%dma_start3A_249 : memref<8000xf32, #tpu.memory_space<hbm>>) target(%arg9 : memref<8000xf32, #tpu.memory_space<vmem>>) target_semaphore(%arg12 : memref<!tpu.dma_semaphore, #tpu.memory_space<semaphore_mem>>)
        } else {
        }
        %parallel_loop3A_238 = arith.constant 0 : i32
        %parallel_loop3A_239 = arith.constant 500 : i32
        %parallel_loop3A_240 = arith.constant 1 : i32
        scf.for %parallel_loop3A_242 = %parallel_loop3A_238 to %parallel_loop3A_239 step %parallel_loop3A_240  : i32 {
          %parallel_loop3A_243 = arith.constant 16 : i32
          %parallel_loop3A_244 = arith.muli %parallel_loop3A_242, %parallel_loop3A_243 : i32
          %parallel_loop3A_245 = arith.index_cast %parallel_loop3A_244 : i32 to index
          %parallel_loop3A_246 = tpu.vector_load %arg10[%parallel_loop3A_245] {strides = array<i32>} : memref<8000xi32, #tpu.memory_space<vmem>>, vector<16xi32>,
          %parallel_loop3A_247 = arith.index_cast %parallel_loop3A_244 : i32 to index
          %parallel_loop3A_248 = tpu.vector_load %arg11[%parallel_loop3A_247] {strides = array<i32>} : memref<8000xf32, #tpu.memory_space<vmem>>, vector<16xf32>,
          %parallel_loop3A_249 = arith.constant 65535 : i32
          %parallel_loop3A_250 = vector.broadcast %parallel_loop3A_249 : i32 to vector<16xi32>
          %parallel_loop3A_251 = arith.andi %parallel_loop3A_246, %parallel_loop3A_250 : vector<16xi32>
          %parallel_loop3A_252 = arith.constant 16 : i32
          %parallel_loop3A_253 = vector.broadcast %parallel_loop3A_252 : i32 to vector<16xi32>
          %parallel_loop3A_254 = arith.shrui %parallel_loop3A_246, %parallel_loop3A_253 : vector<16xi32>
          %parallel_loop3A_255 = arith.constant 0 : i32
          %parallel_loop3A_256 = tpu.memref_slice %arg7[%parallel_loop3A_255] : memref<40960xf32, #tpu.memory_space<vmem>> -> memref<10240xf32, #tpu.memory_space<vmem>>
          %parallel_loop3A_257 = tpu.vector_load_idx %parallel_loop3A_256[%parallel_loop3A_251] : memref<10240xf32, #tpu.memory_space<vmem>>[vector<16xi32>], vector<16xf32>,
          %parallel_loop3A_258 = arith.mulf %parallel_loop3A_257, %parallel_loop3A_248 : vector<16xf32>
          %parallel_loop3A_259 = arith.constant 0 : i32
          %parallel_loop3A_260 = tpu.memref_slice %arg6[%parallel_loop3A_259] : memref<40960xf32, #tpu.memory_space<vmem>> -> memref<10240xf32, #tpu.memory_space<vmem>>
          tpu.vector_store_idx %parallel_loop3A_260[%parallel_loop3A_254], %parallel_loop3A_258 {add = true} : memref<10240xf32, #tpu.memory_space<vmem>>[vector<16xi32>], vector<16xf32>,
          %parallel_loop3A_261 = arith.constant 10240 : i32
          %parallel_loop3A_262 = tpu.memref_slice %arg7[%parallel_loop3A_261] : memref<40960xf32, #tpu.memory_space<vmem>> -> memref<10240xf32, #tpu.memory_space<vmem>>
          %parallel_loop3A_263 = tpu.vector_load_idx %parallel_loop3A_262[%parallel_loop3A_251] : memref<10240xf32, #tpu.memory_space<vmem>>[vector<16xi32>], vector<16xf32>,
          %parallel_loop3A_264 = arith.mulf %parallel_loop3A_263, %parallel_loop3A_248 : vector<16xf32>
          %parallel_loop3A_265 = arith.constant 10240 : i32
          %parallel_loop3A_266 = tpu.memref_slice %arg6[%parallel_loop3A_265] : memref<40960xf32, #tpu.memory_space<vmem>> -> memref<10240xf32, #tpu.memory_space<vmem>>
          tpu.vector_store_idx %parallel_loop3A_266[%parallel_loop3A_254], %parallel_loop3A_264 {add = true} : memref<10240xf32, #tpu.memory_space<vmem>>[vector<16xi32>], vector<16xf32>,
          %parallel_loop3A_267 = arith.constant 20480 : i32
          %parallel_loop3A_268 = tpu.memref_slice %arg7[%parallel_loop3A_267] : memref<40960xf32, #tpu.memory_space<vmem>> -> memref<10240xf32, #tpu.memory_space<vmem>>
          %parallel_loop3A_269 = tpu.vector_load_idx %parallel_loop3A_268[%parallel_loop3A_251] : memref<10240xf32, #tpu.memory_space<vmem>>[vector<16xi32>], vector<16xf32>,
          %parallel_loop3A_270 = arith.mulf %parallel_loop3A_269, %parallel_loop3A_248 : vector<16xf32>
          %parallel_loop3A_271 = arith.constant 20480 : i32
          %parallel_loop3A_272 = tpu.memref_slice %arg6[%parallel_loop3A_271] : memref<40960xf32, #tpu.memory_space<vmem>> -> memref<10240xf32, #tpu.memory_space<vmem>>
          tpu.vector_store_idx %parallel_loop3A_272[%parallel_loop3A_254], %parallel_loop3A_270 {add = true} : memref<10240xf32, #tpu.memory_space<vmem>>[vector<16xi32>], vector<16xf32>,
          %parallel_loop3A_273 = arith.constant 30720 : i32
          %parallel_loop3A_274 = tpu.memref_slice %arg7[%parallel_loop3A_273] : memref<40960xf32, #tpu.memory_space<vmem>> -> memref<10240xf32, #tpu.memory_space<vmem>>
          %parallel_loop3A_275 = tpu.vector_load_idx %parallel_loop3A_274[%parallel_loop3A_251] : memref<10240xf32, #tpu.memory_space<vmem>>[vector<16xi32>], vector<16xf32>,
          %parallel_loop3A_276 = arith.mulf %parallel_loop3A_275, %parallel_loop3A_248 : vector<16xf32>
          %parallel_loop3A_277 = arith.constant 30720 : i32
          %parallel_loop3A_278 = tpu.memref_slice %arg6[%parallel_loop3A_277] : memref<40960xf32, #tpu.memory_space<vmem>> -> memref<10240xf32, #tpu.memory_space<vmem>>
          tpu.vector_store_idx %parallel_loop3A_278[%parallel_loop3A_254], %parallel_loop3A_276 {add = true} : memref<10240xf32, #tpu.memory_space<vmem>>[vector<16xi32>], vector<16xf32>,
        } {sc.loop_unroll_factor = 10 : i64, sc.parallel_access}
        %scan3A_241 = arith.constant 0 : i32
        scf.yield %scan3A_241 : i32
      }
      %scan3A_194 = arith.constant 10 : i32
      %dma_start3A_195 = arith.constant 0 : i32
      %dma_start3A_196 = tpu.memref_slice %arg5[%add3A_169, %add3A_66, %dma_start3A_195] : memref<29x64x40960xf32, #tpu.memory_space<hbm>> -> memref<1x1x40960xf32, #tpu.memory_space<hbm>>
      %dma_start3A_197 = tpu.memref_squeeze %dma_start3A_196 : memref<1x1x40960xf32, #tpu.memory_space<hbm>> -> memref<40960xf32, #tpu.memory_space<hbm>>
      %dma_start3A_198 = arith.constant 0 : i32
      %dma_start3A_199 = tpu.memref_slice %arg5[%add3A_169, %add3A_66, %dma_start3A_198] : memref<29x64x40960xf32, #tpu.memory_space<hbm>> -> memref<1x1x40960xf32, #tpu.memory_space<hbm>>
      %dma_start3A_200 = tpu.memref_squeeze %dma_start3A_199 : memref<1x1x40960xf32, #tpu.memory_space<hbm>> -> memref<40960xf32, #tpu.memory_space<hbm>>
      tpu.enqueue_dma source(%arg6 : memref<40960xf32, #tpu.memory_space<vmem>>) target(%dma_start3A_200 : memref<40960xf32, #tpu.memory_space<hbm>>) target_semaphore(%arg14 : memref<!tpu.dma_semaphore, #tpu.memory_space<semaphore_mem>>)
      %scan3A_201 = arith.constant 0 : i32
      scf.yield %scan3A_201 : i32
    }
    %scan3A_85 = arith.constant 14 : i32
    %dma_wait3A_86 = arith.constant 26 : i32
    %dma_wait3A_87 = arith.constant 0 : i32
    %dma_wait3A_88 = tpu.memref_slice %arg5[%dma_wait3A_86, %add3A_66, %dma_wait3A_87] : memref<29x64x40960xf32, #tpu.memory_space<hbm>> -> memref<1x1x40960xf32, #tpu.memory_space<hbm>>
    %dma_wait3A_89 = tpu.memref_squeeze %dma_wait3A_88 : memref<1x1x40960xf32, #tpu.memory_space<hbm>> -> memref<40960xf32, #tpu.memory_space<hbm>>
    %dma_wait3A_90 = arith.constant 0 : i32
    %dma_wait3A_91 = tpu.memref_slice %arg5[%dma_wait3A_86, %add3A_66, %dma_wait3A_90] : memref<29x64x40960xf32, #tpu.memory_space<hbm>> -> memref<1x1x40960xf32, #tpu.memory_space<hbm>>
    %dma_wait3A_92 = tpu.memref_squeeze %dma_wait3A_91 : memref<1x1x40960xf32, #tpu.memory_space<hbm>> -> memref<40960xf32, #tpu.memory_space<hbm>>
    tpu.wait_dma2 semaphore(%arg14 : memref<!tpu.dma_semaphore, #tpu.memory_space<semaphore_mem>>) src(%arg7 : memref<40960xf32, #tpu.memory_space<vmem>>) dst(%dma_wait3A_92 : memref<40960xf32, #tpu.memory_space<hbm>>)
    %dma_start3A_93 = arith.constant 0 : i32
    %dma_start3A_94 = tpu.memref_slice %arg3[%dma_start3A_93] : memref<160000xi32, #tpu.memory_space<hbm>> -> memref<8000xi32, #tpu.memory_space<hbm>>
    %dma_start3A_95 = arith.constant 0 : i32
    %dma_start3A_96 = tpu.memref_slice %arg3[%dma_start3A_95] : memref<160000xi32, #tpu.memory_space<hbm>> -> memref<8000xi32, #tpu.memory_space<hbm>>
    tpu.enqueue_dma source(%dma_start3A_96 : memref<8000xi32, #tpu.memory_space<hbm>>) target(%arg8 : memref<8000xi32, #tpu.memory_space<vmem>>) target_semaphore(%arg12 : memref<!tpu.dma_semaphore, #tpu.memory_space<semaphore_mem>>)
    %dma_start3A_97 = arith.constant 0 : i32
    %dma_start3A_98 = tpu.memref_slice %arg4[%dma_start3A_97] : memref<160000xf32, #tpu.memory_space<hbm>> -> memref<8000xf32, #tpu.memory_space<hbm>>
    %dma_start3A_99 = arith.constant 0 : i32
    %dma_start3A_100 = tpu.memref_slice %arg4[%dma_start3A_99] : memref<160000xf32, #tpu.memory_space<hbm>> -> memref<8000xf32, #tpu.memory_space<hbm>>
    tpu.enqueue_dma source(%dma_start3A_100 : memref<8000xf32, #tpu.memory_space<hbm>>) target(%arg9 : memref<8000xf32, #tpu.memory_space<vmem>>) target_semaphore(%arg12 : memref<!tpu.dma_semaphore, #tpu.memory_space<semaphore_mem>>)
    %broadcast_in_dim3A_101 = arith.constant 0.000000e+00 : f32
    %broadcast_in_dim3A_102 = vector.broadcast %broadcast_in_dim3A_101 : f32 to vector<16xf32>
    %parallel_loop3A_103 = arith.constant 0 : i32
    %parallel_loop3A_104 = arith.constant 2560 : i32
    %parallel_loop3A_105 = arith.constant 1 : i32
    scf.for %parallel_loop3A_134 = %parallel_loop3A_103 to %parallel_loop3A_104 step %parallel_loop3A_105  : i32 {
      %parallel_loop3A_135 = arith.constant 16 : i32
      %parallel_loop3A_136 = arith.muli %parallel_loop3A_134, %parallel_loop3A_135 : i32
      %parallel_loop3A_137 = arith.index_cast %parallel_loop3A_136 : i32 to index
      %parallel_loop3A_138 = tpu.vector_load %arg7[%parallel_loop3A_137] {strides = array<i32>} : memref<40960xf32, #tpu.memory_space<vmem>>, vector<16xf32>,
      tpu.vector_store %arg7[%parallel_loop3A_137], %broadcast_in_dim3A_102 {strides = array<i32>} : memref<40960xf32, #tpu.memory_space<vmem>>, vector<16xf32>,
    } {sc.loop_unroll_factor = 10 : i64, sc.parallel_access}
    %scan3A_106 = arith.constant 0 : i32
    %scan3A_107 = arith.constant 0 : i32
    %scan3A_108 = arith.constant 10 : i32
    %scan3A_109 = arith.addi %scan3A_107, %scan3A_108 : i32
    %scan3A_110 = arith.constant 1 : i32
    %scan3A_111 = scf.for %scan3A_134 = %scan3A_107 to %scan3A_109 step %scan3A_110 iter_args(%scan3A_135 = %scan3A_106) -> (i32)  : i32 {
      %mul3A_136 = arith.constant 2 : i32
      %mul3A_137 = arith.muli %scan3A_134, %mul3A_136 : i32
      %add3A_138 = arith.constant 0 : i32
      %add3A_139 = arith.addi %mul3A_137, %add3A_138 : i32
      %mul3A_140 = arith.constant 8000 : i32
      %mul3A_141 = arith.muli %add3A_139, %mul3A_140 : i32
      %dma_wait3A_142 = tpu.memref_slice %arg3[%mul3A_141] : memref<160000xi32, #tpu.memory_space<hbm>> -> memref<8000xi32, #tpu.memory_space<hbm>>
      %dma_wait3A_143 = tpu.memref_slice %arg3[%mul3A_141] : memref<160000xi32, #tpu.memory_space<hbm>> -> memref<8000xi32, #tpu.memory_space<hbm>>
      tpu.wait_dma2 semaphore(%arg12 : memref<!tpu.dma_semaphore, #tpu.memory_space<semaphore_mem>>) src(%dma_wait3A_143 : memref<8000xi32, #tpu.memory_space<hbm>>) dst(%arg8 : memref<8000xi32, #tpu.memory_space<vmem>>)
      %dma_wait3A_144 = tpu.memref_slice %arg4[%mul3A_141] : memref<160000xf32, #tpu.memory_space<hbm>> -> memref<8000xf32, #tpu.memory_space<hbm>>
      %dma_wait3A_145 = tpu.memref_slice %arg4[%mul3A_141] : memref<160000xf32, #tpu.memory_space<hbm>> -> memref<8000xf32, #tpu.memory_space<hbm>>
      tpu.wait_dma2 semaphore(%arg12 : memref<!tpu.dma_semaphore, #tpu.memory_space<semaphore_mem>>) src(%dma_wait3A_145 : memref<8000xf32, #tpu.memory_space<hbm>>) dst(%arg9 : memref<8000xf32, #tpu.memory_space<vmem>>)
      %add3A_146 = arith.constant 1 : i32
      %add3A_147 = arith.addi %add3A_139, %add3A_146 : i32
      %lt3A = arith.constant 20 : i32
      %lt3A_148 = arith.cmpi slt, %add3A_147, %lt3A : i32
      %convert_element_type3A = arith.extui %lt3A_148 : i1 to i32
      %cond3A = arith.constant 0 : i32
      %cond3A_149 = arith.cmpi ne, %convert_element_type3A, %cond3A : i32
      scf.if %cond3A_149 {
        %add3A_172 = arith.constant 1 : i32
        %add3A_173 = arith.addi %add3A_139, %add3A_172 : i32
        %mul3A_174 = arith.constant 8000 : i32
        %mul3A_175 = arith.muli %add3A_173, %mul3A_174 : i32
        %dma_start3A_176 = tpu.memref_slice %arg3[%mul3A_175] : memref<160000xi32, #tpu.memory_space<hbm>> -> memref<8000xi32, #tpu.memory_space<hbm>>
        %dma_start3A_177 = tpu.memref_slice %arg3[%mul3A_175] : memref<160000xi32, #tpu.memory_space<hbm>> -> memref<8000xi32, #tpu.memory_space<hbm>>
        tpu.enqueue_dma source(%dma_start3A_177 : memref<8000xi32, #tpu.memory_space<hbm>>) target(%arg10 : memref<8000xi32, #tpu.memory_space<vmem>>) target_semaphore(%arg13 : memref<!tpu.dma_semaphore, #tpu.memory_space<semaphore_mem>>)
        %dma_start3A_178 = tpu.memref_slice %arg4[%mul3A_175] : memref<160000xf32, #tpu.memory_space<hbm>> -> memref<8000xf32, #tpu.memory_space<hbm>>
        %dma_start3A_179 = tpu.memref_slice %arg4[%mul3A_175] : memref<160000xf32, #tpu.memory_space<hbm>> -> memref<8000xf32, #tpu.memory_space<hbm>>
        tpu.enqueue_dma source(%dma_start3A_179 : memref<8000xf32, #tpu.memory_space<hbm>>) target(%arg11 : memref<8000xf32, #tpu.memory_space<vmem>>) target_semaphore(%arg13 : memref<!tpu.dma_semaphore, #tpu.memory_space<semaphore_mem>>)
      } else {
      }
      %parallel_loop3A_150 = arith.constant 0 : i32
      %parallel_loop3A_151 = arith.constant 500 : i32
      %parallel_loop3A_152 = arith.constant 1 : i32
      scf.for %parallel_loop3A_172 = %parallel_loop3A_150 to %parallel_loop3A_151 step %parallel_loop3A_152  : i32 {
        %parallel_loop3A_173 = arith.constant 16 : i32
        %parallel_loop3A_174 = arith.muli %parallel_loop3A_172, %parallel_loop3A_173 : i32
        %parallel_loop3A_175 = arith.index_cast %parallel_loop3A_174 : i32 to index
        %parallel_loop3A_176 = tpu.vector_load %arg8[%parallel_loop3A_175] {strides = array<i32>} : memref<8000xi32, #tpu.memory_space<vmem>>, vector<16xi32>,
        %parallel_loop3A_177 = arith.index_cast %parallel_loop3A_174 : i32 to index
        %parallel_loop3A_178 = tpu.vector_load %arg9[%parallel_loop3A_177] {strides = array<i32>} : memref<8000xf32, #tpu.memory_space<vmem>>, vector<16xf32>,
        %parallel_loop3A_179 = arith.constant 65535 : i32
        %parallel_loop3A_180 = vector.broadcast %parallel_loop3A_179 : i32 to vector<16xi32>
        %parallel_loop3A_181 = arith.andi %parallel_loop3A_176, %parallel_loop3A_180 : vector<16xi32>
        %parallel_loop3A_182 = arith.constant 16 : i32
        %parallel_loop3A_183 = vector.broadcast %parallel_loop3A_182 : i32 to vector<16xi32>
        %parallel_loop3A_184 = arith.shrui %parallel_loop3A_176, %parallel_loop3A_183 : vector<16xi32>
        %parallel_loop3A_185 = arith.constant 0 : i32
        %parallel_loop3A_186 = tpu.memref_slice %arg6[%parallel_loop3A_185] : memref<40960xf32, #tpu.memory_space<vmem>> -> memref<10240xf32, #tpu.memory_space<vmem>>
        %parallel_loop3A_187 = tpu.vector_load_idx %parallel_loop3A_186[%parallel_loop3A_181] : memref<10240xf32, #tpu.memory_space<vmem>>[vector<16xi32>], vector<16xf32>,
        %parallel_loop3A_188 = arith.mulf %parallel_loop3A_187, %parallel_loop3A_178 : vector<16xf32>
        %parallel_loop3A_189 = arith.constant 0 : i32
        %parallel_loop3A_190 = tpu.memref_slice %arg7[%parallel_loop3A_189] : memref<40960xf32, #tpu.memory_space<vmem>> -> memref<10240xf32, #tpu.memory_space<vmem>>
        tpu.vector_store_idx %parallel_loop3A_190[%parallel_loop3A_184], %parallel_loop3A_188 {add = true} : memref<10240xf32, #tpu.memory_space<vmem>>[vector<16xi32>], vector<16xf32>,
        %parallel_loop3A_191 = arith.constant 10240 : i32
        %parallel_loop3A_192 = tpu.memref_slice %arg6[%parallel_loop3A_191] : memref<40960xf32, #tpu.memory_space<vmem>> -> memref<10240xf32, #tpu.memory_space<vmem>>
        %parallel_loop3A_193 = tpu.vector_load_idx %parallel_loop3A_192[%parallel_loop3A_181] : memref<10240xf32, #tpu.memory_space<vmem>>[vector<16xi32>], vector<16xf32>,
        %parallel_loop3A_194 = arith.mulf %parallel_loop3A_193, %parallel_loop3A_178 : vector<16xf32>
        %parallel_loop3A_195 = arith.constant 10240 : i32
        %parallel_loop3A_196 = tpu.memref_slice %arg7[%parallel_loop3A_195] : memref<40960xf32, #tpu.memory_space<vmem>> -> memref<10240xf32, #tpu.memory_space<vmem>>
        tpu.vector_store_idx %parallel_loop3A_196[%parallel_loop3A_184], %parallel_loop3A_194 {add = true} : memref<10240xf32, #tpu.memory_space<vmem>>[vector<16xi32>], vector<16xf32>,
        %parallel_loop3A_197 = arith.constant 20480 : i32
        %parallel_loop3A_198 = tpu.memref_slice %arg6[%parallel_loop3A_197] : memref<40960xf32, #tpu.memory_space<vmem>> -> memref<10240xf32, #tpu.memory_space<vmem>>
        %parallel_loop3A_199 = tpu.vector_load_idx %parallel_loop3A_198[%parallel_loop3A_181] : memref<10240xf32, #tpu.memory_space<vmem>>[vector<16xi32>], vector<16xf32>,
        %parallel_loop3A_200 = arith.mulf %parallel_loop3A_199, %parallel_loop3A_178 : vector<16xf32>
        %parallel_loop3A_201 = arith.constant 20480 : i32
        %parallel_loop3A_202 = tpu.memref_slice %arg7[%parallel_loop3A_201] : memref<40960xf32, #tpu.memory_space<vmem>> -> memref<10240xf32, #tpu.memory_space<vmem>>
        tpu.vector_store_idx %parallel_loop3A_202[%parallel_loop3A_184], %parallel_loop3A_200 {add = true} : memref<10240xf32, #tpu.memory_space<vmem>>[vector<16xi32>], vector<16xf32>,
        %parallel_loop3A_203 = arith.constant 30720 : i32
        %parallel_loop3A_204 = tpu.memref_slice %arg6[%parallel_loop3A_203] : memref<40960xf32, #tpu.memory_space<vmem>> -> memref<10240xf32, #tpu.memory_space<vmem>>
        %parallel_loop3A_205 = tpu.vector_load_idx %parallel_loop3A_204[%parallel_loop3A_181] : memref<10240xf32, #tpu.memory_space<vmem>>[vector<16xi32>], vector<16xf32>,
        %parallel_loop3A_206 = arith.mulf %parallel_loop3A_205, %parallel_loop3A_178 : vector<16xf32>
        %parallel_loop3A_207 = arith.constant 30720 : i32
        %parallel_loop3A_208 = tpu.memref_slice %arg7[%parallel_loop3A_207] : memref<40960xf32, #tpu.memory_space<vmem>> -> memref<10240xf32, #tpu.memory_space<vmem>>
        tpu.vector_store_idx %parallel_loop3A_208[%parallel_loop3A_184], %parallel_loop3A_206 {add = true} : memref<10240xf32, #tpu.memory_space<vmem>>[vector<16xi32>], vector<16xf32>,
      } {sc.loop_unroll_factor = 10 : i64, sc.parallel_access}
      %add3A_153 = arith.constant 1 : i32
      %add3A_154 = arith.addi %mul3A_137, %add3A_153 : i32
      %mul3A_155 = arith.constant 8000 : i32
      %mul3A_156 = arith.muli %add3A_154, %mul3A_155 : i32
      %dma_wait3A_157 = tpu.memref_slice %arg3[%mul3A_156] : memref<160000xi32, #tpu.memory_space<hbm>> -> memref<8000xi32, #tpu.memory_space<hbm>>
      %dma_wait3A_158 = tpu.memref_slice %arg3[%mul3A_156] : memref<160000xi32, #tpu.memory_space<hbm>> -> memref<8000xi32, #tpu.memory_space<hbm>>
      tpu.wait_dma2 semaphore(%arg13 : memref<!tpu.dma_semaphore, #tpu.memory_space<semaphore_mem>>) src(%dma_wait3A_158 : memref<8000xi32, #tpu.memory_space<hbm>>) dst(%arg10 : memref<8000xi32, #tpu.memory_space<vmem>>)
      %dma_wait3A_159 = tpu.memref_slice %arg4[%mul3A_156] : memref<160000xf32, #tpu.memory_space<hbm>> -> memref<8000xf32, #tpu.memory_space<hbm>>
      %dma_wait3A_160 = tpu.memref_slice %arg4[%mul3A_156] : memref<160000xf32, #tpu.memory_space<hbm>> -> memref<8000xf32, #tpu.memory_space<hbm>>
      tpu.wait_dma2 semaphore(%arg13 : memref<!tpu.dma_semaphore, #tpu.memory_space<semaphore_mem>>) src(%dma_wait3A_160 : memref<8000xf32, #tpu.memory_space<hbm>>) dst(%arg11 : memref<8000xf32, #tpu.memory_space<vmem>>)
      %add3A_161 = arith.constant 1 : i32
      %add3A_162 = arith.addi %add3A_154, %add3A_161 : i32
      %lt3A_163 = arith.constant 20 : i32
      %lt3A_164 = arith.cmpi slt, %add3A_162, %lt3A_163 : i32
      %convert_element_type3A_165 = arith.extui %lt3A_164 : i1 to i32
      %cond3A_166 = arith.constant 0 : i32
      %cond3A_167 = arith.cmpi ne, %convert_element_type3A_165, %cond3A_166 : i32
      scf.if %cond3A_167 {
        %add3A_172 = arith.constant 1 : i32
        %add3A_173 = arith.addi %add3A_154, %add3A_172 : i32
        %mul3A_174 = arith.constant 8000 : i32
        %mul3A_175 = arith.muli %add3A_173, %mul3A_174 : i32
        %dma_start3A_176 = tpu.memref_slice %arg3[%mul3A_175] : memref<160000xi32, #tpu.memory_space<hbm>> -> memref<8000xi32, #tpu.memory_space<hbm>>
        %dma_start3A_177 = tpu.memref_slice %arg3[%mul3A_175] : memref<160000xi32, #tpu.memory_space<hbm>> -> memref<8000xi32, #tpu.memory_space<hbm>>
        tpu.enqueue_dma source(%dma_start3A_177 : memref<8000xi32, #tpu.memory_space<hbm>>) target(%arg8 : memref<8000xi32, #tpu.memory_space<vmem>>) target_semaphore(%arg12 : memref<!tpu.dma_semaphore, #tpu.memory_space<semaphore_mem>>)
        %dma_start3A_178 = tpu.memref_slice %arg4[%mul3A_175] : memref<160000xf32, #tpu.memory_space<hbm>> -> memref<8000xf32, #tpu.memory_space<hbm>>
        %dma_start3A_179 = tpu.memref_slice %arg4[%mul3A_175] : memref<160000xf32, #tpu.memory_space<hbm>> -> memref<8000xf32, #tpu.memory_space<hbm>>
        tpu.enqueue_dma source(%dma_start3A_179 : memref<8000xf32, #tpu.memory_space<hbm>>) target(%arg9 : memref<8000xf32, #tpu.memory_space<vmem>>) target_semaphore(%arg12 : memref<!tpu.dma_semaphore, #tpu.memory_space<semaphore_mem>>)
      } else {
      }
      %parallel_loop3A_168 = arith.constant 0 : i32
      %parallel_loop3A_169 = arith.constant 500 : i32
      %parallel_loop3A_170 = arith.constant 1 : i32
      scf.for %parallel_loop3A_172 = %parallel_loop3A_168 to %parallel_loop3A_169 step %parallel_loop3A_170  : i32 {
        %parallel_loop3A_173 = arith.constant 16 : i32
        %parallel_loop3A_174 = arith.muli %parallel_loop3A_172, %parallel_loop3A_173 : i32
        %parallel_loop3A_175 = arith.index_cast %parallel_loop3A_174 : i32 to index
        %parallel_loop3A_176 = tpu.vector_load %arg10[%parallel_loop3A_175] {strides = array<i32>} : memref<8000xi32, #tpu.memory_space<vmem>>, vector<16xi32>,
        %parallel_loop3A_177 = arith.index_cast %parallel_loop3A_174 : i32 to index
        %parallel_loop3A_178 = tpu.vector_load %arg11[%parallel_loop3A_177] {strides = array<i32>} : memref<8000xf32, #tpu.memory_space<vmem>>, vector<16xf32>,
        %parallel_loop3A_179 = arith.constant 65535 : i32
        %parallel_loop3A_180 = vector.broadcast %parallel_loop3A_179 : i32 to vector<16xi32>
        %parallel_loop3A_181 = arith.andi %parallel_loop3A_176, %parallel_loop3A_180 : vector<16xi32>
        %parallel_loop3A_182 = arith.constant 16 : i32
        %parallel_loop3A_183 = vector.broadcast %parallel_loop3A_182 : i32 to vector<16xi32>
        %parallel_loop3A_184 = arith.shrui %parallel_loop3A_176, %parallel_loop3A_183 : vector<16xi32>
        %parallel_loop3A_185 = arith.constant 0 : i32
        %parallel_loop3A_186 = tpu.memref_slice %arg6[%parallel_loop3A_185] : memref<40960xf32, #tpu.memory_space<vmem>> -> memref<10240xf32, #tpu.memory_space<vmem>>
        %parallel_loop3A_187 = tpu.vector_load_idx %parallel_loop3A_186[%parallel_loop3A_181] : memref<10240xf32, #tpu.memory_space<vmem>>[vector<16xi32>], vector<16xf32>,
        %parallel_loop3A_188 = arith.mulf %parallel_loop3A_187, %parallel_loop3A_178 : vector<16xf32>
        %parallel_loop3A_189 = arith.constant 0 : i32
        %parallel_loop3A_190 = tpu.memref_slice %arg7[%parallel_loop3A_189] : memref<40960xf32, #tpu.memory_space<vmem>> -> memref<10240xf32, #tpu.memory_space<vmem>>
        tpu.vector_store_idx %parallel_loop3A_190[%parallel_loop3A_184], %parallel_loop3A_188 {add = true} : memref<10240xf32, #tpu.memory_space<vmem>>[vector<16xi32>], vector<16xf32>,
        %parallel_loop3A_191 = arith.constant 10240 : i32
        %parallel_loop3A_192 = tpu.memref_slice %arg6[%parallel_loop3A_191] : memref<40960xf32, #tpu.memory_space<vmem>> -> memref<10240xf32, #tpu.memory_space<vmem>>
        %parallel_loop3A_193 = tpu.vector_load_idx %parallel_loop3A_192[%parallel_loop3A_181] : memref<10240xf32, #tpu.memory_space<vmem>>[vector<16xi32>], vector<16xf32>,
        %parallel_loop3A_194 = arith.mulf %parallel_loop3A_193, %parallel_loop3A_178 : vector<16xf32>
        %parallel_loop3A_195 = arith.constant 10240 : i32
        %parallel_loop3A_196 = tpu.memref_slice %arg7[%parallel_loop3A_195] : memref<40960xf32, #tpu.memory_space<vmem>> -> memref<10240xf32, #tpu.memory_space<vmem>>
        tpu.vector_store_idx %parallel_loop3A_196[%parallel_loop3A_184], %parallel_loop3A_194 {add = true} : memref<10240xf32, #tpu.memory_space<vmem>>[vector<16xi32>], vector<16xf32>,
        %parallel_loop3A_197 = arith.constant 20480 : i32
        %parallel_loop3A_198 = tpu.memref_slice %arg6[%parallel_loop3A_197] : memref<40960xf32, #tpu.memory_space<vmem>> -> memref<10240xf32, #tpu.memory_space<vmem>>
        %parallel_loop3A_199 = tpu.vector_load_idx %parallel_loop3A_198[%parallel_loop3A_181] : memref<10240xf32, #tpu.memory_space<vmem>>[vector<16xi32>], vector<16xf32>,
        %parallel_loop3A_200 = arith.mulf %parallel_loop3A_199, %parallel_loop3A_178 : vector<16xf32>
        %parallel_loop3A_201 = arith.constant 20480 : i32
        %parallel_loop3A_202 = tpu.memref_slice %arg7[%parallel_loop3A_201] : memref<40960xf32, #tpu.memory_space<vmem>> -> memref<10240xf32, #tpu.memory_space<vmem>>
        tpu.vector_store_idx %parallel_loop3A_202[%parallel_loop3A_184], %parallel_loop3A_200 {add = true} : memref<10240xf32, #tpu.memory_space<vmem>>[vector<16xi32>], vector<16xf32>,
        %parallel_loop3A_203 = arith.constant 30720 : i32
        %parallel_loop3A_204 = tpu.memref_slice %arg6[%parallel_loop3A_203] : memref<40960xf32, #tpu.memory_space<vmem>> -> memref<10240xf32, #tpu.memory_space<vmem>>
        %parallel_loop3A_205 = tpu.vector_load_idx %parallel_loop3A_204[%parallel_loop3A_181] : memref<10240xf32, #tpu.memory_space<vmem>>[vector<16xi32>], vector<16xf32>,
        %parallel_loop3A_206 = arith.mulf %parallel_loop3A_205, %parallel_loop3A_178 : vector<16xf32>
        %parallel_loop3A_207 = arith.constant 30720 : i32
        %parallel_loop3A_208 = tpu.memref_slice %arg7[%parallel_loop3A_207] : memref<40960xf32, #tpu.memory_space<vmem>> -> memref<10240xf32, #tpu.memory_space<vmem>>
        tpu.vector_store_idx %parallel_loop3A_208[%parallel_loop3A_184], %parallel_loop3A_206 {add = true} : memref<10240xf32, #tpu.memory_space<vmem>>[vector<16xi32>], vector<16xf32>,
      } {sc.loop_unroll_factor = 10 : i64, sc.parallel_access}
      %scan3A_171 = arith.constant 0 : i32
      scf.yield %scan3A_171 : i32
    }
    %scan3A_112 = arith.constant 10 : i32
    %dma_start3A_113 = arith.constant 28 : i32
    %dma_start3A_114 = arith.constant 0 : i32
    %dma_start3A_115 = tpu.memref_slice %arg5[%dma_start3A_113, %add3A_66, %dma_start3A_114] : memref<29x64x40960xf32, #tpu.memory_space<hbm>> -> memref<1x1x40960xf32, #tpu.memory_space<hbm>>
    %dma_start3A_116 = tpu.memref_squeeze %dma_start3A_115 : memref<1x1x40960xf32, #tpu.memory_space<hbm>> -> memref<40960xf32, #tpu.memory_space<hbm>>
    %dma_start3A_117 = arith.constant 0 : i32
    %dma_start3A_118 = tpu.memref_slice %arg5[%dma_start3A_113, %add3A_66, %dma_start3A_117] : memref<29x64x40960xf32, #tpu.memory_space<hbm>> -> memref<1x1x40960xf32, #tpu.memory_space<hbm>>
    %dma_start3A_119 = tpu.memref_squeeze %dma_start3A_118 : memref<1x1x40960xf32, #tpu.memory_space<hbm>> -> memref<40960xf32, #tpu.memory_space<hbm>>
    tpu.enqueue_dma source(%arg7 : memref<40960xf32, #tpu.memory_space<vmem>>) target(%dma_start3A_119 : memref<40960xf32, #tpu.memory_space<hbm>>) target_semaphore(%arg14 : memref<!tpu.dma_semaphore, #tpu.memory_space<semaphore_mem>>)
    %dma_wait3A_120 = arith.constant 27 : i32
    %dma_wait3A_121 = arith.constant 0 : i32
    %dma_wait3A_122 = tpu.memref_slice %arg5[%dma_wait3A_120, %add3A_66, %dma_wait3A_121] : memref<29x64x40960xf32, #tpu.memory_space<hbm>> -> memref<1x1x40960xf32, #tpu.memory_space<hbm>>
    %dma_wait3A_123 = tpu.memref_squeeze %dma_wait3A_122 : memref<1x1x40960xf32, #tpu.memory_space<hbm>> -> memref<40960xf32, #tpu.memory_space<hbm>>
    %dma_wait3A_124 = arith.constant 0 : i32
    %dma_wait3A_125 = tpu.memref_slice %arg5[%dma_wait3A_120, %add3A_66, %dma_wait3A_124] : memref<29x64x40960xf32, #tpu.memory_space<hbm>> -> memref<1x1x40960xf32, #tpu.memory_space<hbm>>
    %dma_wait3A_126 = tpu.memref_squeeze %dma_wait3A_125 : memref<1x1x40960xf32, #tpu.memory_space<hbm>> -> memref<40960xf32, #tpu.memory_space<hbm>>
    tpu.wait_dma2 semaphore(%arg14 : memref<!tpu.dma_semaphore, #tpu.memory_space<semaphore_mem>>) src(%arg6 : memref<40960xf32, #tpu.memory_space<vmem>>) dst(%dma_wait3A_126 : memref<40960xf32, #tpu.memory_space<hbm>>)
    %dma_wait3A_127 = arith.constant 28 : i32
    %dma_wait3A_128 = arith.constant 0 : i32
    %dma_wait3A_129 = tpu.memref_slice %arg5[%dma_wait3A_127, %add3A_66, %dma_wait3A_128] : memref<29x64x40960xf32, #tpu.memory_space<hbm>> -> memref<1x1x40960xf32, #tpu.memory_space<hbm>>
    %dma_wait3A_130 = tpu.memref_squeeze %dma_wait3A_129 : memref<1x1x40960xf32, #tpu.memory_space<hbm>> -> memref<40960xf32, #tpu.memory_space<hbm>>
    %dma_wait3A_131 = arith.constant 0 : i32
    %dma_wait3A_132 = tpu.memref_slice %arg5[%dma_wait3A_127, %add3A_66, %dma_wait3A_131] : memref<29x64x40960xf32, #tpu.memory_space<hbm>> -> memref<1x1x40960xf32, #tpu.memory_space<hbm>>
    %dma_wait3A_133 = tpu.memref_squeeze %dma_wait3A_132 : memref<1x1x40960xf32, #tpu.memory_space<hbm>> -> memref<40960xf32, #tpu.memory_space<hbm>>
    tpu.wait_dma2 semaphore(%arg14 : memref<!tpu.dma_semaphore, #tpu.memory_space<semaphore_mem>>) src(%arg7 : memref<40960xf32, #tpu.memory_space<vmem>>) dst(%dma_wait3A_133 : memref<40960xf32, #tpu.memory_space<hbm>>)
    return
  }
}

module attributes {stable_mosaic.version = 14 : i64} {
  func.func @_cchain_body(%arg0: i32, %arg1: memref<256x256xf32, #tpu.memory_space<vmem>>, %arg2: memref<1x256x256xf32, #tpu.memory_space<vmem>>, %arg3: memref<256x256xf32, #tpu.memory_space<vmem>>, %arg4: memref<256x256xf32, #tpu.memory_space<vmem>>) attributes {dimension_semantics = [#tpu.dimension_semantics<arbitrary>], iteration_bounds = array<i64: 29>, scalar_prefetch = 0 : i64, scratch_operands = 2 : i64, tpu.core_type = #tpu.core_type<tc>, window_params = [{pipeline_mode = #tpu.pipeline_mode<synchronous>, transform_indices = @transform_0, window_bounds = array<i64: 256, 256>}, {transform_indices = @transform_1, window_bounds = array<i64: 1, 256, 256>}]} {
    %eq3A = arith.constant 0 : i32
    %eq3A_0 = arith.cmpi eq, %arg0, %eq3A : i32
    %convert_element_type3A = arith.extui %eq3A_0 : i1 to i32
    %cond3A = arith.constant 0 : i32
    %cond3A_1 = arith.cmpi ne, %convert_element_type3A, %cond3A : i32
    scf.if %cond3A_1 {
      %get3A_13 = arith.constant 0 : index
      %get3A_14 = arith.constant 0 : index
      %get3A_15 = vector.load %arg1[%get3A_13, %get3A_14] : memref<256x256xf32, #tpu.memory_space<vmem>>, vector<256x256xf32>
      %get3A_16 = arith.constant 0 : index
      %get3A_17 = arith.constant 0 : index
      %get3A_18 = vector.load %arg1[%get3A_16, %get3A_17] : memref<256x256xf32, #tpu.memory_space<vmem>>, vector<256x256xf32>
      %dot_general3A = arith.constant dense<0.000000e+00> : vector<256x256xf32>
      %dot_general3A_19 = tpu.matmul %get3A_15, %get3A_18, %dot_general3A {dimension_numbers = #tpu.dot_dimension_numbers<[0], [0], [1], [1], [0, 1, 1, 1], [], []>, transpose_lhs_hint = false} : vector<256x256xf32>, vector<256x256xf32>, vector<256x256xf32> -> vector<256x256xf32>
      %mul3A = arith.mulf %dot_general3A_19, %dot_general3A_19 : vector<256x256xf32>
      %reduce_sum3A = vector.shape_cast %mul3A : vector<256x256xf32> to vector<1x256x256xf32>
      %reduce_sum3A_20 = arith.constant dense<0.000000e+00> : vector<1xf32>
      %reduce_sum3A_21 = vector.multi_reduction <add>, %reduce_sum3A, %reduce_sum3A_20 [1, 2] : vector<1x256x256xf32> to vector<1xf32>
      %reduce_sum3A_22 = vector.shape_cast %reduce_sum3A_21 : vector<1xf32> to vector<1x1x1xf32>
      %reduce_sum3A_23 = vector.extract %reduce_sum3A_22[0, 0, 0] : f32 from vector<1x1x1xf32>
      %sqrt3A = math.sqrt %reduce_sum3A_23 : f32
      %add3A = arith.constant 9.99999996E-13 : f32
      %add3A_24 = arith.addf %sqrt3A, %add3A : f32
      %div3A = arith.constant 8.000000e-01 : f32
      %div3A_25 = arith.divf %div3A, %add3A_24 : f32
      %mul3A_26 = vector.broadcast %div3A_25 : f32 to vector<256x256xf32>
      %mul3A_27 = arith.mulf %mul3A_26, %dot_general3A_19 : vector<256x256xf32>
      %swap3A_28 = arith.constant 0 : index
      %swap3A_29 = arith.constant 0 : index
      %swap3A_30 = vector.load %arg3[%swap3A_28, %swap3A_29] : memref<256x256xf32, #tpu.memory_space<vmem>>, vector<256x256xf32>
      tpu.vector_store %arg3[%swap3A_28, %swap3A_29], %mul3A_27 {strides = array<i32>} : memref<256x256xf32, #tpu.memory_space<vmem>>, vector<256x256xf32>,
      %get3A_31 = arith.constant 0 : index
      %get3A_32 = arith.constant 0 : index
      %get3A_33 = vector.load %arg3[%get3A_31, %get3A_32] : memref<256x256xf32, #tpu.memory_space<vmem>>, vector<256x256xf32>
      %swap3A_34 = arith.constant 0 : index
      %swap3A_35 = arith.constant 0 : index
      %swap3A_36 = vector.load %arg4[%swap3A_34, %swap3A_35] : memref<256x256xf32, #tpu.memory_space<vmem>>, vector<256x256xf32>
      tpu.vector_store %arg4[%swap3A_34, %swap3A_35], %get3A_33 {strides = array<i32>} : memref<256x256xf32, #tpu.memory_space<vmem>>, vector<256x256xf32>,
    } else {
    }
    %gt3A = arith.constant 0 : i32
    %gt3A_2 = arith.cmpi sgt, %arg0, %gt3A : i32
    %convert_element_type3A_3 = arith.extui %gt3A_2 : i1 to i32
    %cond3A_4 = arith.constant 0 : i32
    %cond3A_5 = arith.cmpi ne, %convert_element_type3A_3, %cond3A_4 : i32
    scf.if %cond3A_5 {
      %get3A_13 = arith.constant 0 : index
      %get3A_14 = arith.constant 0 : index
      %get3A_15 = vector.load %arg4[%get3A_13, %get3A_14] : memref<256x256xf32, #tpu.memory_space<vmem>>, vector<256x256xf32>
      %get3A_16 = arith.constant 0 : index
      %get3A_17 = arith.constant 0 : index
      %get3A_18 = vector.load %arg3[%get3A_16, %get3A_17] : memref<256x256xf32, #tpu.memory_space<vmem>>, vector<256x256xf32>
      %dot_general3A = arith.constant dense<0.000000e+00> : vector<256x256xf32>
      %dot_general3A_19 = tpu.matmul %get3A_15, %get3A_18, %dot_general3A {dimension_numbers = #tpu.dot_dimension_numbers<[1], [0], [0], [1], [0, 0, 1, 1], [], []>, transpose_lhs_hint = false} : vector<256x256xf32>, vector<256x256xf32>, vector<256x256xf32> -> vector<256x256xf32>
      %swap3A_20 = arith.constant 0 : index
      %swap3A_21 = arith.constant 0 : index
      %swap3A_22 = vector.load %arg4[%swap3A_20, %swap3A_21] : memref<256x256xf32, #tpu.memory_space<vmem>>, vector<256x256xf32>
      tpu.vector_store %arg4[%swap3A_20, %swap3A_21], %dot_general3A_19 {strides = array<i32>} : memref<256x256xf32, #tpu.memory_space<vmem>>, vector<256x256xf32>,
    } else {
    }
    %get3A = arith.constant 0 : index
    %get3A_6 = arith.constant 0 : index
    %get3A_7 = vector.load %arg4[%get3A, %get3A_6] : memref<256x256xf32, #tpu.memory_space<vmem>>, vector<256x256xf32>
    %swap3A = arith.constant 0 : index
    %swap3A_8 = arith.constant 0 : index
    %swap3A_9 = arith.constant 0 : index
    %swap3A_10 = vector.load %arg2[%swap3A, %swap3A_8, %swap3A_9] : memref<1x256x256xf32, #tpu.memory_space<vmem>>, vector<1x256x256xf32>
    %swap3A_11 = vector.shape_cast %swap3A_10 : vector<1x256x256xf32> to vector<256x256xf32>
    %swap3A_12 = vector.shape_cast %get3A_7 : vector<256x256xf32> to vector<1x256x256xf32>
    tpu.vector_store %arg2[%swap3A, %swap3A_8, %swap3A_9], %swap3A_12 {strides = array<i32>} : memref<1x256x256xf32, #tpu.memory_space<vmem>>, vector<1x256x256xf32>,
    return
  }
  func.func @transform_0(%arg0: i32) -> (i32, i32) {
    %c0_i32 = arith.constant 0 : i32
    %c0_i32_0 = arith.constant 0 : i32
    %c0_i32_1 = arith.constant 0 : i32
    return %c0_i32, %c0_i32_0 : i32, i32
  }
  func.func @transform_1(%arg0: i32) -> (i32, i32, i32) {
    %c0_i32 = arith.constant 0 : i32
    %c0_i32_0 = arith.constant 0 : i32
    %c0_i32_1 = arith.constant 0 : i32
    return %arg0, %c0_i32, %c0_i32_0 : i32, i32, i32
  }
}

module attributes {stable_mosaic.version = 14 : i64} {
  func.func @_accum_body(%arg0: i32, %arg1: i32, %arg2: memref<2048x256xf32, #tpu.memory_space<vmem>>, %arg3: memref<1x256x2048xf32, #tpu.memory_space<vmem>>, %arg4: memref<1x256x256xf32, #tpu.memory_space<vmem>>, %arg5: memref<2048x256xf32, #tpu.memory_space<vmem>>, %arg6: memref<2048x256xf32, #tpu.memory_space<vmem>>) attributes {dimension_semantics = [#tpu.dimension_semantics<arbitrary>, #tpu.dimension_semantics<arbitrary>], iteration_bounds = array<i64: 5, 30>, scalar_prefetch = 0 : i64, scratch_operands = 1 : i64, tpu.core_type = #tpu.core_type<tc>, window_params = [{transform_indices = @transform_0, window_bounds = array<i64: 2048, 256>}, {transform_indices = @transform_1, window_bounds = array<i64: 1, 256, 2048>}, {transform_indices = @transform_2, window_bounds = array<i64: 1, 256, 256>}, {transform_indices = @transform_3, window_bounds = array<i64: 2048, 256>}]} {
    %eq3A = arith.constant 0 : i32
    %eq3A_0 = arith.cmpi eq, %arg1, %eq3A : i32
    %convert_element_type3A = arith.extui %eq3A_0 : i1 to i32
    %cond3A = arith.constant 0 : i32
    %cond3A_1 = arith.cmpi ne, %convert_element_type3A, %cond3A : i32
    scf.if %cond3A_1 {
      %get3A = arith.constant 0 : index
      %get3A_11 = arith.constant 0 : index
      %get3A_12 = vector.load %arg2[%get3A, %get3A_11] : memref<2048x256xf32, #tpu.memory_space<vmem>>, vector<2048x256xf32>
      %swap3A = arith.constant 0 : index
      %swap3A_13 = arith.constant 0 : index
      %swap3A_14 = vector.load %arg6[%swap3A, %swap3A_13] : memref<2048x256xf32, #tpu.memory_space<vmem>>, vector<2048x256xf32>
      tpu.vector_store %arg6[%swap3A, %swap3A_13], %get3A_12 {strides = array<i32>} : memref<2048x256xf32, #tpu.memory_space<vmem>>, vector<2048x256xf32>,
    } else {
    }
    %gt3A = arith.constant 0 : i32
    %gt3A_2 = arith.cmpi sgt, %arg1, %gt3A : i32
    %convert_element_type3A_3 = arith.extui %gt3A_2 : i1 to i32
    %cond3A_4 = arith.constant 0 : i32
    %cond3A_5 = arith.cmpi ne, %convert_element_type3A_3, %cond3A_4 : i32
    scf.if %cond3A_5 {
      %get3A = arith.constant 0 : index
      %get3A_11 = arith.constant 0 : index
      %get3A_12 = vector.load %arg6[%get3A, %get3A_11] : memref<2048x256xf32, #tpu.memory_space<vmem>>, vector<2048x256xf32>
      %get3A_13 = arith.constant 0 : index
      %get3A_14 = arith.constant 0 : index
      %get3A_15 = arith.constant 0 : index
      %get3A_16 = vector.load %arg3[%get3A_13, %get3A_14, %get3A_15] : memref<1x256x2048xf32, #tpu.memory_space<vmem>>, vector<1x256x2048xf32>
      %get3A_17 = vector.shape_cast %get3A_16 : vector<1x256x2048xf32> to vector<256x2048xf32>
      %get3A_18 = arith.constant 0 : index
      %get3A_19 = arith.constant 0 : index
      %get3A_20 = arith.constant 0 : index
      %get3A_21 = vector.load %arg4[%get3A_18, %get3A_19, %get3A_20] : memref<1x256x256xf32, #tpu.memory_space<vmem>>, vector<1x256x256xf32>
      %get3A_22 = vector.shape_cast %get3A_21 : vector<1x256x256xf32> to vector<256x256xf32>
      %dot_general3A = arith.constant dense<0.000000e+00> : vector<2048x256xf32>
      %dot_general3A_23 = tpu.matmul %get3A_17, %get3A_22, %dot_general3A {dimension_numbers = #tpu.dot_dimension_numbers<[0], [0], [1], [1], [0, 1, 1, 1], [], []>, transpose_lhs_hint = false} : vector<256x2048xf32>, vector<256x256xf32>, vector<2048x256xf32> -> vector<2048x256xf32>
      %add3A = arith.addf %get3A_12, %dot_general3A_23 : vector<2048x256xf32>
      %swap3A = arith.constant 0 : index
      %swap3A_24 = arith.constant 0 : index
      %swap3A_25 = vector.load %arg6[%swap3A, %swap3A_24] : memref<2048x256xf32, #tpu.memory_space<vmem>>, vector<2048x256xf32>
      tpu.vector_store %arg6[%swap3A, %swap3A_24], %add3A {strides = array<i32>} : memref<2048x256xf32, #tpu.memory_space<vmem>>, vector<2048x256xf32>,
    } else {
    }
    %eq3A_6 = arith.constant 29 : i32
    %eq3A_7 = arith.cmpi eq, %arg1, %eq3A_6 : i32
    %convert_element_type3A_8 = arith.extui %eq3A_7 : i1 to i32
    %cond3A_9 = arith.constant 0 : i32
    %cond3A_10 = arith.cmpi ne, %convert_element_type3A_8, %cond3A_9 : i32
    scf.if %cond3A_10 {
      %get3A = arith.constant 0 : index
      %get3A_11 = arith.constant 0 : index
      %get3A_12 = vector.load %arg6[%get3A, %get3A_11] : memref<2048x256xf32, #tpu.memory_space<vmem>>, vector<2048x256xf32>
      %swap3A = arith.constant 0 : index
      %swap3A_13 = arith.constant 0 : index
      %swap3A_14 = vector.load %arg5[%swap3A, %swap3A_13] : memref<2048x256xf32, #tpu.memory_space<vmem>>, vector<2048x256xf32>
      tpu.vector_store %arg5[%swap3A, %swap3A_13], %get3A_12 {strides = array<i32>} : memref<2048x256xf32, #tpu.memory_space<vmem>>, vector<2048x256xf32>,
    } else {
    }
    return
  }
  func.func @transform_0(%arg0: i32, %arg1: i32) -> (i32, i32) {
    %c0_i32 = arith.constant 0 : i32
    %c0_i32_0 = arith.constant 0 : i32
    return %arg0, %c0_i32 : i32, i32
  }
  func.func @transform_1(%arg0: i32, %arg1: i32) -> (i32, i32, i32) {
    %sub3A = arith.constant 1 : i32
    %sub3A_0 = arith.subi %arg1, %sub3A : i32
    %max3A = arith.constant 0 : i32
    %max3A_1 = arith.maxsi %sub3A_0, %max3A : i32
    %c0_i32 = arith.constant 0 : i32
    %c0_i32_2 = arith.constant 0 : i32
    return %max3A_1, %c0_i32, %arg0 : i32, i32, i32
  }
  func.func @transform_2(%arg0: i32, %arg1: i32) -> (i32, i32, i32) {
    %sub3A = arith.constant 1 : i32
    %sub3A_0 = arith.subi %arg1, %sub3A : i32
    %max3A = arith.constant 0 : i32
    %max3A_1 = arith.maxsi %sub3A_0, %max3A : i32
    %c0_i32 = arith.constant 0 : i32
    %c0_i32_2 = arith.constant 0 : i32
    %c0_i32_3 = arith.constant 0 : i32
    return %max3A_1, %c0_i32, %c0_i32_2 : i32, i32, i32
  }
  func.func @transform_3(%arg0: i32, %arg1: i32) -> (i32, i32) {
    %c0_i32 = arith.constant 0 : i32
    %c0_i32_0 = arith.constant 0 : i32
    return %arg0, %c0_i32 : i32, i32
  }
}

</mosaic_0001>

<sc_bundles>
// kernel: kernel.5.cloned.1.call-start
scs
__scs_entry_jumppad:
0x0: {  	(pc) =	sbr.rel $0x88, $3  }
0x1: {  	(tag) =	ssettag $0x0;
	lr =	simm.s32 $0x1  }
0x2: {  	[smem:$0x3F9D] =	sst lr;
	_ =	strace $0xD0000000  }
0x3: {  	_ = 	snop  }
0x4: {  	_ = 	snop  }
0x5: {  	_ = 	snop  }
0x6: {  	_ = 	snop  }
0x7: {  	_ = 	snop  }
__scs_overlays_trampoline_lowered:
0x8: {  	[smem:$0x3FAC] =	sst s0  }
0x9: {  	[smem:$0x3FAD] =	sst s1  }
0xa: {  	[smem:$0x3FAE] =	sst s2  }
0xb: {  	[smem:$0x3FAF] =	sst s3  }
0xc: {  	[smem:$0x3FB0] =	sst s4  }
0xd: {  	[smem:$0x3FB1] =	sst s5  }
0xe: {  	[smem:$0x3FB2] =	sst s6  }
0xf: {  	[smem:$0x3FB3] =	sst s7  }
0x10: {  	[smem:$0x3FB4] =	sst s8  }
0x11: {  	[smem:$0x3FB5] =	sst s9;
	s0 =	simm.s32 @!p0 $0x0  }
0x12: {  	s1 =	sld [smem:$0x3F9B];
	s0 =	simm.s32 @p0 $0x1  }
0x13: {  	[smem:$0x3FB6] =	sst s0;
	s0 =	simm.s32 @!p1 $0x0  }
0x14: {  	s2 =	sld [smem:$0x3F9A];
	s0 =	simm.s32 @p1 $0x1  }
0x15: {  	[smem:$0x3FB7] =	sst s0;
	s0 =	simm.s32 @!p2 $0x0  }
0x16: {  	s3 =	sld [smem:$0x3FDB];
	s0 =	simm.s32 @p2 $0x1  }
0x17: {  	s4 =	simm.s32 $0x1BF5;
	[smem:$0x3FB9] =	sst s0  }
0x18: {  	s0 =	sld [smem:$0x3F9C];
	_ =	swait.ge [sflag:s4], $0x0  }
0x19: {  	s7 =	sld [smem:$0x3F9D]  }
0x1a: {  	s8 =	sadd.s32 $0xFFFFE003, lr  }
0x1b: {  	s9 =	sadd.s32 $0xFFFFFEF7, lr;
	s5 =	simm.s32 $0xFFFFFFFF;
	p2 =	slt.u32 s8, $0xFFFFF086  }
0x1c: {  	p1 =	slt.u32 s9, $0xF7A;
	s5 =	simm.s32 @!p2 $0x0  }
0x1d: {  	s5 =	simm.s32 @p1 $0x1;
	p0 =	seq.s32 s7, s2  }
0x1e: {  	s7 =	smul.u32 @!p0 $0xF7A, s2;
	p2 =	seq.s32 @!p0 s5, $0x0  }
0x1f: {  	s9 =	smul.u32 $0xF7A, s1;
	s8 =	simm.s32 @!p0 $0x1BF5;
	p2 =	por !p2, p0  }
0x20: {  	[sflag:s8] =	ssyncset.s32 @!p0 $0xFFFFF086;
	s6 =	sadd.s32 @!p0 s3, s7;
	s7 =	simm.s32 @!p0 $0x108  }
0x21: {  	s3 =	sadd.s32 s3, s9;
	s6 =	sadd.s32 @!p0 $0x88, s6;
	s7 =	simm.s32 @p2 $0x1082  }
0x22: {  	[simem:s7], [sflag:s8] =	dma.local @!p0 [hbm:s6], $0xF7A  }
0x23: {  	s9 =	sor.u32 $0xD0000000, s2;
	s6 =	simm.s32 $0x108;
	_ =	swait.ge @!p0 [sflag:s8], $0x0  }
0x24: {  	s3 =	sadd.s32 $0x88, s3;
	s6 =	simm.s32 @!p1 $0x1082;
	[sflag:s4] =	ssyncset.s32 $0xFFFFF086  }
0x25: {  	[simem:s6], [sflag:s4] =	dma.local [hbm:s3], $0xF7A  }
0x26: {  	[smem:$0x3F9D] =	sst s1;
	(tag) =	ssettag s2;
	_ =	strace s9  }
0x27: {  	s1 =	sld [smem:$0x3FAD]  }
0x28: {  	s2 =	sld [smem:$0x3FAE]  }
0x29: {  	s4 =	sld [smem:$0x3FB0]  }
0x2a: {  	p0 =	seq.s32 s5, $0x0;
	s5 =	sld [smem:$0x3FB1]  }
0x2b: {  	s6 =	sld [smem:$0x3FB2]  }
0x2c: {  	s7 =	sld [smem:$0x3FB3]  }
0x2d: {  	s3 =	simm.s32 $0x108;
	s8 =	sld [smem:$0x3FB4]  }
0x2e: {  	s3 =	simm.s32 @!p0 $0x1082;
	s9 =	sld [smem:$0x3FB5]  }
0x2f: {  	lr =	sadd.s32 s0, s3;
	s0 =	sld [smem:$0x3FAC]  }
0x30: {  	s3 =	sld [smem:$0x3FAF]  }
0x31: {  	[smem:$0x3FB8] =	sst s10  }
0x32: {  	s10 =	sld [smem:$0x3FB6];
	_ =	sdelay $0x3  }
0x33: {  	p0 =	seq.s32 s10, $0x1;
	s10 =	sld [smem:$0x3FB8];
	_ =	sdelay $0x3  }
0x34: {  	[smem:$0x3FB8] =	sst s10  }
0x35: {  	s10 =	sld [smem:$0x3FB7];
	_ =	sdelay $0x3  }
0x36: {  	p1 =	seq.s32 s10, $0x1;
	s10 =	sld [smem:$0x3FB8];
	_ =	sdelay $0x3  }
0x37: {  	[smem:$0x3FB8] =	sst s10  }
0x38: {  	s10 =	sld [smem:$0x3FB9]  }
0x39: {  	_ = 	snop;
	(pc) =	sbr.ind lr, $3  }
0x3a: {  	_ = 	snop  }
0x3b: {  	_ = 	snop  }
0x3c: {  	p2 =	seq.s32 s10, $0x1;
	s10 =	sld [smem:$0x3FB8]  }
0x3d: {  	_ =	shalt  }
0x3e: {  	_ =	shalt  }
0x3f: {  	_ =	shalt  }
0x40: {  	_ =	shalt  }
0x41: {  	_ =	shalt  }
0x42: {  	_ =	shalt  }
0x43: {  	_ =	shalt  }
0x44: {  	_ =	shalt  }
0x45: {  	_ =	shalt  }
0x46: {  	_ =	shalt  }
0x47: {  	_ =	shalt  }
0x48: {  	_ =	shalt  }
0x49: {  	_ =	shalt  }
0x4a: {  	_ =	shalt  }
0x4b: {  	_ =	shalt  }
0x4c: {  	_ =	shalt  }
0x4d: {  	_ =	shalt  }
0x4e: {  	_ =	shalt  }
0x4f: {  	_ =	shalt  }
0x50: {  	_ =	shalt  }
0x51: {  	_ =	shalt  }
0x52: {  	_ =	shalt  }
0x53: {  	_ =	shalt  }
0x54: {  	_ =	shalt  }
0x55: {  	_ =	shalt  }
0x56: {  	_ =	shalt  }
0x57: {  	_ =	shalt  }
0x58: {  	_ =	shalt  }
0x59: {  	_ =	shalt  }
0x5a: {  	_ =	shalt  }
0x5b: {  	_ =	shalt  }
0x5c: {  	_ =	shalt  }
0x5d: {  	_ =	shalt  }
0x5e: {  	_ =	shalt  }
0x5f: {  	_ =	shalt  }
0x60: {  	_ =	shalt  }
0x61: {  	_ =	shalt  }
0x62: {  	_ =	shalt  }
0x63: {  	_ =	shalt  }
0x64: {  	_ =	shalt  }
0x65: {  	_ =	shalt  }
0x66: {  	_ =	shalt  }
0x67: {  	_ =	shalt  }
0x68: {  	_ =	shalt  }
0x69: {  	_ =	shalt  }
0x6a: {  	_ =	shalt  }
0x6b: {  	_ =	shalt  }
0x6c: {  	_ =	shalt  }
0x6d: {  	_ =	shalt  }
0x6e: {  	_ =	shalt  }
0x6f: {  	_ =	shalt  }
0x70: {  	_ =	shalt  }
0x71: {  	_ =	shalt  }
0x72: {  	_ =	shalt  }
0x73: {  	_ =	shalt  }
0x74: {  	_ =	shalt  }
0x75: {  	_ =	shalt  }
0x76: {  	_ =	shalt  }
0x77: {  	_ =	shalt  }
0x78: {  	_ =	shalt  }
0x79: {  	_ =	shalt  }
0x7a: {  	_ =	shalt  }
0x7b: {  	_ =	shalt  }
0x7c: {  	_ =	shalt  }
0x7d: {  	_ =	shalt  }
0x7e: {  	_ =	shalt  }
0x7f: {  	_ =	shalt  }
0x80: {  	_ =	shalt  }
0x81: {  	_ =	shalt  }
0x82: {  	_ =	shalt  }
0x83: {  	_ =	shalt  }
0x84: {  	_ =	shalt  }
0x85: {  	_ =	shalt  }
0x86: {  	_ =	shalt  }
0x87: {  	_ =	shalt  }
.Lfunc_end0:
.L_simem_size_0:
called_computation_lowered:
.L_overlay_start_0:
0x88: {  	s2 =	sld [smem:$0x3FD9]  }
0x89: {  	s3 =	sld [smem:$0x3FFE];
	_ =	sdelay $0x1  }
0x8a: {  	s1 =	srdreg.scid  }
0x8b: {  	s0 =	sand.u32 $0x1, s1  }
0x8c: {  	s17 =	sshll.u32 s0, $0xA;
	s2 =	sadd.s32 s3, s2  }
0x8d: {  	s2 =	sadd.s32 s2, s17  }
0x8e: {  	[smem:$0x3FC4] =	sst s2  }
0x8f: {  	_ = 	snop  }
0x90: {  	s2 =	sld [smem:$0x3FC7];
	(tm) =	ssettm $0x1  }
0x91: {  	s18 =	sld [smem:$0x3FFB];
	_ =	sdelay $0x3  }
0x92: {  	_ =	strace s18  }
0x93: {  	s3 =	sld [smem:$0x3FFC];
	_ =	sdelay $0x3  }
0x94: {  	_ =	strace s3  }
0x95: {  	s3 =	sld [smem:$0x3FFD];
	_ =	sdelay $0x3  }
0x96: {  	_ =	strace s3  }
0x97: {  	_ =	strace $0x8FFFFFFF  }
0x98: {  	s19 =	sld [smem:$0x3FDB];
	_ =	sdelay $0x1  }
0x99: {  	s4 =	simm.s32 $_scs_section_size  }
0x9a: {  	s5 =	simm.s32 $_size__tile_overlayer_lowered;
	s6 =	simm.s32 $_tile_overlayer_lowered  }
0x9b: {  	s22 =	simm.s32 $0x1BFF;
	s21 =	sshll.u32 s6, $0x1;
	s3 =	sadd.s32 s4, s19  }
0x9c: {  	s7 =	simm.s32 $0x0;
	s20 =	sshll.u32 s5, $0x1;
	s5 =	sadd.s32 s21, s3  }
0x9d: {  	[timem:s7], [sflag:s22] =	dma.local [hbm:s5], s20  }
0x9e: {  	_ =	swait.ge [sflag:s22], s20  }
0x9f: {  	s4 =	ssub.s32 $0x0, s20;
	[sflag:s22] =	ssyncset.done $0x0  }
0xa0: {  	[sflag:s22] =	ssyncadd.s32 s4;
	_ =	sdelay $0x1  }
0xa1: {  	s23 =	simm.s32 $0x1B8B  }
0xa2: {  	_ =	swait.ge [sflag:s23], $0x1  }
0xa3: {  	[sflag:s23] =	ssyncset.done $0x0  }
0xa4: {  	s25 =	simm.s32 $0x1B8E;
	s24 =	sld [smem:$0x3FFE];
	[sflag:s23] =	ssyncadd.s32 $0xFFFFFFFF  }
0xa5: {  	s26 =	simm.s32 $execute0_lowered;
	[smem:$0x3FD2] =	sst s25  }
0xa6: {  	s5 =	sshll.u32 s26, $0x1;
	_ =	strace $0x80000046;
	[dreg:$0x1] =	wrdreg $0xFFFFFFFF  }
0xa7: {  	s28 =	simm.s32 $_size_execute0_lowered;
	s3 =	sadd.s32 s3, s5;
	[dreg:$0x0] =	wrdreg $0x0  }
0xa8: {  	s5 =	sshll.u32 s28, $0x1;
	[dreg:$0x2] =	wrdreg s3  }
0xa9: {  	[dreg:$0x3] =	wrdreg s5  }
0xaa: {  	[dreg:$0x4] =	wrdreg $0xC0  }
0xab: {  	_ =	task [dreg:s7], $0x5FFFF  }
0xac: {  	[dreg:$0x1] =	wrdreg $0xFFFFFFFF  }
0xad: {  	[dreg:$0x0] =	wrdreg $0x60  }
0xae: {  	[dreg:$0x2] =	wrdreg s24  }
0xaf: {  	[dreg:$0x3] =	wrdreg s2  }
0xb0: {  	[dreg:$0x4] =	wrdreg $0x9  }
0xb1: {  	_ =	task.clear_ibuf [dreg:s7], $0x5FFFF;
	_ =	strace $0x90000046  }
0xb2: {  	s29 =	simm.s32 $0x9;
	_ =	strace $0x80000048  }
0xb3: {  	_ =	swait.ge [sflag:s29], $0x1  }
0xb4: {  	[sflag:s29] =	ssyncadd.s32 $0xFFFFFFFF  }
0xb5: {  	_ =	strace $0x90000048  }
0xb6: {  	_ =	sfence  }
0xb7: {  	s30 =	sld [smem:$0x0];
	_ =	sdelay $0x2  }
0xb8: {  	s31 =	sshll.u32 s1, $0xD;
	s1 =	sshrl.u32 s1, $0x2  }
0xb9: {  	s3 =	sand.u32 $0x4000, s31;
	s1 =	sadd.s32 s1, s30  }
0xba: {  	s0 =	sor.u32 s3, s0;
	s1 =	sshll.u32 s1, $0x11  }
0xbb: {  	s0 =	sor.u32 s1, s0  }
0xbc: {  	s0 =	sadd.s32 $0x8F2B, s0  }
0xbd: {  	[sflag:s0] =	ssyncadd.remote.s32 $0x1  }
0xbe: {  	_ =	sfence.sel $0xFFFF  }
0xbf: {  	[dreg:$0x0] =	wrdreg $0xFFFFFFFF;
	(pc) =	sbr.abs _section_cstart, $3  }
0xc0: {  	[dreg:$0x1] =	wrdreg $0xFFFFFFFF  }
0xc1: {  	_ =	task.clear_ibuf [dreg:s7], $0x2FFFF;
	_ =	strace $0x9FFFFFFF  }
0xc2: {  	(tm) =	ssettm $0x7FFFFFFF  }
0xc3: {  	_ =	shalt  }
tec
execute0_lowered:
.L_overlay_start_1:
0x0: {  	(tag) =	ssettag $0x1  }
0x1: {  	s0 =	rddreg [dreg:$0x0]  }
0x2: {  	s1 =	rddreg [dreg:$0x1]  }
0x3: {  	s3 =	simm.s32 $0x0;
	s2 =	srdreg.scid;
	s5 =	stileid.u32  }
0x4: {  	s15 =	simm.s32 $0x80;
	s16 =	simm.s32 $0x400;
	s13 =	simm.s32 $0x3  }
0x5: {  	s18 =	simm.s32 $0x14000;
	s28 =	simm.s32 $0xF000;
	s29 =	simm.s32 $0x7800  }
0x6: {  	s30 =	simm.s32 $0x11800;
	s31 =	simm.s32 $0x2;
	[smem:$0x7FF] =	sst s3  }
0x7: {  	s2 =	sand.u32 $0x1, s2;
	s4 =	sshrl.u32 s5, $0x2;
	s5 =	sshll.u32 s5, $0x8  }
0x8: {  	s7 =	sadd.s32 $0x50A00, s0;
	s6 =	smul.u32 $0x50000, s4;
	s19 =	sshll.u32 s2, $0x7  }
0x9: {  	s5 =	sand.u32 $0x300, s5;
	_ =	strace $0x80000047;
	s2 =	ssub.s32 $0x2, s2  }
0xa: {  	s4 =	sadd.s32 $0xA0A00, s0;
	s5 =	sor.u32 s19, s5;
	s20 =	sshrl.u32 s2, $0x1  }
0xb: {  	s19 =	simm.s32 $0x15F80;
	s5 =	sor.u32 s6, s5;
	s6 =	sadd.s32 $0xA5A00, s0  }
0xc: {  	s0 =	ssub.s32 s2, s20;
	s20 =	simm.s32 $0x1;
	s8 =	sshrl.u32 s5, $0x3  }
0xd: {  	s9 =	sadd.s32 $0x280000, s5;
	s10 =	sadd.s32 $0x140000, s5;
	s23 =	sadd.s32 $0x4740000, s5  }
0xe: {  	s25 =	sadd.s32 $0x3C0000, s5;
	s0 =	smax.u32 s0, $0x1;
	s21 =	sadd.s32 s7, s8  }
0xf: {  	s22 =	sadd.s32 s8, s6;
	s12 =	smov.u32 s10;
	[dreg:$0x7] =	wrdreg s25  }
0x10: {  	s24 =	sshrl.u32 s10, $0x3;
	s8 =	sshrl.u32 s23, $0x3;
	[dreg:$0x9] =	wrdreg s0  }
0x11: {  	s23 =	simm.s32 $0xA000;
	s25 =	simm.s32 $0xC800;
	[dreg:$0x4] =	wrdreg s9  }
0x12: {  	[dreg:$0x3] =	wrdreg s21;
	s2 =	sadd.s32 $0x8C0000, s22;
	s26 =	sadd.s32 s6, s8  }
0x13: {  	s21 =	simm.s32 $0x17F00;
	s22 =	simm.s32 $0x19E80;
	[dreg:$0x5] =	wrdreg s2  }
0x14: {  	s2 =	sadd.s32 s7, s24;
	[dreg:$0x8] =	wrdreg s26;
	s24 =	simm.s32 $0x2800  }
0x15: {  	v0 =	vimm.f32 $0.0e+00;
	s26 =	simm.s32 $0x5000;
	[dreg:$0x6] =	wrdreg s2;
	s2 =	simm.s32 $0x0  }
.LBB2_1:
0x16: {  	[dreg:$0xa] =	wrdreg s2  }
0x17: {  	s0 =	rddreg [dreg:$0x3]  }
0x18: {  	[tilespmem:s3], [sflag:$0x3] =	stream.strided.gather [hbm4b:s0+s15], $0xA000, s16, s15, $0x38;
	[tilespmem:$0x1BE00] =	vst v63  }
0x19: {  	_ =	swait.ge [sflag:s13], $0xA000  }
0x1a: {  	[sflag:s13] =	ssyncset.done $0x0  }
0x1b: {  	s2 =	simm.s32 $0x0;
	[sflag:s13] =	ssyncadd.s32 $0xFFFF6000  }
.LBB2_2:
0x1c: {  	p0 =	seq.s32 s2, $0x0  }
0x1d: {  	s0 =	simm.s32 @!p0 $0x3  }
0x1e: {  	_ =	swait.ge @!p0 [sflag:s0], $0xA000  }
0x1f: {  	[sflag:s0] =	ssyncset.done @!p0 $0x0  }
0x20: {  	s7 =	simm.s32 $0x0;
	[sflag:s0] =	ssyncadd.s32 @!p0 $0xFFFF6000  }
0x21: {  	[tilespmem:s18], [sflag:$0x1] =	stream.linear.gather [hbm4b:s4+s7], $0x1F40, $0x38;
	[tilespmem:$0x1BE00] =	vst v63  }
0x22: {  	s17 =	simm.s32 $0xA050  }
0x23: {  	[tilespmem:s19], [sflag:$0x1] =	stream.linear.gather [hbm4b:s1+s7], $0x1F40, $0x38;
	[tilespmem:$0x1BE00] =	vst v63  }
0x24: {  	[tilespmem:s17+$0xFFFFFFC0] =	vst v0  }
0x25: {  	[tilespmem:s17+$0xFFFFFFD0] =	vst v0  }
0x26: {  	[tilespmem:s17+$0xFFFFFFE0] =	vst v0  }
0x27: {  	[tilespmem:s17+$0xFFFFFFF0] =	vst v0  }
0x28: {  	[tilespmem:s17+$0x0] =	vst v0  }
0x29: {  	[tilespmem:s17+$0x10] =	vst v0  }
0x2a: {  	[tilespmem:s17+$0x20] =	vst v0  }
0x2b: {  	[tilespmem:s17+$0x40] =	vst v0  }
0x2c: {  	s8 =	sand.u32 $0xFFE0, s7;
	[tilespmem:s17+$0xFFFFFFB0] =	vst v0  }
0x2d: {  	s10 =	simm.s32 $0x0;
	s0 =	simm.s32 $0x0;
	[tilespmem:s8+$0xA080] =	vst v0;
	s8 =	simm.s32 $0xA0F0  }
.LBB2_3:
0x2e: {  	[tilespmem:s8+$0xFFFFFFC0] =	vst v0  }
0x2f: {  	[tilespmem:s8+$0xFFFFFFD0] =	vst v0  }
0x30: {  	[tilespmem:s8+$0xFFFFFFE0] =	vst v0  }
0x31: {  	s0 =	sadd.s32 $0xA, s0;
	[tilespmem:s8+$0xFFFFFFF0] =	vst v0  }
0x32: {  	p1 =	slt.u32 s0, $0x9F6;
	[tilespmem:s8+$0x0] =	vst v0  }
.Ltmp0:
0x33: {  	[tilespmem:s8+$0x10] =	vst v0;
	(pc) =	sbr.rel @p1 .LBB2_3-.Ltmp0, $4  }
0x34: {  	[tilespmem:s8+$0x20] =	vst v0  }
0x35: {  	s10 =	sadd.s32 $0xA0, s10;
	[tilespmem:s8+$0x40] =	vst v0  }
0x36: {  	s11 =	sand.u32 $0xFFE0, s10;
	[tilespmem:s8+$0xFFFFFFB0] =	vst v0  }
0x37: {  	s8 =	sadd.s32 $0xA0, s8;
	[tilespmem:s11+$0xA080] =	vst v0  }
.LBB2_4:
0x38: {  	_ =	swait.ge [sflag:s20], $0x1F40  }
0x39: {  	s10 =	smul.u32 $0x3E80, s7;
	[sflag:s20] =	ssyncset.done $0x0  }
0x3a: {  	[sflag:s20] =	ssyncadd.s32 $0xFFFFE0C0  }
0x3b: {  	s0 =	sshrl.u32 s10, $0x3;
	_ =	swait.ge [sflag:s20], $0x1F40  }
0x3c: {  	s0 =	sadd.s32 $0x3E8, s0;
	[sflag:s20] =	ssyncset.done $0x0  }
0x3d: {  	s11 =	simm.s32 $0x0;
	s8 =	sadd.s32 s4, s0;
	[sflag:s20] =	ssyncadd.s32 $0xFFFFE0C0  }
0x3e: {  	[tilespmem:s21], [sflag:$0x2] =	stream.linear.gather [hbm4b:s8+s11], $0x1F40, $0x38;
	[tilespmem:$0x1BE00] =	vst v63  }
0x3f: {  	s14 =	simm.s32 $0x14050;
	s0 =	sadd.s32 s1, s0  }
0x40: {  	[tilespmem:s22], [sflag:$0x2] =	stream.linear.gather [hbm4b:s0+s11], $0x1F40, $0x38;
	[tilespmem:$0x1BE00] =	vst v63  }
0x41: {  	v1 =	vld [tilespmem:s14+$0x40]  }
0x42: {  	s17 =	sand.u32 $0x1FE0, s11;
	v2 =	vld [tilespmem:s14+$0xFFFFFFC0]  }
0x43: {  	v3 =	vld [tilespmem:s17+$0x14080]  }
0x44: {  	v4 =	vld [tilespmem:s14+$0xFFFFFFD0]  }
0x45: {  	v5 =	vld [tilespmem:s14+$0xFFFFFFE0]  }
0x46: {  	v6 =	vld [tilespmem:s14+$0xFFFFFFF0]  }
0x47: {  	v8 =	vld [tilespmem:s14+$0x0]  }
0x48: {  	v9 =	vld [tilespmem:s14+$0x10]  }
0x49: {  	v11 =	vld [tilespmem:s14+$0x20]  }
0x4a: {  	s13 =	simm.s32 $0x15FD0;
	v13 =	vld [tilespmem:s14+$0xFFFFFFB0]  }
0x4b: {  	v17 =	vld [tilespmem:s13+$0x40];
	v7 =	vand.u32 $0xFFFF, v1  }
0x4c: {  	v20 =	vld [tilespmem:s17+$0x16000];
	v10 =	vand.u32 $0xFFFF, v3  }
0x4d: {  	v33 =	vld [tilespmem:s13+$0xFFFFFFB0]  }
0x4e: {  	v34 =	vld [tilespmem:s13+$0xFFFFFFC0]  }
0x4f: {  	v35 =	vld [tilespmem:s13+$0xFFFFFFD0]  }
0x50: {  	v15 =	vld.idx.msk [tilespmem:v7+s3+$0x0], $0xffff  }
0x51: {  	v19 =	vld.idx.msk [tilespmem:v10+s3+$0x0], $0xffff  }
0x52: {  	v36 =	vld [tilespmem:s13+$0xFFFFFFE0];
	v1 =	vshrl.u32 v1, $0x10  }
0x53: {  	v37 =	vld [tilespmem:s13+$0xFFFFFFF0];
	v3 =	vshrl.u32 v3, $0x10  }
0x54: {  	v38 =	vld [tilespmem:s13+$0x0]  }
0x55: {  	v43 =	vld [tilespmem:s13+$0x10];
	v15 =	vmul.f32 v15, v17  }
0x56: {  	v44 =	vld [tilespmem:s13+$0x20];
	v12 =	vand.u32 $0xFFFF, v2;
	v19 =	vmul.f32 v19, v20  }
0x57: {  	v14 =	vand.u32 $0xFFFF, v4;
	[tilespmem:v1+s23+$0x0] =	vst.idx.add.f32.msk $0xffff, v15  }
0x58: {  	v16 =	vand.u32 $0xFFFF, v5;
	[tilespmem:v3+s23+$0x0] =	vst.idx.add.f32.msk $0xffff, v19  }
0x59: {  	v18 =	vand.u32 $0xFFFF, v6;
	v27 =	vld.idx.msk [tilespmem:v7+s24+$0x0], $0xffff  }
0x5a: {  	v24 =	vand.u32 $0xFFFF, v13;
	v19 =	vld.idx.msk [tilespmem:v10+s24+$0x0], $0xffff  }
0x5b: {  	v21 =	vld.idx.msk [tilespmem:v12+s3+$0x0], $0xffff  }
0x5c: {  	v22 =	vld.idx.msk [tilespmem:v14+s3+$0x0], $0xffff  }
0x5d: {  	v23 =	vld.idx.msk [tilespmem:v16+s3+$0x0], $0xffff  }
0x5e: {  	v25 =	vld.idx.msk [tilespmem:v18+s3+$0x0], $0xffff;
	v27 =	vmul.f32 v27, v17  }
0x5f: {  	v26 =	vand.u32 $0xFFFF, v8;
	v29 =	vld.idx.msk [tilespmem:v24+s3+$0x0], $0xffff;
	v19 =	vmul.f32 v19, v20  }
0x60: {  	v41 =	vand.u32 $0xFFFF, v9;
	[tilespmem:v1+s25+$0x0] =	vst.idx.add.f32.msk $0xffff, v27  }
0x61: {  	v28 =	vand.u32 $0xFFFF, v11;
	[tilespmem:v3+s25+$0x0] =	vst.idx.add.f32.msk $0xffff, v19  }
0x62: {  	v13 =	vshrl.u32 v13, $0x10;
	v27 =	vld.idx.msk [tilespmem:v7+s26+$0x0], $0xffff  }
0x63: {  	v2 =	vshrl.u32 v2, $0x10;
	v19 =	vld.idx.msk [tilespmem:v10+s26+$0x0], $0xffff  }
0x64: {  	v30 =	vld.idx.msk [tilespmem:v26+s3+$0x0], $0xffff  }
0x65: {  	v31 =	vld.idx.msk [tilespmem:v41+s3+$0x0], $0xffff;
	v42 =	vmul.f32 v29, v33  }
0x66: {  	v32 =	vld.idx.msk [tilespmem:v28+s3+$0x0], $0xffff;
	v21 =	vmul.f32 v21, v34  }
0x67: {  	[tilespmem:v13+s23+$0x0] =	vst.idx.add.f32.msk $0xffff, v42;
	v27 =	vmul.f32 v27, v17  }
0x68: {  	v4 =	vshrl.u32 v4, $0x10;
	[tilespmem:v2+s23+$0x0] =	vst.idx.add.f32.msk $0xffff, v21;
	v19 =	vmul.f32 v19, v20  }
0x69: {  	v5 =	vshrl.u32 v5, $0x10;
	[tilespmem:v1+s28+$0x0] =	vst.idx.add.f32.msk $0xffff, v27  }
0x6a: {  	v6 =	vshrl.u32 v6, $0x10;
	[tilespmem:v3+s28+$0x0] =	vst.idx.add.f32.msk $0xffff, v19  }
0x6b: {  	v11 =	vshrl.u32 v11, $0x10;
	v22 =	vmul.f32 v22, v35;
	v7 =	vld.idx.msk [tilespmem:v7+s29+$0x0], $0xffff  }
0x6c: {  	v45 =	vmul.f32 v23, v36;
	v10 =	vld.idx.msk [tilespmem:v10+s29+$0x0], $0xffff  }
0x6d: {  	v46 =	vmul.f32 v25, v37;
	[tilespmem:v4+s23+$0x0] =	vst.idx.add.f32.msk $0xffff, v22  }
0x6e: {  	v47 =	vmul.f32 v32, v44;
	[tilespmem:v5+s23+$0x0] =	vst.idx.add.f32.msk $0xffff, v45  }
0x6f: {  	v8 =	vshrl.u32 v8, $0x10;
	[tilespmem:v6+s23+$0x0] =	vst.idx.add.f32.msk $0xffff, v46  }
0x70: {  	v9 =	vshrl.u32 v9, $0x10;
	[tilespmem:v11+s23+$0x0] =	vst.idx.add.f32.msk $0xffff, v47;
	v7 =	vmul.f32 v7, v17  }
0x71: {  	v48 =	vld.idx.msk [tilespmem:v14+s24+$0x0], $0xffff;
	v10 =	vmul.f32 v10, v20  }
0x72: {  	[tilespmem:v1+s30+$0x0] =	vst.idx.add.f32.msk $0xffff, v7;
	v1 =	vmul.f32 v30, v38  }
0x73: {  	[tilespmem:v3+s30+$0x0] =	vst.idx.add.f32.msk $0xffff, v10;
	v3 =	vmul.f32 v31, v43  }
0x74: {  	[tilespmem:v8+s23+$0x0] =	vst.idx.add.f32.msk $0xffff, v1  }
0x75: {  	[tilespmem:v9+s23+$0x0] =	vst.idx.add.f32.msk $0xffff, v3  }
0x76: {  	v1 =	vld.idx.msk [tilespmem:v24+s24+$0x0], $0xffff  }
0x77: {  	v3 =	vld.idx.msk [tilespmem:v12+s24+$0x0], $0xffff  }
0x78: {  	v49 =	vld.idx.msk [tilespmem:v16+s24+$0x0], $0xffff  }
0x79: {  	v52 =	vld.idx.msk [tilespmem:v28+s24+$0x0], $0xffff  }
0x7a: {  	v17 =	vld.idx.msk [tilespmem:v18+s24+$0x0], $0xffff  }
0x7b: {  	v50 =	vld.idx.msk [tilespmem:v26+s24+$0x0], $0xffff;
	v1 =	vmul.f32 v1, v33  }
0x7c: {  	v51 =	vld.idx.msk [tilespmem:v41+s24+$0x0], $0xffff;
	v3 =	vmul.f32 v3, v34  }
0x7d: {  	[tilespmem:v13+s25+$0x0] =	vst.idx.add.f32.msk $0xffff, v1;
	v1 =	vmul.f32 v48, v35  }
0x7e: {  	[tilespmem:v2+s25+$0x0] =	vst.idx.add.f32.msk $0xffff, v3;
	v3 =	vmul.f32 v49, v36  }
0x7f: {  	[tilespmem:v4+s25+$0x0] =	vst.idx.add.f32.msk $0xffff, v1  }
0x80: {  	v1 =	vmul.f32 v17, v37;
	[tilespmem:v5+s25+$0x0] =	vst.idx.add.f32.msk $0xffff, v3  }
0x81: {  	v3 =	vmul.f32 v50, v38;
	v53 =	vld.idx.msk [tilespmem:v14+s26+$0x0], $0xffff  }
0x82: {  	[tilespmem:v6+s25+$0x0] =	vst.idx.add.f32.msk $0xffff, v1;
	v1 =	vmul.f32 v51, v43  }
0x83: {  	[tilespmem:v8+s25+$0x0] =	vst.idx.add.f32.msk $0xffff, v3;
	v3 =	vmul.f32 v52, v44  }
0x84: {  	[tilespmem:v9+s25+$0x0] =	vst.idx.add.f32.msk $0xffff, v1  }
0x85: {  	[tilespmem:v11+s25+$0x0] =	vst.idx.add.f32.msk $0xffff, v3  }
0x86: {  	v1 =	vld.idx.msk [tilespmem:v24+s26+$0x0], $0xffff  }
0x87: {  	v3 =	vld.idx.msk [tilespmem:v12+s26+$0x0], $0xffff  }
0x88: {  	v54 =	vld.idx.msk [tilespmem:v16+s26+$0x0], $0xffff  }
0x89: {  	v55 =	vld.idx.msk [tilespmem:v18+s26+$0x0], $0xffff  }
0x8a: {  	v56 =	vld.idx.msk [tilespmem:v26+s26+$0x0], $0xffff  }
0x8b: {  	v57 =	vld.idx.msk [tilespmem:v41+s26+$0x0], $0xffff;
	v1 =	vmul.f32 v1, v33  }
0x8c: {  	v58 =	vld.idx.msk [tilespmem:v28+s26+$0x0], $0xffff;
	v3 =	vmul.f32 v3, v34  }
0x8d: {  	[tilespmem:v13+s28+$0x0] =	vst.idx.add.f32.msk $0xffff, v1;
	v1 =	vmul.f32 v53, v35  }
0x8e: {  	[tilespmem:v2+s28+$0x0] =	vst.idx.add.f32.msk $0xffff, v3;
	v3 =	vmul.f32 v54, v36  }
0x8f: {  	[tilespmem:v4+s28+$0x0] =	vst.idx.add.f32.msk $0xffff, v1  }
0x90: {  	v1 =	vmul.f32 v55, v37;
	[tilespmem:v5+s28+$0x0] =	vst.idx.add.f32.msk $0xffff, v3  }
0x91: {  	v3 =	vmul.f32 v56, v38;
	v59 =	vld.idx.msk [tilespmem:v14+s29+$0x0], $0xffff  }
0x92: {  	[tilespmem:v6+s28+$0x0] =	vst.idx.add.f32.msk $0xffff, v1;
	v1 =	vmul.f32 v57, v43  }
0x93: {  	[tilespmem:v8+s28+$0x0] =	vst.idx.add.f32.msk $0xffff, v3;
	v3 =	vmul.f32 v58, v44  }
0x94: {  	[tilespmem:v9+s28+$0x0] =	vst.idx.add.f32.msk $0xffff, v1  }
0x95: {  	[tilespmem:v11+s28+$0x0] =	vst.idx.add.f32.msk $0xffff, v3  }
0x96: {  	v1 =	vld.idx.msk [tilespmem:v24+s29+$0x0], $0xffff  }
0x97: {  	v3 =	vld.idx.msk [tilespmem:v12+s29+$0x0], $0xffff  }
0x98: {  	v60 =	vld.idx.msk [tilespmem:v16+s29+$0x0], $0xffff  }
0x99: {  	v61 =	vld.idx.msk [tilespmem:v18+s29+$0x0], $0xffff  }
0x9a: {  	v62 =	vld.idx.msk [tilespmem:v26+s29+$0x0], $0xffff  }
0x9b: {  	v15 =	vld.idx.msk [tilespmem:v41+s29+$0x0], $0xffff;
	v1 =	vmul.f32 v1, v33  }
0x9c: {  	v63 =	vld.idx.msk [tilespmem:v28+s29+$0x0], $0xffff;
	v3 =	vmul.f32 v3, v34  }
0x9d: {  	[tilespmem:v13+s30+$0x0] =	vst.idx.add.f32.msk $0xffff, v1;
	v1 =	vmul.f32 v59, v35  }
0x9e: {  	[tilespmem:v2+s30+$0x0] =	vst.idx.add.f32.msk $0xffff, v3;
	v2 =	vmul.f32 v60, v36  }
0x9f: {  	[tilespmem:v4+s30+$0x0] =	vst.idx.add.f32.msk $0xffff, v1;
	v1 =	vmul.f32 v61, v37  }
0xa0: {  	[tilespmem:v5+s30+$0x0] =	vst.idx.add.f32.msk $0xffff, v2;
	v2 =	vmul.f32 v62, v38  }
0xa1: {  	[tilespmem:v6+s30+$0x0] =	vst.idx.add.f32.msk $0xffff, v1;
	v1 =	vmul.f32 v15, v43  }
0xa2: {  	[tilespmem:v8+s30+$0x0] =	vst.idx.add.f32.msk $0xffff, v2;
	v2 =	vmul.f32 v63, v44  }
0xa3: {  	[tilespmem:v9+s30+$0x0] =	vst.idx.add.f32.msk $0xffff, v1  }
0xa4: {  	s0 =	simm.s32 $0x0;
	s14 =	simm.s32 $0x140F0;
	[tilespmem:v11+s30+$0x0] =	vst.idx.add.f32.msk $0xffff, v2  }
.LBB2_5:
0xa5: {  	v15 =	vld [tilespmem:s14+$0x40];
	s11 =	sadd.s32 $0xA0, s11  }
0xa6: {  	s0 =	sadd.s32 $0xA, s0;
	v2 =	vld [tilespmem:s14+$0xFFFFFFC0];
	s8 =	sand.u32 $0x1FE0, s11  }
0xa7: {  	p1 =	slt.u32 s0, $0x1EA;
	v17 =	vld [tilespmem:s8+$0x14080]  }
0xa8: {  	v3 =	vld [tilespmem:s14+$0xFFFFFFD0]  }
0xa9: {  	v4 =	vld [tilespmem:s14+$0xFFFFFFE0]  }
0xaa: {  	v5 =	vld [tilespmem:s14+$0xFFFFFFF0];
	v23 =	vand.u32 $0xFFFF, v15  }
0xab: {  	v1 =	vshrl.u32 v2, $0x10;
	v8 =	vand.u32 $0xFFFF, v2;
	v6 =	vld [tilespmem:s14+$0x0]  }
0xac: {  	v7 =	vld [tilespmem:s14+$0x10];
	v24 =	vand.u32 $0xFFFF, v17  }
0xad: {  	v2 =	vshrl.u32 v3, $0x10;
	v9 =	vand.u32 $0xFFFF, v3;
	v14 =	vld [tilespmem:s14+$0x20]  }
0xae: {  	v16 =	vld [tilespmem:s14+$0xFFFFFFB0];
	v3 =	vshrl.u32 v4, $0x10;
	v10 =	vand.u32 $0xFFFF, v4  }
0xaf: {  	s13 =	sadd.s32 $0xA0, s13;
	v4 =	vshrl.u32 v5, $0x10;
	v11 =	vand.u32 $0xFFFF, v5;
	v18 =	vld.idx.msk [tilespmem:v23+s3+$0x0], $0xffff  }
0xb0: {  	v5 =	vshrl.u32 v6, $0x10;
	v12 =	vand.u32 $0xFFFF, v6;
	v25 =	vld [tilespmem:s13+$0x40]  }
0xb1: {  	v6 =	vshrl.u32 v7, $0x10;
	v13 =	vand.u32 $0xFFFF, v7;
	v19 =	vld.idx.msk [tilespmem:v24+s3+$0x0], $0xffff  }
0xb2: {  	v27 =	vshrl.u32 v15, $0x10;
	v7 =	vshrl.u32 v14, $0x10;
	v14 =	vand.u32 $0xFFFF, v14;
	v26 =	vld [tilespmem:s8+$0x16000]  }
0xb3: {  	v15 =	vshrl.u32 v16, $0x10;
	v16 =	vand.u32 $0xFFFF, v16;
	v28 =	vld.idx.msk [tilespmem:v8+s3+$0x0], $0xffff  }
0xb4: {  	v30 =	vshrl.u32 v17, $0x10;
	v29 =	vld.idx.msk [tilespmem:v9+s3+$0x0], $0xffff  }
0xb5: {  	v31 =	vld.idx.msk [tilespmem:v10+s3+$0x0], $0xffff;
	v17 =	vmul.f32 v18, v25  }
0xb6: {  	v32 =	vld.idx.msk [tilespmem:v11+s3+$0x0], $0xffff  }
0xb7: {  	v18 =	vmul.f32 v19, v26;
	[tilespmem:v27+s23+$0x0] =	vst.idx.add.f32.msk $0xffff, v17  }
0xb8: {  	v17 =	vld.idx.msk [tilespmem:v23+s24+$0x0], $0xffff  }
0xb9: {  	[tilespmem:v30+s23+$0x0] =	vst.idx.add.f32.msk $0xffff, v18  }
0xba: {  	v18 =	vld.idx.msk [tilespmem:v24+s24+$0x0], $0xffff  }
0xbb: {  	v19 =	vld.idx.msk [tilespmem:v16+s3+$0x0], $0xffff  }
0xbc: {  	v33 =	vld.idx.msk [tilespmem:v12+s3+$0x0], $0xffff  }
0xbd: {  	v34 =	vld.idx.msk [tilespmem:v13+s3+$0x0], $0xffff  }
0xbe: {  	v20 =	vmul.f32 v17, v25;
	v35 =	vld.idx.msk [tilespmem:v14+s3+$0x0], $0xffff  }
0xbf: {  	v17 =	vld [tilespmem:s13+$0xFFFFFFB0]  }
0xc0: {  	v18 =	vmul.f32 v18, v26;
	[tilespmem:v27+s25+$0x0] =	vst.idx.add.f32.msk $0xffff, v20  }
0xc1: {  	v36 =	vld.idx.msk [tilespmem:v23+s26+$0x0], $0xffff  }
0xc2: {  	[tilespmem:v30+s25+$0x0] =	vst.idx.add.f32.msk $0xffff, v18  }
0xc3: {  	v37 =	vld.idx.msk [tilespmem:v24+s26+$0x0], $0xffff  }
0xc4: {  	v38 =	vmul.f32 v19, v17;
	v22 =	vld [tilespmem:s13+$0xFFFFFFC0]  }
0xc5: {  	v21 =	vld [tilespmem:s13+$0xFFFFFFD0]  }
0xc6: {  	v20 =	vld [tilespmem:s13+$0xFFFFFFE0]  }
0xc7: {  	v36 =	vmul.f32 v36, v25;
	v18 =	vld [tilespmem:s13+$0xFFFFFFF0]  }
0xc8: {  	v19 =	vld [tilespmem:s13+$0x0]  }
0xc9: {  	v37 =	vmul.f32 v37, v26;
	v28 =	vmul.f32 v28, v22;
	[tilespmem:v27+s28+$0x0] =	vst.idx.add.f32.msk $0xffff, v36  }
0xca: {  	v29 =	vmul.f32 v29, v21;
	v36 =	vld.idx.msk [tilespmem:v23+s29+$0x0], $0xffff  }
0xcb: {  	v31 =	vmul.f32 v31, v20;
	[tilespmem:v30+s28+$0x0] =	vst.idx.add.f32.msk $0xffff, v37  }
0xcc: {  	v32 =	vmul.f32 v32, v18;
	v37 =	vld.idx.msk [tilespmem:v24+s29+$0x0], $0xffff  }
0xcd: {  	v33 =	vmul.f32 v33, v19;
	v24 =	vld [tilespmem:s13+$0x10]  }
0xce: {  	v23 =	vld [tilespmem:s13+$0x20]  }
0xcf: {  	[tilespmem:v15+s23+$0x0] =	vst.idx.add.f32.msk $0xffff, v38  }
0xd0: {  	[tilespmem:v1+s23+$0x0] =	vst.idx.add.f32.msk $0xffff, v28  }
0xd1: {  	v25 =	vmul.f32 v36, v25;
	[tilespmem:v2+s23+$0x0] =	vst.idx.add.f32.msk $0xffff, v29  }
0xd2: {  	v26 =	vmul.f32 v37, v26;
	[tilespmem:v3+s23+$0x0] =	vst.idx.add.f32.msk $0xffff, v31;
	v28 =	vmul.f32 v34, v24  }
0xd3: {  	v29 =	vmul.f32 v35, v23;
	[tilespmem:v27+s30+$0x0] =	vst.idx.add.f32.msk $0xffff, v25  }
0xd4: {  	[tilespmem:v30+s30+$0x0] =	vst.idx.add.f32.msk $0xffff, v26  }
0xd5: {  	[tilespmem:v4+s23+$0x0] =	vst.idx.add.f32.msk $0xffff, v32  }
0xd6: {  	[tilespmem:v5+s23+$0x0] =	vst.idx.add.f32.msk $0xffff, v33  }
0xd7: {  	[tilespmem:v6+s23+$0x0] =	vst.idx.add.f32.msk $0xffff, v28  }
0xd8: {  	[tilespmem:v7+s23+$0x0] =	vst.idx.add.f32.msk $0xffff, v29  }
0xd9: {  	v25 =	vld.idx.msk [tilespmem:v16+s24+$0x0], $0xffff  }
0xda: {  	v26 =	vld.idx.msk [tilespmem:v8+s24+$0x0], $0xffff  }
0xdb: {  	v27 =	vld.idx.msk [tilespmem:v9+s24+$0x0], $0xffff  }
0xdc: {  	v28 =	vld.idx.msk [tilespmem:v10+s24+$0x0], $0xffff  }
0xdd: {  	v29 =	vld.idx.msk [tilespmem:v11+s24+$0x0], $0xffff  }
0xde: {  	v30 =	vld.idx.msk [tilespmem:v12+s24+$0x0], $0xffff  }
0xdf: {  	v25 =	vmul.f32 v25, v17;
	v31 =	vld.idx.msk [tilespmem:v13+s24+$0x0], $0xffff  }
0xe0: {  	v26 =	vmul.f32 v26, v22;
	v32 =	vld.idx.msk [tilespmem:v14+s24+$0x0], $0xffff  }
0xe1: {  	[tilespmem:v15+s25+$0x0] =	vst.idx.add.f32.msk $0xffff, v25;
	v25 =	vmul.f32 v27, v21  }
0xe2: {  	[tilespmem:v1+s25+$0x0] =	vst.idx.add.f32.msk $0xffff, v26;
	v26 =	vmul.f32 v28, v20  }
0xe3: {  	[tilespmem:v2+s25+$0x0] =	vst.idx.add.f32.msk $0xffff, v25;
	v25 =	vmul.f32 v29, v18  }
0xe4: {  	[tilespmem:v3+s25+$0x0] =	vst.idx.add.f32.msk $0xffff, v26;
	v26 =	vmul.f32 v30, v19  }
0xe5: {  	[tilespmem:v4+s25+$0x0] =	vst.idx.add.f32.msk $0xffff, v25;
	v25 =	vmul.f32 v31, v24  }
0xe6: {  	[tilespmem:v5+s25+$0x0] =	vst.idx.add.f32.msk $0xffff, v26;
	v26 =	vmul.f32 v32, v23  }
0xe7: {  	[tilespmem:v6+s25+$0x0] =	vst.idx.add.f32.msk $0xffff, v25  }
0xe8: {  	[tilespmem:v7+s25+$0x0] =	vst.idx.add.f32.msk $0xffff, v26  }
0xe9: {  	v25 =	vld.idx.msk [tilespmem:v16+s26+$0x0], $0xffff  }
0xea: {  	v26 =	vld.idx.msk [tilespmem:v8+s26+$0x0], $0xffff  }
0xeb: {  	v27 =	vld.idx.msk [tilespmem:v9+s26+$0x0], $0xffff  }
0xec: {  	v28 =	vld.idx.msk [tilespmem:v10+s26+$0x0], $0xffff  }
0xed: {  	v29 =	vld.idx.msk [tilespmem:v11+s26+$0x0], $0xffff  }
0xee: {  	v30 =	vld.idx.msk [tilespmem:v12+s26+$0x0], $0xffff  }
0xef: {  	v25 =	vmul.f32 v25, v17;
	v31 =	vld.idx.msk [tilespmem:v13+s26+$0x0], $0xffff  }
0xf0: {  	v26 =	vmul.f32 v26, v22;
	v32 =	vld.idx.msk [tilespmem:v14+s26+$0x0], $0xffff  }
0xf1: {  	[tilespmem:v15+s28+$0x0] =	vst.idx.add.f32.msk $0xffff, v25;
	v25 =	vmul.f32 v27, v21  }
0xf2: {  	[tilespmem:v1+s28+$0x0] =	vst.idx.add.f32.msk $0xffff, v26;
	v26 =	vmul.f32 v28, v20  }
0xf3: {  	[tilespmem:v2+s28+$0x0] =	vst.idx.add.f32.msk $0xffff, v25;
	v25 =	vmul.f32 v29, v18  }
0xf4: {  	[tilespmem:v3+s28+$0x0] =	vst.idx.add.f32.msk $0xffff, v26;
	v26 =	vmul.f32 v30, v19  }
0xf5: {  	[tilespmem:v4+s28+$0x0] =	vst.idx.add.f32.msk $0xffff, v25;
	v25 =	vmul.f32 v31, v24  }
0xf6: {  	[tilespmem:v5+s28+$0x0] =	vst.idx.add.f32.msk $0xffff, v26;
	v26 =	vmul.f32 v32, v23  }
0xf7: {  	[tilespmem:v6+s28+$0x0] =	vst.idx.add.f32.msk $0xffff, v25  }
0xf8: {  	[tilespmem:v7+s28+$0x0] =	vst.idx.add.f32.msk $0xffff, v26  }
0xf9: {  	v16 =	vld.idx.msk [tilespmem:v16+s29+$0x0], $0xffff  }
0xfa: {  	v8 =	vld.idx.msk [tilespmem:v8+s29+$0x0], $0xffff  }
0xfb: {  	v9 =	vld.idx.msk [tilespmem:v9+s29+$0x0], $0xffff  }
0xfc: {  	v10 =	vld.idx.msk [tilespmem:v10+s29+$0x0], $0xffff  }
0xfd: {  	v11 =	vld.idx.msk [tilespmem:v11+s29+$0x0], $0xffff  }
0xfe: {  	v12 =	vld.idx.msk [tilespmem:v12+s29+$0x0], $0xffff  }
0xff: {  	v16 =	vmul.f32 v16, v17;
	v13 =	vld.idx.msk [tilespmem:v13+s29+$0x0], $0xffff  }
0x100: {  	v8 =	vmul.f32 v8, v22;
	v14 =	vld.idx.msk [tilespmem:v14+s29+$0x0], $0xffff  }
0x101: {  	v9 =	vmul.f32 v9, v21;
	[tilespmem:v15+s30+$0x0] =	vst.idx.add.f32.msk $0xffff, v16  }
0x102: {  	[tilespmem:v1+s30+$0x0] =	vst.idx.add.f32.msk $0xffff, v8;
	v1 =	vmul.f32 v10, v20  }
0x103: {  	[tilespmem:v2+s30+$0x0] =	vst.idx.add.f32.msk $0xffff, v9;
	v2 =	vmul.f32 v11, v18  }
.Ltmp1:
0x104: {  	[tilespmem:v3+s30+$0x0] =	vst.idx.add.f32.msk $0xffff, v1;
	v1 =	vmul.f32 v12, v19;
	(pc) =	sbr.rel @p1 .LBB2_5-.Ltmp1, $4  }
0x105: {  	[tilespmem:v4+s30+$0x0] =	vst.idx.add.f32.msk $0xffff, v2;
	v2 =	vmul.f32 v13, v24  }
0x106: {  	[tilespmem:v5+s30+$0x0] =	vst.idx.add.f32.msk $0xffff, v1;
	v1 =	vmul.f32 v14, v23  }
0x107: {  	[tilespmem:v6+s30+$0x0] =	vst.idx.add.f32.msk $0xffff, v2  }
0x108: {  	s14 =	sadd.s32 $0xA0, s14;
	[tilespmem:v7+s30+$0x0] =	vst.idx.add.f32.msk $0xffff, v1  }
0x109: {  	_ =	swait.ge [sflag:s31], $0x1F40  }
0x10a: {  	[sflag:s31] =	ssyncset.done $0x0  }
0x10b: {  	p1 =	seq.s32 s7, $0x9;
	[sflag:s31] =	ssyncadd.s32 $0xFFFFE0C0  }
0x10c: {  	s0 =	sshrl.u32 @!p1 s10, $0x3;
	_ =	swait.ge [sflag:s31], $0x1F40  }
0x10d: {  	s10 =	simm.s32 @!p1 $0x0;
	s0 =	sadd.s32 @!p1 $0x7D0, s0;
	[sflag:s31] =	ssyncset.done $0x0  }
0x10e: {  	s11 =	simm.s32 @!p1 $0x14000;
	s8 =	sadd.s32 @!p1 s4, s0;
	[sflag:s31] =	ssyncadd.s32 $0xFFFFE0C0  }
0x10f: {  	[tilespmem:s11], [sflag:$0x1] =	stream.linear.gather @!p1 [hbm4b:s8+s10], $0x1F40, $0x38;
	[tilespmem:$0x1BE00] =	vst v63  }
0x110: {  	s14 =	simm.s32 $0x17F50;
	s0 =	sadd.s32 @!p1 s1, s0;
	s8 =	simm.s32 @!p1 $0x15F80  }
0x111: {  	[tilespmem:s8], [sflag:$0x1] =	stream.linear.gather @!p1 [hbm4b:s0+s10], $0x1F40, $0x38;
	[tilespmem:$0x1BE00] =	vst v63  }
0x112: {  	v1 =	vld [tilespmem:s14+$0x40]  }
0x113: {  	v2 =	vld [tilespmem:s14+$0xFFFFFFC0]  }
0x114: {  	v4 =	vld [tilespmem:s14+$0xFFFFFFD0]  }
0x115: {  	v5 =	vld [tilespmem:s14+$0xFFFFFFE0]  }
0x116: {  	v6 =	vld [tilespmem:s14+$0xFFFFFFF0]  }
0x117: {  	v8 =	vld [tilespmem:s14+$0x0]  }
0x118: {  	v9 =	vld [tilespmem:s14+$0x10]  }
0x119: {  	s10 =	simm.s32 $0x0;
	v11 =	vld [tilespmem:s14+$0x20]  }
0x11a: {  	s17 =	sand.u32 $0x1FE0, s10;
	v13 =	vld [tilespmem:s14+$0xFFFFFFB0]  }
0x11b: {  	s11 =	simm.s32 $0x19ED0;
	v3 =	vld [tilespmem:s17+$0x17F80]  }
0x11c: {  	v17 =	vld [tilespmem:s11+$0x40]  }
0x11d: {  	v33 =	vld [tilespmem:s11+$0xFFFFFFB0]  }
0x11e: {  	v34 =	vld [tilespmem:s11+$0xFFFFFFC0];
	v7 =	vand.u32 $0xFFFF, v1  }
0x11f: {  	v35 =	vld [tilespmem:s11+$0xFFFFFFD0]  }
0x120: {  	v36 =	vld [tilespmem:s11+$0xFFFFFFE0];
	v10 =	vand.u32 $0xFFFF, v3  }
0x121: {  	v37 =	vld [tilespmem:s11+$0xFFFFFFF0]  }
0x122: {  	v38 =	vld [tilespmem:s11+$0x0]  }
0x123: {  	v12 =	vand.u32 $0xFFFF, v2;
	v15 =	vld.idx.msk [tilespmem:v7+s3+$0x0], $0xffff  }
0x124: {  	v20 =	vld [tilespmem:s17+$0x19F00];
	v14 =	vand.u32 $0xFFFF, v4  }
0x125: {  	v1 =	vshrl.u32 v1, $0x10;
	v19 =	vld.idx.msk [tilespmem:v10+s3+$0x0], $0xffff  }
0x126: {  	v43 =	vld [tilespmem:s11+$0x10]  }
0x127: {  	v44 =	vld [tilespmem:s11+$0x20];
	v3 =	vshrl.u32 v3, $0x10  }
0x128: {  	v21 =	vld.idx.msk [tilespmem:v12+s3+$0x0], $0xffff;
	v15 =	vmul.f32 v15, v17  }
0x129: {  	v16 =	vand.u32 $0xFFFF, v5;
	v22 =	vld.idx.msk [tilespmem:v14+s3+$0x0], $0xffff  }
0x12a: {  	v18 =	vand.u32 $0xFFFF, v6;
	v19 =	vmul.f32 v19, v20;
	[tilespmem:v1+s23+$0x0] =	vst.idx.add.f32.msk $0xffff, v15  }
0x12b: {  	v24 =	vand.u32 $0xFFFF, v13;
	v27 =	vld.idx.msk [tilespmem:v7+s24+$0x0], $0xffff  }
0x12c: {  	v26 =	vand.u32 $0xFFFF, v8;
	[tilespmem:v3+s23+$0x0] =	vst.idx.add.f32.msk $0xffff, v19  }
0x12d: {  	v19 =	vld.idx.msk [tilespmem:v10+s24+$0x0], $0xffff  }
0x12e: {  	v23 =	vld.idx.msk [tilespmem:v16+s3+$0x0], $0xffff  }
0x12f: {  	v25 =	vld.idx.msk [tilespmem:v18+s3+$0x0], $0xffff  }
0x130: {  	v29 =	vld.idx.msk [tilespmem:v24+s3+$0x0], $0xffff;
	v27 =	vmul.f32 v27, v17  }
0x131: {  	v41 =	vand.u32 $0xFFFF, v9;
	v30 =	vld.idx.msk [tilespmem:v26+s3+$0x0], $0xffff  }
0x132: {  	v28 =	vand.u32 $0xFFFF, v11;
	v19 =	vmul.f32 v19, v20;
	[tilespmem:v1+s25+$0x0] =	vst.idx.add.f32.msk $0xffff, v27  }
0x133: {  	v13 =	vshrl.u32 v13, $0x10;
	v27 =	vld.idx.msk [tilespmem:v7+s26+$0x0], $0xffff  }
0x134: {  	v2 =	vshrl.u32 v2, $0x10;
	[tilespmem:v3+s25+$0x0] =	vst.idx.add.f32.msk $0xffff, v19  }
0x135: {  	v19 =	vld.idx.msk [tilespmem:v10+s26+$0x0], $0xffff  }
0x136: {  	v31 =	vld.idx.msk [tilespmem:v41+s3+$0x0], $0xffff;
	v42 =	vmul.f32 v29, v33  }
0x137: {  	v32 =	vld.idx.msk [tilespmem:v28+s3+$0x0], $0xffff;
	v21 =	vmul.f32 v21, v34  }
0x138: {  	[tilespmem:v13+s23+$0x0] =	vst.idx.add.f32.msk $0xffff, v42;
	v27 =	vmul.f32 v27, v17  }
0x139: {  	v4 =	vshrl.u32 v4, $0x10;
	[tilespmem:v2+s23+$0x0] =	vst.idx.add.f32.msk $0xffff, v21  }
0x13a: {  	v5 =	vshrl.u32 v5, $0x10;
	v19 =	vmul.f32 v19, v20;
	[tilespmem:v1+s28+$0x0] =	vst.idx.add.f32.msk $0xffff, v27  }
0x13b: {  	v6 =	vshrl.u32 v6, $0x10;
	v7 =	vld.idx.msk [tilespmem:v7+s29+$0x0], $0xffff  }
0x13c: {  	v11 =	vshrl.u32 v11, $0x10;
	v22 =	vmul.f32 v22, v35;
	[tilespmem:v3+s28+$0x0] =	vst.idx.add.f32.msk $0xffff, v19  }
0x13d: {  	v45 =	vmul.f32 v23, v36;
	v10 =	vld.idx.msk [tilespmem:v10+s29+$0x0], $0xffff  }
0x13e: {  	v46 =	vmul.f32 v25, v37;
	[tilespmem:v4+s23+$0x0] =	vst.idx.add.f32.msk $0xffff, v22  }
0x13f: {  	v47 =	vmul.f32 v32, v44;
	[tilespmem:v5+s23+$0x0] =	vst.idx.add.f32.msk $0xffff, v45  }
0x140: {  	v8 =	vshrl.u32 v8, $0x10;
	[tilespmem:v6+s23+$0x0] =	vst.idx.add.f32.msk $0xffff, v46  }
0x141: {  	[tilespmem:v11+s23+$0x0] =	vst.idx.add.f32.msk $0xffff, v47;
	v7 =	vmul.f32 v7, v17  }
0x142: {  	v9 =	vshrl.u32 v9, $0x10;
	v48 =	vld.idx.msk [tilespmem:v14+s24+$0x0], $0xffff;
	v10 =	vmul.f32 v10, v20  }
0x143: {  	[tilespmem:v1+s30+$0x0] =	vst.idx.add.f32.msk $0xffff, v7;
	v1 =	vmul.f32 v30, v38  }
0x144: {  	[tilespmem:v3+s30+$0x0] =	vst.idx.add.f32.msk $0xffff, v10  }
0x145: {  	v3 =	vmul.f32 v31, v43;
	[tilespmem:v8+s23+$0x0] =	vst.idx.add.f32.msk $0xffff, v1  }
0x146: {  	v1 =	vld.idx.msk [tilespmem:v24+s24+$0x0], $0xffff  }
0x147: {  	[tilespmem:v9+s23+$0x0] =	vst.idx.add.f32.msk $0xffff, v3  }
0x148: {  	v3 =	vld.idx.msk [tilespmem:v12+s24+$0x0], $0xffff  }
0x149: {  	v49 =	vld.idx.msk [tilespmem:v16+s24+$0x0], $0xffff  }
0x14a: {  	v52 =	vld.idx.msk [tilespmem:v28+s24+$0x0], $0xffff  }
0x14b: {  	v17 =	vld.idx.msk [tilespmem:v18+s24+$0x0], $0xffff  }
0x14c: {  	v50 =	vld.idx.msk [tilespmem:v26+s24+$0x0], $0xffff;
	v1 =	vmul.f32 v1, v33  }
0x14d: {  	v51 =	vld.idx.msk [tilespmem:v41+s24+$0x0], $0xffff;
	v3 =	vmul.f32 v3, v34  }
0x14e: {  	[tilespmem:v13+s25+$0x0] =	vst.idx.add.f32.msk $0xffff, v1;
	v1 =	vmul.f32 v48, v35  }
0x14f: {  	[tilespmem:v2+s25+$0x0] =	vst.idx.add.f32.msk $0xffff, v3;
	v3 =	vmul.f32 v49, v36  }
0x150: {  	[tilespmem:v4+s25+$0x0] =	vst.idx.add.f32.msk $0xffff, v1  }
0x151: {  	v1 =	vmul.f32 v17, v37;
	[tilespmem:v5+s25+$0x0] =	vst.idx.add.f32.msk $0xffff, v3  }
0x152: {  	v3 =	vmul.f32 v50, v38;
	v53 =	vld.idx.msk [tilespmem:v14+s26+$0x0], $0xffff  }
0x153: {  	[tilespmem:v6+s25+$0x0] =	vst.idx.add.f32.msk $0xffff, v1;
	v1 =	vmul.f32 v51, v43  }
0x154: {  	[tilespmem:v8+s25+$0x0] =	vst.idx.add.f32.msk $0xffff, v3  }
0x155: {  	v3 =	vmul.f32 v52, v44;
	[tilespmem:v9+s25+$0x0] =	vst.idx.add.f32.msk $0xffff, v1  }
0x156: {  	v1 =	vld.idx.msk [tilespmem:v24+s26+$0x0], $0xffff  }
0x157: {  	[tilespmem:v11+s25+$0x0] =	vst.idx.add.f32.msk $0xffff, v3  }
0x158: {  	v3 =	vld.idx.msk [tilespmem:v12+s26+$0x0], $0xffff  }
0x159: {  	v54 =	vld.idx.msk [tilespmem:v16+s26+$0x0], $0xffff  }
0x15a: {  	v55 =	vld.idx.msk [tilespmem:v18+s26+$0x0], $0xffff  }
0x15b: {  	v56 =	vld.idx.msk [tilespmem:v26+s26+$0x0], $0xffff  }
0x15c: {  	v57 =	vld.idx.msk [tilespmem:v41+s26+$0x0], $0xffff;
	v1 =	vmul.f32 v1, v33  }
0x15d: {  	v58 =	vld.idx.msk [tilespmem:v28+s26+$0x0], $0xffff;
	v3 =	vmul.f32 v3, v34  }
0x15e: {  	[tilespmem:v13+s28+$0x0] =	vst.idx.add.f32.msk $0xffff, v1;
	v1 =	vmul.f32 v53, v35  }
0x15f: {  	[tilespmem:v2+s28+$0x0] =	vst.idx.add.f32.msk $0xffff, v3;
	v3 =	vmul.f32 v54, v36  }
0x160: {  	[tilespmem:v4+s28+$0x0] =	vst.idx.add.f32.msk $0xffff, v1  }
0x161: {  	v1 =	vmul.f32 v55, v37;
	[tilespmem:v5+s28+$0x0] =	vst.idx.add.f32.msk $0xffff, v3  }
0x162: {  	v3 =	vmul.f32 v56, v38;
	v59 =	vld.idx.msk [tilespmem:v14+s29+$0x0], $0xffff  }
0x163: {  	[tilespmem:v6+s28+$0x0] =	vst.idx.add.f32.msk $0xffff, v1;
	v1 =	vmul.f32 v57, v43  }
0x164: {  	[tilespmem:v8+s28+$0x0] =	vst.idx.add.f32.msk $0xffff, v3  }
0x165: {  	v3 =	vmul.f32 v58, v44;
	[tilespmem:v9+s28+$0x0] =	vst.idx.add.f32.msk $0xffff, v1  }
0x166: {  	v1 =	vld.idx.msk [tilespmem:v24+s29+$0x0], $0xffff  }
0x167: {  	[tilespmem:v11+s28+$0x0] =	vst.idx.add.f32.msk $0xffff, v3  }
0x168: {  	v3 =	vld.idx.msk [tilespmem:v12+s29+$0x0], $0xffff  }
0x169: {  	v60 =	vld.idx.msk [tilespmem:v16+s29+$0x0], $0xffff  }
0x16a: {  	v61 =	vld.idx.msk [tilespmem:v18+s29+$0x0], $0xffff  }
0x16b: {  	v62 =	vld.idx.msk [tilespmem:v26+s29+$0x0], $0xffff  }
0x16c: {  	v15 =	vld.idx.msk [tilespmem:v41+s29+$0x0], $0xffff;
	v1 =	vmul.f32 v1, v33  }
0x16d: {  	v63 =	vld.idx.msk [tilespmem:v28+s29+$0x0], $0xffff;
	v3 =	vmul.f32 v3, v34  }
0x16e: {  	[tilespmem:v13+s30+$0x0] =	vst.idx.add.f32.msk $0xffff, v1;
	v1 =	vmul.f32 v59, v35  }
0x16f: {  	[tilespmem:v2+s30+$0x0] =	vst.idx.add.f32.msk $0xffff, v3;
	v2 =	vmul.f32 v60, v36  }
0x170: {  	[tilespmem:v4+s30+$0x0] =	vst.idx.add.f32.msk $0xffff, v1;
	v1 =	vmul.f32 v61, v37  }
0x171: {  	[tilespmem:v5+s30+$0x0] =	vst.idx.add.f32.msk $0xffff, v2;
	v2 =	vmul.f32 v62, v38  }
0x172: {  	[tilespmem:v6+s30+$0x0] =	vst.idx.add.f32.msk $0xffff, v1;
	v1 =	vmul.f32 v15, v43  }
0x173: {  	[tilespmem:v8+s30+$0x0] =	vst.idx.add.f32.msk $0xffff, v2;
	v2 =	vmul.f32 v63, v44  }
0x174: {  	[tilespmem:v9+s30+$0x0] =	vst.idx.add.f32.msk $0xffff, v1  }
0x175: {  	s13 =	simm.s32 $0x17FF0;
	s0 =	simm.s32 $0x0;
	[tilespmem:v11+s30+$0x0] =	vst.idx.add.f32.msk $0xffff, v2  }
.LBB2_7:
0x176: {  	v15 =	vld [tilespmem:s13+$0x40];
	s10 =	sadd.s32 $0xA0, s10  }
0x177: {  	s0 =	sadd.s32 $0xA, s0;
	v2 =	vld [tilespmem:s13+$0xFFFFFFC0];
	s8 =	sand.u32 $0x1FE0, s10  }
0x178: {  	p1 =	slt.u32 s0, $0x1EA;
	v17 =	vld [tilespmem:s8+$0x17F80]  }
0x179: {  	v3 =	vld [tilespmem:s13+$0xFFFFFFD0]  }
0x17a: {  	v4 =	vld [tilespmem:s13+$0xFFFFFFE0]  }
0x17b: {  	v5 =	vld [tilespmem:s13+$0xFFFFFFF0];
	v23 =	vand.u32 $0xFFFF, v15  }
0x17c: {  	v1 =	vshrl.u32 v2, $0x10;
	v8 =	vand.u32 $0xFFFF, v2;
	v6 =	vld [tilespmem:s13+$0x0]  }
0x17d: {  	v7 =	vld [tilespmem:s13+$0x10];
	v24 =	vand.u32 $0xFFFF, v17  }
0x17e: {  	v2 =	vshrl.u32 v3, $0x10;
	v9 =	vand.u32 $0xFFFF, v3;
	v14 =	vld [tilespmem:s13+$0x20]  }
0x17f: {  	v16 =	vld [tilespmem:s13+$0xFFFFFFB0];
	v3 =	vshrl.u32 v4, $0x10;
	v10 =	vand.u32 $0xFFFF, v4  }
0x180: {  	s11 =	sadd.s32 $0xA0, s11;
	v4 =	vshrl.u32 v5, $0x10;
	v11 =	vand.u32 $0xFFFF, v5;
	v18 =	vld.idx.msk [tilespmem:v23+s3+$0x0], $0xffff  }
0x181: {  	v5 =	vshrl.u32 v6, $0x10;
	v12 =	vand.u32 $0xFFFF, v6;
	v25 =	vld [tilespmem:s11+$0x40]  }
0x182: {  	v6 =	vshrl.u32 v7, $0x10;
	v13 =	vand.u32 $0xFFFF, v7;
	v19 =	vld.idx.msk [tilespmem:v24+s3+$0x0], $0xffff  }
0x183: {  	v27 =	vshrl.u32 v15, $0x10;
	v7 =	vshrl.u32 v14, $0x10;
	v14 =	vand.u32 $0xFFFF, v14;
	v26 =	vld [tilespmem:s8+$0x19F00]  }
0x184: {  	v15 =	vshrl.u32 v16, $0x10;
	v16 =	vand.u32 $0xFFFF, v16;
	v28 =	vld.idx.msk [tilespmem:v8+s3+$0x0], $0xffff  }
0x185: {  	v30 =	vshrl.u32 v17, $0x10;
	v29 =	vld.idx.msk [tilespmem:v9+s3+$0x0], $0xffff  }
0x186: {  	v31 =	vld.idx.msk [tilespmem:v10+s3+$0x0], $0xffff;
	v17 =	vmul.f32 v18, v25  }
0x187: {  	v32 =	vld.idx.msk [tilespmem:v11+s3+$0x0], $0xffff  }
0x188: {  	v18 =	vmul.f32 v19, v26;
	[tilespmem:v27+s23+$0x0] =	vst.idx.add.f32.msk $0xffff, v17  }
0x189: {  	v17 =	vld.idx.msk [tilespmem:v23+s24+$0x0], $0xffff  }
0x18a: {  	[tilespmem:v30+s23+$0x0] =	vst.idx.add.f32.msk $0xffff, v18  }
0x18b: {  	v18 =	vld.idx.msk [tilespmem:v24+s24+$0x0], $0xffff  }
0x18c: {  	v19 =	vld.idx.msk [tilespmem:v16+s3+$0x0], $0xffff  }
0x18d: {  	v33 =	vld.idx.msk [tilespmem:v12+s3+$0x0], $0xffff  }
0x18e: {  	v34 =	vld.idx.msk [tilespmem:v13+s3+$0x0], $0xffff  }
0x18f: {  	v20 =	vmul.f32 v17, v25;
	v35 =	vld.idx.msk [tilespmem:v14+s3+$0x0], $0xffff  }
0x190: {  	v17 =	vld [tilespmem:s11+$0xFFFFFFB0]  }
0x191: {  	v18 =	vmul.f32 v18, v26;
	[tilespmem:v27+s25+$0x0] =	vst.idx.add.f32.msk $0xffff, v20  }
0x192: {  	v36 =	vld.idx.msk [tilespmem:v23+s26+$0x0], $0xffff  }
0x193: {  	[tilespmem:v30+s25+$0x0] =	vst.idx.add.f32.msk $0xffff, v18  }
0x194: {  	v37 =	vld.idx.msk [tilespmem:v24+s26+$0x0], $0xffff  }
0x195: {  	v38 =	vmul.f32 v19, v17;
	v22 =	vld [tilespmem:s11+$0xFFFFFFC0]  }
0x196: {  	v21 =	vld [tilespmem:s11+$0xFFFFFFD0]  }
0x197: {  	v20 =	vld [tilespmem:s11+$0xFFFFFFE0]  }
0x198: {  	v36 =	vmul.f32 v36, v25;
	v18 =	vld [tilespmem:s11+$0xFFFFFFF0]  }
0x199: {  	v19 =	vld [tilespmem:s11+$0x0]  }
0x19a: {  	v37 =	vmul.f32 v37, v26;
	v28 =	vmul.f32 v28, v22;
	[tilespmem:v27+s28+$0x0] =	vst.idx.add.f32.msk $0xffff, v36  }
0x19b: {  	v29 =	vmul.f32 v29, v21;
	v36 =	vld.idx.msk [tilespmem:v23+s29+$0x0], $0xffff  }
0x19c: {  	v31 =	vmul.f32 v31, v20;
	[tilespmem:v30+s28+$0x0] =	vst.idx.add.f32.msk $0xffff, v37  }
0x19d: {  	v32 =	vmul.f32 v32, v18;
	v37 =	vld.idx.msk [tilespmem:v24+s29+$0x0], $0xffff  }
0x19e: {  	v33 =	vmul.f32 v33, v19;
	v24 =	vld [tilespmem:s11+$0x10]  }
0x19f: {  	v23 =	vld [tilespmem:s11+$0x20]  }
0x1a0: {  	[tilespmem:v15+s23+$0x0] =	vst.idx.add.f32.msk $0xffff, v38  }
0x1a1: {  	[tilespmem:v1+s23+$0x0] =	vst.idx.add.f32.msk $0xffff, v28  }
0x1a2: {  	v25 =	vmul.f32 v36, v25;
	[tilespmem:v2+s23+$0x0] =	vst.idx.add.f32.msk $0xffff, v29  }
0x1a3: {  	v26 =	vmul.f32 v37, v26;
	[tilespmem:v3+s23+$0x0] =	vst.idx.add.f32.msk $0xffff, v31;
	v28 =	vmul.f32 v34, v24  }
0x1a4: {  	v29 =	vmul.f32 v35, v23;
	[tilespmem:v27+s30+$0x0] =	vst.idx.add.f32.msk $0xffff, v25  }
0x1a5: {  	[tilespmem:v30+s30+$0x0] =	vst.idx.add.f32.msk $0xffff, v26  }
0x1a6: {  	[tilespmem:v4+s23+$0x0] =	vst.idx.add.f32.msk $0xffff, v32  }
0x1a7: {  	[tilespmem:v5+s23+$0x0] =	vst.idx.add.f32.msk $0xffff, v33  }
0x1a8: {  	[tilespmem:v6+s23+$0x0] =	vst.idx.add.f32.msk $0xffff, v28  }
0x1a9: {  	[tilespmem:v7+s23+$0x0] =	vst.idx.add.f32.msk $0xffff, v29  }
0x1aa: {  	v25 =	vld.idx.msk [tilespmem:v16+s24+$0x0], $0xffff  }
0x1ab: {  	v26 =	vld.idx.msk [tilespmem:v8+s24+$0x0], $0xffff  }
0x1ac: {  	v27 =	vld.idx.msk [tilespmem:v9+s24+$0x0], $0xffff  }
0x1ad: {  	v28 =	vld.idx.msk [tilespmem:v10+s24+$0x0], $0xffff  }
0x1ae: {  	v29 =	vld.idx.msk [tilespmem:v11+s24+$0x0], $0xffff  }
0x1af: {  	v30 =	vld.idx.msk [tilespmem:v12+s24+$0x0], $0xffff  }
0x1b0: {  	v25 =	vmul.f32 v25, v17;
	v31 =	vld.idx.msk [tilespmem:v13+s24+$0x0], $0xffff  }
0x1b1: {  	v26 =	vmul.f32 v26, v22;
	v32 =	vld.idx.msk [tilespmem:v14+s24+$0x0], $0xffff  }
0x1b2: {  	[tilespmem:v15+s25+$0x0] =	vst.idx.add.f32.msk $0xffff, v25;
	v25 =	vmul.f32 v27, v21  }
0x1b3: {  	[tilespmem:v1+s25+$0x0] =	vst.idx.add.f32.msk $0xffff, v26;
	v26 =	vmul.f32 v28, v20  }
0x1b4: {  	[tilespmem:v2+s25+$0x0] =	vst.idx.add.f32.msk $0xffff, v25;
	v25 =	vmul.f32 v29, v18  }
0x1b5: {  	[tilespmem:v3+s25+$0x0] =	vst.idx.add.f32.msk $0xffff, v26;
	v26 =	vmul.f32 v30, v19  }
0x1b6: {  	[tilespmem:v4+s25+$0x0] =	vst.idx.add.f32.msk $0xffff, v25;
	v25 =	vmul.f32 v31, v24  }
0x1b7: {  	[tilespmem:v5+s25+$0x0] =	vst.idx.add.f32.msk $0xffff, v26;
	v26 =	vmul.f32 v32, v23  }
0x1b8: {  	[tilespmem:v6+s25+$0x0] =	vst.idx.add.f32.msk $0xffff, v25  }
0x1b9: {  	[tilespmem:v7+s25+$0x0] =	vst.idx.add.f32.msk $0xffff, v26  }
0x1ba: {  	v25 =	vld.idx.msk [tilespmem:v16+s26+$0x0], $0xffff  }
0x1bb: {  	v26 =	vld.idx.msk [tilespmem:v8+s26+$0x0], $0xffff  }
0x1bc: {  	v27 =	vld.idx.msk [tilespmem:v9+s26+$0x0], $0xffff  }
0x1bd: {  	v28 =	vld.idx.msk [tilespmem:v10+s26+$0x0], $0xffff  }
0x1be: {  	v29 =	vld.idx.msk [tilespmem:v11+s26+$0x0], $0xffff  }
0x1bf: {  	v30 =	vld.idx.msk [tilespmem:v12+s26+$0x0], $0xffff  }
0x1c0: {  	v25 =	vmul.f32 v25, v17;
	v31 =	vld.idx.msk [tilespmem:v13+s26+$0x0], $0xffff  }
0x1c1: {  	v26 =	vmul.f32 v26, v22;
	v32 =	vld.idx.msk [tilespmem:v14+s26+$0x0], $0xffff  }
0x1c2: {  	[tilespmem:v15+s28+$0x0] =	vst.idx.add.f32.msk $0xffff, v25;
	v25 =	vmul.f32 v27, v21  }
0x1c3: {  	[tilespmem:v1+s28+$0x0] =	vst.idx.add.f32.msk $0xffff, v26;
	v26 =	vmul.f32 v28, v20  }
0x1c4: {  	[tilespmem:v2+s28+$0x0] =	vst.idx.add.f32.msk $0xffff, v25;
	v25 =	vmul.f32 v29, v18  }
0x1c5: {  	[tilespmem:v3+s28+$0x0] =	vst.idx.add.f32.msk $0xffff, v26;
	v26 =	vmul.f32 v30, v19  }
0x1c6: {  	[tilespmem:v4+s28+$0x0] =	vst.idx.add.f32.msk $0xffff, v25;
	v25 =	vmul.f32 v31, v24  }
0x1c7: {  	[tilespmem:v5+s28+$0x0] =	vst.idx.add.f32.msk $0xffff, v26;
	v26 =	vmul.f32 v32, v23  }
0x1c8: {  	[tilespmem:v6+s28+$0x0] =	vst.idx.add.f32.msk $0xffff, v25  }
0x1c9: {  	[tilespmem:v7+s28+$0x0] =	vst.idx.add.f32.msk $0xffff, v26  }
0x1ca: {  	v16 =	vld.idx.msk [tilespmem:v16+s29+$0x0], $0xffff  }
0x1cb: {  	v8 =	vld.idx.msk [tilespmem:v8+s29+$0x0], $0xffff  }
0x1cc: {  	v9 =	vld.idx.msk [tilespmem:v9+s29+$0x0], $0xffff  }
0x1cd: {  	v10 =	vld.idx.msk [tilespmem:v10+s29+$0x0], $0xffff  }
0x1ce: {  	v11 =	vld.idx.msk [tilespmem:v11+s29+$0x0], $0xffff  }
0x1cf: {  	v12 =	vld.idx.msk [tilespmem:v12+s29+$0x0], $0xffff  }
0x1d0: {  	v16 =	vmul.f32 v16, v17;
	v13 =	vld.idx.msk [tilespmem:v13+s29+$0x0], $0xffff  }
0x1d1: {  	v8 =	vmul.f32 v8, v22;
	v14 =	vld.idx.msk [tilespmem:v14+s29+$0x0], $0xffff  }
0x1d2: {  	v9 =	vmul.f32 v9, v21;
	[tilespmem:v15+s30+$0x0] =	vst.idx.add.f32.msk $0xffff, v16  }
0x1d3: {  	[tilespmem:v1+s30+$0x0] =	vst.idx.add.f32.msk $0xffff, v8;
	v1 =	vmul.f32 v10, v20  }
0x1d4: {  	[tilespmem:v2+s30+$0x0] =	vst.idx.add.f32.msk $0xffff, v9;
	v2 =	vmul.f32 v11, v18  }
.Ltmp2:
0x1d5: {  	[tilespmem:v3+s30+$0x0] =	vst.idx.add.f32.msk $0xffff, v1;
	v1 =	vmul.f32 v12, v19;
	(pc) =	sbr.rel @p1 .LBB2_7-.Ltmp2, $4  }
0x1d6: {  	[tilespmem:v4+s30+$0x0] =	vst.idx.add.f32.msk $0xffff, v2;
	v2 =	vmul.f32 v13, v24  }
0x1d7: {  	[tilespmem:v5+s30+$0x0] =	vst.idx.add.f32.msk $0xffff, v1;
	v1 =	vmul.f32 v14, v23  }
0x1d8: {  	[tilespmem:v6+s30+$0x0] =	vst.idx.add.f32.msk $0xffff, v2  }
0x1d9: {  	s13 =	sadd.s32 $0xA0, s13;
	[tilespmem:v7+s30+$0x0] =	vst.idx.add.f32.msk $0xffff, v1  }
0x1da: {  	s7 =	sadd.s32 $0x1, s7  }
0x1db: {  	p1 =	sne.s32 s7, $0xA  }
.Ltmp3:
0x1dc: {  	_ = 	snop;
	(pc) =	sbr.rel @p1 .LBB2_4-.Ltmp3, $1  }
0x1dd: {  	_ =	sdelay $0x3  }
0x1de: {  	s7 =	smul.u32 $0x500000, s2;
	_ =	sdelay $0x1  }
0x1df: {  	s0 =	sor.u32 s7, s5  }
0x1e0: {  	s0 =	sshrl.u32 s0, $0x3  }
0x1e1: {  	s0 =	sadd.s32 s6, s0  }
0x1e2: {  	[hbm4b:s0+s15] =	stream.strided.scatter [tilespmem:s23], [sflag:$0x3], $0xA000, s16, s15, $0x38;
	[tilespmem:$0x1BE00] =	vst v63  }
0x1e3: {  	s0 =	simm.s32 @!p0 $0x3  }
0x1e4: {  	_ =	swait.ge @!p0 [sflag:s0], $0xA000  }
0x1e5: {  	[sflag:s0] =	ssyncset.done @!p0 $0x0  }
0x1e6: {  	s10 =	simm.s32 $0x0;
	[sflag:s0] =	ssyncadd.s32 @!p0 $0xFFFF6000  }
0x1e7: {  	[tilespmem:s18], [sflag:$0x1] =	stream.linear.gather [hbm4b:s4+s10], $0x1F40, $0x38;
	[tilespmem:$0x1BE00] =	vst v63  }
0x1e8: {  	s17 =	simm.s32 $0x50  }
0x1e9: {  	[tilespmem:s19], [sflag:$0x1] =	stream.linear.gather [hbm4b:s1+s10], $0x1F40, $0x38;
	[tilespmem:$0x1BE00] =	vst v63  }
0x1ea: {  	[tilespmem:s17+$0xFFFFFFC0] =	vst v0  }
0x1eb: {  	[tilespmem:s17+$0xFFFFFFD0] =	vst v0  }
0x1ec: {  	[tilespmem:s17+$0xFFFFFFE0] =	vst v0  }
0x1ed: {  	[tilespmem:s17+$0xFFFFFFF0] =	vst v0  }
0x1ee: {  	[tilespmem:s17+$0x0] =	vst v0  }
0x1ef: {  	[tilespmem:s17+$0x10] =	vst v0  }
0x1f0: {  	[tilespmem:s17+$0x20] =	vst v0  }
0x1f1: {  	[tilespmem:s17+$0x40] =	vst v0  }
0x1f2: {  	s8 =	sand.u32 $0xFFE0, s10;
	[tilespmem:s17+$0xFFFFFFB0] =	vst v0  }
0x1f3: {  	s11 =	simm.s32 $0x0;
	s0 =	simm.s32 $0x0;
	[tilespmem:s8+$0x80] =	vst v0;
	s8 =	simm.s32 $0xF0  }
.LBB2_10:
0x1f4: {  	[tilespmem:s8+$0xFFFFFFC0] =	vst v0  }
0x1f5: {  	[tilespmem:s8+$0xFFFFFFD0] =	vst v0  }
0x1f6: {  	[tilespmem:s8+$0xFFFFFFE0] =	vst v0  }
0x1f7: {  	s0 =	sadd.s32 $0xA, s0;
	[tilespmem:s8+$0xFFFFFFF0] =	vst v0  }
0x1f8: {  	p0 =	slt.u32 s0, $0x9F6;
	[tilespmem:s8+$0x0] =	vst v0  }
.Ltmp4:
0x1f9: {  	[tilespmem:s8+$0x10] =	vst v0;
	(pc) =	sbr.rel @p0 .LBB2_10-.Ltmp4, $4  }
0x1fa: {  	[tilespmem:s8+$0x20] =	vst v0  }
0x1fb: {  	s11 =	sadd.s32 $0xA0, s11;
	[tilespmem:s8+$0x40] =	vst v0  }
0x1fc: {  	s13 =	sand.u32 $0xFFE0, s11;
	[tilespmem:s8+$0xFFFFFFB0] =	vst v0  }
0x1fd: {  	s8 =	sadd.s32 $0xA0, s8;
	[tilespmem:s13+$0x80] =	vst v0  }
.LBB2_11:
0x1fe: {  	_ =	swait.ge [sflag:s20], $0x1F40  }
0x1ff: {  	s11 =	smul.u32 $0x3E80, s10;
	[sflag:s20] =	ssyncset.done $0x0  }
0x200: {  	[sflag:s20] =	ssyncadd.s32 $0xFFFFE0C0  }
0x201: {  	s0 =	sshrl.u32 s11, $0x3;
	_ =	swait.ge [sflag:s20], $0x1F40  }
0x202: {  	s0 =	sadd.s32 $0x3E8, s0;
	[sflag:s20] =	ssyncset.done $0x0  }
0x203: {  	s13 =	simm.s32 $0x0;
	s8 =	sadd.s32 s4, s0;
	[sflag:s20] =	ssyncadd.s32 $0xFFFFE0C0  }
0x204: {  	[tilespmem:s21], [sflag:$0x2] =	stream.linear.gather [hbm4b:s8+s13], $0x1F40, $0x38;
	[tilespmem:$0x1BE00] =	vst v63  }
0x205: {  	s14 =	simm.s32 $0x14050;
	s0 =	sadd.s32 s1, s0  }
0x206: {  	[tilespmem:s22], [sflag:$0x2] =	stream.linear.gather [hbm4b:s0+s13], $0x1F40, $0x38;
	[tilespmem:$0x1BE00] =	vst v63  }
0x207: {  	v1 =	vld [tilespmem:s14+$0x40]  }
0x208: {  	s17 =	sand.u32 $0x1FE0, s13;
	v2 =	vld [tilespmem:s14+$0xFFFFFFC0]  }
0x209: {  	v3 =	vld [tilespmem:s17+$0x14080]  }
0x20a: {  	v4 =	vld [tilespmem:s14+$0xFFFFFFD0]  }
0x20b: {  	v5 =	vld [tilespmem:s14+$0xFFFFFFE0]  }
0x20c: {  	v6 =	vld [tilespmem:s14+$0xFFFFFFF0]  }
0x20d: {  	v8 =	vld [tilespmem:s14+$0x0]  }
0x20e: {  	v9 =	vld [tilespmem:s14+$0x10]  }
0x20f: {  	v11 =	vld [tilespmem:s14+$0x20]  }
0x210: {  	v13 =	vld [tilespmem:s14+$0xFFFFFFB0]  }
0x211: {  	s14 =	simm.s32 $0x15FD0;
	v20 =	vld [tilespmem:s17+$0x16000];
	v7 =	vand.u32 $0xFFFF, v1  }
0x212: {  	v17 =	vld [tilespmem:s14+$0x40];
	v10 =	vand.u32 $0xFFFF, v3  }
0x213: {  	v33 =	vld [tilespmem:s14+$0xFFFFFFB0]  }
0x214: {  	v34 =	vld [tilespmem:s14+$0xFFFFFFC0]  }
0x215: {  	v35 =	vld [tilespmem:s14+$0xFFFFFFD0]  }
0x216: {  	v15 =	vld.idx.msk [tilespmem:v7+s23+$0x0], $0xffff  }
0x217: {  	v19 =	vld.idx.msk [tilespmem:v10+s23+$0x0], $0xffff  }
0x218: {  	v36 =	vld [tilespmem:s14+$0xFFFFFFE0];
	v1 =	vshrl.u32 v1, $0x10  }
0x219: {  	v37 =	vld [tilespmem:s14+$0xFFFFFFF0];
	v3 =	vshrl.u32 v3, $0x10  }
0x21a: {  	v38 =	vld [tilespmem:s14+$0x0]  }
0x21b: {  	v43 =	vld [tilespmem:s14+$0x10];
	v15 =	vmul.f32 v15, v17  }
0x21c: {  	v44 =	vld [tilespmem:s14+$0x20];
	v12 =	vand.u32 $0xFFFF, v2;
	v19 =	vmul.f32 v19, v20  }
0x21d: {  	v14 =	vand.u32 $0xFFFF, v4;
	[tilespmem:v1+s3+$0x0] =	vst.idx.add.f32.msk $0xffff, v15  }
0x21e: {  	v16 =	vand.u32 $0xFFFF, v5;
	[tilespmem:v3+s3+$0x0] =	vst.idx.add.f32.msk $0xffff, v19  }
0x21f: {  	v18 =	vand.u32 $0xFFFF, v6;
	v27 =	vld.idx.msk [tilespmem:v7+s25+$0x0], $0xffff  }
0x220: {  	v24 =	vand.u32 $0xFFFF, v13;
	v19 =	vld.idx.msk [tilespmem:v10+s25+$0x0], $0xffff  }
0x221: {  	v21 =	vld.idx.msk [tilespmem:v12+s23+$0x0], $0xffff  }
0x222: {  	v22 =	vld.idx.msk [tilespmem:v14+s23+$0x0], $0xffff  }
0x223: {  	v23 =	vld.idx.msk [tilespmem:v16+s23+$0x0], $0xffff  }
0x224: {  	v25 =	vld.idx.msk [tilespmem:v18+s23+$0x0], $0xffff;
	v27 =	vmul.f32 v27, v17  }
0x225: {  	v26 =	vand.u32 $0xFFFF, v8;
	v29 =	vld.idx.msk [tilespmem:v24+s23+$0x0], $0xffff;
	v19 =	vmul.f32 v19, v20  }
0x226: {  	v41 =	vand.u32 $0xFFFF, v9;
	[tilespmem:v1+s24+$0x0] =	vst.idx.add.f32.msk $0xffff, v27  }
0x227: {  	v28 =	vand.u32 $0xFFFF, v11;
	[tilespmem:v3+s24+$0x0] =	vst.idx.add.f32.msk $0xffff, v19  }
0x228: {  	v13 =	vshrl.u32 v13, $0x10;
	v27 =	vld.idx.msk [tilespmem:v7+s28+$0x0], $0xffff  }
0x229: {  	v2 =	vshrl.u32 v2, $0x10;
	v19 =	vld.idx.msk [tilespmem:v10+s28+$0x0], $0xffff  }
0x22a: {  	v30 =	vld.idx.msk [tilespmem:v26+s23+$0x0], $0xffff  }
0x22b: {  	v31 =	vld.idx.msk [tilespmem:v41+s23+$0x0], $0xffff;
	v42 =	vmul.f32 v29, v33  }
0x22c: {  	v32 =	vld.idx.msk [tilespmem:v28+s23+$0x0], $0xffff;
	v21 =	vmul.f32 v21, v34  }
0x22d: {  	[tilespmem:v13+s3+$0x0] =	vst.idx.add.f32.msk $0xffff, v42;
	v27 =	vmul.f32 v27, v17  }
0x22e: {  	v4 =	vshrl.u32 v4, $0x10;
	[tilespmem:v2+s3+$0x0] =	vst.idx.add.f32.msk $0xffff, v21;
	v19 =	vmul.f32 v19, v20  }
0x22f: {  	v5 =	vshrl.u32 v5, $0x10;
	[tilespmem:v1+s26+$0x0] =	vst.idx.add.f32.msk $0xffff, v27  }
0x230: {  	v6 =	vshrl.u32 v6, $0x10;
	[tilespmem:v3+s26+$0x0] =	vst.idx.add.f32.msk $0xffff, v19  }
0x231: {  	v11 =	vshrl.u32 v11, $0x10;
	v22 =	vmul.f32 v22, v35;
	v7 =	vld.idx.msk [tilespmem:v7+s30+$0x0], $0xffff  }
0x232: {  	v45 =	vmul.f32 v23, v36;
	v10 =	vld.idx.msk [tilespmem:v10+s30+$0x0], $0xffff  }
0x233: {  	v46 =	vmul.f32 v25, v37;
	[tilespmem:v4+s3+$0x0] =	vst.idx.add.f32.msk $0xffff, v22  }
0x234: {  	v47 =	vmul.f32 v32, v44;
	[tilespmem:v5+s3+$0x0] =	vst.idx.add.f32.msk $0xffff, v45  }
0x235: {  	v8 =	vshrl.u32 v8, $0x10;
	[tilespmem:v6+s3+$0x0] =	vst.idx.add.f32.msk $0xffff, v46  }
0x236: {  	v9 =	vshrl.u32 v9, $0x10;
	[tilespmem:v11+s3+$0x0] =	vst.idx.add.f32.msk $0xffff, v47;
	v7 =	vmul.f32 v7, v17  }
0x237: {  	v48 =	vld.idx.msk [tilespmem:v14+s25+$0x0], $0xffff;
	v10 =	vmul.f32 v10, v20  }
0x238: {  	[tilespmem:v1+s29+$0x0] =	vst.idx.add.f32.msk $0xffff, v7;
	v1 =	vmul.f32 v30, v38  }
0x239: {  	[tilespmem:v3+s29+$0x0] =	vst.idx.add.f32.msk $0xffff, v10;
	v3 =	vmul.f32 v31, v43  }
0x23a: {  	[tilespmem:v8+s3+$0x0] =	vst.idx.add.f32.msk $0xffff, v1  }
0x23b: {  	[tilespmem:v9+s3+$0x0] =	vst.idx.add.f32.msk $0xffff, v3  }
0x23c: {  	v1 =	vld.idx.msk [tilespmem:v24+s25+$0x0], $0xffff  }
0x23d: {  	v3 =	vld.idx.msk [tilespmem:v12+s25+$0x0], $0xffff  }
0x23e: {  	v49 =	vld.idx.msk [tilespmem:v16+s25+$0x0], $0xffff  }
0x23f: {  	v52 =	vld.idx.msk [tilespmem:v28+s25+$0x0], $0xffff  }
0x240: {  	v17 =	vld.idx.msk [tilespmem:v18+s25+$0x0], $0xffff  }
0x241: {  	v50 =	vld.idx.msk [tilespmem:v26+s25+$0x0], $0xffff;
	v1 =	vmul.f32 v1, v33  }
0x242: {  	v51 =	vld.idx.msk [tilespmem:v41+s25+$0x0], $0xffff;
	v3 =	vmul.f32 v3, v34  }
0x243: {  	[tilespmem:v13+s24+$0x0] =	vst.idx.add.f32.msk $0xffff, v1;
	v1 =	vmul.f32 v48, v35  }
0x244: {  	[tilespmem:v2+s24+$0x0] =	vst.idx.add.f32.msk $0xffff, v3;
	v3 =	vmul.f32 v49, v36  }
0x245: {  	[tilespmem:v4+s24+$0x0] =	vst.idx.add.f32.msk $0xffff, v1  }
0x246: {  	v1 =	vmul.f32 v17, v37;
	[tilespmem:v5+s24+$0x0] =	vst.idx.add.f32.msk $0xffff, v3  }
0x247: {  	v3 =	vmul.f32 v50, v38;
	v53 =	vld.idx.msk [tilespmem:v14+s28+$0x0], $0xffff  }
0x248: {  	[tilespmem:v6+s24+$0x0] =	vst.idx.add.f32.msk $0xffff, v1;
	v1 =	vmul.f32 v51, v43  }
0x249: {  	[tilespmem:v8+s24+$0x0] =	vst.idx.add.f32.msk $0xffff, v3;
	v3 =	vmul.f32 v52, v44  }
0x24a: {  	[tilespmem:v9+s24+$0x0] =	vst.idx.add.f32.msk $0xffff, v1  }
0x24b: {  	[tilespmem:v11+s24+$0x0] =	vst.idx.add.f32.msk $0xffff, v3  }
0x24c: {  	v1 =	vld.idx.msk [tilespmem:v24+s28+$0x0], $0xffff  }
0x24d: {  	v3 =	vld.idx.msk [tilespmem:v12+s28+$0x0], $0xffff  }
0x24e: {  	v54 =	vld.idx.msk [tilespmem:v16+s28+$0x0], $0xffff  }
0x24f: {  	v55 =	vld.idx.msk [tilespmem:v18+s28+$0x0], $0xffff  }
0x250: {  	v56 =	vld.idx.msk [tilespmem:v26+s28+$0x0], $0xffff  }
0x251: {  	v57 =	vld.idx.msk [tilespmem:v41+s28+$0x0], $0xffff;
	v1 =	vmul.f32 v1, v33  }
0x252: {  	v58 =	vld.idx.msk [tilespmem:v28+s28+$0x0], $0xffff;
	v3 =	vmul.f32 v3, v34  }
0x253: {  	[tilespmem:v13+s26+$0x0] =	vst.idx.add.f32.msk $0xffff, v1;
	v1 =	vmul.f32 v53, v35  }
0x254: {  	[tilespmem:v2+s26+$0x0] =	vst.idx.add.f32.msk $0xffff, v3;
	v3 =	vmul.f32 v54, v36  }
0x255: {  	[tilespmem:v4+s26+$0x0] =	vst.idx.add.f32.msk $0xffff, v1  }
0x256: {  	v1 =	vmul.f32 v55, v37;
	[tilespmem:v5+s26+$0x0] =	vst.idx.add.f32.msk $0xffff, v3  }
0x257: {  	v3 =	vmul.f32 v56, v38;
	v59 =	vld.idx.msk [tilespmem:v14+s30+$0x0], $0xffff  }
0x258: {  	[tilespmem:v6+s26+$0x0] =	vst.idx.add.f32.msk $0xffff, v1;
	v1 =	vmul.f32 v57, v43  }
0x259: {  	[tilespmem:v8+s26+$0x0] =	vst.idx.add.f32.msk $0xffff, v3;
	v3 =	vmul.f32 v58, v44  }
0x25a: {  	[tilespmem:v9+s26+$0x0] =	vst.idx.add.f32.msk $0xffff, v1  }
0x25b: {  	[tilespmem:v11+s26+$0x0] =	vst.idx.add.f32.msk $0xffff, v3  }
0x25c: {  	v1 =	vld.idx.msk [tilespmem:v24+s30+$0x0], $0xffff  }
0x25d: {  	v3 =	vld.idx.msk [tilespmem:v12+s30+$0x0], $0xffff  }
0x25e: {  	v60 =	vld.idx.msk [tilespmem:v16+s30+$0x0], $0xffff  }
0x25f: {  	v61 =	vld.idx.msk [tilespmem:v18+s30+$0x0], $0xffff  }
0x260: {  	v62 =	vld.idx.msk [tilespmem:v26+s30+$0x0], $0xffff  }
0x261: {  	v15 =	vld.idx.msk [tilespmem:v41+s30+$0x0], $0xffff;
	v1 =	vmul.f32 v1, v33  }
0x262: {  	v63 =	vld.idx.msk [tilespmem:v28+s30+$0x0], $0xffff;
	v3 =	vmul.f32 v3, v34  }
0x263: {  	[tilespmem:v13+s29+$0x0] =	vst.idx.add.f32.msk $0xffff, v1;
	v1 =	vmul.f32 v59, v35  }
0x264: {  	[tilespmem:v2+s29+$0x0] =	vst.idx.add.f32.msk $0xffff, v3;
	v2 =	vmul.f32 v60, v36  }
0x265: {  	[tilespmem:v4+s29+$0x0] =	vst.idx.add.f32.msk $0xffff, v1;
	v1 =	vmul.f32 v61, v37  }
0x266: {  	[tilespmem:v5+s29+$0x0] =	vst.idx.add.f32.msk $0xffff, v2;
	v2 =	vmul.f32 v62, v38  }
0x267: {  	[tilespmem:v6+s29+$0x0] =	vst.idx.add.f32.msk $0xffff, v1;
	v1 =	vmul.f32 v15, v43  }
0x268: {  	[tilespmem:v8+s29+$0x0] =	vst.idx.add.f32.msk $0xffff, v2;
	v2 =	vmul.f32 v63, v44  }
0x269: {  	[tilespmem:v9+s29+$0x0] =	vst.idx.add.f32.msk $0xffff, v1  }
0x26a: {  	s0 =	simm.s32 $0x0;
	s17 =	simm.s32 $0x140F0;
	[tilespmem:v11+s29+$0x0] =	vst.idx.add.f32.msk $0xffff, v2  }
.LBB2_12:
0x26b: {  	v15 =	vld [tilespmem:s17+$0x40];
	s13 =	sadd.s32 $0xA0, s13  }
0x26c: {  	s0 =	sadd.s32 $0xA, s0;
	v2 =	vld [tilespmem:s17+$0xFFFFFFC0];
	s8 =	sand.u32 $0x1FE0, s13  }
0x26d: {  	p0 =	slt.u32 s0, $0x1EA;
	v17 =	vld [tilespmem:s8+$0x14080]  }
0x26e: {  	v3 =	vld [tilespmem:s17+$0xFFFFFFD0]  }
0x26f: {  	v4 =	vld [tilespmem:s17+$0xFFFFFFE0]  }
0x270: {  	v5 =	vld [tilespmem:s17+$0xFFFFFFF0];
	v23 =	vand.u32 $0xFFFF, v15  }
0x271: {  	v1 =	vshrl.u32 v2, $0x10;
	v8 =	vand.u32 $0xFFFF, v2;
	v6 =	vld [tilespmem:s17+$0x0]  }
0x272: {  	v7 =	vld [tilespmem:s17+$0x10];
	v24 =	vand.u32 $0xFFFF, v17  }
0x273: {  	v2 =	vshrl.u32 v3, $0x10;
	v9 =	vand.u32 $0xFFFF, v3;
	v14 =	vld [tilespmem:s17+$0x20]  }
0x274: {  	v16 =	vld [tilespmem:s17+$0xFFFFFFB0];
	v3 =	vshrl.u32 v4, $0x10;
	v10 =	vand.u32 $0xFFFF, v4  }
0x275: {  	s14 =	sadd.s32 $0xA0, s14;
	v4 =	vshrl.u32 v5, $0x10;
	v11 =	vand.u32 $0xFFFF, v5;
	v18 =	vld.idx.msk [tilespmem:v23+s23+$0x0], $0xffff  }
0x276: {  	v5 =	vshrl.u32 v6, $0x10;
	v12 =	vand.u32 $0xFFFF, v6;
	v25 =	vld [tilespmem:s14+$0x40]  }
0x277: {  	v6 =	vshrl.u32 v7, $0x10;
	v13 =	vand.u32 $0xFFFF, v7;
	v19 =	vld.idx.msk [tilespmem:v24+s23+$0x0], $0xffff  }
0x278: {  	v27 =	vshrl.u32 v15, $0x10;
	v7 =	vshrl.u32 v14, $0x10;
	v14 =	vand.u32 $0xFFFF, v14;
	v26 =	vld [tilespmem:s8+$0x16000]  }
0x279: {  	v15 =	vshrl.u32 v16, $0x10;
	v16 =	vand.u32 $0xFFFF, v16;
	v28 =	vld.idx.msk [tilespmem:v8+s23+$0x0], $0xffff  }
0x27a: {  	v30 =	vshrl.u32 v17, $0x10;
	v29 =	vld.idx.msk [tilespmem:v9+s23+$0x0], $0xffff  }
0x27b: {  	v31 =	vld.idx.msk [tilespmem:v10+s23+$0x0], $0xffff;
	v17 =	vmul.f32 v18, v25  }
0x27c: {  	v32 =	vld.idx.msk [tilespmem:v11+s23+$0x0], $0xffff  }
0x27d: {  	v18 =	vmul.f32 v19, v26;
	[tilespmem:v27+s3+$0x0] =	vst.idx.add.f32.msk $0xffff, v17  }
0x27e: {  	v17 =	vld.idx.msk [tilespmem:v23+s25+$0x0], $0xffff  }
0x27f: {  	[tilespmem:v30+s3+$0x0] =	vst.idx.add.f32.msk $0xffff, v18  }
0x280: {  	v18 =	vld.idx.msk [tilespmem:v24+s25+$0x0], $0xffff  }
0x281: {  	v19 =	vld.idx.msk [tilespmem:v16+s23+$0x0], $0xffff  }
0x282: {  	v33 =	vld.idx.msk [tilespmem:v12+s23+$0x0], $0xffff  }
0x283: {  	v34 =	vld.idx.msk [tilespmem:v13+s23+$0x0], $0xffff  }
0x284: {  	v20 =	vmul.f32 v17, v25;
	v35 =	vld.idx.msk [tilespmem:v14+s23+$0x0], $0xffff  }
0x285: {  	v17 =	vld [tilespmem:s14+$0xFFFFFFB0]  }
0x286: {  	v18 =	vmul.f32 v18, v26;
	[tilespmem:v27+s24+$0x0] =	vst.idx.add.f32.msk $0xffff, v20  }
0x287: {  	v36 =	vld.idx.msk [tilespmem:v23+s28+$0x0], $0xffff  }
0x288: {  	[tilespmem:v30+s24+$0x0] =	vst.idx.add.f32.msk $0xffff, v18  }
0x289: {  	v37 =	vld.idx.msk [tilespmem:v24+s28+$0x0], $0xffff  }
0x28a: {  	v38 =	vmul.f32 v19, v17;
	v22 =	vld [tilespmem:s14+$0xFFFFFFC0]  }
0x28b: {  	v21 =	vld [tilespmem:s14+$0xFFFFFFD0]  }
0x28c: {  	v20 =	vld [tilespmem:s14+$0xFFFFFFE0]  }
0x28d: {  	v36 =	vmul.f32 v36, v25;
	v18 =	vld [tilespmem:s14+$0xFFFFFFF0]  }
0x28e: {  	v19 =	vld [tilespmem:s14+$0x0]  }
0x28f: {  	v37 =	vmul.f32 v37, v26;
	v28 =	vmul.f32 v28, v22;
	[tilespmem:v27+s26+$0x0] =	vst.idx.add.f32.msk $0xffff, v36  }
0x290: {  	v29 =	vmul.f32 v29, v21;
	v36 =	vld.idx.msk [tilespmem:v23+s30+$0x0], $0xffff  }
0x291: {  	v31 =	vmul.f32 v31, v20;
	[tilespmem:v30+s26+$0x0] =	vst.idx.add.f32.msk $0xffff, v37  }
0x292: {  	v32 =	vmul.f32 v32, v18;
	v37 =	vld.idx.msk [tilespmem:v24+s30+$0x0], $0xffff  }
0x293: {  	v33 =	vmul.f32 v33, v19;
	v24 =	vld [tilespmem:s14+$0x10]  }
0x294: {  	v23 =	vld [tilespmem:s14+$0x20]  }
0x295: {  	[tilespmem:v15+s3+$0x0] =	vst.idx.add.f32.msk $0xffff, v38  }
0x296: {  	[tilespmem:v1+s3+$0x0] =	vst.idx.add.f32.msk $0xffff, v28  }
0x297: {  	v25 =	vmul.f32 v36, v25;
	[tilespmem:v2+s3+$0x0] =	vst.idx.add.f32.msk $0xffff, v29  }
0x298: {  	v26 =	vmul.f32 v37, v26;
	[tilespmem:v3+s3+$0x0] =	vst.idx.add.f32.msk $0xffff, v31;
	v28 =	vmul.f32 v34, v24  }
0x299: {  	v29 =	vmul.f32 v35, v23;
	[tilespmem:v27+s29+$0x0] =	vst.idx.add.f32.msk $0xffff, v25  }
0x29a: {  	[tilespmem:v30+s29+$0x0] =	vst.idx.add.f32.msk $0xffff, v26  }
0x29b: {  	[tilespmem:v4+s3+$0x0] =	vst.idx.add.f32.msk $0xffff, v32  }
0x29c: {  	[tilespmem:v5+s3+$0x0] =	vst.idx.add.f32.msk $0xffff, v33  }
0x29d: {  	[tilespmem:v6+s3+$0x0] =	vst.idx.add.f32.msk $0xffff, v28  }
0x29e: {  	[tilespmem:v7+s3+$0x0] =	vst.idx.add.f32.msk $0xffff, v29  }
0x29f: {  	v25 =	vld.idx.msk [tilespmem:v16+s25+$0x0], $0xffff  }
0x2a0: {  	v26 =	vld.idx.msk [tilespmem:v8+s25+$0x0], $0xffff  }
0x2a1: {  	v27 =	vld.idx.msk [tilespmem:v9+s25+$0x0], $0xffff  }
0x2a2: {  	v28 =	vld.idx.msk [tilespmem:v10+s25+$0x0], $0xffff  }
0x2a3: {  	v29 =	vld.idx.msk [tilespmem:v11+s25+$0x0], $0xffff  }
0x2a4: {  	v30 =	vld.idx.msk [tilespmem:v12+s25+$0x0], $0xffff  }
0x2a5: {  	v25 =	vmul.f32 v25, v17;
	v31 =	vld.idx.msk [tilespmem:v13+s25+$0x0], $0xffff  }
0x2a6: {  	v26 =	vmul.f32 v26, v22;
	v32 =	vld.idx.msk [tilespmem:v14+s25+$0x0], $0xffff  }
0x2a7: {  	[tilespmem:v15+s24+$0x0] =	vst.idx.add.f32.msk $0xffff, v25;
	v25 =	vmul.f32 v27, v21  }
0x2a8: {  	[tilespmem:v1+s24+$0x0] =	vst.idx.add.f32.msk $0xffff, v26;
	v26 =	vmul.f32 v28, v20  }
0x2a9: {  	[tilespmem:v2+s24+$0x0] =	vst.idx.add.f32.msk $0xffff, v25;
	v25 =	vmul.f32 v29, v18  }
0x2aa: {  	[tilespmem:v3+s24+$0x0] =	vst.idx.add.f32.msk $0xffff, v26;
	v26 =	vmul.f32 v30, v19  }
0x2ab: {  	[tilespmem:v4+s24+$0x0] =	vst.idx.add.f32.msk $0xffff, v25;
	v25 =	vmul.f32 v31, v24  }
0x2ac: {  	[tilespmem:v5+s24+$0x0] =	vst.idx.add.f32.msk $0xffff, v26;
	v26 =	vmul.f32 v32, v23  }
0x2ad: {  	[tilespmem:v6+s24+$0x0] =	vst.idx.add.f32.msk $0xffff, v25  }
0x2ae: {  	[tilespmem:v7+s24+$0x0] =	vst.idx.add.f32.msk $0xffff, v26  }
0x2af: {  	v25 =	vld.idx.msk [tilespmem:v16+s28+$0x0], $0xffff  }
0x2b0: {  	v26 =	vld.idx.msk [tilespmem:v8+s28+$0x0], $0xffff  }
0x2b1: {  	v27 =	vld.idx.msk [tilespmem:v9+s28+$0x0], $0xffff  }
0x2b2: {  	v28 =	vld.idx.msk [tilespmem:v10+s28+$0x0], $0xffff  }
0x2b3: {  	v29 =	vld.idx.msk [tilespmem:v11+s28+$0x0], $0xffff  }
0x2b4: {  	v30 =	vld.idx.msk [tilespmem:v12+s28+$0x0], $0xffff  }
0x2b5: {  	v25 =	vmul.f32 v25, v17;
	v31 =	vld.idx.msk [tilespmem:v13+s28+$0x0], $0xffff  }
0x2b6: {  	v26 =	vmul.f32 v26, v22;
	v32 =	vld.idx.msk [tilespmem:v14+s28+$0x0], $0xffff  }
0x2b7: {  	[tilespmem:v15+s26+$0x0] =	vst.idx.add.f32.msk $0xffff, v25;
	v25 =	vmul.f32 v27, v21  }
0x2b8: {  	[tilespmem:v1+s26+$0x0] =	vst.idx.add.f32.msk $0xffff, v26;
	v26 =	vmul.f32 v28, v20  }
0x2b9: {  	[tilespmem:v2+s26+$0x0] =	vst.idx.add.f32.msk $0xffff, v25;
	v25 =	vmul.f32 v29, v18  }
0x2ba: {  	[tilespmem:v3+s26+$0x0] =	vst.idx.add.f32.msk $0xffff, v26;
	v26 =	vmul.f32 v30, v19  }
0x2bb: {  	[tilespmem:v4+s26+$0x0] =	vst.idx.add.f32.msk $0xffff, v25;
	v25 =	vmul.f32 v31, v24  }
0x2bc: {  	[tilespmem:v5+s26+$0x0] =	vst.idx.add.f32.msk $0xffff, v26;
	v26 =	vmul.f32 v32, v23  }
0x2bd: {  	[tilespmem:v6+s26+$0x0] =	vst.idx.add.f32.msk $0xffff, v25  }
0x2be: {  	[tilespmem:v7+s26+$0x0] =	vst.idx.add.f32.msk $0xffff, v26  }
0x2bf: {  	v16 =	vld.idx.msk [tilespmem:v16+s30+$0x0], $0xffff  }
0x2c0: {  	v8 =	vld.idx.msk [tilespmem:v8+s30+$0x0], $0xffff  }
0x2c1: {  	v9 =	vld.idx.msk [tilespmem:v9+s30+$0x0], $0xffff  }
0x2c2: {  	v10 =	vld.idx.msk [tilespmem:v10+s30+$0x0], $0xffff  }
0x2c3: {  	v11 =	vld.idx.msk [tilespmem:v11+s30+$0x0], $0xffff  }
0x2c4: {  	v12 =	vld.idx.msk [tilespmem:v12+s30+$0x0], $0xffff  }
0x2c5: {  	v16 =	vmul.f32 v16, v17;
	v13 =	vld.idx.msk [tilespmem:v13+s30+$0x0], $0xffff  }
0x2c6: {  	v8 =	vmul.f32 v8, v22;
	v14 =	vld.idx.msk [tilespmem:v14+s30+$0x0], $0xffff  }
0x2c7: {  	v9 =	vmul.f32 v9, v21;
	[tilespmem:v15+s29+$0x0] =	vst.idx.add.f32.msk $0xffff, v16  }
0x2c8: {  	[tilespmem:v1+s29+$0x0] =	vst.idx.add.f32.msk $0xffff, v8;
	v1 =	vmul.f32 v10, v20  }
0x2c9: {  	[tilespmem:v2+s29+$0x0] =	vst.idx.add.f32.msk $0xffff, v9;
	v2 =	vmul.f32 v11, v18  }
.Ltmp5:
0x2ca: {  	[tilespmem:v3+s29+$0x0] =	vst.idx.add.f32.msk $0xffff, v1;
	v1 =	vmul.f32 v12, v19;
	(pc) =	sbr.rel @p0 .LBB2_12-.Ltmp5, $4  }
0x2cb: {  	[tilespmem:v4+s29+$0x0] =	vst.idx.add.f32.msk $0xffff, v2;
	v2 =	vmul.f32 v13, v24  }
0x2cc: {  	[tilespmem:v5+s29+$0x0] =	vst.idx.add.f32.msk $0xffff, v1;
	v1 =	vmul.f32 v14, v23  }
0x2cd: {  	[tilespmem:v6+s29+$0x0] =	vst.idx.add.f32.msk $0xffff, v2  }
0x2ce: {  	s17 =	sadd.s32 $0xA0, s17;
	[tilespmem:v7+s29+$0x0] =	vst.idx.add.f32.msk $0xffff, v1  }
0x2cf: {  	_ =	swait.ge [sflag:s31], $0x1F40  }
0x2d0: {  	[sflag:s31] =	ssyncset.done $0x0  }
0x2d1: {  	p0 =	seq.s32 s10, $0x9;
	[sflag:s31] =	ssyncadd.s32 $0xFFFFE0C0  }
0x2d2: {  	s0 =	sshrl.u32 @!p0 s11, $0x3;
	_ =	swait.ge [sflag:s31], $0x1F40  }
0x2d3: {  	s11 =	simm.s32 @!p0 $0x0;
	s0 =	sadd.s32 @!p0 $0x7D0, s0;
	[sflag:s31] =	ssyncset.done $0x0  }
0x2d4: {  	s13 =	simm.s32 @!p0 $0x14000;
	s8 =	sadd.s32 @!p0 s4, s0;
	[sflag:s31] =	ssyncadd.s32 $0xFFFFE0C0  }
0x2d5: {  	[tilespmem:s13], [sflag:$0x1] =	stream.linear.gather @!p0 [hbm4b:s8+s11], $0x1F40, $0x38;
	[tilespmem:$0x1BE00] =	vst v63  }
0x2d6: {  	s14 =	simm.s32 $0x17F50;
	s0 =	sadd.s32 @!p0 s1, s0;
	s8 =	simm.s32 @!p0 $0x15F80  }
0x2d7: {  	[tilespmem:s8], [sflag:$0x1] =	stream.linear.gather @!p0 [hbm4b:s0+s11], $0x1F40, $0x38;
	[tilespmem:$0x1BE00] =	vst v63  }
0x2d8: {  	v1 =	vld [tilespmem:s14+$0x40]  }
0x2d9: {  	v2 =	vld [tilespmem:s14+$0xFFFFFFC0]  }
0x2da: {  	v4 =	vld [tilespmem:s14+$0xFFFFFFD0]  }
0x2db: {  	v5 =	vld [tilespmem:s14+$0xFFFFFFE0]  }
0x2dc: {  	v6 =	vld [tilespmem:s14+$0xFFFFFFF0]  }
0x2dd: {  	v8 =	vld [tilespmem:s14+$0x0]  }
0x2de: {  	v9 =	vld [tilespmem:s14+$0x10]  }
0x2df: {  	s11 =	simm.s32 $0x0;
	v11 =	vld [tilespmem:s14+$0x20]  }
0x2e0: {  	s17 =	sand.u32 $0x1FE0, s11;
	v13 =	vld [tilespmem:s14+$0xFFFFFFB0]  }
0x2e1: {  	s13 =	simm.s32 $0x19ED0;
	v3 =	vld [tilespmem:s17+$0x17F80]  }
0x2e2: {  	v17 =	vld [tilespmem:s13+$0x40]  }
0x2e3: {  	v33 =	vld [tilespmem:s13+$0xFFFFFFB0]  }
0x2e4: {  	v34 =	vld [tilespmem:s13+$0xFFFFFFC0];
	v7 =	vand.u32 $0xFFFF, v1  }
0x2e5: {  	v35 =	vld [tilespmem:s13+$0xFFFFFFD0]  }
0x2e6: {  	v36 =	vld [tilespmem:s13+$0xFFFFFFE0];
	v10 =	vand.u32 $0xFFFF, v3  }
0x2e7: {  	v37 =	vld [tilespmem:s13+$0xFFFFFFF0]  }
0x2e8: {  	v38 =	vld [tilespmem:s13+$0x0]  }
0x2e9: {  	v12 =	vand.u32 $0xFFFF, v2;
	v15 =	vld.idx.msk [tilespmem:v7+s23+$0x0], $0xffff  }
0x2ea: {  	v20 =	vld [tilespmem:s17+$0x19F00];
	v14 =	vand.u32 $0xFFFF, v4  }
0x2eb: {  	v1 =	vshrl.u32 v1, $0x10;
	v19 =	vld.idx.msk [tilespmem:v10+s23+$0x0], $0xffff  }
0x2ec: {  	v43 =	vld [tilespmem:s13+$0x10]  }
0x2ed: {  	v44 =	vld [tilespmem:s13+$0x20];
	v3 =	vshrl.u32 v3, $0x10  }
0x2ee: {  	v21 =	vld.idx.msk [tilespmem:v12+s23+$0x0], $0xffff;
	v15 =	vmul.f32 v15, v17  }
0x2ef: {  	v16 =	vand.u32 $0xFFFF, v5;
	v22 =	vld.idx.msk [tilespmem:v14+s23+$0x0], $0xffff  }
0x2f0: {  	v18 =	vand.u32 $0xFFFF, v6;
	v19 =	vmul.f32 v19, v20;
	[tilespmem:v1+s3+$0x0] =	vst.idx.add.f32.msk $0xffff, v15  }
0x2f1: {  	v24 =	vand.u32 $0xFFFF, v13;
	v27 =	vld.idx.msk [tilespmem:v7+s25+$0x0], $0xffff  }
0x2f2: {  	v26 =	vand.u32 $0xFFFF, v8;
	[tilespmem:v3+s3+$0x0] =	vst.idx.add.f32.msk $0xffff, v19  }
0x2f3: {  	v19 =	vld.idx.msk [tilespmem:v10+s25+$0x0], $0xffff  }
0x2f4: {  	v23 =	vld.idx.msk [tilespmem:v16+s23+$0x0], $0xffff  }
0x2f5: {  	v25 =	vld.idx.msk [tilespmem:v18+s23+$0x0], $0xffff  }
0x2f6: {  	v29 =	vld.idx.msk [tilespmem:v24+s23+$0x0], $0xffff;
	v27 =	vmul.f32 v27, v17  }
0x2f7: {  	v41 =	vand.u32 $0xFFFF, v9;
	v30 =	vld.idx.msk [tilespmem:v26+s23+$0x0], $0xffff  }
0x2f8: {  	v28 =	vand.u32 $0xFFFF, v11;
	v19 =	vmul.f32 v19, v20;
	[tilespmem:v1+s24+$0x0] =	vst.idx.add.f32.msk $0xffff, v27  }
0x2f9: {  	v13 =	vshrl.u32 v13, $0x10;
	v27 =	vld.idx.msk [tilespmem:v7+s28+$0x0], $0xffff  }
0x2fa: {  	v2 =	vshrl.u32 v2, $0x10;
	[tilespmem:v3+s24+$0x0] =	vst.idx.add.f32.msk $0xffff, v19  }
0x2fb: {  	v19 =	vld.idx.msk [tilespmem:v10+s28+$0x0], $0xffff  }
0x2fc: {  	v31 =	vld.idx.msk [tilespmem:v41+s23+$0x0], $0xffff;
	v42 =	vmul.f32 v29, v33  }
0x2fd: {  	v32 =	vld.idx.msk [tilespmem:v28+s23+$0x0], $0xffff;
	v21 =	vmul.f32 v21, v34  }
0x2fe: {  	[tilespmem:v13+s3+$0x0] =	vst.idx.add.f32.msk $0xffff, v42;
	v27 =	vmul.f32 v27, v17  }
0x2ff: {  	v4 =	vshrl.u32 v4, $0x10;
	[tilespmem:v2+s3+$0x0] =	vst.idx.add.f32.msk $0xffff, v21  }
0x300: {  	v5 =	vshrl.u32 v5, $0x10;
	v19 =	vmul.f32 v19, v20;
	[tilespmem:v1+s26+$0x0] =	vst.idx.add.f32.msk $0xffff, v27  }
0x301: {  	v6 =	vshrl.u32 v6, $0x10;
	v7 =	vld.idx.msk [tilespmem:v7+s30+$0x0], $0xffff  }
0x302: {  	v11 =	vshrl.u32 v11, $0x10;
	v22 =	vmul.f32 v22, v35;
	[tilespmem:v3+s26+$0x0] =	vst.idx.add.f32.msk $0xffff, v19  }
0x303: {  	v45 =	vmul.f32 v23, v36;
	v10 =	vld.idx.msk [tilespmem:v10+s30+$0x0], $0xffff  }
0x304: {  	v46 =	vmul.f32 v25, v37;
	[tilespmem:v4+s3+$0x0] =	vst.idx.add.f32.msk $0xffff, v22  }
0x305: {  	v47 =	vmul.f32 v32, v44;
	[tilespmem:v5+s3+$0x0] =	vst.idx.add.f32.msk $0xffff, v45  }
0x306: {  	v8 =	vshrl.u32 v8, $0x10;
	[tilespmem:v6+s3+$0x0] =	vst.idx.add.f32.msk $0xffff, v46  }
0x307: {  	[tilespmem:v11+s3+$0x0] =	vst.idx.add.f32.msk $0xffff, v47;
	v7 =	vmul.f32 v7, v17  }
0x308: {  	v9 =	vshrl.u32 v9, $0x10;
	v48 =	vld.idx.msk [tilespmem:v14+s25+$0x0], $0xffff;
	v10 =	vmul.f32 v10, v20  }
0x309: {  	[tilespmem:v1+s29+$0x0] =	vst.idx.add.f32.msk $0xffff, v7;
	v1 =	vmul.f32 v30, v38  }
0x30a: {  	[tilespmem:v3+s29+$0x0] =	vst.idx.add.f32.msk $0xffff, v10  }
0x30b: {  	v3 =	vmul.f32 v31, v43;
	[tilespmem:v8+s3+$0x0] =	vst.idx.add.f32.msk $0xffff, v1  }
0x30c: {  	v1 =	vld.idx.msk [tilespmem:v24+s25+$0x0], $0xffff  }
0x30d: {  	[tilespmem:v9+s3+$0x0] =	vst.idx.add.f32.msk $0xffff, v3  }
0x30e: {  	v3 =	vld.idx.msk [tilespmem:v12+s25+$0x0], $0xffff  }
0x30f: {  	v49 =	vld.idx.msk [tilespmem:v16+s25+$0x0], $0xffff  }
0x310: {  	v52 =	vld.idx.msk [tilespmem:v28+s25+$0x0], $0xffff  }
0x311: {  	v17 =	vld.idx.msk [tilespmem:v18+s25+$0x0], $0xffff  }
0x312: {  	v50 =	vld.idx.msk [tilespmem:v26+s25+$0x0], $0xffff;
	v1 =	vmul.f32 v1, v33  }
0x313: {  	v51 =	vld.idx.msk [tilespmem:v41+s25+$0x0], $0xffff;
	v3 =	vmul.f32 v3, v34  }
0x314: {  	[tilespmem:v13+s24+$0x0] =	vst.idx.add.f32.msk $0xffff, v1;
	v1 =	vmul.f32 v48, v35  }
0x315: {  	[tilespmem:v2+s24+$0x0] =	vst.idx.add.f32.msk $0xffff, v3;
	v3 =	vmul.f32 v49, v36  }
0x316: {  	[tilespmem:v4+s24+$0x0] =	vst.idx.add.f32.msk $0xffff, v1  }
0x317: {  	v1 =	vmul.f32 v17, v37;
	[tilespmem:v5+s24+$0x0] =	vst.idx.add.f32.msk $0xffff, v3  }
0x318: {  	v3 =	vmul.f32 v50, v38;
	v53 =	vld.idx.msk [tilespmem:v14+s28+$0x0], $0xffff  }
0x319: {  	[tilespmem:v6+s24+$0x0] =	vst.idx.add.f32.msk $0xffff, v1;
	v1 =	vmul.f32 v51, v43  }
0x31a: {  	[tilespmem:v8+s24+$0x0] =	vst.idx.add.f32.msk $0xffff, v3  }
0x31b: {  	v3 =	vmul.f32 v52, v44;
	[tilespmem:v9+s24+$0x0] =	vst.idx.add.f32.msk $0xffff, v1  }
0x31c: {  	v1 =	vld.idx.msk [tilespmem:v24+s28+$0x0], $0xffff  }
0x31d: {  	[tilespmem:v11+s24+$0x0] =	vst.idx.add.f32.msk $0xffff, v3  }
0x31e: {  	v3 =	vld.idx.msk [tilespmem:v12+s28+$0x0], $0xffff  }
0x31f: {  	v54 =	vld.idx.msk [tilespmem:v16+s28+$0x0], $0xffff  }
0x320: {  	v55 =	vld.idx.msk [tilespmem:v18+s28+$0x0], $0xffff  }
0x321: {  	v56 =	vld.idx.msk [tilespmem:v26+s28+$0x0], $0xffff  }
0x322: {  	v57 =	vld.idx.msk [tilespmem:v41+s28+$0x0], $0xffff;
	v1 =	vmul.f32 v1, v33  }
0x323: {  	v58 =	vld.idx.msk [tilespmem:v28+s28+$0x0], $0xffff;
	v3 =	vmul.f32 v3, v34  }
0x324: {  	[tilespmem:v13+s26+$0x0] =	vst.idx.add.f32.msk $0xffff, v1;
	v1 =	vmul.f32 v53, v35  }
0x325: {  	[tilespmem:v2+s26+$0x0] =	vst.idx.add.f32.msk $0xffff, v3;
	v3 =	vmul.f32 v54, v36  }
0x326: {  	[tilespmem:v4+s26+$0x0] =	vst.idx.add.f32.msk $0xffff, v1  }
0x327: {  	v1 =	vmul.f32 v55, v37;
	[tilespmem:v5+s26+$0x0] =	vst.idx.add.f32.msk $0xffff, v3  }
0x328: {  	v3 =	vmul.f32 v56, v38;
	v59 =	vld.idx.msk [tilespmem:v14+s30+$0x0], $0xffff  }
0x329: {  	[tilespmem:v6+s26+$0x0] =	vst.idx.add.f32.msk $0xffff, v1;
	v1 =	vmul.f32 v57, v43  }
0x32a: {  	[tilespmem:v8+s26+$0x0] =	vst.idx.add.f32.msk $0xffff, v3  }
0x32b: {  	v3 =	vmul.f32 v58, v44;
	[tilespmem:v9+s26+$0x0] =	vst.idx.add.f32.msk $0xffff, v1  }
0x32c: {  	v1 =	vld.idx.msk [tilespmem:v24+s30+$0x0], $0xffff  }
0x32d: {  	[tilespmem:v11+s26+$0x0] =	vst.idx.add.f32.msk $0xffff, v3  }
0x32e: {  	v3 =	vld.idx.msk [tilespmem:v12+s30+$0x0], $0xffff  }
0x32f: {  	v60 =	vld.idx.msk [tilespmem:v16+s30+$0x0], $0xffff  }
0x330: {  	v61 =	vld.idx.msk [tilespmem:v18+s30+$0x0], $0xffff  }
0x331: {  	v62 =	vld.idx.msk [tilespmem:v26+s30+$0x0], $0xffff  }
0x332: {  	v15 =	vld.idx.msk [tilespmem:v41+s30+$0x0], $0xffff;
	v1 =	vmul.f32 v1, v33  }
0x333: {  	v63 =	vld.idx.msk [tilespmem:v28+s30+$0x0], $0xffff;
	v3 =	vmul.f32 v3, v34  }
0x334: {  	[tilespmem:v13+s29+$0x0] =	vst.idx.add.f32.msk $0xffff, v1;
	v1 =	vmul.f32 v59, v35  }
0x335: {  	[tilespmem:v2+s29+$0x0] =	vst.idx.add.f32.msk $0xffff, v3;
	v2 =	vmul.f32 v60, v36  }
0x336: {  	[tilespmem:v4+s29+$0x0] =	vst.idx.add.f32.msk $0xffff, v1;
	v1 =	vmul.f32 v61, v37  }
0x337: {  	[tilespmem:v5+s29+$0x0] =	vst.idx.add.f32.msk $0xffff, v2;
	v2 =	vmul.f32 v62, v38  }
0x338: {  	[tilespmem:v6+s29+$0x0] =	vst.idx.add.f32.msk $0xffff, v1;
	v1 =	vmul.f32 v15, v43  }
0x339: {  	[tilespmem:v8+s29+$0x0] =	vst.idx.add.f32.msk $0xffff, v2;
	v2 =	vmul.f32 v63, v44  }
0x33a: {  	[tilespmem:v9+s29+$0x0] =	vst.idx.add.f32.msk $0xffff, v1  }
0x33b: {  	s0 =	simm.s32 $0x0;
	s14 =	simm.s32 $0x17FF0;
	[tilespmem:v11+s29+$0x0] =	vst.idx.add.f32.msk $0xffff, v2  }
.LBB2_14:
0x33c: {  	v15 =	vld [tilespmem:s14+$0x40];
	s11 =	sadd.s32 $0xA0, s11  }
0x33d: {  	s0 =	sadd.s32 $0xA, s0;
	v2 =	vld [tilespmem:s14+$0xFFFFFFC0];
	s8 =	sand.u32 $0x1FE0, s11  }
0x33e: {  	p0 =	slt.u32 s0, $0x1EA;
	v17 =	vld [tilespmem:s8+$0x17F80]  }
0x33f: {  	v3 =	vld [tilespmem:s14+$0xFFFFFFD0]  }
0x340: {  	v4 =	vld [tilespmem:s14+$0xFFFFFFE0]  }
0x341: {  	v5 =	vld [tilespmem:s14+$0xFFFFFFF0];
	v23 =	vand.u32 $0xFFFF, v15  }
0x342: {  	v1 =	vshrl.u32 v2, $0x10;
	v8 =	vand.u32 $0xFFFF, v2;
	v6 =	vld [tilespmem:s14+$0x0]  }
0x343: {  	v7 =	vld [tilespmem:s14+$0x10];
	v24 =	vand.u32 $0xFFFF, v17  }
0x344: {  	v2 =	vshrl.u32 v3, $0x10;
	v9 =	vand.u32 $0xFFFF, v3;
	v14 =	vld [tilespmem:s14+$0x20]  }
0x345: {  	v16 =	vld [tilespmem:s14+$0xFFFFFFB0];
	v3 =	vshrl.u32 v4, $0x10;
	v10 =	vand.u32 $0xFFFF, v4  }
0x346: {  	s13 =	sadd.s32 $0xA0, s13;
	v4 =	vshrl.u32 v5, $0x10;
	v11 =	vand.u32 $0xFFFF, v5;
	v18 =	vld.idx.msk [tilespmem:v23+s23+$0x0], $0xffff  }
0x347: {  	v5 =	vshrl.u32 v6, $0x10;
	v12 =	vand.u32 $0xFFFF, v6;
	v25 =	vld [tilespmem:s13+$0x40]  }
0x348: {  	v6 =	vshrl.u32 v7, $0x10;
	v13 =	vand.u32 $0xFFFF, v7;
	v19 =	vld.idx.msk [tilespmem:v24+s23+$0x0], $0xffff  }
0x349: {  	v27 =	vshrl.u32 v15, $0x10;
	v7 =	vshrl.u32 v14, $0x10;
	v14 =	vand.u32 $0xFFFF, v14;
	v26 =	vld [tilespmem:s8+$0x19F00]  }
0x34a: {  	v15 =	vshrl.u32 v16, $0x10;
	v16 =	vand.u32 $0xFFFF, v16;
	v28 =	vld.idx.msk [tilespmem:v8+s23+$0x0], $0xffff  }
0x34b: {  	v30 =	vshrl.u32 v17, $0x10;
	v29 =	vld.idx.msk [tilespmem:v9+s23+$0x0], $0xffff  }
0x34c: {  	v31 =	vld.idx.msk [tilespmem:v10+s23+$0x0], $0xffff;
	v17 =	vmul.f32 v18, v25  }
0x34d: {  	v32 =	vld.idx.msk [tilespmem:v11+s23+$0x0], $0xffff  }
0x34e: {  	v18 =	vmul.f32 v19, v26;
	[tilespmem:v27+s3+$0x0] =	vst.idx.add.f32.msk $0xffff, v17  }
0x34f: {  	v17 =	vld.idx.msk [tilespmem:v23+s25+$0x0], $0xffff  }
0x350: {  	[tilespmem:v30+s3+$0x0] =	vst.idx.add.f32.msk $0xffff, v18  }
0x351: {  	v18 =	vld.idx.msk [tilespmem:v24+s25+$0x0], $0xffff  }
0x352: {  	v19 =	vld.idx.msk [tilespmem:v16+s23+$0x0], $0xffff  }
0x353: {  	v33 =	vld.idx.msk [tilespmem:v12+s23+$0x0], $0xffff  }
0x354: {  	v34 =	vld.idx.msk [tilespmem:v13+s23+$0x0], $0xffff  }
0x355: {  	v20 =	vmul.f32 v17, v25;
	v35 =	vld.idx.msk [tilespmem:v14+s23+$0x0], $0xffff  }
0x356: {  	v17 =	vld [tilespmem:s13+$0xFFFFFFB0]  }
0x357: {  	v18 =	vmul.f32 v18, v26;
	[tilespmem:v27+s24+$0x0] =	vst.idx.add.f32.msk $0xffff, v20  }
0x358: {  	v36 =	vld.idx.msk [tilespmem:v23+s28+$0x0], $0xffff  }
0x359: {  	[tilespmem:v30+s24+$0x0] =	vst.idx.add.f32.msk $0xffff, v18  }
0x35a: {  	v37 =	vld.idx.msk [tilespmem:v24+s28+$0x0], $0xffff  }
0x35b: {  	v38 =	vmul.f32 v19, v17;
	v22 =	vld [tilespmem:s13+$0xFFFFFFC0]  }
0x35c: {  	v21 =	vld [tilespmem:s13+$0xFFFFFFD0]  }
0x35d: {  	v20 =	vld [tilespmem:s13+$0xFFFFFFE0]  }
0x35e: {  	v36 =	vmul.f32 v36, v25;
	v18 =	vld [tilespmem:s13+$0xFFFFFFF0]  }
0x35f: {  	v19 =	vld [tilespmem:s13+$0x0]  }
0x360: {  	v37 =	vmul.f32 v37, v26;
	v28 =	vmul.f32 v28, v22;
	[tilespmem:v27+s26+$0x0] =	vst.idx.add.f32.msk $0xffff, v36  }
0x361: {  	v29 =	vmul.f32 v29, v21;
	v36 =	vld.idx.msk [tilespmem:v23+s30+$0x0], $0xffff  }
0x362: {  	v31 =	vmul.f32 v31, v20;
	[tilespmem:v30+s26+$0x0] =	vst.idx.add.f32.msk $0xffff, v37  }
0x363: {  	v32 =	vmul.f32 v32, v18;
	v37 =	vld.idx.msk [tilespmem:v24+s30+$0x0], $0xffff  }
0x364: {  	v33 =	vmul.f32 v33, v19;
	v24 =	vld [tilespmem:s13+$0x10]  }
0x365: {  	v23 =	vld [tilespmem:s13+$0x20]  }
0x366: {  	[tilespmem:v15+s3+$0x0] =	vst.idx.add.f32.msk $0xffff, v38  }
0x367: {  	[tilespmem:v1+s3+$0x0] =	vst.idx.add.f32.msk $0xffff, v28  }
0x368: {  	v25 =	vmul.f32 v36, v25;
	[tilespmem:v2+s3+$0x0] =	vst.idx.add.f32.msk $0xffff, v29  }
0x369: {  	v26 =	vmul.f32 v37, v26;
	[tilespmem:v3+s3+$0x0] =	vst.idx.add.f32.msk $0xffff, v31;
	v28 =	vmul.f32 v34, v24  }
0x36a: {  	v29 =	vmul.f32 v35, v23;
	[tilespmem:v27+s29+$0x0] =	vst.idx.add.f32.msk $0xffff, v25  }
0x36b: {  	[tilespmem:v30+s29+$0x0] =	vst.idx.add.f32.msk $0xffff, v26  }
0x36c: {  	[tilespmem:v4+s3+$0x0] =	vst.idx.add.f32.msk $0xffff, v32  }
0x36d: {  	[tilespmem:v5+s3+$0x0] =	vst.idx.add.f32.msk $0xffff, v33  }
0x36e: {  	[tilespmem:v6+s3+$0x0] =	vst.idx.add.f32.msk $0xffff, v28  }
0x36f: {  	[tilespmem:v7+s3+$0x0] =	vst.idx.add.f32.msk $0xffff, v29  }
0x370: {  	v25 =	vld.idx.msk [tilespmem:v16+s25+$0x0], $0xffff  }
0x371: {  	v26 =	vld.idx.msk [tilespmem:v8+s25+$0x0], $0xffff  }
0x372: {  	v27 =	vld.idx.msk [tilespmem:v9+s25+$0x0], $0xffff  }
0x373: {  	v28 =	vld.idx.msk [tilespmem:v10+s25+$0x0], $0xffff  }
0x374: {  	v29 =	vld.idx.msk [tilespmem:v11+s25+$0x0], $0xffff  }
0x375: {  	v30 =	vld.idx.msk [tilespmem:v12+s25+$0x0], $0xffff  }
0x376: {  	v25 =	vmul.f32 v25, v17;
	v31 =	vld.idx.msk [tilespmem:v13+s25+$0x0], $0xffff  }
0x377: {  	v26 =	vmul.f32 v26, v22;
	v32 =	vld.idx.msk [tilespmem:v14+s25+$0x0], $0xffff  }
0x378: {  	[tilespmem:v15+s24+$0x0] =	vst.idx.add.f32.msk $0xffff, v25;
	v25 =	vmul.f32 v27, v21  }
0x379: {  	[tilespmem:v1+s24+$0x0] =	vst.idx.add.f32.msk $0xffff, v26;
	v26 =	vmul.f32 v28, v20  }
0x37a: {  	[tilespmem:v2+s24+$0x0] =	vst.idx.add.f32.msk $0xffff, v25;
	v25 =	vmul.f32 v29, v18  }
0x37b: {  	[tilespmem:v3+s24+$0x0] =	vst.idx.add.f32.msk $0xffff, v26;
	v26 =	vmul.f32 v30, v19  }
0x37c: {  	[tilespmem:v4+s24+$0x0] =	vst.idx.add.f32.msk $0xffff, v25;
	v25 =	vmul.f32 v31, v24  }
0x37d: {  	[tilespmem:v5+s24+$0x0] =	vst.idx.add.f32.msk $0xffff, v26;
	v26 =	vmul.f32 v32, v23  }
0x37e: {  	[tilespmem:v6+s24+$0x0] =	vst.idx.add.f32.msk $0xffff, v25  }
0x37f: {  	[tilespmem:v7+s24+$0x0] =	vst.idx.add.f32.msk $0xffff, v26  }
0x380: {  	v25 =	vld.idx.msk [tilespmem:v16+s28+$0x0], $0xffff  }
0x381: {  	v26 =	vld.idx.msk [tilespmem:v8+s28+$0x0], $0xffff  }
0x382: {  	v27 =	vld.idx.msk [tilespmem:v9+s28+$0x0], $0xffff  }
0x383: {  	v28 =	vld.idx.msk [tilespmem:v10+s28+$0x0], $0xffff  }
0x384: {  	v29 =	vld.idx.msk [tilespmem:v11+s28+$0x0], $0xffff  }
0x385: {  	v30 =	vld.idx.msk [tilespmem:v12+s28+$0x0], $0xffff  }
0x386: {  	v25 =	vmul.f32 v25, v17;
	v31 =	vld.idx.msk [tilespmem:v13+s28+$0x0], $0xffff  }
0x387: {  	v26 =	vmul.f32 v26, v22;
	v32 =	vld.idx.msk [tilespmem:v14+s28+$0x0], $0xffff  }
0x388: {  	[tilespmem:v15+s26+$0x0] =	vst.idx.add.f32.msk $0xffff, v25;
	v25 =	vmul.f32 v27, v21  }
0x389: {  	[tilespmem:v1+s26+$0x0] =	vst.idx.add.f32.msk $0xffff, v26;
	v26 =	vmul.f32 v28, v20  }
0x38a: {  	[tilespmem:v2+s26+$0x0] =	vst.idx.add.f32.msk $0xffff, v25;
	v25 =	vmul.f32 v29, v18  }
0x38b: {  	[tilespmem:v3+s26+$0x0] =	vst.idx.add.f32.msk $0xffff, v26;
	v26 =	vmul.f32 v30, v19  }
0x38c: {  	[tilespmem:v4+s26+$0x0] =	vst.idx.add.f32.msk $0xffff, v25;
	v25 =	vmul.f32 v31, v24  }
0x38d: {  	[tilespmem:v5+s26+$0x0] =	vst.idx.add.f32.msk $0xffff, v26;
	v26 =	vmul.f32 v32, v23  }
0x38e: {  	[tilespmem:v6+s26+$0x0] =	vst.idx.add.f32.msk $0xffff, v25  }
0x38f: {  	[tilespmem:v7+s26+$0x0] =	vst.idx.add.f32.msk $0xffff, v26  }
0x390: {  	v16 =	vld.idx.msk [tilespmem:v16+s30+$0x0], $0xffff  }
0x391: {  	v8 =	vld.idx.msk [tilespmem:v8+s30+$0x0], $0xffff  }
0x392: {  	v9 =	vld.idx.msk [tilespmem:v9+s30+$0x0], $0xffff  }
0x393: {  	v10 =	vld.idx.msk [tilespmem:v10+s30+$0x0], $0xffff  }
0x394: {  	v11 =	vld.idx.msk [tilespmem:v11+s30+$0x0], $0xffff  }
0x395: {  	v12 =	vld.idx.msk [tilespmem:v12+s30+$0x0], $0xffff  }
0x396: {  	v16 =	vmul.f32 v16, v17;
	v13 =	vld.idx.msk [tilespmem:v13+s30+$0x0], $0xffff  }
0x397: {  	v8 =	vmul.f32 v8, v22;
	v14 =	vld.idx.msk [tilespmem:v14+s30+$0x0], $0xffff  }
0x398: {  	v9 =	vmul.f32 v9, v21;
	[tilespmem:v15+s29+$0x0] =	vst.idx.add.f32.msk $0xffff, v16  }
0x399: {  	[tilespmem:v1+s29+$0x0] =	vst.idx.add.f32.msk $0xffff, v8;
	v1 =	vmul.f32 v10, v20  }
0x39a: {  	[tilespmem:v2+s29+$0x0] =	vst.idx.add.f32.msk $0xffff, v9;
	v2 =	vmul.f32 v11, v18  }
.Ltmp6:
0x39b: {  	[tilespmem:v3+s29+$0x0] =	vst.idx.add.f32.msk $0xffff, v1;
	v1 =	vmul.f32 v12, v19;
	(pc) =	sbr.rel @p0 .LBB2_14-.Ltmp6, $4  }
0x39c: {  	[tilespmem:v4+s29+$0x0] =	vst.idx.add.f32.msk $0xffff, v2;
	v2 =	vmul.f32 v13, v24  }
0x39d: {  	[tilespmem:v5+s29+$0x0] =	vst.idx.add.f32.msk $0xffff, v1;
	v1 =	vmul.f32 v14, v23  }
0x39e: {  	[tilespmem:v6+s29+$0x0] =	vst.idx.add.f32.msk $0xffff, v2  }
0x39f: {  	s14 =	sadd.s32 $0xA0, s14;
	[tilespmem:v7+s29+$0x0] =	vst.idx.add.f32.msk $0xffff, v1  }
0x3a0: {  	s10 =	sadd.s32 $0x1, s10  }
0x3a1: {  	p0 =	sne.s32 s10, $0xA  }
.Ltmp7:
0x3a2: {  	_ = 	snop;
	(pc) =	sbr.rel @p0 .LBB2_11-.Ltmp7, $1  }
0x3a3: {  	_ =	sdelay $0x3  }
0x3a4: {  	s2 =	sadd.s32 $0x1, s2  }
0x3a5: {  	p0 =	sne.s32 s2, $0xE  }
.Ltmp8:
0x3a6: {  	_ = 	snop;
	(pc) =	sbr.rel @p0 .LBB2_2-.Ltmp8, $4  }
0x3a7: {  	s0 =	sadd.s32 s7, s9  }
0x3a8: {  	s0 =	sshrl.u32 s0, $0x3  }
0x3a9: {  	s0 =	sadd.s32 s6, s0  }
0x3aa: {  	[hbm4b:s0+s15] =	stream.strided.scatter [tilespmem:s3], [sflag:$0x3], $0xA000, s16, s15, $0x38;
	[tilespmem:$0x1BE00] =	vst v63  }
0x3ab: {  	s14 =	simm.s32 $0x3  }
0x3ac: {  	_ =	swait.ge [sflag:s14], $0xA000  }
0x3ad: {  	[sflag:s14] =	ssyncset.done $0x0  }
0x3ae: {  	s2 =	simm.s32 $0x0;
	[sflag:s14] =	ssyncadd.s32 $0xFFFF6000  }
0x3af: {  	[tilespmem:s18], [sflag:$0x1] =	stream.linear.gather [hbm4b:s4+s2], $0x1F40, $0x38;
	[tilespmem:$0x1BE00] =	vst v63  }
0x3b0: {  	s0 =	simm.s32 $0xA050  }
0x3b1: {  	[tilespmem:s19], [sflag:$0x1] =	stream.linear.gather [hbm4b:s1+s2], $0x1F40, $0x38;
	[tilespmem:$0x1BE00] =	vst v63  }
0x3b2: {  	[tilespmem:s0+$0xFFFFFFC0] =	vst v0  }
0x3b3: {  	[tilespmem:s0+$0xFFFFFFD0] =	vst v0  }
0x3b4: {  	[tilespmem:s0+$0xFFFFFFE0] =	vst v0  }
0x3b5: {  	[tilespmem:s0+$0xFFFFFFF0] =	vst v0  }
0x3b6: {  	[tilespmem:s0+$0x0] =	vst v0  }
0x3b7: {  	[tilespmem:s0+$0x10] =	vst v0  }
0x3b8: {  	[tilespmem:s0+$0x20] =	vst v0  }
0x3b9: {  	[tilespmem:s0+$0x40] =	vst v0  }
0x3ba: {  	s7 =	sand.u32 $0xFFE0, s2;
	[tilespmem:s0+$0xFFFFFFB0] =	vst v0  }
0x3bb: {  	s8 =	simm.s32 $0x0;
	s0 =	simm.s32 $0x0;
	[tilespmem:s7+$0xA080] =	vst v0;
	s7 =	simm.s32 $0xA0F0  }
.LBB2_18:
0x3bc: {  	[tilespmem:s7+$0xFFFFFFC0] =	vst v0  }
0x3bd: {  	[tilespmem:s7+$0xFFFFFFD0] =	vst v0  }
0x3be: {  	[tilespmem:s7+$0xFFFFFFE0] =	vst v0  }
0x3bf: {  	s0 =	sadd.s32 $0xA, s0;
	[tilespmem:s7+$0xFFFFFFF0] =	vst v0  }
0x3c0: {  	p0 =	slt.u32 s0, $0x9F6;
	[tilespmem:s7+$0x0] =	vst v0  }
.Ltmp9:
0x3c1: {  	[tilespmem:s7+$0x10] =	vst v0;
	(pc) =	sbr.rel @p0 .LBB2_18-.Ltmp9, $4  }
0x3c2: {  	[tilespmem:s7+$0x20] =	vst v0  }
0x3c3: {  	s8 =	sadd.s32 $0xA0, s8;
	[tilespmem:s7+$0x40] =	vst v0  }
0x3c4: {  	s10 =	sand.u32 $0xFFE0, s8;
	[tilespmem:s7+$0xFFFFFFB0] =	vst v0  }
0x3c5: {  	s7 =	sadd.s32 $0xA0, s7;
	[tilespmem:s10+$0xA080] =	vst v0  }
.LBB2_19:
0x3c6: {  	_ =	swait.ge [sflag:s20], $0x1F40  }
0x3c7: {  	s7 =	smul.u32 $0x3E80, s2;
	[sflag:s20] =	ssyncset.done $0x0  }
0x3c8: {  	[sflag:s20] =	ssyncadd.s32 $0xFFFFE0C0  }
0x3c9: {  	s0 =	sshrl.u32 s7, $0x3;
	_ =	swait.ge [sflag:s20], $0x1F40  }
0x3ca: {  	s0 =	sadd.s32 $0x3E8, s0;
	[sflag:s20] =	ssyncset.done $0x0  }
0x3cb: {  	s10 =	simm.s32 $0x0;
	s8 =	sadd.s32 s4, s0;
	[sflag:s20] =	ssyncadd.s32 $0xFFFFE0C0  }
0x3cc: {  	[tilespmem:s21], [sflag:$0x2] =	stream.linear.gather [hbm4b:s8+s10], $0x1F40, $0x38;
	[tilespmem:$0x1BE00] =	vst v63  }
0x3cd: {  	s13 =	simm.s32 $0x14050;
	s0 =	sadd.s32 s1, s0  }
0x3ce: {  	[tilespmem:s22], [sflag:$0x2] =	stream.linear.gather [hbm4b:s0+s10], $0x1F40, $0x38;
	[tilespmem:$0x1BE00] =	vst v63  }
0x3cf: {  	v1 =	vld [tilespmem:s13+$0x40]  }
0x3d0: {  	s17 =	sand.u32 $0x1FE0, s10;
	v2 =	vld [tilespmem:s13+$0xFFFFFFC0]  }
0x3d1: {  	v3 =	vld [tilespmem:s17+$0x14080]  }
0x3d2: {  	v4 =	vld [tilespmem:s13+$0xFFFFFFD0]  }
0x3d3: {  	v5 =	vld [tilespmem:s13+$0xFFFFFFE0]  }
0x3d4: {  	v6 =	vld [tilespmem:s13+$0xFFFFFFF0]  }
0x3d5: {  	v8 =	vld [tilespmem:s13+$0x0]  }
0x3d6: {  	v9 =	vld [tilespmem:s13+$0x10]  }
0x3d7: {  	v11 =	vld [tilespmem:s13+$0x20]  }
0x3d8: {  	s11 =	simm.s32 $0x15FD0;
	v13 =	vld [tilespmem:s13+$0xFFFFFFB0]  }
0x3d9: {  	v17 =	vld [tilespmem:s11+$0x40];
	v7 =	vand.u32 $0xFFFF, v1  }
0x3da: {  	v20 =	vld [tilespmem:s17+$0x16000];
	v10 =	vand.u32 $0xFFFF, v3  }
0x3db: {  	v33 =	vld [tilespmem:s11+$0xFFFFFFB0]  }
0x3dc: {  	v34 =	vld [tilespmem:s11+$0xFFFFFFC0]  }
0x3dd: {  	v35 =	vld [tilespmem:s11+$0xFFFFFFD0]  }
0x3de: {  	v15 =	vld.idx.msk [tilespmem:v7+s3+$0x0], $0xffff  }
0x3df: {  	v19 =	vld.idx.msk [tilespmem:v10+s3+$0x0], $0xffff  }
0x3e0: {  	v36 =	vld [tilespmem:s11+$0xFFFFFFE0];
	v1 =	vshrl.u32 v1, $0x10  }
0x3e1: {  	v37 =	vld [tilespmem:s11+$0xFFFFFFF0];
	v3 =	vshrl.u32 v3, $0x10  }
0x3e2: {  	v38 =	vld [tilespmem:s11+$0x0]  }
0x3e3: {  	v43 =	vld [tilespmem:s11+$0x10];
	v15 =	vmul.f32 v15, v17  }
0x3e4: {  	v44 =	vld [tilespmem:s11+$0x20];
	v12 =	vand.u32 $0xFFFF, v2;
	v19 =	vmul.f32 v19, v20  }
0x3e5: {  	v14 =	vand.u32 $0xFFFF, v4;
	[tilespmem:v1+s23+$0x0] =	vst.idx.add.f32.msk $0xffff, v15  }
0x3e6: {  	v16 =	vand.u32 $0xFFFF, v5;
	[tilespmem:v3+s23+$0x0] =	vst.idx.add.f32.msk $0xffff, v19  }
0x3e7: {  	v18 =	vand.u32 $0xFFFF, v6;
	v27 =	vld.idx.msk [tilespmem:v7+s24+$0x0], $0xffff  }
0x3e8: {  	v24 =	vand.u32 $0xFFFF, v13;
	v19 =	vld.idx.msk [tilespmem:v10+s24+$0x0], $0xffff  }
0x3e9: {  	v21 =	vld.idx.msk [tilespmem:v12+s3+$0x0], $0xffff  }
0x3ea: {  	v22 =	vld.idx.msk [tilespmem:v14+s3+$0x0], $0xffff  }
0x3eb: {  	v23 =	vld.idx.msk [tilespmem:v16+s3+$0x0], $0xffff  }
0x3ec: {  	v25 =	vld.idx.msk [tilespmem:v18+s3+$0x0], $0xffff;
	v27 =	vmul.f32 v27, v17  }
0x3ed: {  	v26 =	vand.u32 $0xFFFF, v8;
	v29 =	vld.idx.msk [tilespmem:v24+s3+$0x0], $0xffff;
	v19 =	vmul.f32 v19, v20  }
0x3ee: {  	v41 =	vand.u32 $0xFFFF, v9;
	[tilespmem:v1+s25+$0x0] =	vst.idx.add.f32.msk $0xffff, v27  }
0x3ef: {  	v28 =	vand.u32 $0xFFFF, v11;
	[tilespmem:v3+s25+$0x0] =	vst.idx.add.f32.msk $0xffff, v19  }
0x3f0: {  	v13 =	vshrl.u32 v13, $0x10;
	v27 =	vld.idx.msk [tilespmem:v7+s26+$0x0], $0xffff  }
0x3f1: {  	v2 =	vshrl.u32 v2, $0x10;
	v19 =	vld.idx.msk [tilespmem:v10+s26+$0x0], $0xffff  }
0x3f2: {  	v30 =	vld.idx.msk [tilespmem:v26+s3+$0x0], $0xffff  }
0x3f3: {  	v31 =	vld.idx.msk [tilespmem:v41+s3+$0x0], $0xffff;
	v42 =	vmul.f32 v29, v33  }
0x3f4: {  	v32 =	vld.idx.msk [tilespmem:v28+s3+$0x0], $0xffff;
	v21 =	vmul.f32 v21, v34  }
0x3f5: {  	[tilespmem:v13+s23+$0x0] =	vst.idx.add.f32.msk $0xffff, v42;
	v27 =	vmul.f32 v27, v17  }
0x3f6: {  	v4 =	vshrl.u32 v4, $0x10;
	[tilespmem:v2+s23+$0x0] =	vst.idx.add.f32.msk $0xffff, v21;
	v19 =	vmul.f32 v19, v20  }
0x3f7: {  	v5 =	vshrl.u32 v5, $0x10;
	[tilespmem:v1+s28+$0x0] =	vst.idx.add.f32.msk $0xffff, v27  }
0x3f8: {  	v6 =	vshrl.u32 v6, $0x10;
	[tilespmem:v3+s28+$0x0] =	vst.idx.add.f32.msk $0xffff, v19  }
0x3f9: {  	v11 =	vshrl.u32 v11, $0x10;
	v22 =	vmul.f32 v22, v35;
	v7 =	vld.idx.msk [tilespmem:v7+s29+$0x0], $0xffff  }
0x3fa: {  	v45 =	vmul.f32 v23, v36;
	v10 =	vld.idx.msk [tilespmem:v10+s29+$0x0], $0xffff  }
0x3fb: {  	v46 =	vmul.f32 v25, v37;
	[tilespmem:v4+s23+$0x0] =	vst.idx.add.f32.msk $0xffff, v22  }
0x3fc: {  	v47 =	vmul.f32 v32, v44;
	[tilespmem:v5+s23+$0x0] =	vst.idx.add.f32.msk $0xffff, v45  }
0x3fd: {  	v8 =	vshrl.u32 v8, $0x10;
	[tilespmem:v6+s23+$0x0] =	vst.idx.add.f32.msk $0xffff, v46  }
0x3fe: {  	v9 =	vshrl.u32 v9, $0x10;
	[tilespmem:v11+s23+$0x0] =	vst.idx.add.f32.msk $0xffff, v47;
	v7 =	vmul.f32 v7, v17  }
0x3ff: {  	v48 =	vld.idx.msk [tilespmem:v14+s24+$0x0], $0xffff;
	v10 =	vmul.f32 v10, v20  }
0x400: {  	[tilespmem:v1+s30+$0x0] =	vst.idx.add.f32.msk $0xffff, v7;
	v1 =	vmul.f32 v30, v38  }
0x401: {  	[tilespmem:v3+s30+$0x0] =	vst.idx.add.f32.msk $0xffff, v10;
	v3 =	vmul.f32 v31, v43  }
0x402: {  	[tilespmem:v8+s23+$0x0] =	vst.idx.add.f32.msk $0xffff, v1  }
0x403: {  	[tilespmem:v9+s23+$0x0] =	vst.idx.add.f32.msk $0xffff, v3  }
0x404: {  	v1 =	vld.idx.msk [tilespmem:v24+s24+$0x0], $0xffff  }
0x405: {  	v3 =	vld.idx.msk [tilespmem:v12+s24+$0x0], $0xffff  }
0x406: {  	v49 =	vld.idx.msk [tilespmem:v16+s24+$0x0], $0xffff  }
0x407: {  	v52 =	vld.idx.msk [tilespmem:v28+s24+$0x0], $0xffff  }
0x408: {  	v17 =	vld.idx.msk [tilespmem:v18+s24+$0x0], $0xffff  }
0x409: {  	v50 =	vld.idx.msk [tilespmem:v26+s24+$0x0], $0xffff;
	v1 =	vmul.f32 v1, v33  }
0x40a: {  	v51 =	vld.idx.msk [tilespmem:v41+s24+$0x0], $0xffff;
	v3 =	vmul.f32 v3, v34  }
0x40b: {  	[tilespmem:v13+s25+$0x0] =	vst.idx.add.f32.msk $0xffff, v1;
	v1 =	vmul.f32 v48, v35  }
0x40c: {  	[tilespmem:v2+s25+$0x0] =	vst.idx.add.f32.msk $0xffff, v3;
	v3 =	vmul.f32 v49, v36  }
0x40d: {  	[tilespmem:v4+s25+$0x0] =	vst.idx.add.f32.msk $0xffff, v1  }
0x40e: {  	v1 =	vmul.f32 v17, v37;
	[tilespmem:v5+s25+$0x0] =	vst.idx.add.f32.msk $0xffff, v3  }
0x40f: {  	v3 =	vmul.f32 v50, v38;
	v53 =	vld.idx.msk [tilespmem:v14+s26+$0x0], $0xffff  }
0x410: {  	[tilespmem:v6+s25+$0x0] =	vst.idx.add.f32.msk $0xffff, v1;
	v1 =	vmul.f32 v51, v43  }
0x411: {  	[tilespmem:v8+s25+$0x0] =	vst.idx.add.f32.msk $0xffff, v3;
	v3 =	vmul.f32 v52, v44  }
0x412: {  	[tilespmem:v9+s25+$0x0] =	vst.idx.add.f32.msk $0xffff, v1  }
0x413: {  	[tilespmem:v11+s25+$0x0] =	vst.idx.add.f32.msk $0xffff, v3  }
0x414: {  	v1 =	vld.idx.msk [tilespmem:v24+s26+$0x0], $0xffff  }
0x415: {  	v3 =	vld.idx.msk [tilespmem:v12+s26+$0x0], $0xffff  }
0x416: {  	v54 =	vld.idx.msk [tilespmem:v16+s26+$0x0], $0xffff  }
0x417: {  	v55 =	vld.idx.msk [tilespmem:v18+s26+$0x0], $0xffff  }
0x418: {  	v56 =	vld.idx.msk [tilespmem:v26+s26+$0x0], $0xffff  }
0x419: {  	v57 =	vld.idx.msk [tilespmem:v41+s26+$0x0], $0xffff;
	v1 =	vmul.f32 v1, v33  }
0x41a: {  	v58 =	vld.idx.msk [tilespmem:v28+s26+$0x0], $0xffff;
	v3 =	vmul.f32 v3, v34  }
0x41b: {  	[tilespmem:v13+s28+$0x0] =	vst.idx.add.f32.msk $0xffff, v1;
	v1 =	vmul.f32 v53, v35  }
0x41c: {  	[tilespmem:v2+s28+$0x0] =	vst.idx.add.f32.msk $0xffff, v3;
	v3 =	vmul.f32 v54, v36  }
0x41d: {  	[tilespmem:v4+s28+$0x0] =	vst.idx.add.f32.msk $0xffff, v1  }
0x41e: {  	v1 =	vmul.f32 v55, v37;
	[tilespmem:v5+s28+$0x0] =	vst.idx.add.f32.msk $0xffff, v3  }
0x41f: {  	v3 =	vmul.f32 v56, v38;
	v59 =	vld.idx.msk [tilespmem:v14+s29+$0x0], $0xffff  }
0x420: {  	[tilespmem:v6+s28+$0x0] =	vst.idx.add.f32.msk $0xffff, v1;
	v1 =	vmul.f32 v57, v43  }
0x421: {  	[tilespmem:v8+s28+$0x0] =	vst.idx.add.f32.msk $0xffff, v3;
	v3 =	vmul.f32 v58, v44  }
0x422: {  	[tilespmem:v9+s28+$0x0] =	vst.idx.add.f32.msk $0xffff, v1  }
0x423: {  	[tilespmem:v11+s28+$0x0] =	vst.idx.add.f32.msk $0xffff, v3  }
0x424: {  	v1 =	vld.idx.msk [tilespmem:v24+s29+$0x0], $0xffff  }
0x425: {  	v3 =	vld.idx.msk [tilespmem:v12+s29+$0x0], $0xffff  }
0x426: {  	v60 =	vld.idx.msk [tilespmem:v16+s29+$0x0], $0xffff  }
0x427: {  	v61 =	vld.idx.msk [tilespmem:v18+s29+$0x0], $0xffff  }
0x428: {  	v62 =	vld.idx.msk [tilespmem:v26+s29+$0x0], $0xffff  }
0x429: {  	v15 =	vld.idx.msk [tilespmem:v41+s29+$0x0], $0xffff;
	v1 =	vmul.f32 v1, v33  }
0x42a: {  	v63 =	vld.idx.msk [tilespmem:v28+s29+$0x0], $0xffff;
	v3 =	vmul.f32 v3, v34  }
0x42b: {  	[tilespmem:v13+s30+$0x0] =	vst.idx.add.f32.msk $0xffff, v1;
	v1 =	vmul.f32 v59, v35  }
0x42c: {  	[tilespmem:v2+s30+$0x0] =	vst.idx.add.f32.msk $0xffff, v3;
	v2 =	vmul.f32 v60, v36  }
0x42d: {  	[tilespmem:v4+s30+$0x0] =	vst.idx.add.f32.msk $0xffff, v1;
	v1 =	vmul.f32 v61, v37  }
0x42e: {  	[tilespmem:v5+s30+$0x0] =	vst.idx.add.f32.msk $0xffff, v2;
	v2 =	vmul.f32 v62, v38  }
0x42f: {  	[tilespmem:v6+s30+$0x0] =	vst.idx.add.f32.msk $0xffff, v1;
	v1 =	vmul.f32 v15, v43  }
0x430: {  	[tilespmem:v8+s30+$0x0] =	vst.idx.add.f32.msk $0xffff, v2;
	v2 =	vmul.f32 v63, v44  }
0x431: {  	[tilespmem:v9+s30+$0x0] =	vst.idx.add.f32.msk $0xffff, v1  }
0x432: {  	s0 =	simm.s32 $0x0;
	s13 =	simm.s32 $0x140F0;
	[tilespmem:v11+s30+$0x0] =	vst.idx.add.f32.msk $0xffff, v2  }
.LBB2_20:
0x433: {  	v15 =	vld [tilespmem:s13+$0x40];
	s10 =	sadd.s32 $0xA0, s10  }
0x434: {  	s0 =	sadd.s32 $0xA, s0;
	v2 =	vld [tilespmem:s13+$0xFFFFFFC0];
	s8 =	sand.u32 $0x1FE0, s10  }
0x435: {  	p0 =	slt.u32 s0, $0x1EA;
	v17 =	vld [tilespmem:s8+$0x14080]  }
0x436: {  	v3 =	vld [tilespmem:s13+$0xFFFFFFD0]  }
0x437: {  	v4 =	vld [tilespmem:s13+$0xFFFFFFE0]  }
0x438: {  	v5 =	vld [tilespmem:s13+$0xFFFFFFF0];
	v23 =	vand.u32 $0xFFFF, v15  }
0x439: {  	v1 =	vshrl.u32 v2, $0x10;
	v8 =	vand.u32 $0xFFFF, v2;
	v6 =	vld [tilespmem:s13+$0x0]  }
0x43a: {  	v7 =	vld [tilespmem:s13+$0x10];
	v24 =	vand.u32 $0xFFFF, v17  }
0x43b: {  	v2 =	vshrl.u32 v3, $0x10;
	v9 =	vand.u32 $0xFFFF, v3;
	v14 =	vld [tilespmem:s13+$0x20]  }
0x43c: {  	v16 =	vld [tilespmem:s13+$0xFFFFFFB0];
	v3 =	vshrl.u32 v4, $0x10;
	v10 =	vand.u32 $0xFFFF, v4  }
0x43d: {  	s11 =	sadd.s32 $0xA0, s11;
	v4 =	vshrl.u32 v5, $0x10;
	v11 =	vand.u32 $0xFFFF, v5;
	v18 =	vld.idx.msk [tilespmem:v23+s3+$0x0], $0xffff  }
0x43e: {  	v5 =	vshrl.u32 v6, $0x10;
	v12 =	vand.u32 $0xFFFF, v6;
	v25 =	vld [tilespmem:s11+$0x40]  }
0x43f: {  	v6 =	vshrl.u32 v7, $0x10;
	v13 =	vand.u32 $0xFFFF, v7;
	v19 =	vld.idx.msk [tilespmem:v24+s3+$0x0], $0xffff  }
0x440: {  	v27 =	vshrl.u32 v15, $0x10;
	v7 =	vshrl.u32 v14, $0x10;
	v14 =	vand.u32 $0xFFFF, v14;
	v26 =	vld [tilespmem:s8+$0x16000]  }
0x441: {  	v15 =	vshrl.u32 v16, $0x10;
	v16 =	vand.u32 $0xFFFF, v16;
	v28 =	vld.idx.msk [tilespmem:v8+s3+$0x0], $0xffff  }
0x442: {  	v30 =	vshrl.u32 v17, $0x10;
	v29 =	vld.idx.msk [tilespmem:v9+s3+$0x0], $0xffff  }
0x443: {  	v31 =	vld.idx.msk [tilespmem:v10+s3+$0x0], $0xffff;
	v17 =	vmul.f32 v18, v25  }
0x444: {  	v32 =	vld.idx.msk [tilespmem:v11+s3+$0x0], $0xffff  }
0x445: {  	v18 =	vmul.f32 v19, v26;
	[tilespmem:v27+s23+$0x0] =	vst.idx.add.f32.msk $0xffff, v17  }
0x446: {  	v17 =	vld.idx.msk [tilespmem:v23+s24+$0x0], $0xffff  }
0x447: {  	[tilespmem:v30+s23+$0x0] =	vst.idx.add.f32.msk $0xffff, v18  }
0x448: {  	v18 =	vld.idx.msk [tilespmem:v24+s24+$0x0], $0xffff  }
0x449: {  	v19 =	vld.idx.msk [tilespmem:v16+s3+$0x0], $0xffff  }
0x44a: {  	v33 =	vld.idx.msk [tilespmem:v12+s3+$0x0], $0xffff  }
0x44b: {  	v34 =	vld.idx.msk [tilespmem:v13+s3+$0x0], $0xffff  }
0x44c: {  	v20 =	vmul.f32 v17, v25;
	v35 =	vld.idx.msk [tilespmem:v14+s3+$0x0], $0xffff  }
0x44d: {  	v17 =	vld [tilespmem:s11+$0xFFFFFFB0]  }
0x44e: {  	v18 =	vmul.f32 v18, v26;
	[tilespmem:v27+s25+$0x0] =	vst.idx.add.f32.msk $0xffff, v20  }
0x44f: {  	v36 =	vld.idx.msk [tilespmem:v23+s26+$0x0], $0xffff  }
0x450: {  	[tilespmem:v30+s25+$0x0] =	vst.idx.add.f32.msk $0xffff, v18  }
0x451: {  	v37 =	vld.idx.msk [tilespmem:v24+s26+$0x0], $0xffff  }
0x452: {  	v38 =	vmul.f32 v19, v17;
	v22 =	vld [tilespmem:s11+$0xFFFFFFC0]  }
0x453: {  	v21 =	vld [tilespmem:s11+$0xFFFFFFD0]  }
0x454: {  	v20 =	vld [tilespmem:s11+$0xFFFFFFE0]  }
0x455: {  	v36 =	vmul.f32 v36, v25;
	v18 =	vld [tilespmem:s11+$0xFFFFFFF0]  }
0x456: {  	v19 =	vld [tilespmem:s11+$0x0]  }
0x457: {  	v37 =	vmul.f32 v37, v26;
	v28 =	vmul.f32 v28, v22;
	[tilespmem:v27+s28+$0x0] =	vst.idx.add.f32.msk $0xffff, v36  }
0x458: {  	v29 =	vmul.f32 v29, v21;
	v36 =	vld.idx.msk [tilespmem:v23+s29+$0x0], $0xffff  }
0x459: {  	v31 =	vmul.f32 v31, v20;
	[tilespmem:v30+s28+$0x0] =	vst.idx.add.f32.msk $0xffff, v37  }
0x45a: {  	v32 =	vmul.f32 v32, v18;
	v37 =	vld.idx.msk [tilespmem:v24+s29+$0x0], $0xffff  }
0x45b: {  	v33 =	vmul.f32 v33, v19;
	v24 =	vld [tilespmem:s11+$0x10]  }
0x45c: {  	v23 =	vld [tilespmem:s11+$0x20]  }
0x45d: {  	[tilespmem:v15+s23+$0x0] =	vst.idx.add.f32.msk $0xffff, v38  }
0x45e: {  	[tilespmem:v1+s23+$0x0] =	vst.idx.add.f32.msk $0xffff, v28  }
0x45f: {  	v25 =	vmul.f32 v36, v25;
	[tilespmem:v2+s23+$0x0] =	vst.idx.add.f32.msk $0xffff, v29  }
0x460: {  	v26 =	vmul.f32 v37, v26;
	[tilespmem:v3+s23+$0x0] =	vst.idx.add.f32.msk $0xffff, v31;
	v28 =	vmul.f32 v34, v24  }
0x461: {  	v29 =	vmul.f32 v35, v23;
	[tilespmem:v27+s30+$0x0] =	vst.idx.add.f32.msk $0xffff, v25  }
0x462: {  	[tilespmem:v30+s30+$0x0] =	vst.idx.add.f32.msk $0xffff, v26  }
0x463: {  	[tilespmem:v4+s23+$0x0] =	vst.idx.add.f32.msk $0xffff, v32  }
0x464: {  	[tilespmem:v5+s23+$0x0] =	vst.idx.add.f32.msk $0xffff, v33  }
0x465: {  	[tilespmem:v6+s23+$0x0] =	vst.idx.add.f32.msk $0xffff, v28  }
0x466: {  	[tilespmem:v7+s23+$0x0] =	vst.idx.add.f32.msk $0xffff, v29  }
0x467: {  	v25 =	vld.idx.msk [tilespmem:v16+s24+$0x0], $0xffff  }
0x468: {  	v26 =	vld.idx.msk [tilespmem:v8+s24+$0x0], $0xffff  }
0x469: {  	v27 =	vld.idx.msk [tilespmem:v9+s24+$0x0], $0xffff  }
0x46a: {  	v28 =	vld.idx.msk [tilespmem:v10+s24+$0x0], $0xffff  }
0x46b: {  	v29 =	vld.idx.msk [tilespmem:v11+s24+$0x0], $0xffff  }
0x46c: {  	v30 =	vld.idx.msk [tilespmem:v12+s24+$0x0], $0xffff  }
0x46d: {  	v25 =	vmul.f32 v25, v17;
	v31 =	vld.idx.msk [tilespmem:v13+s24+$0x0], $0xffff  }
0x46e: {  	v26 =	vmul.f32 v26, v22;
	v32 =	vld.idx.msk [tilespmem:v14+s24+$0x0], $0xffff  }
0x46f: {  	[tilespmem:v15+s25+$0x0] =	vst.idx.add.f32.msk $0xffff, v25;
	v25 =	vmul.f32 v27, v21  }
0x470: {  	[tilespmem:v1+s25+$0x0] =	vst.idx.add.f32.msk $0xffff, v26;
	v26 =	vmul.f32 v28, v20  }
0x471: {  	[tilespmem:v2+s25+$0x0] =	vst.idx.add.f32.msk $0xffff, v25;
	v25 =	vmul.f32 v29, v18  }
0x472: {  	[tilespmem:v3+s25+$0x0] =	vst.idx.add.f32.msk $0xffff, v26;
	v26 =	vmul.f32 v30, v19  }
0x473: {  	[tilespmem:v4+s25+$0x0] =	vst.idx.add.f32.msk $0xffff, v25;
	v25 =	vmul.f32 v31, v24  }
0x474: {  	[tilespmem:v5+s25+$0x0] =	vst.idx.add.f32.msk $0xffff, v26;
	v26 =	vmul.f32 v32, v23  }
0x475: {  	[tilespmem:v6+s25+$0x0] =	vst.idx.add.f32.msk $0xffff, v25  }
0x476: {  	[tilespmem:v7+s25+$0x0] =	vst.idx.add.f32.msk $0xffff, v26  }
0x477: {  	v25 =	vld.idx.msk [tilespmem:v16+s26+$0x0], $0xffff  }
0x478: {  	v26 =	vld.idx.msk [tilespmem:v8+s26+$0x0], $0xffff  }
0x479: {  	v27 =	vld.idx.msk [tilespmem:v9+s26+$0x0], $0xffff  }
0x47a: {  	v28 =	vld.idx.msk [tilespmem:v10+s26+$0x0], $0xffff  }
0x47b: {  	v29 =	vld.idx.msk [tilespmem:v11+s26+$0x0], $0xffff  }
0x47c: {  	v30 =	vld.idx.msk [tilespmem:v12+s26+$0x0], $0xffff  }
0x47d: {  	v25 =	vmul.f32 v25, v17;
	v31 =	vld.idx.msk [tilespmem:v13+s26+$0x0], $0xffff  }
0x47e: {  	v26 =	vmul.f32 v26, v22;
	v32 =	vld.idx.msk [tilespmem:v14+s26+$0x0], $0xffff  }
0x47f: {  	[tilespmem:v15+s28+$0x0] =	vst.idx.add.f32.msk $0xffff, v25;
	v25 =	vmul.f32 v27, v21  }
0x480: {  	[tilespmem:v1+s28+$0x0] =	vst.idx.add.f32.msk $0xffff, v26;
	v26 =	vmul.f32 v28, v20  }
0x481: {  	[tilespmem:v2+s28+$0x0] =	vst.idx.add.f32.msk $0xffff, v25;
	v25 =	vmul.f32 v29, v18  }
0x482: {  	[tilespmem:v3+s28+$0x0] =	vst.idx.add.f32.msk $0xffff, v26;
	v26 =	vmul.f32 v30, v19  }
0x483: {  	[tilespmem:v4+s28+$0x0] =	vst.idx.add.f32.msk $0xffff, v25;
	v25 =	vmul.f32 v31, v24  }
0x484: {  	[tilespmem:v5+s28+$0x0] =	vst.idx.add.f32.msk $0xffff, v26;
	v26 =	vmul.f32 v32, v23  }
0x485: {  	[tilespmem:v6+s28+$0x0] =	vst.idx.add.f32.msk $0xffff, v25  }
0x486: {  	[tilespmem:v7+s28+$0x0] =	vst.idx.add.f32.msk $0xffff, v26  }
0x487: {  	v16 =	vld.idx.msk [tilespmem:v16+s29+$0x0], $0xffff  }
0x488: {  	v8 =	vld.idx.msk [tilespmem:v8+s29+$0x0], $0xffff  }
0x489: {  	v9 =	vld.idx.msk [tilespmem:v9+s29+$0x0], $0xffff  }
0x48a: {  	v10 =	vld.idx.msk [tilespmem:v10+s29+$0x0], $0xffff  }
0x48b: {  	v11 =	vld.idx.msk [tilespmem:v11+s29+$0x0], $0xffff  }
0x48c: {  	v12 =	vld.idx.msk [tilespmem:v12+s29+$0x0], $0xffff  }
0x48d: {  	v16 =	vmul.f32 v16, v17;
	v13 =	vld.idx.msk [tilespmem:v13+s29+$0x0], $0xffff  }
0x48e: {  	v8 =	vmul.f32 v8, v22;
	v14 =	vld.idx.msk [tilespmem:v14+s29+$0x0], $0xffff  }
0x48f: {  	v9 =	vmul.f32 v9, v21;
	[tilespmem:v15+s30+$0x0] =	vst.idx.add.f32.msk $0xffff, v16  }
0x490: {  	[tilespmem:v1+s30+$0x0] =	vst.idx.add.f32.msk $0xffff, v8;
	v1 =	vmul.f32 v10, v20  }
0x491: {  	[tilespmem:v2+s30+$0x0] =	vst.idx.add.f32.msk $0xffff, v9;
	v2 =	vmul.f32 v11, v18  }
.Ltmp10:
0x492: {  	[tilespmem:v3+s30+$0x0] =	vst.idx.add.f32.msk $0xffff, v1;
	v1 =	vmul.f32 v12, v19;
	(pc) =	sbr.rel @p0 .LBB2_20-.Ltmp10, $4  }
0x493: {  	[tilespmem:v4+s30+$0x0] =	vst.idx.add.f32.msk $0xffff, v2;
	v2 =	vmul.f32 v13, v24  }
0x494: {  	[tilespmem:v5+s30+$0x0] =	vst.idx.add.f32.msk $0xffff, v1;
	v1 =	vmul.f32 v14, v23  }
0x495: {  	[tilespmem:v6+s30+$0x0] =	vst.idx.add.f32.msk $0xffff, v2  }
0x496: {  	s13 =	sadd.s32 $0xA0, s13;
	[tilespmem:v7+s30+$0x0] =	vst.idx.add.f32.msk $0xffff, v1  }
0x497: {  	_ =	swait.ge [sflag:s31], $0x1F40  }
0x498: {  	[sflag:s31] =	ssyncset.done $0x0  }
0x499: {  	p0 =	seq.s32 s2, $0x9;
	[sflag:s31] =	ssyncadd.s32 $0xFFFFE0C0  }
0x49a: {  	s0 =	sshrl.u32 @!p0 s7, $0x3;
	_ =	swait.ge [sflag:s31], $0x1F40  }
0x49b: {  	s8 =	simm.s32 @!p0 $0x0;
	s0 =	sadd.s32 @!p0 $0x7D0, s0;
	[sflag:s31] =	ssyncset.done $0x0  }
0x49c: {  	s10 =	simm.s32 @!p0 $0x14000;
	s7 =	sadd.s32 @!p0 s4, s0;
	[sflag:s31] =	ssyncadd.s32 $0xFFFFE0C0  }
0x49d: {  	[tilespmem:s10], [sflag:$0x1] =	stream.linear.gather @!p0 [hbm4b:s7+s8], $0x1F40, $0x38;
	[tilespmem:$0x1BE00] =	vst v63  }
0x49e: {  	s13 =	simm.s32 $0x17F50;
	s0 =	sadd.s32 @!p0 s1, s0;
	s7 =	simm.s32 @!p0 $0x15F80  }
0x49f: {  	[tilespmem:s7], [sflag:$0x1] =	stream.linear.gather @!p0 [hbm4b:s0+s8], $0x1F40, $0x38;
	[tilespmem:$0x1BE00] =	vst v63  }
0x4a0: {  	v1 =	vld [tilespmem:s13+$0x40]  }
0x4a1: {  	v2 =	vld [tilespmem:s13+$0xFFFFFFC0]  }
0x4a2: {  	v4 =	vld [tilespmem:s13+$0xFFFFFFD0]  }
0x4a3: {  	v5 =	vld [tilespmem:s13+$0xFFFFFFE0]  }
0x4a4: {  	v6 =	vld [tilespmem:s13+$0xFFFFFFF0]  }
0x4a5: {  	v8 =	vld [tilespmem:s13+$0x0]  }
0x4a6: {  	v9 =	vld [tilespmem:s13+$0x10]  }
0x4a7: {  	s7 =	simm.s32 $0x0;
	v11 =	vld [tilespmem:s13+$0x20]  }
0x4a8: {  	s17 =	sand.u32 $0x1FE0, s7;
	v13 =	vld [tilespmem:s13+$0xFFFFFFB0]  }
0x4a9: {  	s10 =	simm.s32 $0x19ED0;
	v3 =	vld [tilespmem:s17+$0x17F80]  }
0x4aa: {  	v17 =	vld [tilespmem:s10+$0x40]  }
0x4ab: {  	v33 =	vld [tilespmem:s10+$0xFFFFFFB0]  }
0x4ac: {  	v34 =	vld [tilespmem:s10+$0xFFFFFFC0];
	v7 =	vand.u32 $0xFFFF, v1  }
0x4ad: {  	v35 =	vld [tilespmem:s10+$0xFFFFFFD0]  }
0x4ae: {  	v36 =	vld [tilespmem:s10+$0xFFFFFFE0];
	v10 =	vand.u32 $0xFFFF, v3  }
0x4af: {  	v37 =	vld [tilespmem:s10+$0xFFFFFFF0]  }
0x4b0: {  	v38 =	vld [tilespmem:s10+$0x0]  }
0x4b1: {  	v12 =	vand.u32 $0xFFFF, v2;
	v15 =	vld.idx.msk [tilespmem:v7+s3+$0x0], $0xffff  }
0x4b2: {  	v20 =	vld [tilespmem:s17+$0x19F00];
	v14 =	vand.u32 $0xFFFF, v4  }
0x4b3: {  	v1 =	vshrl.u32 v1, $0x10;
	v19 =	vld.idx.msk [tilespmem:v10+s3+$0x0], $0xffff  }
0x4b4: {  	v43 =	vld [tilespmem:s10+$0x10]  }
0x4b5: {  	v44 =	vld [tilespmem:s10+$0x20];
	v3 =	vshrl.u32 v3, $0x10  }
0x4b6: {  	v21 =	vld.idx.msk [tilespmem:v12+s3+$0x0], $0xffff;
	v15 =	vmul.f32 v15, v17  }
0x4b7: {  	v16 =	vand.u32 $0xFFFF, v5;
	v22 =	vld.idx.msk [tilespmem:v14+s3+$0x0], $0xffff  }
0x4b8: {  	v18 =	vand.u32 $0xFFFF, v6;
	v19 =	vmul.f32 v19, v20;
	[tilespmem:v1+s23+$0x0] =	vst.idx.add.f32.msk $0xffff, v15  }
0x4b9: {  	v24 =	vand.u32 $0xFFFF, v13;
	v27 =	vld.idx.msk [tilespmem:v7+s24+$0x0], $0xffff  }
0x4ba: {  	v26 =	vand.u32 $0xFFFF, v8;
	[tilespmem:v3+s23+$0x0] =	vst.idx.add.f32.msk $0xffff, v19  }
0x4bb: {  	v19 =	vld.idx.msk [tilespmem:v10+s24+$0x0], $0xffff  }
0x4bc: {  	v23 =	vld.idx.msk [tilespmem:v16+s3+$0x0], $0xffff  }
0x4bd: {  	v25 =	vld.idx.msk [tilespmem:v18+s3+$0x0], $0xffff  }
0x4be: {  	v29 =	vld.idx.msk [tilespmem:v24+s3+$0x0], $0xffff;
	v27 =	vmul.f32 v27, v17  }
0x4bf: {  	v41 =	vand.u32 $0xFFFF, v9;
	v30 =	vld.idx.msk [tilespmem:v26+s3+$0x0], $0xffff  }
0x4c0: {  	v28 =	vand.u32 $0xFFFF, v11;
	v19 =	vmul.f32 v19, v20;
	[tilespmem:v1+s25+$0x0] =	vst.idx.add.f32.msk $0xffff, v27  }
0x4c1: {  	v13 =	vshrl.u32 v13, $0x10;
	v27 =	vld.idx.msk [tilespmem:v7+s26+$0x0], $0xffff  }
0x4c2: {  	v2 =	vshrl.u32 v2, $0x10;
	[tilespmem:v3+s25+$0x0] =	vst.idx.add.f32.msk $0xffff, v19  }
0x4c3: {  	v19 =	vld.idx.msk [tilespmem:v10+s26+$0x0], $0xffff  }
0x4c4: {  	v31 =	vld.idx.msk [tilespmem:v41+s3+$0x0], $0xffff;
	v42 =	vmul.f32 v29, v33  }
0x4c5: {  	v32 =	vld.idx.msk [tilespmem:v28+s3+$0x0], $0xffff;
	v21 =	vmul.f32 v21, v34  }
0x4c6: {  	[tilespmem:v13+s23+$0x0] =	vst.idx.add.f32.msk $0xffff, v42;
	v27 =	vmul.f32 v27, v17  }
0x4c7: {  	v4 =	vshrl.u32 v4, $0x10;
	[tilespmem:v2+s23+$0x0] =	vst.idx.add.f32.msk $0xffff, v21  }
0x4c8: {  	v5 =	vshrl.u32 v5, $0x10;
	v19 =	vmul.f32 v19, v20;
	[tilespmem:v1+s28+$0x0] =	vst.idx.add.f32.msk $0xffff, v27  }
0x4c9: {  	v6 =	vshrl.u32 v6, $0x10;
	v7 =	vld.idx.msk [tilespmem:v7+s29+$0x0], $0xffff  }
0x4ca: {  	v11 =	vshrl.u32 v11, $0x10;
	v22 =	vmul.f32 v22, v35;
	[tilespmem:v3+s28+$0x0] =	vst.idx.add.f32.msk $0xffff, v19  }
0x4cb: {  	v45 =	vmul.f32 v23, v36;
	v10 =	vld.idx.msk [tilespmem:v10+s29+$0x0], $0xffff  }
0x4cc: {  	v46 =	vmul.f32 v25, v37;
	[tilespmem:v4+s23+$0x0] =	vst.idx.add.f32.msk $0xffff, v22  }
0x4cd: {  	v47 =	vmul.f32 v32, v44;
	[tilespmem:v5+s23+$0x0] =	vst.idx.add.f32.msk $0xffff, v45  }
0x4ce: {  	v8 =	vshrl.u32 v8, $0x10;
	[tilespmem:v6+s23+$0x0] =	vst.idx.add.f32.msk $0xffff, v46  }
0x4cf: {  	[tilespmem:v11+s23+$0x0] =	vst.idx.add.f32.msk $0xffff, v47;
	v7 =	vmul.f32 v7, v17  }
0x4d0: {  	v9 =	vshrl.u32 v9, $0x10;
	v48 =	vld.idx.msk [tilespmem:v14+s24+$0x0], $0xffff;
	v10 =	vmul.f32 v10, v20  }
0x4d1: {  	[tilespmem:v1+s30+$0x0] =	vst.idx.add.f32.msk $0xffff, v7;
	v1 =	vmul.f32 v30, v38  }
0x4d2: {  	[tilespmem:v3+s30+$0x0] =	vst.idx.add.f32.msk $0xffff, v10  }
0x4d3: {  	v3 =	vmul.f32 v31, v43;
	[tilespmem:v8+s23+$0x0] =	vst.idx.add.f32.msk $0xffff, v1  }
0x4d4: {  	v1 =	vld.idx.msk [tilespmem:v24+s24+$0x0], $0xffff  }
0x4d5: {  	[tilespmem:v9+s23+$0x0] =	vst.idx.add.f32.msk $0xffff, v3  }
0x4d6: {  	v3 =	vld.idx.msk [tilespmem:v12+s24+$0x0], $0xffff  }
0x4d7: {  	v49 =	vld.idx.msk [tilespmem:v16+s24+$0x0], $0xffff  }
0x4d8: {  	v52 =	vld.idx.msk [tilespmem:v28+s24+$0x0], $0xffff  }
0x4d9: {  	v17 =	vld.idx.msk [tilespmem:v18+s24+$0x0], $0xffff  }
0x4da: {  	v50 =	vld.idx.msk [tilespmem:v26+s24+$0x0], $0xffff;
	v1 =	vmul.f32 v1, v33  }
0x4db: {  	v51 =	vld.idx.msk [tilespmem:v41+s24+$0x0], $0xffff;
	v3 =	vmul.f32 v3, v34  }
0x4dc: {  	[tilespmem:v13+s25+$0x0] =	vst.idx.add.f32.msk $0xffff, v1;
	v1 =	vmul.f32 v48, v35  }
0x4dd: {  	[tilespmem:v2+s25+$0x0] =	vst.idx.add.f32.msk $0xffff, v3;
	v3 =	vmul.f32 v49, v36  }
0x4de: {  	[tilespmem:v4+s25+$0x0] =	vst.idx.add.f32.msk $0xffff, v1  }
0x4df: {  	v1 =	vmul.f32 v17, v37;
	[tilespmem:v5+s25+$0x0] =	vst.idx.add.f32.msk $0xffff, v3  }
0x4e0: {  	v3 =	vmul.f32 v50, v38;
	v53 =	vld.idx.msk [tilespmem:v14+s26+$0x0], $0xffff  }
0x4e1: {  	[tilespmem:v6+s25+$0x0] =	vst.idx.add.f32.msk $0xffff, v1;
	v1 =	vmul.f32 v51, v43  }
0x4e2: {  	[tilespmem:v8+s25+$0x0] =	vst.idx.add.f32.msk $0xffff, v3  }
0x4e3: {  	v3 =	vmul.f32 v52, v44;
	[tilespmem:v9+s25+$0x0] =	vst.idx.add.f32.msk $0xffff, v1  }
0x4e4: {  	v1 =	vld.idx.msk [tilespmem:v24+s26+$0x0], $0xffff  }
0x4e5: {  	[tilespmem:v11+s25+$0x0] =	vst.idx.add.f32.msk $0xffff, v3  }
0x4e6: {  	v3 =	vld.idx.msk [tilespmem:v12+s26+$0x0], $0xffff  }
0x4e7: {  	v54 =	vld.idx.msk [tilespmem:v16+s26+$0x0], $0xffff  }
0x4e8: {  	v55 =	vld.idx.msk [tilespmem:v18+s26+$0x0], $0xffff  }
0x4e9: {  	v56 =	vld.idx.msk [tilespmem:v26+s26+$0x0], $0xffff  }
0x4ea: {  	v57 =	vld.idx.msk [tilespmem:v41+s26+$0x0], $0xffff;
	v1 =	vmul.f32 v1, v33  }
0x4eb: {  	v58 =	vld.idx.msk [tilespmem:v28+s26+$0x0], $0xffff;
	v3 =	vmul.f32 v3, v34  }
0x4ec: {  	[tilespmem:v13+s28+$0x0] =	vst.idx.add.f32.msk $0xffff, v1;
	v1 =	vmul.f32 v53, v35  }
0x4ed: {  	[tilespmem:v2+s28+$0x0] =	vst.idx.add.f32.msk $0xffff, v3;
	v3 =	vmul.f32 v54, v36  }
0x4ee: {  	[tilespmem:v4+s28+$0x0] =	vst.idx.add.f32.msk $0xffff, v1  }
0x4ef: {  	v1 =	vmul.f32 v55, v37;
	[tilespmem:v5+s28+$0x0] =	vst.idx.add.f32.msk $0xffff, v3  }
0x4f0: {  	v3 =	vmul.f32 v56, v38;
	v59 =	vld.idx.msk [tilespmem:v14+s29+$0x0], $0xffff  }
0x4f1: {  	[tilespmem:v6+s28+$0x0] =	vst.idx.add.f32.msk $0xffff, v1;
	v1 =	vmul.f32 v57, v43  }
0x4f2: {  	[tilespmem:v8+s28+$0x0] =	vst.idx.add.f32.msk $0xffff, v3  }
0x4f3: {  	v3 =	vmul.f32 v58, v44;
	[tilespmem:v9+s28+$0x0] =	vst.idx.add.f32.msk $0xffff, v1  }
0x4f4: {  	v1 =	vld.idx.msk [tilespmem:v24+s29+$0x0], $0xffff  }
0x4f5: {  	[tilespmem:v11+s28+$0x0] =	vst.idx.add.f32.msk $0xffff, v3  }
0x4f6: {  	v3 =	vld.idx.msk [tilespmem:v12+s29+$0x0], $0xffff  }
0x4f7: {  	v60 =	vld.idx.msk [tilespmem:v16+s29+$0x0], $0xffff  }
0x4f8: {  	v61 =	vld.idx.msk [tilespmem:v18+s29+$0x0], $0xffff  }
0x4f9: {  	v62 =	vld.idx.msk [tilespmem:v26+s29+$0x0], $0xffff  }
0x4fa: {  	v15 =	vld.idx.msk [tilespmem:v41+s29+$0x0], $0xffff;
	v1 =	vmul.f32 v1, v33  }
0x4fb: {  	v63 =	vld.idx.msk [tilespmem:v28+s29+$0x0], $0xffff;
	v3 =	vmul.f32 v3, v34  }
0x4fc: {  	[tilespmem:v13+s30+$0x0] =	vst.idx.add.f32.msk $0xffff, v1;
	v1 =	vmul.f32 v59, v35  }
0x4fd: {  	[tilespmem:v2+s30+$0x0] =	vst.idx.add.f32.msk $0xffff, v3;
	v2 =	vmul.f32 v60, v36  }
0x4fe: {  	[tilespmem:v4+s30+$0x0] =	vst.idx.add.f32.msk $0xffff, v1;
	v1 =	vmul.f32 v61, v37  }
0x4ff: {  	[tilespmem:v5+s30+$0x0] =	vst.idx.add.f32.msk $0xffff, v2;
	v2 =	vmul.f32 v62, v38  }
0x500: {  	[tilespmem:v6+s30+$0x0] =	vst.idx.add.f32.msk $0xffff, v1;
	v1 =	vmul.f32 v15, v43  }
0x501: {  	[tilespmem:v8+s30+$0x0] =	vst.idx.add.f32.msk $0xffff, v2;
	v2 =	vmul.f32 v63, v44  }
0x502: {  	[tilespmem:v9+s30+$0x0] =	vst.idx.add.f32.msk $0xffff, v1  }
0x503: {  	s11 =	simm.s32 $0x17FF0;
	s0 =	simm.s32 $0x0;
	[tilespmem:v11+s30+$0x0] =	vst.idx.add.f32.msk $0xffff, v2  }
.LBB2_22:
0x504: {  	v15 =	vld [tilespmem:s11+$0x40];
	s7 =	sadd.s32 $0xA0, s7  }
0x505: {  	s0 =	sadd.s32 $0xA, s0;
	v2 =	vld [tilespmem:s11+$0xFFFFFFC0];
	s8 =	sand.u32 $0x1FE0, s7  }
0x506: {  	p0 =	slt.u32 s0, $0x1EA;
	v17 =	vld [tilespmem:s8+$0x17F80]  }
0x507: {  	v3 =	vld [tilespmem:s11+$0xFFFFFFD0]  }
0x508: {  	v4 =	vld [tilespmem:s11+$0xFFFFFFE0]  }
0x509: {  	v5 =	vld [tilespmem:s11+$0xFFFFFFF0];
	v23 =	vand.u32 $0xFFFF, v15  }
0x50a: {  	v1 =	vshrl.u32 v2, $0x10;
	v8 =	vand.u32 $0xFFFF, v2;
	v6 =	vld [tilespmem:s11+$0x0]  }
0x50b: {  	v7 =	vld [tilespmem:s11+$0x10];
	v24 =	vand.u32 $0xFFFF, v17  }
0x50c: {  	v2 =	vshrl.u32 v3, $0x10;
	v9 =	vand.u32 $0xFFFF, v3;
	v14 =	vld [tilespmem:s11+$0x20]  }
0x50d: {  	v16 =	vld [tilespmem:s11+$0xFFFFFFB0];
	v3 =	vshrl.u32 v4, $0x10;
	v10 =	vand.u32 $0xFFFF, v4  }
0x50e: {  	s10 =	sadd.s32 $0xA0, s10;
	v4 =	vshrl.u32 v5, $0x10;
	v11 =	vand.u32 $0xFFFF, v5;
	v18 =	vld.idx.msk [tilespmem:v23+s3+$0x0], $0xffff  }
0x50f: {  	v5 =	vshrl.u32 v6, $0x10;
	v12 =	vand.u32 $0xFFFF, v6;
	v25 =	vld [tilespmem:s10+$0x40]  }
0x510: {  	v6 =	vshrl.u32 v7, $0x10;
	v13 =	vand.u32 $0xFFFF, v7;
	v19 =	vld.idx.msk [tilespmem:v24+s3+$0x0], $0xffff  }
0x511: {  	v27 =	vshrl.u32 v15, $0x10;
	v7 =	vshrl.u32 v14, $0x10;
	v14 =	vand.u32 $0xFFFF, v14;
	v26 =	vld [tilespmem:s8+$0x19F00]  }
0x512: {  	v15 =	vshrl.u32 v16, $0x10;
	v16 =	vand.u32 $0xFFFF, v16;
	v28 =	vld.idx.msk [tilespmem:v8+s3+$0x0], $0xffff  }
0x513: {  	v30 =	vshrl.u32 v17, $0x10;
	v29 =	vld.idx.msk [tilespmem:v9+s3+$0x0], $0xffff  }
0x514: {  	v31 =	vld.idx.msk [tilespmem:v10+s3+$0x0], $0xffff;
	v17 =	vmul.f32 v18, v25  }
0x515: {  	v32 =	vld.idx.msk [tilespmem:v11+s3+$0x0], $0xffff  }
0x516: {  	v18 =	vmul.f32 v19, v26;
	[tilespmem:v27+s23+$0x0] =	vst.idx.add.f32.msk $0xffff, v17  }
0x517: {  	v17 =	vld.idx.msk [tilespmem:v23+s24+$0x0], $0xffff  }
0x518: {  	[tilespmem:v30+s23+$0x0] =	vst.idx.add.f32.msk $0xffff, v18  }
0x519: {  	v18 =	vld.idx.msk [tilespmem:v24+s24+$0x0], $0xffff  }
0x51a: {  	v19 =	vld.idx.msk [tilespmem:v16+s3+$0x0], $0xffff  }
0x51b: {  	v33 =	vld.idx.msk [tilespmem:v12+s3+$0x0], $0xffff  }
0x51c: {  	v34 =	vld.idx.msk [tilespmem:v13+s3+$0x0], $0xffff  }
0x51d: {  	v20 =	vmul.f32 v17, v25;
	v35 =	vld.idx.msk [tilespmem:v14+s3+$0x0], $0xffff  }
0x51e: {  	v17 =	vld [tilespmem:s10+$0xFFFFFFB0]  }
0x51f: {  	v18 =	vmul.f32 v18, v26;
	[tilespmem:v27+s25+$0x0] =	vst.idx.add.f32.msk $0xffff, v20  }
0x520: {  	v36 =	vld.idx.msk [tilespmem:v23+s26+$0x0], $0xffff  }
0x521: {  	[tilespmem:v30+s25+$0x0] =	vst.idx.add.f32.msk $0xffff, v18  }
0x522: {  	v37 =	vld.idx.msk [tilespmem:v24+s26+$0x0], $0xffff  }
0x523: {  	v38 =	vmul.f32 v19, v17;
	v22 =	vld [tilespmem:s10+$0xFFFFFFC0]  }
0x524: {  	v21 =	vld [tilespmem:s10+$0xFFFFFFD0]  }
0x525: {  	v20 =	vld [tilespmem:s10+$0xFFFFFFE0]  }
0x526: {  	v36 =	vmul.f32 v36, v25;
	v18 =	vld [tilespmem:s10+$0xFFFFFFF0]  }
0x527: {  	v19 =	vld [tilespmem:s10+$0x0]  }
0x528: {  	v37 =	vmul.f32 v37, v26;
	v28 =	vmul.f32 v28, v22;
	[tilespmem:v27+s28+$0x0] =	vst.idx.add.f32.msk $0xffff, v36  }
0x529: {  	v29 =	vmul.f32 v29, v21;
	v36 =	vld.idx.msk [tilespmem:v23+s29+$0x0], $0xffff  }
0x52a: {  	v31 =	vmul.f32 v31, v20;
	[tilespmem:v30+s28+$0x0] =	vst.idx.add.f32.msk $0xffff, v37  }
0x52b: {  	v32 =	vmul.f32 v32, v18;
	v37 =	vld.idx.msk [tilespmem:v24+s29+$0x0], $0xffff  }
0x52c: {  	v33 =	vmul.f32 v33, v19;
	v24 =	vld [tilespmem:s10+$0x10]  }
0x52d: {  	v23 =	vld [tilespmem:s10+$0x20]  }
0x52e: {  	[tilespmem:v15+s23+$0x0] =	vst.idx.add.f32.msk $0xffff, v38  }
0x52f: {  	[tilespmem:v1+s23+$0x0] =	vst.idx.add.f32.msk $0xffff, v28  }
0x530: {  	v25 =	vmul.f32 v36, v25;
	[tilespmem:v2+s23+$0x0] =	vst.idx.add.f32.msk $0xffff, v29  }
0x531: {  	v26 =	vmul.f32 v37, v26;
	[tilespmem:v3+s23+$0x0] =	vst.idx.add.f32.msk $0xffff, v31;
	v28 =	vmul.f32 v34, v24  }
0x532: {  	v29 =	vmul.f32 v35, v23;
	[tilespmem:v27+s30+$0x0] =	vst.idx.add.f32.msk $0xffff, v25  }
0x533: {  	[tilespmem:v30+s30+$0x0] =	vst.idx.add.f32.msk $0xffff, v26  }
0x534: {  	[tilespmem:v4+s23+$0x0] =	vst.idx.add.f32.msk $0xffff, v32  }
0x535: {  	[tilespmem:v5+s23+$0x0] =	vst.idx.add.f32.msk $0xffff, v33  }
0x536: {  	[tilespmem:v6+s23+$0x0] =	vst.idx.add.f32.msk $0xffff, v28  }
0x537: {  	[tilespmem:v7+s23+$0x0] =	vst.idx.add.f32.msk $0xffff, v29  }
0x538: {  	v25 =	vld.idx.msk [tilespmem:v16+s24+$0x0], $0xffff  }
0x539: {  	v26 =	vld.idx.msk [tilespmem:v8+s24+$0x0], $0xffff  }
0x53a: {  	v27 =	vld.idx.msk [tilespmem:v9+s24+$0x0], $0xffff  }
0x53b: {  	v28 =	vld.idx.msk [tilespmem:v10+s24+$0x0], $0xffff  }
0x53c: {  	v29 =	vld.idx.msk [tilespmem:v11+s24+$0x0], $0xffff  }
0x53d: {  	v30 =	vld.idx.msk [tilespmem:v12+s24+$0x0], $0xffff  }
0x53e: {  	v25 =	vmul.f32 v25, v17;
	v31 =	vld.idx.msk [tilespmem:v13+s24+$0x0], $0xffff  }
0x53f: {  	v26 =	vmul.f32 v26, v22;
	v32 =	vld.idx.msk [tilespmem:v14+s24+$0x0], $0xffff  }
0x540: {  	[tilespmem:v15+s25+$0x0] =	vst.idx.add.f32.msk $0xffff, v25;
	v25 =	vmul.f32 v27, v21  }
0x541: {  	[tilespmem:v1+s25+$0x0] =	vst.idx.add.f32.msk $0xffff, v26;
	v26 =	vmul.f32 v28, v20  }
0x542: {  	[tilespmem:v2+s25+$0x0] =	vst.idx.add.f32.msk $0xffff, v25;
	v25 =	vmul.f32 v29, v18  }
0x543: {  	[tilespmem:v3+s25+$0x0] =	vst.idx.add.f32.msk $0xffff, v26;
	v26 =	vmul.f32 v30, v19  }
0x544: {  	[tilespmem:v4+s25+$0x0] =	vst.idx.add.f32.msk $0xffff, v25;
	v25 =	vmul.f32 v31, v24  }
0x545: {  	[tilespmem:v5+s25+$0x0] =	vst.idx.add.f32.msk $0xffff, v26;
	v26 =	vmul.f32 v32, v23  }
0x546: {  	[tilespmem:v6+s25+$0x0] =	vst.idx.add.f32.msk $0xffff, v25  }
0x547: {  	[tilespmem:v7+s25+$0x0] =	vst.idx.add.f32.msk $0xffff, v26  }
0x548: {  	v25 =	vld.idx.msk [tilespmem:v16+s26+$0x0], $0xffff  }
0x549: {  	v26 =	vld.idx.msk [tilespmem:v8+s26+$0x0], $0xffff  }
0x54a: {  	v27 =	vld.idx.msk [tilespmem:v9+s26+$0x0], $0xffff  }
0x54b: {  	v28 =	vld.idx.msk [tilespmem:v10+s26+$0x0], $0xffff  }
0x54c: {  	v29 =	vld.idx.msk [tilespmem:v11+s26+$0x0], $0xffff  }
0x54d: {  	v30 =	vld.idx.msk [tilespmem:v12+s26+$0x0], $0xffff  }
0x54e: {  	v25 =	vmul.f32 v25, v17;
	v31 =	vld.idx.msk [tilespmem:v13+s26+$0x0], $0xffff  }
0x54f: {  	v26 =	vmul.f32 v26, v22;
	v32 =	vld.idx.msk [tilespmem:v14+s26+$0x0], $0xffff  }
0x550: {  	[tilespmem:v15+s28+$0x0] =	vst.idx.add.f32.msk $0xffff, v25;
	v25 =	vmul.f32 v27, v21  }
0x551: {  	[tilespmem:v1+s28+$0x0] =	vst.idx.add.f32.msk $0xffff, v26;
	v26 =	vmul.f32 v28, v20  }
0x552: {  	[tilespmem:v2+s28+$0x0] =	vst.idx.add.f32.msk $0xffff, v25;
	v25 =	vmul.f32 v29, v18  }
0x553: {  	[tilespmem:v3+s28+$0x0] =	vst.idx.add.f32.msk $0xffff, v26;
	v26 =	vmul.f32 v30, v19  }
0x554: {  	[tilespmem:v4+s28+$0x0] =	vst.idx.add.f32.msk $0xffff, v25;
	v25 =	vmul.f32 v31, v24  }
0x555: {  	[tilespmem:v5+s28+$0x0] =	vst.idx.add.f32.msk $0xffff, v26;
	v26 =	vmul.f32 v32, v23  }
0x556: {  	[tilespmem:v6+s28+$0x0] =	vst.idx.add.f32.msk $0xffff, v25  }
0x557: {  	[tilespmem:v7+s28+$0x0] =	vst.idx.add.f32.msk $0xffff, v26  }
0x558: {  	v16 =	vld.idx.msk [tilespmem:v16+s29+$0x0], $0xffff  }
0x559: {  	v8 =	vld.idx.msk [tilespmem:v8+s29+$0x0], $0xffff  }
0x55a: {  	v9 =	vld.idx.msk [tilespmem:v9+s29+$0x0], $0xffff  }
0x55b: {  	v10 =	vld.idx.msk [tilespmem:v10+s29+$0x0], $0xffff  }
0x55c: {  	v11 =	vld.idx.msk [tilespmem:v11+s29+$0x0], $0xffff  }
0x55d: {  	v12 =	vld.idx.msk [tilespmem:v12+s29+$0x0], $0xffff  }
0x55e: {  	v16 =	vmul.f32 v16, v17;
	v13 =	vld.idx.msk [tilespmem:v13+s29+$0x0], $0xffff  }
0x55f: {  	v8 =	vmul.f32 v8, v22;
	v14 =	vld.idx.msk [tilespmem:v14+s29+$0x0], $0xffff  }
0x560: {  	v9 =	vmul.f32 v9, v21;
	[tilespmem:v15+s30+$0x0] =	vst.idx.add.f32.msk $0xffff, v16  }
0x561: {  	[tilespmem:v1+s30+$0x0] =	vst.idx.add.f32.msk $0xffff, v8;
	v1 =	vmul.f32 v10, v20  }
0x562: {  	[tilespmem:v2+s30+$0x0] =	vst.idx.add.f32.msk $0xffff, v9;
	v2 =	vmul.f32 v11, v18  }
.Ltmp11:
0x563: {  	[tilespmem:v3+s30+$0x0] =	vst.idx.add.f32.msk $0xffff, v1;
	v1 =	vmul.f32 v12, v19;
	(pc) =	sbr.rel @p0 .LBB2_22-.Ltmp11, $4  }
0x564: {  	[tilespmem:v4+s30+$0x0] =	vst.idx.add.f32.msk $0xffff, v2;
	v2 =	vmul.f32 v13, v24  }
0x565: {  	[tilespmem:v5+s30+$0x0] =	vst.idx.add.f32.msk $0xffff, v1;
	v1 =	vmul.f32 v14, v23  }
0x566: {  	[tilespmem:v6+s30+$0x0] =	vst.idx.add.f32.msk $0xffff, v2  }
0x567: {  	s11 =	sadd.s32 $0xA0, s11;
	[tilespmem:v7+s30+$0x0] =	vst.idx.add.f32.msk $0xffff, v1  }
0x568: {  	s2 =	sadd.s32 $0x1, s2  }
0x569: {  	p0 =	sne.s32 s2, $0xA  }
.Ltmp12:
0x56a: {  	_ = 	snop;
	(pc) =	sbr.rel @p0 .LBB2_19-.Ltmp12, $1  }
0x56b: {  	_ =	sdelay $0x3  }
0x56c: {  	s0 =	rddreg [dreg:$0x5]  }
0x56d: {  	[hbm4b:s0+s15] =	stream.strided.scatter [tilespmem:s23], [sflag:$0x3], $0xA000, s16, s15, $0x38;
	[tilespmem:$0x1BE00] =	vst v63  }
0x56e: {  	_ =	swait.ge [sflag:s14], $0xA000  }
0x56f: {  	[sflag:s14] =	ssyncset.done $0x0  }
0x570: {  	[sflag:s14] =	ssyncadd.s32 $0xFFFF6000  }
0x571: {  	_ =	swait.ge [sflag:s14], $0xA000  }
0x572: {  	[sflag:s14] =	ssyncset.done $0x0  }
0x573: {  	s2 =	simm.s32 $0x0;
	s17 =	rddreg [dreg:$0x6];
	[sflag:s14] =	ssyncadd.s32 $0xFFFF6000  }
0x574: {  	[tilespmem:s2], [sflag:$0x3] =	stream.strided.gather [hbm4b:s17+s15], $0xA000, s16, s15, $0x38;
	[tilespmem:$0x1BE00] =	vst v63  }
0x575: {  	_ =	swait.ge [sflag:s14], $0xA000  }
0x576: {  	[sflag:s14] =	ssyncset.done $0x0  }
0x577: {  	s7 =	simm.s32 $0x0;
	[sflag:s14] =	ssyncadd.s32 $0xFFFF6000  }
.LBB2_25:
0x578: {  	p0 =	seq.s32 s7, $0x0  }
0x579: {  	s0 =	simm.s32 @!p0 $0x3  }
0x57a: {  	_ =	swait.ge @!p0 [sflag:s0], $0xA000  }
0x57b: {  	[sflag:s0] =	ssyncset.done @!p0 $0x0  }
0x57c: {  	[sflag:s0] =	ssyncadd.s32 @!p0 $0xFFFF6000  }
0x57d: {  	[tilespmem:s18], [sflag:$0x1] =	stream.linear.gather [hbm4b:s4+s2], $0x1F40, $0x38;
	[tilespmem:$0x1BE00] =	vst v63  }
0x57e: {  	s17 =	simm.s32 $0xA050  }
0x57f: {  	[tilespmem:s19], [sflag:$0x1] =	stream.linear.gather [hbm4b:s1+s2], $0x1F40, $0x38;
	[tilespmem:$0x1BE00] =	vst v63  }
0x580: {  	[tilespmem:s17+$0xFFFFFFC0] =	vst v0  }
0x581: {  	[tilespmem:s17+$0xFFFFFFD0] =	vst v0  }
0x582: {  	[tilespmem:s17+$0xFFFFFFE0] =	vst v0  }
0x583: {  	[tilespmem:s17+$0xFFFFFFF0] =	vst v0  }
0x584: {  	[tilespmem:s17+$0x0] =	vst v0  }
0x585: {  	[tilespmem:s17+$0x10] =	vst v0  }
0x586: {  	[tilespmem:s17+$0x20] =	vst v0  }
0x587: {  	[tilespmem:s17+$0x40] =	vst v0  }
0x588: {  	s8 =	sand.u32 $0xFFE0, s2;
	[tilespmem:s17+$0xFFFFFFB0] =	vst v0  }
0x589: {  	s11 =	simm.s32 $0x0;
	s0 =	simm.s32 $0x0;
	[tilespmem:s8+$0xA080] =	vst v0;
	s8 =	simm.s32 $0xA0F0  }
.LBB2_26:
0x58a: {  	[tilespmem:s8+$0xFFFFFFC0] =	vst v0  }
0x58b: {  	[tilespmem:s8+$0xFFFFFFD0] =	vst v0  }
0x58c: {  	[tilespmem:s8+$0xFFFFFFE0] =	vst v0  }
0x58d: {  	s0 =	sadd.s32 $0xA, s0;
	[tilespmem:s8+$0xFFFFFFF0] =	vst v0  }
0x58e: {  	p1 =	slt.u32 s0, $0x9F6;
	[tilespmem:s8+$0x0] =	vst v0  }
.Ltmp13:
0x58f: {  	[tilespmem:s8+$0x10] =	vst v0;
	(pc) =	sbr.rel @p1 .LBB2_26-.Ltmp13, $4  }
0x590: {  	[tilespmem:s8+$0x20] =	vst v0  }
0x591: {  	s11 =	sadd.s32 $0xA0, s11;
	[tilespmem:s8+$0x40] =	vst v0  }
0x592: {  	s10 =	sand.u32 $0xFFE0, s11;
	[tilespmem:s8+$0xFFFFFFB0] =	vst v0  }
0x593: {  	s8 =	sadd.s32 $0xA0, s8;
	[tilespmem:s10+$0xA080] =	vst v0;
	s10 =	simm.s32 $0x0  }
0x594: {  	s11 =	simm.s32 $0x0  }
.LBB2_28:
0x595: {  	_ =	swait.ge [sflag:s20], $0x1F40  }
0x596: {  	s13 =	smul.u32 $0x3E80, s11;
	[sflag:s20] =	ssyncset.done $0x0  }
0x597: {  	[sflag:s20] =	ssyncadd.s32 $0xFFFFE0C0  }
0x598: {  	s0 =	sshrl.u32 s13, $0x3;
	_ =	swait.ge [sflag:s20], $0x1F40  }
0x599: {  	s0 =	sadd.s32 $0x3E8, s0;
	[sflag:s20] =	ssyncset.done $0x0  }
0x59a: {  	s8 =	sadd.s32 s4, s0;
	[sflag:s20] =	ssyncadd.s32 $0xFFFFE0C0  }
0x59b: {  	[tilespmem:s21], [sflag:$0x2] =	stream.linear.gather [hbm4b:s8+s10], $0x1F40, $0x38;
	[tilespmem:$0x1BE00] =	vst v63  }
0x59c: {  	s14 =	simm.s32 $0x14050;
	s0 =	sadd.s32 s1, s0  }
0x59d: {  	[tilespmem:s22], [sflag:$0x2] =	stream.linear.gather [hbm4b:s0+s10], $0x1F40, $0x38;
	[tilespmem:$0x1BE00] =	vst v63  }
0x59e: {  	v1 =	vld [tilespmem:s14+$0x40]  }
0x59f: {  	s17 =	sand.u32 $0x1FE0, s10;
	v2 =	vld [tilespmem:s14+$0xFFFFFFC0]  }
0x5a0: {  	v3 =	vld [tilespmem:s17+$0x14080]  }
0x5a1: {  	v4 =	vld [tilespmem:s14+$0xFFFFFFD0]  }
0x5a2: {  	v5 =	vld [tilespmem:s14+$0xFFFFFFE0]  }
0x5a3: {  	v6 =	vld [tilespmem:s14+$0xFFFFFFF0]  }
0x5a4: {  	v8 =	vld [tilespmem:s14+$0x0]  }
0x5a5: {  	v9 =	vld [tilespmem:s14+$0x10]  }
0x5a6: {  	v11 =	vld [tilespmem:s14+$0x20]  }
0x5a7: {  	v13 =	vld [tilespmem:s14+$0xFFFFFFB0]  }
0x5a8: {  	s14 =	simm.s32 $0x15FD0;
	v20 =	vld [tilespmem:s17+$0x16000];
	v7 =	vand.u32 $0xFFFF, v1  }
0x5a9: {  	v17 =	vld [tilespmem:s14+$0x40];
	v10 =	vand.u32 $0xFFFF, v3  }
0x5aa: {  	v33 =	vld [tilespmem:s14+$0xFFFFFFB0]  }
0x5ab: {  	v34 =	vld [tilespmem:s14+$0xFFFFFFC0]  }
0x5ac: {  	v35 =	vld [tilespmem:s14+$0xFFFFFFD0]  }
0x5ad: {  	v15 =	vld.idx.msk [tilespmem:v7+s3+$0x0], $0xffff  }
0x5ae: {  	v19 =	vld.idx.msk [tilespmem:v10+s3+$0x0], $0xffff  }
0x5af: {  	v36 =	vld [tilespmem:s14+$0xFFFFFFE0];
	v1 =	vshrl.u32 v1, $0x10  }
0x5b0: {  	v37 =	vld [tilespmem:s14+$0xFFFFFFF0];
	v3 =	vshrl.u32 v3, $0x10  }
0x5b1: {  	v38 =	vld [tilespmem:s14+$0x0]  }
0x5b2: {  	v43 =	vld [tilespmem:s14+$0x10];
	v15 =	vmul.f32 v15, v17  }
0x5b3: {  	v44 =	vld [tilespmem:s14+$0x20];
	v12 =	vand.u32 $0xFFFF, v2;
	v19 =	vmul.f32 v19, v20  }
0x5b4: {  	v14 =	vand.u32 $0xFFFF, v4;
	[tilespmem:v1+s23+$0x0] =	vst.idx.add.f32.msk $0xffff, v15  }
0x5b5: {  	v16 =	vand.u32 $0xFFFF, v5;
	[tilespmem:v3+s23+$0x0] =	vst.idx.add.f32.msk $0xffff, v19  }
0x5b6: {  	v18 =	vand.u32 $0xFFFF, v6;
	v27 =	vld.idx.msk [tilespmem:v7+s24+$0x0], $0xffff  }
0x5b7: {  	v24 =	vand.u32 $0xFFFF, v13;
	v19 =	vld.idx.msk [tilespmem:v10+s24+$0x0], $0xffff  }
0x5b8: {  	v21 =	vld.idx.msk [tilespmem:v12+s3+$0x0], $0xffff  }
0x5b9: {  	v22 =	vld.idx.msk [tilespmem:v14+s3+$0x0], $0xffff  }
0x5ba: {  	v23 =	vld.idx.msk [tilespmem:v16+s3+$0x0], $0xffff  }
0x5bb: {  	v25 =	vld.idx.msk [tilespmem:v18+s3+$0x0], $0xffff;
	v27 =	vmul.f32 v27, v17  }
0x5bc: {  	v26 =	vand.u32 $0xFFFF, v8;
	v29 =	vld.idx.msk [tilespmem:v24+s3+$0x0], $0xffff;
	v19 =	vmul.f32 v19, v20  }
0x5bd: {  	v41 =	vand.u32 $0xFFFF, v9;
	[tilespmem:v1+s25+$0x0] =	vst.idx.add.f32.msk $0xffff, v27  }
0x5be: {  	v28 =	vand.u32 $0xFFFF, v11;
	[tilespmem:v3+s25+$0x0] =	vst.idx.add.f32.msk $0xffff, v19  }
0x5bf: {  	v13 =	vshrl.u32 v13, $0x10;
	v27 =	vld.idx.msk [tilespmem:v7+s26+$0x0], $0xffff  }
0x5c0: {  	v2 =	vshrl.u32 v2, $0x10;
	v19 =	vld.idx.msk [tilespmem:v10+s26+$0x0], $0xffff  }
0x5c1: {  	v30 =	vld.idx.msk [tilespmem:v26+s3+$0x0], $0xffff  }
0x5c2: {  	v31 =	vld.idx.msk [tilespmem:v41+s3+$0x0], $0xffff;
	v42 =	vmul.f32 v29, v33  }
0x5c3: {  	v32 =	vld.idx.msk [tilespmem:v28+s3+$0x0], $0xffff;
	v21 =	vmul.f32 v21, v34  }
0x5c4: {  	[tilespmem:v13+s23+$0x0] =	vst.idx.add.f32.msk $0xffff, v42;
	v27 =	vmul.f32 v27, v17  }
0x5c5: {  	v4 =	vshrl.u32 v4, $0x10;
	[tilespmem:v2+s23+$0x0] =	vst.idx.add.f32.msk $0xffff, v21;
	v19 =	vmul.f32 v19, v20  }
0x5c6: {  	v5 =	vshrl.u32 v5, $0x10;
	[tilespmem:v1+s28+$0x0] =	vst.idx.add.f32.msk $0xffff, v27  }
0x5c7: {  	v6 =	vshrl.u32 v6, $0x10;
	[tilespmem:v3+s28+$0x0] =	vst.idx.add.f32.msk $0xffff, v19  }
0x5c8: {  	v11 =	vshrl.u32 v11, $0x10;
	v22 =	vmul.f32 v22, v35;
	v7 =	vld.idx.msk [tilespmem:v7+s29+$0x0], $0xffff  }
0x5c9: {  	v45 =	vmul.f32 v23, v36;
	v10 =	vld.idx.msk [tilespmem:v10+s29+$0x0], $0xffff  }
0x5ca: {  	v46 =	vmul.f32 v25, v37;
	[tilespmem:v4+s23+$0x0] =	vst.idx.add.f32.msk $0xffff, v22  }
0x5cb: {  	v47 =	vmul.f32 v32, v44;
	[tilespmem:v5+s23+$0x0] =	vst.idx.add.f32.msk $0xffff, v45  }
0x5cc: {  	v8 =	vshrl.u32 v8, $0x10;
	[tilespmem:v6+s23+$0x0] =	vst.idx.add.f32.msk $0xffff, v46  }
0x5cd: {  	v9 =	vshrl.u32 v9, $0x10;
	[tilespmem:v11+s23+$0x0] =	vst.idx.add.f32.msk $0xffff, v47;
	v7 =	vmul.f32 v7, v17  }
0x5ce: {  	v48 =	vld.idx.msk [tilespmem:v14+s24+$0x0], $0xffff;
	v10 =	vmul.f32 v10, v20  }
0x5cf: {  	[tilespmem:v1+s30+$0x0] =	vst.idx.add.f32.msk $0xffff, v7;
	v1 =	vmul.f32 v30, v38  }
0x5d0: {  	[tilespmem:v3+s30+$0x0] =	vst.idx.add.f32.msk $0xffff, v10;
	v3 =	vmul.f32 v31, v43  }
0x5d1: {  	[tilespmem:v8+s23+$0x0] =	vst.idx.add.f32.msk $0xffff, v1  }
0x5d2: {  	[tilespmem:v9+s23+$0x0] =	vst.idx.add.f32.msk $0xffff, v3  }
0x5d3: {  	v1 =	vld.idx.msk [tilespmem:v24+s24+$0x0], $0xffff  }
0x5d4: {  	v3 =	vld.idx.msk [tilespmem:v12+s24+$0x0], $0xffff  }
0x5d5: {  	v49 =	vld.idx.msk [tilespmem:v16+s24+$0x0], $0xffff  }
0x5d6: {  	v52 =	vld.idx.msk [tilespmem:v28+s24+$0x0], $0xffff  }
0x5d7: {  	v17 =	vld.idx.msk [tilespmem:v18+s24+$0x0], $0xffff  }
0x5d8: {  	v50 =	vld.idx.msk [tilespmem:v26+s24+$0x0], $0xffff;
	v1 =	vmul.f32 v1, v33  }
0x5d9: {  	v51 =	vld.idx.msk [tilespmem:v41+s24+$0x0], $0xffff;
	v3 =	vmul.f32 v3, v34  }
0x5da: {  	[tilespmem:v13+s25+$0x0] =	vst.idx.add.f32.msk $0xffff, v1;
	v1 =	vmul.f32 v48, v35  }
0x5db: {  	[tilespmem:v2+s25+$0x0] =	vst.idx.add.f32.msk $0xffff, v3;
	v3 =	vmul.f32 v49, v36  }
0x5dc: {  	[tilespmem:v4+s25+$0x0] =	vst.idx.add.f32.msk $0xffff, v1  }
0x5dd: {  	v1 =	vmul.f32 v17, v37;
	[tilespmem:v5+s25+$0x0] =	vst.idx.add.f32.msk $0xffff, v3  }
0x5de: {  	v3 =	vmul.f32 v50, v38;
	v53 =	vld.idx.msk [tilespmem:v14+s26+$0x0], $0xffff  }
0x5df: {  	[tilespmem:v6+s25+$0x0] =	vst.idx.add.f32.msk $0xffff, v1;
	v1 =	vmul.f32 v51, v43  }
0x5e0: {  	[tilespmem:v8+s25+$0x0] =	vst.idx.add.f32.msk $0xffff, v3;
	v3 =	vmul.f32 v52, v44  }
0x5e1: {  	[tilespmem:v9+s25+$0x0] =	vst.idx.add.f32.msk $0xffff, v1  }
0x5e2: {  	[tilespmem:v11+s25+$0x0] =	vst.idx.add.f32.msk $0xffff, v3  }
0x5e3: {  	v1 =	vld.idx.msk [tilespmem:v24+s26+$0x0], $0xffff  }
0x5e4: {  	v3 =	vld.idx.msk [tilespmem:v12+s26+$0x0], $0xffff  }
0x5e5: {  	v54 =	vld.idx.msk [tilespmem:v16+s26+$0x0], $0xffff  }
0x5e6: {  	v55 =	vld.idx.msk [tilespmem:v18+s26+$0x0], $0xffff  }
0x5e7: {  	v56 =	vld.idx.msk [tilespmem:v26+s26+$0x0], $0xffff  }
0x5e8: {  	v57 =	vld.idx.msk [tilespmem:v41+s26+$0x0], $0xffff;
	v1 =	vmul.f32 v1, v33  }
0x5e9: {  	v58 =	vld.idx.msk [tilespmem:v28+s26+$0x0], $0xffff;
	v3 =	vmul.f32 v3, v34  }
0x5ea: {  	[tilespmem:v13+s28+$0x0] =	vst.idx.add.f32.msk $0xffff, v1;
	v1 =	vmul.f32 v53, v35  }
0x5eb: {  	[tilespmem:v2+s28+$0x0] =	vst.idx.add.f32.msk $0xffff, v3;
	v3 =	vmul.f32 v54, v36  }
0x5ec: {  	[tilespmem:v4+s28+$0x0] =	vst.idx.add.f32.msk $0xffff, v1  }
0x5ed: {  	v1 =	vmul.f32 v55, v37;
	[tilespmem:v5+s28+$0x0] =	vst.idx.add.f32.msk $0xffff, v3  }
0x5ee: {  	v3 =	vmul.f32 v56, v38;
	v59 =	vld.idx.msk [tilespmem:v14+s29+$0x0], $0xffff  }
0x5ef: {  	[tilespmem:v6+s28+$0x0] =	vst.idx.add.f32.msk $0xffff, v1;
	v1 =	vmul.f32 v57, v43  }
0x5f0: {  	[tilespmem:v8+s28+$0x0] =	vst.idx.add.f32.msk $0xffff, v3;
	v3 =	vmul.f32 v58, v44  }
0x5f1: {  	[tilespmem:v9+s28+$0x0] =	vst.idx.add.f32.msk $0xffff, v1  }
0x5f2: {  	[tilespmem:v11+s28+$0x0] =	vst.idx.add.f32.msk $0xffff, v3  }
0x5f3: {  	v1 =	vld.idx.msk [tilespmem:v24+s29+$0x0], $0xffff  }
0x5f4: {  	v3 =	vld.idx.msk [tilespmem:v12+s29+$0x0], $0xffff  }
0x5f5: {  	v60 =	vld.idx.msk [tilespmem:v16+s29+$0x0], $0xffff  }
0x5f6: {  	v61 =	vld.idx.msk [tilespmem:v18+s29+$0x0], $0xffff  }
0x5f7: {  	v62 =	vld.idx.msk [tilespmem:v26+s29+$0x0], $0xffff  }
0x5f8: {  	v15 =	vld.idx.msk [tilespmem:v41+s29+$0x0], $0xffff;
	v1 =	vmul.f32 v1, v33  }
0x5f9: {  	v63 =	vld.idx.msk [tilespmem:v28+s29+$0x0], $0xffff;
	v3 =	vmul.f32 v3, v34  }
0x5fa: {  	[tilespmem:v13+s30+$0x0] =	vst.idx.add.f32.msk $0xffff, v1;
	v1 =	vmul.f32 v59, v35  }
0x5fb: {  	[tilespmem:v2+s30+$0x0] =	vst.idx.add.f32.msk $0xffff, v3;
	v2 =	vmul.f32 v60, v36  }
0x5fc: {  	[tilespmem:v4+s30+$0x0] =	vst.idx.add.f32.msk $0xffff, v1;
	v1 =	vmul.f32 v61, v37  }
0x5fd: {  	[tilespmem:v5+s30+$0x0] =	vst.idx.add.f32.msk $0xffff, v2;
	v2 =	vmul.f32 v62, v38  }
0x5fe: {  	[tilespmem:v6+s30+$0x0] =	vst.idx.add.f32.msk $0xffff, v1;
	v1 =	vmul.f32 v15, v43  }
0x5ff: {  	[tilespmem:v8+s30+$0x0] =	vst.idx.add.f32.msk $0xffff, v2;
	v2 =	vmul.f32 v63, v44  }
0x600: {  	[tilespmem:v9+s30+$0x0] =	vst.idx.add.f32.msk $0xffff, v1  }
0x601: {  	s8 =	simm.s32 $0x0;
	s0 =	simm.s32 $0x0;
	s17 =	simm.s32 $0x140F0;
	[tilespmem:v11+s30+$0x0] =	vst.idx.add.f32.msk $0xffff, v2  }
.LBB2_29:
0x602: {  	v15 =	vld [tilespmem:s17+$0x40];
	s8 =	sadd.s32 $0xA0, s8  }
0x603: {  	s0 =	sadd.s32 $0xA, s0;
	v2 =	vld [tilespmem:s17+$0xFFFFFFC0];
	s9 =	sand.u32 $0x1FE0, s8  }
0x604: {  	p1 =	slt.u32 s0, $0x1EA;
	v17 =	vld [tilespmem:s9+$0x14080]  }
0x605: {  	v3 =	vld [tilespmem:s17+$0xFFFFFFD0]  }
0x606: {  	v4 =	vld [tilespmem:s17+$0xFFFFFFE0]  }
0x607: {  	v5 =	vld [tilespmem:s17+$0xFFFFFFF0];
	v23 =	vand.u32 $0xFFFF, v15  }
0x608: {  	v1 =	vshrl.u32 v2, $0x10;
	v8 =	vand.u32 $0xFFFF, v2;
	v6 =	vld [tilespmem:s17+$0x0]  }
0x609: {  	v7 =	vld [tilespmem:s17+$0x10];
	v24 =	vand.u32 $0xFFFF, v17  }
0x60a: {  	v2 =	vshrl.u32 v3, $0x10;
	v9 =	vand.u32 $0xFFFF, v3;
	v14 =	vld [tilespmem:s17+$0x20]  }
0x60b: {  	v16 =	vld [tilespmem:s17+$0xFFFFFFB0];
	v3 =	vshrl.u32 v4, $0x10;
	v10 =	vand.u32 $0xFFFF, v4  }
0x60c: {  	s14 =	sadd.s32 $0xA0, s14;
	v4 =	vshrl.u32 v5, $0x10;
	v11 =	vand.u32 $0xFFFF, v5;
	v18 =	vld.idx.msk [tilespmem:v23+s3+$0x0], $0xffff  }
0x60d: {  	v5 =	vshrl.u32 v6, $0x10;
	v12 =	vand.u32 $0xFFFF, v6;
	v25 =	vld [tilespmem:s14+$0x40]  }
0x60e: {  	v6 =	vshrl.u32 v7, $0x10;
	v13 =	vand.u32 $0xFFFF, v7;
	v19 =	vld.idx.msk [tilespmem:v24+s3+$0x0], $0xffff  }
0x60f: {  	v27 =	vshrl.u32 v15, $0x10;
	v7 =	vshrl.u32 v14, $0x10;
	v14 =	vand.u32 $0xFFFF, v14;
	v26 =	vld [tilespmem:s9+$0x16000]  }
0x610: {  	v15 =	vshrl.u32 v16, $0x10;
	v16 =	vand.u32 $0xFFFF, v16;
	v28 =	vld.idx.msk [tilespmem:v8+s3+$0x0], $0xffff  }
0x611: {  	v30 =	vshrl.u32 v17, $0x10;
	v29 =	vld.idx.msk [tilespmem:v9+s3+$0x0], $0xffff  }
0x612: {  	v31 =	vld.idx.msk [tilespmem:v10+s3+$0x0], $0xffff;
	v17 =	vmul.f32 v18, v25  }
0x613: {  	v32 =	vld.idx.msk [tilespmem:v11+s3+$0x0], $0xffff  }
0x614: {  	v18 =	vmul.f32 v19, v26;
	[tilespmem:v27+s23+$0x0] =	vst.idx.add.f32.msk $0xffff, v17  }
0x615: {  	v17 =	vld.idx.msk [tilespmem:v23+s24+$0x0], $0xffff  }
0x616: {  	[tilespmem:v30+s23+$0x0] =	vst.idx.add.f32.msk $0xffff, v18  }
0x617: {  	v18 =	vld.idx.msk [tilespmem:v24+s24+$0x0], $0xffff  }
0x618: {  	v19 =	vld.idx.msk [tilespmem:v16+s3+$0x0], $0xffff  }
0x619: {  	v33 =	vld.idx.msk [tilespmem:v12+s3+$0x0], $0xffff  }
0x61a: {  	v34 =	vld.idx.msk [tilespmem:v13+s3+$0x0], $0xffff  }
0x61b: {  	v20 =	vmul.f32 v17, v25;
	v35 =	vld.idx.msk [tilespmem:v14+s3+$0x0], $0xffff  }
0x61c: {  	v17 =	vld [tilespmem:s14+$0xFFFFFFB0]  }
0x61d: {  	v18 =	vmul.f32 v18, v26;
	[tilespmem:v27+s25+$0x0] =	vst.idx.add.f32.msk $0xffff, v20  }
0x61e: {  	v36 =	vld.idx.msk [tilespmem:v23+s26+$0x0], $0xffff  }
0x61f: {  	[tilespmem:v30+s25+$0x0] =	vst.idx.add.f32.msk $0xffff, v18  }
0x620: {  	v37 =	vld.idx.msk [tilespmem:v24+s26+$0x0], $0xffff  }
0x621: {  	v38 =	vmul.f32 v19, v17;
	v22 =	vld [tilespmem:s14+$0xFFFFFFC0]  }
0x622: {  	v21 =	vld [tilespmem:s14+$0xFFFFFFD0]  }
0x623: {  	v20 =	vld [tilespmem:s14+$0xFFFFFFE0]  }
0x624: {  	v36 =	vmul.f32 v36, v25;
	v18 =	vld [tilespmem:s14+$0xFFFFFFF0]  }
0x625: {  	v19 =	vld [tilespmem:s14+$0x0]  }
0x626: {  	v37 =	vmul.f32 v37, v26;
	v28 =	vmul.f32 v28, v22;
	[tilespmem:v27+s28+$0x0] =	vst.idx.add.f32.msk $0xffff, v36  }
0x627: {  	v29 =	vmul.f32 v29, v21;
	v36 =	vld.idx.msk [tilespmem:v23+s29+$0x0], $0xffff  }
0x628: {  	v31 =	vmul.f32 v31, v20;
	[tilespmem:v30+s28+$0x0] =	vst.idx.add.f32.msk $0xffff, v37  }
0x629: {  	v32 =	vmul.f32 v32, v18;
	v37 =	vld.idx.msk [tilespmem:v24+s29+$0x0], $0xffff  }
0x62a: {  	v33 =	vmul.f32 v33, v19;
	v24 =	vld [tilespmem:s14+$0x10]  }
0x62b: {  	v23 =	vld [tilespmem:s14+$0x20]  }
0x62c: {  	[tilespmem:v15+s23+$0x0] =	vst.idx.add.f32.msk $0xffff, v38  }
0x62d: {  	[tilespmem:v1+s23+$0x0] =	vst.idx.add.f32.msk $0xffff, v28  }
0x62e: {  	v25 =	vmul.f32 v36, v25;
	[tilespmem:v2+s23+$0x0] =	vst.idx.add.f32.msk $0xffff, v29  }
0x62f: {  	v26 =	vmul.f32 v37, v26;
	[tilespmem:v3+s23+$0x0] =	vst.idx.add.f32.msk $0xffff, v31;
	v28 =	vmul.f32 v34, v24  }
0x630: {  	v29 =	vmul.f32 v35, v23;
	[tilespmem:v27+s30+$0x0] =	vst.idx.add.f32.msk $0xffff, v25  }
0x631: {  	[tilespmem:v30+s30+$0x0] =	vst.idx.add.f32.msk $0xffff, v26  }
0x632: {  	[tilespmem:v4+s23+$0x0] =	vst.idx.add.f32.msk $0xffff, v32  }
0x633: {  	[tilespmem:v5+s23+$0x0] =	vst.idx.add.f32.msk $0xffff, v33  }
0x634: {  	[tilespmem:v6+s23+$0x0] =	vst.idx.add.f32.msk $0xffff, v28  }
0x635: {  	[tilespmem:v7+s23+$0x0] =	vst.idx.add.f32.msk $0xffff, v29  }
0x636: {  	v25 =	vld.idx.msk [tilespmem:v16+s24+$0x0], $0xffff  }
0x637: {  	v26 =	vld.idx.msk [tilespmem:v8+s24+$0x0], $0xffff  }
0x638: {  	v27 =	vld.idx.msk [tilespmem:v9+s24+$0x0], $0xffff  }
0x639: {  	v28 =	vld.idx.msk [tilespmem:v10+s24+$0x0], $0xffff  }
0x63a: {  	v29 =	vld.idx.msk [tilespmem:v11+s24+$0x0], $0xffff  }
0x63b: {  	v30 =	vld.idx.msk [tilespmem:v12+s24+$0x0], $0xffff  }
0x63c: {  	v25 =	vmul.f32 v25, v17;
	v31 =	vld.idx.msk [tilespmem:v13+s24+$0x0], $0xffff  }
0x63d: {  	v26 =	vmul.f32 v26, v22;
	v32 =	vld.idx.msk [tilespmem:v14+s24+$0x0], $0xffff  }
0x63e: {  	[tilespmem:v15+s25+$0x0] =	vst.idx.add.f32.msk $0xffff, v25;
	v25 =	vmul.f32 v27, v21  }
0x63f: {  	[tilespmem:v1+s25+$0x0] =	vst.idx.add.f32.msk $0xffff, v26;
	v26 =	vmul.f32 v28, v20  }
0x640: {  	[tilespmem:v2+s25+$0x0] =	vst.idx.add.f32.msk $0xffff, v25;
	v25 =	vmul.f32 v29, v18  }
0x641: {  	[tilespmem:v3+s25+$0x0] =	vst.idx.add.f32.msk $0xffff, v26;
	v26 =	vmul.f32 v30, v19  }
0x642: {  	[tilespmem:v4+s25+$0x0] =	vst.idx.add.f32.msk $0xffff, v25;
	v25 =	vmul.f32 v31, v24  }
0x643: {  	[tilespmem:v5+s25+$0x0] =	vst.idx.add.f32.msk $0xffff, v26;
	v26 =	vmul.f32 v32, v23  }
0x644: {  	[tilespmem:v6+s25+$0x0] =	vst.idx.add.f32.msk $0xffff, v25  }
0x645: {  	[tilespmem:v7+s25+$0x0] =	vst.idx.add.f32.msk $0xffff, v26  }
0x646: {  	v25 =	vld.idx.msk [tilespmem:v16+s26+$0x0], $0xffff  }
0x647: {  	v26 =	vld.idx.msk [tilespmem:v8+s26+$0x0], $0xffff  }
0x648: {  	v27 =	vld.idx.msk [tilespmem:v9+s26+$0x0], $0xffff  }
0x649: {  	v28 =	vld.idx.msk [tilespmem:v10+s26+$0x0], $0xffff  }
0x64a: {  	v29 =	vld.idx.msk [tilespmem:v11+s26+$0x0], $0xffff  }
0x64b: {  	v30 =	vld.idx.msk [tilespmem:v12+s26+$0x0], $0xffff  }
0x64c: {  	v25 =	vmul.f32 v25, v17;
	v31 =	vld.idx.msk [tilespmem:v13+s26+$0x0], $0xffff  }
0x64d: {  	v26 =	vmul.f32 v26, v22;
	v32 =	vld.idx.msk [tilespmem:v14+s26+$0x0], $0xffff  }
0x64e: {  	[tilespmem:v15+s28+$0x0] =	vst.idx.add.f32.msk $0xffff, v25;
	v25 =	vmul.f32 v27, v21  }
0x64f: {  	[tilespmem:v1+s28+$0x0] =	vst.idx.add.f32.msk $0xffff, v26;
	v26 =	vmul.f32 v28, v20  }
0x650: {  	[tilespmem:v2+s28+$0x0] =	vst.idx.add.f32.msk $0xffff, v25;
	v25 =	vmul.f32 v29, v18  }
0x651: {  	[tilespmem:v3+s28+$0x0] =	vst.idx.add.f32.msk $0xffff, v26;
	v26 =	vmul.f32 v30, v19  }
0x652: {  	[tilespmem:v4+s28+$0x0] =	vst.idx.add.f32.msk $0xffff, v25;
	v25 =	vmul.f32 v31, v24  }
0x653: {  	[tilespmem:v5+s28+$0x0] =	vst.idx.add.f32.msk $0xffff, v26;
	v26 =	vmul.f32 v32, v23  }
0x654: {  	[tilespmem:v6+s28+$0x0] =	vst.idx.add.f32.msk $0xffff, v25  }
0x655: {  	[tilespmem:v7+s28+$0x0] =	vst.idx.add.f32.msk $0xffff, v26  }
0x656: {  	v16 =	vld.idx.msk [tilespmem:v16+s29+$0x0], $0xffff  }
0x657: {  	v8 =	vld.idx.msk [tilespmem:v8+s29+$0x0], $0xffff  }
0x658: {  	v9 =	vld.idx.msk [tilespmem:v9+s29+$0x0], $0xffff  }
0x659: {  	v10 =	vld.idx.msk [tilespmem:v10+s29+$0x0], $0xffff  }
0x65a: {  	v11 =	vld.idx.msk [tilespmem:v11+s29+$0x0], $0xffff  }
0x65b: {  	v12 =	vld.idx.msk [tilespmem:v12+s29+$0x0], $0xffff  }
0x65c: {  	v16 =	vmul.f32 v16, v17;
	v13 =	vld.idx.msk [tilespmem:v13+s29+$0x0], $0xffff  }
0x65d: {  	v8 =	vmul.f32 v8, v22;
	v14 =	vld.idx.msk [tilespmem:v14+s29+$0x0], $0xffff  }
0x65e: {  	v9 =	vmul.f32 v9, v21;
	[tilespmem:v15+s30+$0x0] =	vst.idx.add.f32.msk $0xffff, v16  }
0x65f: {  	[tilespmem:v1+s30+$0x0] =	vst.idx.add.f32.msk $0xffff, v8;
	v1 =	vmul.f32 v10, v20  }
0x660: {  	[tilespmem:v2+s30+$0x0] =	vst.idx.add.f32.msk $0xffff, v9;
	v2 =	vmul.f32 v11, v18  }
.Ltmp14:
0x661: {  	[tilespmem:v3+s30+$0x0] =	vst.idx.add.f32.msk $0xffff, v1;
	v1 =	vmul.f32 v12, v19;
	(pc) =	sbr.rel @p1 .LBB2_29-.Ltmp14, $4  }
0x662: {  	[tilespmem:v4+s30+$0x0] =	vst.idx.add.f32.msk $0xffff, v2;
	v2 =	vmul.f32 v13, v24  }
0x663: {  	[tilespmem:v5+s30+$0x0] =	vst.idx.add.f32.msk $0xffff, v1;
	v1 =	vmul.f32 v14, v23  }
0x664: {  	[tilespmem:v6+s30+$0x0] =	vst.idx.add.f32.msk $0xffff, v2  }
0x665: {  	s17 =	sadd.s32 $0xA0, s17;
	[tilespmem:v7+s30+$0x0] =	vst.idx.add.f32.msk $0xffff, v1  }
0x666: {  	_ =	swait.ge [sflag:s31], $0x1F40  }
0x667: {  	[sflag:s31] =	ssyncset.done $0x0  }
0x668: {  	p1 =	seq.s32 s11, $0x9;
	[sflag:s31] =	ssyncadd.s32 $0xFFFFE0C0  }
0x669: {  	s0 =	sshrl.u32 @!p1 s13, $0x3;
	_ =	swait.ge [sflag:s31], $0x1F40  }
0x66a: {  	s9 =	simm.s32 @!p1 $0x0;
	s0 =	sadd.s32 @!p1 $0x7D0, s0;
	[sflag:s31] =	ssyncset.done $0x0  }
0x66b: {  	s13 =	simm.s32 @!p1 $0x14000;
	s8 =	sadd.s32 @!p1 s4, s0;
	[sflag:s31] =	ssyncadd.s32 $0xFFFFE0C0  }
0x66c: {  	[tilespmem:s13], [sflag:$0x1] =	stream.linear.gather @!p1 [hbm4b:s8+s9], $0x1F40, $0x38;
	[tilespmem:$0x1BE00] =	vst v63  }
0x66d: {  	s14 =	simm.s32 $0x17F50;
	s0 =	sadd.s32 @!p1 s1, s0;
	s8 =	simm.s32 @!p1 $0x15F80  }
0x66e: {  	[tilespmem:s8], [sflag:$0x1] =	stream.linear.gather @!p1 [hbm4b:s0+s9], $0x1F40, $0x38;
	[tilespmem:$0x1BE00] =	vst v63  }
0x66f: {  	s13 =	simm.s32 $0x0;
	v1 =	vld [tilespmem:s14+$0x40]  }
0x670: {  	s17 =	sand.u32 $0x1FE0, s13;
	v2 =	vld [tilespmem:s14+$0xFFFFFFC0]  }
0x671: {  	v3 =	vld [tilespmem:s17+$0x17F80]  }
0x672: {  	v4 =	vld [tilespmem:s14+$0xFFFFFFD0]  }
0x673: {  	v5 =	vld [tilespmem:s14+$0xFFFFFFE0]  }
0x674: {  	v6 =	vld [tilespmem:s14+$0xFFFFFFF0]  }
0x675: {  	v8 =	vld [tilespmem:s14+$0x0]  }
0x676: {  	v9 =	vld [tilespmem:s14+$0x10]  }
0x677: {  	v11 =	vld [tilespmem:s14+$0x20]  }
0x678: {  	v13 =	vld [tilespmem:s14+$0xFFFFFFB0]  }
0x679: {  	s14 =	simm.s32 $0x19ED0;
	v20 =	vld [tilespmem:s17+$0x19F00];
	v7 =	vand.u32 $0xFFFF, v1  }
0x67a: {  	v17 =	vld [tilespmem:s14+$0x40];
	v10 =	vand.u32 $0xFFFF, v3  }
0x67b: {  	v33 =	vld [tilespmem:s14+$0xFFFFFFB0]  }
0x67c: {  	v34 =	vld [tilespmem:s14+$0xFFFFFFC0]  }
0x67d: {  	v35 =	vld [tilespmem:s14+$0xFFFFFFD0]  }
0x67e: {  	v15 =	vld.idx.msk [tilespmem:v7+s3+$0x0], $0xffff  }
0x67f: {  	v19 =	vld.idx.msk [tilespmem:v10+s3+$0x0], $0xffff  }
0x680: {  	v36 =	vld [tilespmem:s14+$0xFFFFFFE0];
	v1 =	vshrl.u32 v1, $0x10  }
0x681: {  	v37 =	vld [tilespmem:s14+$0xFFFFFFF0];
	v3 =	vshrl.u32 v3, $0x10  }
0x682: {  	v38 =	vld [tilespmem:s14+$0x0]  }
0x683: {  	v43 =	vld [tilespmem:s14+$0x10];
	v15 =	vmul.f32 v15, v17  }
0x684: {  	v44 =	vld [tilespmem:s14+$0x20];
	v12 =	vand.u32 $0xFFFF, v2;
	v19 =	vmul.f32 v19, v20  }
0x685: {  	v14 =	vand.u32 $0xFFFF, v4;
	[tilespmem:v1+s23+$0x0] =	vst.idx.add.f32.msk $0xffff, v15  }
0x686: {  	v16 =	vand.u32 $0xFFFF, v5;
	[tilespmem:v3+s23+$0x0] =	vst.idx.add.f32.msk $0xffff, v19  }
0x687: {  	v18 =	vand.u32 $0xFFFF, v6;
	v27 =	vld.idx.msk [tilespmem:v7+s24+$0x0], $0xffff  }
0x688: {  	v24 =	vand.u32 $0xFFFF, v13;
	v19 =	vld.idx.msk [tilespmem:v10+s24+$0x0], $0xffff  }
0x689: {  	v21 =	vld.idx.msk [tilespmem:v12+s3+$0x0], $0xffff  }
0x68a: {  	v22 =	vld.idx.msk [tilespmem:v14+s3+$0x0], $0xffff  }
0x68b: {  	v23 =	vld.idx.msk [tilespmem:v16+s3+$0x0], $0xffff  }
0x68c: {  	v25 =	vld.idx.msk [tilespmem:v18+s3+$0x0], $0xffff;
	v27 =	vmul.f32 v27, v17  }
0x68d: {  	v26 =	vand.u32 $0xFFFF, v8;
	v29 =	vld.idx.msk [tilespmem:v24+s3+$0x0], $0xffff;
	v19 =	vmul.f32 v19, v20  }
0x68e: {  	v41 =	vand.u32 $0xFFFF, v9;
	[tilespmem:v1+s25+$0x0] =	vst.idx.add.f32.msk $0xffff, v27  }
0x68f: {  	v28 =	vand.u32 $0xFFFF, v11;
	[tilespmem:v3+s25+$0x0] =	vst.idx.add.f32.msk $0xffff, v19  }
0x690: {  	v13 =	vshrl.u32 v13, $0x10;
	v27 =	vld.idx.msk [tilespmem:v7+s26+$0x0], $0xffff  }
0x691: {  	v2 =	vshrl.u32 v2, $0x10;
	v19 =	vld.idx.msk [tilespmem:v10+s26+$0x0], $0xffff  }
0x692: {  	v30 =	vld.idx.msk [tilespmem:v26+s3+$0x0], $0xffff  }
0x693: {  	v31 =	vld.idx.msk [tilespmem:v41+s3+$0x0], $0xffff;
	v42 =	vmul.f32 v29, v33  }
0x694: {  	v32 =	vld.idx.msk [tilespmem:v28+s3+$0x0], $0xffff;
	v21 =	vmul.f32 v21, v34  }
0x695: {  	[tilespmem:v13+s23+$0x0] =	vst.idx.add.f32.msk $0xffff, v42;
	v27 =	vmul.f32 v27, v17  }
0x696: {  	v4 =	vshrl.u32 v4, $0x10;
	[tilespmem:v2+s23+$0x0] =	vst.idx.add.f32.msk $0xffff, v21;
	v19 =	vmul.f32 v19, v20  }
0x697: {  	v5 =	vshrl.u32 v5, $0x10;
	[tilespmem:v1+s28+$0x0] =	vst.idx.add.f32.msk $0xffff, v27  }
0x698: {  	v6 =	vshrl.u32 v6, $0x10;
	[tilespmem:v3+s28+$0x0] =	vst.idx.add.f32.msk $0xffff, v19  }
0x699: {  	v11 =	vshrl.u32 v11, $0x10;
	v22 =	vmul.f32 v22, v35;
	v7 =	vld.idx.msk [tilespmem:v7+s29+$0x0], $0xffff  }
0x69a: {  	v45 =	vmul.f32 v23, v36;
	v10 =	vld.idx.msk [tilespmem:v10+s29+$0x0], $0xffff  }
0x69b: {  	v46 =	vmul.f32 v25, v37;
	[tilespmem:v4+s23+$0x0] =	vst.idx.add.f32.msk $0xffff, v22  }
0x69c: {  	v47 =	vmul.f32 v32, v44;
	[tilespmem:v5+s23+$0x0] =	vst.idx.add.f32.msk $0xffff, v45  }
0x69d: {  	v8 =	vshrl.u32 v8, $0x10;
	[tilespmem:v6+s23+$0x0] =	vst.idx.add.f32.msk $0xffff, v46  }
0x69e: {  	v9 =	vshrl.u32 v9, $0x10;
	[tilespmem:v11+s23+$0x0] =	vst.idx.add.f32.msk $0xffff, v47;
	v7 =	vmul.f32 v7, v17  }
0x69f: {  	v48 =	vld.idx.msk [tilespmem:v14+s24+$0x0], $0xffff;
	v10 =	vmul.f32 v10, v20  }
0x6a0: {  	[tilespmem:v1+s30+$0x0] =	vst.idx.add.f32.msk $0xffff, v7;
	v1 =	vmul.f32 v30, v38  }
0x6a1: {  	[tilespmem:v3+s30+$0x0] =	vst.idx.add.f32.msk $0xffff, v10;
	v3 =	vmul.f32 v31, v43  }
0x6a2: {  	[tilespmem:v8+s23+$0x0] =	vst.idx.add.f32.msk $0xffff, v1  }
0x6a3: {  	[tilespmem:v9+s23+$0x0] =	vst.idx.add.f32.msk $0xffff, v3  }
0x6a4: {  	v1 =	vld.idx.msk [tilespmem:v24+s24+$0x0], $0xffff  }
0x6a5: {  	v3 =	vld.idx.msk [tilespmem:v12+s24+$0x0], $0xffff  }
0x6a6: {  	v49 =	vld.idx.msk [tilespmem:v16+s24+$0x0], $0xffff  }
0x6a7: {  	v52 =	vld.idx.msk [tilespmem:v28+s24+$0x0], $0xffff  }
0x6a8: {  	v17 =	vld.idx.msk [tilespmem:v18+s24+$0x0], $0xffff  }
0x6a9: {  	v50 =	vld.idx.msk [tilespmem:v26+s24+$0x0], $0xffff;
	v1 =	vmul.f32 v1, v33  }
0x6aa: {  	v51 =	vld.idx.msk [tilespmem:v41+s24+$0x0], $0xffff;
	v3 =	vmul.f32 v3, v34  }
0x6ab: {  	[tilespmem:v13+s25+$0x0] =	vst.idx.add.f32.msk $0xffff, v1;
	v1 =	vmul.f32 v48, v35  }
0x6ac: {  	[tilespmem:v2+s25+$0x0] =	vst.idx.add.f32.msk $0xffff, v3;
	v3 =	vmul.f32 v49, v36  }
0x6ad: {  	[tilespmem:v4+s25+$0x0] =	vst.idx.add.f32.msk $0xffff, v1  }
0x6ae: {  	v1 =	vmul.f32 v17, v37;
	[tilespmem:v5+s25+$0x0] =	vst.idx.add.f32.msk $0xffff, v3  }
0x6af: {  	v3 =	vmul.f32 v50, v38;
	v53 =	vld.idx.msk [tilespmem:v14+s26+$0x0], $0xffff  }
0x6b0: {  	[tilespmem:v6+s25+$0x0] =	vst.idx.add.f32.msk $0xffff, v1;
	v1 =	vmul.f32 v51, v43  }
0x6b1: {  	[tilespmem:v8+s25+$0x0] =	vst.idx.add.f32.msk $0xffff, v3;
	v3 =	vmul.f32 v52, v44  }
0x6b2: {  	[tilespmem:v9+s25+$0x0] =	vst.idx.add.f32.msk $0xffff, v1  }
0x6b3: {  	[tilespmem:v11+s25+$0x0] =	vst.idx.add.f32.msk $0xffff, v3  }
0x6b4: {  	v1 =	vld.idx.msk [tilespmem:v24+s26+$0x0], $0xffff  }
0x6b5: {  	v3 =	vld.idx.msk [tilespmem:v12+s26+$0x0], $0xffff  }
0x6b6: {  	v54 =	vld.idx.msk [tilespmem:v16+s26+$0x0], $0xffff  }
0x6b7: {  	v55 =	vld.idx.msk [tilespmem:v18+s26+$0x0], $0xffff  }
0x6b8: {  	v56 =	vld.idx.msk [tilespmem:v26+s26+$0x0], $0xffff  }
0x6b9: {  	v57 =	vld.idx.msk [tilespmem:v41+s26+$0x0], $0xffff;
	v1 =	vmul.f32 v1, v33  }
0x6ba: {  	v58 =	vld.idx.msk [tilespmem:v28+s26+$0x0], $0xffff;
	v3 =	vmul.f32 v3, v34  }
0x6bb: {  	[tilespmem:v13+s28+$0x0] =	vst.idx.add.f32.msk $0xffff, v1;
	v1 =	vmul.f32 v53, v35  }
0x6bc: {  	[tilespmem:v2+s28+$0x0] =	vst.idx.add.f32.msk $0xffff, v3;
	v3 =	vmul.f32 v54, v36  }
0x6bd: {  	[tilespmem:v4+s28+$0x0] =	vst.idx.add.f32.msk $0xffff, v1  }
0x6be: {  	v1 =	vmul.f32 v55, v37;
	[tilespmem:v5+s28+$0x0] =	vst.idx.add.f32.msk $0xffff, v3  }
0x6bf: {  	v3 =	vmul.f32 v56, v38;
	v59 =	vld.idx.msk [tilespmem:v14+s29+$0x0], $0xffff  }
0x6c0: {  	[tilespmem:v6+s28+$0x0] =	vst.idx.add.f32.msk $0xffff, v1;
	v1 =	vmul.f32 v57, v43  }
0x6c1: {  	[tilespmem:v8+s28+$0x0] =	vst.idx.add.f32.msk $0xffff, v3;
	v3 =	vmul.f32 v58, v44  }
0x6c2: {  	[tilespmem:v9+s28+$0x0] =	vst.idx.add.f32.msk $0xffff, v1  }
0x6c3: {  	[tilespmem:v11+s28+$0x0] =	vst.idx.add.f32.msk $0xffff, v3  }
0x6c4: {  	v1 =	vld.idx.msk [tilespmem:v24+s29+$0x0], $0xffff  }
0x6c5: {  	v3 =	vld.idx.msk [tilespmem:v12+s29+$0x0], $0xffff  }
0x6c6: {  	v60 =	vld.idx.msk [tilespmem:v16+s29+$0x0], $0xffff  }
0x6c7: {  	v61 =	vld.idx.msk [tilespmem:v18+s29+$0x0], $0xffff  }
0x6c8: {  	v62 =	vld.idx.msk [tilespmem:v26+s29+$0x0], $0xffff  }
0x6c9: {  	v15 =	vld.idx.msk [tilespmem:v41+s29+$0x0], $0xffff;
	v1 =	vmul.f32 v1, v33  }
0x6ca: {  	v63 =	vld.idx.msk [tilespmem:v28+s29+$0x0], $0xffff;
	v3 =	vmul.f32 v3, v34  }
0x6cb: {  	[tilespmem:v13+s30+$0x0] =	vst.idx.add.f32.msk $0xffff, v1;
	v1 =	vmul.f32 v59, v35  }
0x6cc: {  	[tilespmem:v2+s30+$0x0] =	vst.idx.add.f32.msk $0xffff, v3;
	v2 =	vmul.f32 v60, v36  }
0x6cd: {  	[tilespmem:v4+s30+$0x0] =	vst.idx.add.f32.msk $0xffff, v1;
	v1 =	vmul.f32 v61, v37  }
0x6ce: {  	[tilespmem:v5+s30+$0x0] =	vst.idx.add.f32.msk $0xffff, v2;
	v2 =	vmul.f32 v62, v38  }
0x6cf: {  	[tilespmem:v6+s30+$0x0] =	vst.idx.add.f32.msk $0xffff, v1;
	v1 =	vmul.f32 v15, v43  }
0x6d0: {  	[tilespmem:v8+s30+$0x0] =	vst.idx.add.f32.msk $0xffff, v2;
	v2 =	vmul.f32 v63, v44  }
0x6d1: {  	[tilespmem:v9+s30+$0x0] =	vst.idx.add.f32.msk $0xffff, v1  }
0x6d2: {  	s0 =	simm.s32 $0x0;
	s8 =	simm.s32 $0x17FF0;
	[tilespmem:v11+s30+$0x0] =	vst.idx.add.f32.msk $0xffff, v2  }
.LBB2_31:
0x6d3: {  	v15 =	vld [tilespmem:s8+$0x40];
	s13 =	sadd.s32 $0xA0, s13  }
0x6d4: {  	s0 =	sadd.s32 $0xA, s0;
	v2 =	vld [tilespmem:s8+$0xFFFFFFC0];
	s9 =	sand.u32 $0x1FE0, s13  }
0x6d5: {  	p1 =	slt.u32 s0, $0x1EA;
	v17 =	vld [tilespmem:s9+$0x17F80]  }
0x6d6: {  	v3 =	vld [tilespmem:s8+$0xFFFFFFD0]  }
0x6d7: {  	v4 =	vld [tilespmem:s8+$0xFFFFFFE0]  }
0x6d8: {  	v5 =	vld [tilespmem:s8+$0xFFFFFFF0];
	v23 =	vand.u32 $0xFFFF, v15  }
0x6d9: {  	v1 =	vshrl.u32 v2, $0x10;
	v8 =	vand.u32 $0xFFFF, v2;
	v6 =	vld [tilespmem:s8+$0x0]  }
0x6da: {  	v7 =	vld [tilespmem:s8+$0x10];
	v24 =	vand.u32 $0xFFFF, v17  }
0x6db: {  	v2 =	vshrl.u32 v3, $0x10;
	v9 =	vand.u32 $0xFFFF, v3;
	v14 =	vld [tilespmem:s8+$0x20]  }
0x6dc: {  	v16 =	vld [tilespmem:s8+$0xFFFFFFB0];
	v3 =	vshrl.u32 v4, $0x10;
	v10 =	vand.u32 $0xFFFF, v4  }
0x6dd: {  	s14 =	sadd.s32 $0xA0, s14;
	v4 =	vshrl.u32 v5, $0x10;
	v11 =	vand.u32 $0xFFFF, v5;
	v18 =	vld.idx.msk [tilespmem:v23+s3+$0x0], $0xffff  }
0x6de: {  	v5 =	vshrl.u32 v6, $0x10;
	v12 =	vand.u32 $0xFFFF, v6;
	v25 =	vld [tilespmem:s14+$0x40]  }
0x6df: {  	v6 =	vshrl.u32 v7, $0x10;
	v13 =	vand.u32 $0xFFFF, v7;
	v19 =	vld.idx.msk [tilespmem:v24+s3+$0x0], $0xffff  }
0x6e0: {  	v27 =	vshrl.u32 v15, $0x10;
	v7 =	vshrl.u32 v14, $0x10;
	v14 =	vand.u32 $0xFFFF, v14;
	v26 =	vld [tilespmem:s9+$0x19F00]  }
0x6e1: {  	v15 =	vshrl.u32 v16, $0x10;
	v16 =	vand.u32 $0xFFFF, v16;
	v28 =	vld.idx.msk [tilespmem:v8+s3+$0x0], $0xffff  }
0x6e2: {  	v30 =	vshrl.u32 v17, $0x10;
	v29 =	vld.idx.msk [tilespmem:v9+s3+$0x0], $0xffff  }
0x6e3: {  	v31 =	vld.idx.msk [tilespmem:v10+s3+$0x0], $0xffff;
	v17 =	vmul.f32 v18, v25  }
0x6e4: {  	v32 =	vld.idx.msk [tilespmem:v11+s3+$0x0], $0xffff  }
0x6e5: {  	v18 =	vmul.f32 v19, v26;
	[tilespmem:v27+s23+$0x0] =	vst.idx.add.f32.msk $0xffff, v17  }
0x6e6: {  	v17 =	vld.idx.msk [tilespmem:v23+s24+$0x0], $0xffff  }
0x6e7: {  	[tilespmem:v30+s23+$0x0] =	vst.idx.add.f32.msk $0xffff, v18  }
0x6e8: {  	v18 =	vld.idx.msk [tilespmem:v24+s24+$0x0], $0xffff  }
0x6e9: {  	v19 =	vld.idx.msk [tilespmem:v16+s3+$0x0], $0xffff  }
0x6ea: {  	v33 =	vld.idx.msk [tilespmem:v12+s3+$0x0], $0xffff  }
0x6eb: {  	v34 =	vld.idx.msk [tilespmem:v13+s3+$0x0], $0xffff  }
0x6ec: {  	v20 =	vmul.f32 v17, v25;
	v35 =	vld.idx.msk [tilespmem:v14+s3+$0x0], $0xffff  }
0x6ed: {  	v17 =	vld [tilespmem:s14+$0xFFFFFFB0]  }
0x6ee: {  	v18 =	vmul.f32 v18, v26;
	[tilespmem:v27+s25+$0x0] =	vst.idx.add.f32.msk $0xffff, v20  }
0x6ef: {  	v36 =	vld.idx.msk [tilespmem:v23+s26+$0x0], $0xffff  }
0x6f0: {  	[tilespmem:v30+s25+$0x0] =	vst.idx.add.f32.msk $0xffff, v18  }
0x6f1: {  	v37 =	vld.idx.msk [tilespmem:v24+s26+$0x0], $0xffff  }
0x6f2: {  	v38 =	vmul.f32 v19, v17;
	v22 =	vld [tilespmem:s14+$0xFFFFFFC0]  }
0x6f3: {  	v21 =	vld [tilespmem:s14+$0xFFFFFFD0]  }
0x6f4: {  	v20 =	vld [tilespmem:s14+$0xFFFFFFE0]  }
0x6f5: {  	v36 =	vmul.f32 v36, v25;
	v18 =	vld [tilespmem:s14+$0xFFFFFFF0]  }
0x6f6: {  	v19 =	vld [tilespmem:s14+$0x0]  }
0x6f7: {  	v37 =	vmul.f32 v37, v26;
	v28 =	vmul.f32 v28, v22;
	[tilespmem:v27+s28+$0x0] =	vst.idx.add.f32.msk $0xffff, v36  }
0x6f8: {  	v29 =	vmul.f32 v29, v21;
	v36 =	vld.idx.msk [tilespmem:v23+s29+$0x0], $0xffff  }
0x6f9: {  	v31 =	vmul.f32 v31, v20;
	[tilespmem:v30+s28+$0x0] =	vst.idx.add.f32.msk $0xffff, v37  }
0x6fa: {  	v32 =	vmul.f32 v32, v18;
	v37 =	vld.idx.msk [tilespmem:v24+s29+$0x0], $0xffff  }
0x6fb: {  	v33 =	vmul.f32 v33, v19;
	v24 =	vld [tilespmem:s14+$0x10]  }
0x6fc: {  	v23 =	vld [tilespmem:s14+$0x20]  }
0x6fd: {  	[tilespmem:v15+s23+$0x0] =	vst.idx.add.f32.msk $0xffff, v38  }
0x6fe: {  	[tilespmem:v1+s23+$0x0] =	vst.idx.add.f32.msk $0xffff, v28  }
0x6ff: {  	v25 =	vmul.f32 v36, v25;
	[tilespmem:v2+s23+$0x0] =	vst.idx.add.f32.msk $0xffff, v29  }
0x700: {  	v26 =	vmul.f32 v37, v26;
	[tilespmem:v3+s23+$0x0] =	vst.idx.add.f32.msk $0xffff, v31;
	v28 =	vmul.f32 v34, v24  }
0x701: {  	v29 =	vmul.f32 v35, v23;
	[tilespmem:v27+s30+$0x0] =	vst.idx.add.f32.msk $0xffff, v25  }
0x702: {  	[tilespmem:v30+s30+$0x0] =	vst.idx.add.f32.msk $0xffff, v26  }
0x703: {  	[tilespmem:v4+s23+$0x0] =	vst.idx.add.f32.msk $0xffff, v32  }
0x704: {  	[tilespmem:v5+s23+$0x0] =	vst.idx.add.f32.msk $0xffff, v33  }
0x705: {  	[tilespmem:v6+s23+$0x0] =	vst.idx.add.f32.msk $0xffff, v28  }
0x706: {  	[tilespmem:v7+s23+$0x0] =	vst.idx.add.f32.msk $0xffff, v29  }
0x707: {  	v25 =	vld.idx.msk [tilespmem:v16+s24+$0x0], $0xffff  }
0x708: {  	v26 =	vld.idx.msk [tilespmem:v8+s24+$0x0], $0xffff  }
0x709: {  	v27 =	vld.idx.msk [tilespmem:v9+s24+$0x0], $0xffff  }
0x70a: {  	v28 =	vld.idx.msk [tilespmem:v10+s24+$0x0], $0xffff  }
0x70b: {  	v29 =	vld.idx.msk [tilespmem:v11+s24+$0x0], $0xffff  }
0x70c: {  	v30 =	vld.idx.msk [tilespmem:v12+s24+$0x0], $0xffff  }
0x70d: {  	v25 =	vmul.f32 v25, v17;
	v31 =	vld.idx.msk [tilespmem:v13+s24+$0x0], $0xffff  }
0x70e: {  	v26 =	vmul.f32 v26, v22;
	v32 =	vld.idx.msk [tilespmem:v14+s24+$0x0], $0xffff  }
0x70f: {  	[tilespmem:v15+s25+$0x0] =	vst.idx.add.f32.msk $0xffff, v25;
	v25 =	vmul.f32 v27, v21  }
0x710: {  	[tilespmem:v1+s25+$0x0] =	vst.idx.add.f32.msk $0xffff, v26;
	v26 =	vmul.f32 v28, v20  }
0x711: {  	[tilespmem:v2+s25+$0x0] =	vst.idx.add.f32.msk $0xffff, v25;
	v25 =	vmul.f32 v29, v18  }
0x712: {  	[tilespmem:v3+s25+$0x0] =	vst.idx.add.f32.msk $0xffff, v26;
	v26 =	vmul.f32 v30, v19  }
0x713: {  	[tilespmem:v4+s25+$0x0] =	vst.idx.add.f32.msk $0xffff, v25;
	v25 =	vmul.f32 v31, v24  }
0x714: {  	[tilespmem:v5+s25+$0x0] =	vst.idx.add.f32.msk $0xffff, v26;
	v26 =	vmul.f32 v32, v23  }
0x715: {  	[tilespmem:v6+s25+$0x0] =	vst.idx.add.f32.msk $0xffff, v25  }
0x716: {  	[tilespmem:v7+s25+$0x0] =	vst.idx.add.f32.msk $0xffff, v26  }
0x717: {  	v25 =	vld.idx.msk [tilespmem:v16+s26+$0x0], $0xffff  }
0x718: {  	v26 =	vld.idx.msk [tilespmem:v8+s26+$0x0], $0xffff  }
0x719: {  	v27 =	vld.idx.msk [tilespmem:v9+s26+$0x0], $0xffff  }
0x71a: {  	v28 =	vld.idx.msk [tilespmem:v10+s26+$0x0], $0xffff  }
0x71b: {  	v29 =	vld.idx.msk [tilespmem:v11+s26+$0x0], $0xffff  }
0x71c: {  	v30 =	vld.idx.msk [tilespmem:v12+s26+$0x0], $0xffff  }
0x71d: {  	v25 =	vmul.f32 v25, v17;
	v31 =	vld.idx.msk [tilespmem:v13+s26+$0x0], $0xffff  }
0x71e: {  	v26 =	vmul.f32 v26, v22;
	v32 =	vld.idx.msk [tilespmem:v14+s26+$0x0], $0xffff  }
0x71f: {  	[tilespmem:v15+s28+$0x0] =	vst.idx.add.f32.msk $0xffff, v25;
	v25 =	vmul.f32 v27, v21  }
0x720: {  	[tilespmem:v1+s28+$0x0] =	vst.idx.add.f32.msk $0xffff, v26;
	v26 =	vmul.f32 v28, v20  }
0x721: {  	[tilespmem:v2+s28+$0x0] =	vst.idx.add.f32.msk $0xffff, v25;
	v25 =	vmul.f32 v29, v18  }
0x722: {  	[tilespmem:v3+s28+$0x0] =	vst.idx.add.f32.msk $0xffff, v26;
	v26 =	vmul.f32 v30, v19  }
0x723: {  	[tilespmem:v4+s28+$0x0] =	vst.idx.add.f32.msk $0xffff, v25;
	v25 =	vmul.f32 v31, v24  }
0x724: {  	[tilespmem:v5+s28+$0x0] =	vst.idx.add.f32.msk $0xffff, v26;
	v26 =	vmul.f32 v32, v23  }
0x725: {  	[tilespmem:v6+s28+$0x0] =	vst.idx.add.f32.msk $0xffff, v25  }
0x726: {  	[tilespmem:v7+s28+$0x0] =	vst.idx.add.f32.msk $0xffff, v26  }
0x727: {  	v16 =	vld.idx.msk [tilespmem:v16+s29+$0x0], $0xffff  }
0x728: {  	v8 =	vld.idx.msk [tilespmem:v8+s29+$0x0], $0xffff  }
0x729: {  	v9 =	vld.idx.msk [tilespmem:v9+s29+$0x0], $0xffff  }
0x72a: {  	v10 =	vld.idx.msk [tilespmem:v10+s29+$0x0], $0xffff  }
0x72b: {  	v11 =	vld.idx.msk [tilespmem:v11+s29+$0x0], $0xffff  }
0x72c: {  	v12 =	vld.idx.msk [tilespmem:v12+s29+$0x0], $0xffff  }
0x72d: {  	v16 =	vmul.f32 v16, v17;
	v13 =	vld.idx.msk [tilespmem:v13+s29+$0x0], $0xffff  }
0x72e: {  	v8 =	vmul.f32 v8, v22;
	v14 =	vld.idx.msk [tilespmem:v14+s29+$0x0], $0xffff  }
0x72f: {  	v9 =	vmul.f32 v9, v21;
	[tilespmem:v15+s30+$0x0] =	vst.idx.add.f32.msk $0xffff, v16  }
0x730: {  	[tilespmem:v1+s30+$0x0] =	vst.idx.add.f32.msk $0xffff, v8;
	v1 =	vmul.f32 v10, v20  }
0x731: {  	[tilespmem:v2+s30+$0x0] =	vst.idx.add.f32.msk $0xffff, v9;
	v2 =	vmul.f32 v11, v18  }
.Ltmp15:
0x732: {  	[tilespmem:v3+s30+$0x0] =	vst.idx.add.f32.msk $0xffff, v1;
	v1 =	vmul.f32 v12, v19;
	(pc) =	sbr.rel @p1 .LBB2_31-.Ltmp15, $4  }
0x733: {  	[tilespmem:v4+s30+$0x0] =	vst.idx.add.f32.msk $0xffff, v2;
	v2 =	vmul.f32 v13, v24  }
0x734: {  	[tilespmem:v5+s30+$0x0] =	vst.idx.add.f32.msk $0xffff, v1;
	v1 =	vmul.f32 v14, v23  }
0x735: {  	[tilespmem:v6+s30+$0x0] =	vst.idx.add.f32.msk $0xffff, v2  }
0x736: {  	s8 =	sadd.s32 $0xA0, s8;
	[tilespmem:v7+s30+$0x0] =	vst.idx.add.f32.msk $0xffff, v1  }
0x737: {  	s11 =	sadd.s32 $0x1, s11  }
0x738: {  	p1 =	sne.s32 s11, $0xA  }
.Ltmp16:
0x739: {  	_ = 	snop;
	(pc) =	sbr.rel @p1 .LBB2_28-.Ltmp16, $1  }
0x73a: {  	_ =	sdelay $0x3  }
0x73b: {  	s10 =	smul.u32 $0x500000, s7;
	_ =	sdelay $0x1  }
0x73c: {  	s0 =	sadd.s32 s12, s10  }
0x73d: {  	s0 =	sshrl.u32 s0, $0x3  }
0x73e: {  	s0 =	sadd.s32 s6, s0  }
0x73f: {  	[hbm4b:s0+s15] =	stream.strided.scatter [tilespmem:s23], [sflag:$0x3], $0xA000, s16, s15, $0x38;
	[tilespmem:$0x1BE00] =	vst v63  }
0x740: {  	s0 =	simm.s32 @!p0 $0x3  }
0x741: {  	_ =	swait.ge @!p0 [sflag:s0], $0xA000  }
0x742: {  	[sflag:s0] =	ssyncset.done @!p0 $0x0  }
0x743: {  	s11 =	simm.s32 $0x0;
	[sflag:s0] =	ssyncadd.s32 @!p0 $0xFFFF6000  }
0x744: {  	[tilespmem:s18], [sflag:$0x1] =	stream.linear.gather [hbm4b:s4+s11], $0x1F40, $0x38;
	[tilespmem:$0x1BE00] =	vst v63  }
0x745: {  	s17 =	simm.s32 $0x50  }
0x746: {  	[tilespmem:s19], [sflag:$0x1] =	stream.linear.gather [hbm4b:s1+s11], $0x1F40, $0x38;
	[tilespmem:$0x1BE00] =	vst v63  }
0x747: {  	[tilespmem:s17+$0xFFFFFFC0] =	vst v0  }
0x748: {  	[tilespmem:s17+$0xFFFFFFD0] =	vst v0  }
0x749: {  	[tilespmem:s17+$0xFFFFFFE0] =	vst v0  }
0x74a: {  	[tilespmem:s17+$0xFFFFFFF0] =	vst v0  }
0x74b: {  	[tilespmem:s17+$0x0] =	vst v0  }
0x74c: {  	[tilespmem:s17+$0x10] =	vst v0  }
0x74d: {  	[tilespmem:s17+$0x20] =	vst v0  }
0x74e: {  	[tilespmem:s17+$0x40] =	vst v0  }
0x74f: {  	s8 =	sand.u32 $0xFFE0, s11;
	[tilespmem:s17+$0xFFFFFFB0] =	vst v0  }
0x750: {  	s13 =	simm.s32 $0x0;
	s0 =	simm.s32 $0x0;
	[tilespmem:s8+$0x80] =	vst v0;
	s8 =	simm.s32 $0xF0  }
.LBB2_34:
0x751: {  	[tilespmem:s8+$0xFFFFFFC0] =	vst v0  }
0x752: {  	[tilespmem:s8+$0xFFFFFFD0] =	vst v0  }
0x753: {  	[tilespmem:s8+$0xFFFFFFE0] =	vst v0  }
0x754: {  	s0 =	sadd.s32 $0xA, s0;
	[tilespmem:s8+$0xFFFFFFF0] =	vst v0  }
0x755: {  	p0 =	slt.u32 s0, $0x9F6;
	[tilespmem:s8+$0x0] =	vst v0  }
.Ltmp17:
0x756: {  	[tilespmem:s8+$0x10] =	vst v0;
	(pc) =	sbr.rel @p0 .LBB2_34-.Ltmp17, $4  }
0x757: {  	[tilespmem:s8+$0x20] =	vst v0  }
0x758: {  	s13 =	sadd.s32 $0xA0, s13;
	[tilespmem:s8+$0x40] =	vst v0  }
0x759: {  	s9 =	sand.u32 $0xFFE0, s13;
	[tilespmem:s8+$0xFFFFFFB0] =	vst v0  }
0x75a: {  	s8 =	sadd.s32 $0xA0, s8;
	[tilespmem:s9+$0x80] =	vst v0  }
.LBB2_35:
0x75b: {  	_ =	swait.ge [sflag:s20], $0x1F40  }
0x75c: {  	s13 =	smul.u32 $0x3E80, s11;
	[sflag:s20] =	ssyncset.done $0x0  }
0x75d: {  	[sflag:s20] =	ssyncadd.s32 $0xFFFFE0C0  }
0x75e: {  	s0 =	sshrl.u32 s13, $0x3;
	_ =	swait.ge [sflag:s20], $0x1F40  }
0x75f: {  	s0 =	sadd.s32 $0x3E8, s0;
	[sflag:s20] =	ssyncset.done $0x0  }
0x760: {  	s14 =	simm.s32 $0x0;
	s8 =	sadd.s32 s4, s0;
	[sflag:s20] =	ssyncadd.s32 $0xFFFFE0C0  }
0x761: {  	[tilespmem:s21], [sflag:$0x2] =	stream.linear.gather [hbm4b:s8+s14], $0x1F40, $0x38;
	[tilespmem:$0x1BE00] =	vst v63  }
0x762: {  	s9 =	simm.s32 $0x14050;
	s0 =	sadd.s32 s1, s0  }
0x763: {  	[tilespmem:s22], [sflag:$0x2] =	stream.linear.gather [hbm4b:s0+s14], $0x1F40, $0x38;
	[tilespmem:$0x1BE00] =	vst v63  }
0x764: {  	v1 =	vld [tilespmem:s9+$0x40]  }
0x765: {  	s17 =	sand.u32 $0x1FE0, s14;
	v2 =	vld [tilespmem:s9+$0xFFFFFFC0]  }
0x766: {  	v3 =	vld [tilespmem:s17+$0x14080]  }
0x767: {  	v4 =	vld [tilespmem:s9+$0xFFFFFFD0]  }
0x768: {  	v5 =	vld [tilespmem:s9+$0xFFFFFFE0]  }
0x769: {  	v6 =	vld [tilespmem:s9+$0xFFFFFFF0]  }
0x76a: {  	v8 =	vld [tilespmem:s9+$0x0]  }
0x76b: {  	v9 =	vld [tilespmem:s9+$0x10]  }
0x76c: {  	v11 =	vld [tilespmem:s9+$0x20]  }
0x76d: {  	s0 =	simm.s32 $0x15FD0;
	v13 =	vld [tilespmem:s9+$0xFFFFFFB0]  }
0x76e: {  	v17 =	vld [tilespmem:s0+$0x40];
	v7 =	vand.u32 $0xFFFF, v1  }
0x76f: {  	v20 =	vld [tilespmem:s17+$0x16000];
	v10 =	vand.u32 $0xFFFF, v3  }
0x770: {  	v33 =	vld [tilespmem:s0+$0xFFFFFFB0]  }
0x771: {  	v34 =	vld [tilespmem:s0+$0xFFFFFFC0]  }
0x772: {  	v35 =	vld [tilespmem:s0+$0xFFFFFFD0]  }
0x773: {  	v15 =	vld.idx.msk [tilespmem:v7+s23+$0x0], $0xffff  }
0x774: {  	v19 =	vld.idx.msk [tilespmem:v10+s23+$0x0], $0xffff  }
0x775: {  	v36 =	vld [tilespmem:s0+$0xFFFFFFE0];
	v1 =	vshrl.u32 v1, $0x10  }
0x776: {  	v37 =	vld [tilespmem:s0+$0xFFFFFFF0];
	v3 =	vshrl.u32 v3, $0x10  }
0x777: {  	v38 =	vld [tilespmem:s0+$0x0]  }
0x778: {  	v43 =	vld [tilespmem:s0+$0x10];
	v15 =	vmul.f32 v15, v17  }
0x779: {  	v44 =	vld [tilespmem:s0+$0x20];
	v12 =	vand.u32 $0xFFFF, v2;
	v19 =	vmul.f32 v19, v20  }
0x77a: {  	v14 =	vand.u32 $0xFFFF, v4;
	[tilespmem:v1+s3+$0x0] =	vst.idx.add.f32.msk $0xffff, v15  }
0x77b: {  	v16 =	vand.u32 $0xFFFF, v5;
	[tilespmem:v3+s3+$0x0] =	vst.idx.add.f32.msk $0xffff, v19  }
0x77c: {  	v18 =	vand.u32 $0xFFFF, v6;
	v27 =	vld.idx.msk [tilespmem:v7+s25+$0x0], $0xffff  }
0x77d: {  	v24 =	vand.u32 $0xFFFF, v13;
	v19 =	vld.idx.msk [tilespmem:v10+s25+$0x0], $0xffff  }
0x77e: {  	v21 =	vld.idx.msk [tilespmem:v12+s23+$0x0], $0xffff  }
0x77f: {  	v22 =	vld.idx.msk [tilespmem:v14+s23+$0x0], $0xffff  }
0x780: {  	v23 =	vld.idx.msk [tilespmem:v16+s23+$0x0], $0xffff  }
0x781: {  	v25 =	vld.idx.msk [tilespmem:v18+s23+$0x0], $0xffff;
	v27 =	vmul.f32 v27, v17  }
0x782: {  	v26 =	vand.u32 $0xFFFF, v8;
	v29 =	vld.idx.msk [tilespmem:v24+s23+$0x0], $0xffff;
	v19 =	vmul.f32 v19, v20  }
0x783: {  	v41 =	vand.u32 $0xFFFF, v9;
	[tilespmem:v1+s24+$0x0] =	vst.idx.add.f32.msk $0xffff, v27  }
0x784: {  	v28 =	vand.u32 $0xFFFF, v11;
	[tilespmem:v3+s24+$0x0] =	vst.idx.add.f32.msk $0xffff, v19  }
0x785: {  	v13 =	vshrl.u32 v13, $0x10;
	v27 =	vld.idx.msk [tilespmem:v7+s28+$0x0], $0xffff  }
0x786: {  	v2 =	vshrl.u32 v2, $0x10;
	v19 =	vld.idx.msk [tilespmem:v10+s28+$0x0], $0xffff  }
0x787: {  	v30 =	vld.idx.msk [tilespmem:v26+s23+$0x0], $0xffff  }
0x788: {  	v31 =	vld.idx.msk [tilespmem:v41+s23+$0x0], $0xffff;
	v42 =	vmul.f32 v29, v33  }
0x789: {  	v32 =	vld.idx.msk [tilespmem:v28+s23+$0x0], $0xffff;
	v21 =	vmul.f32 v21, v34  }
0x78a: {  	[tilespmem:v13+s3+$0x0] =	vst.idx.add.f32.msk $0xffff, v42;
	v27 =	vmul.f32 v27, v17  }
0x78b: {  	v4 =	vshrl.u32 v4, $0x10;
	[tilespmem:v2+s3+$0x0] =	vst.idx.add.f32.msk $0xffff, v21;
	v19 =	vmul.f32 v19, v20  }
0x78c: {  	v5 =	vshrl.u32 v5, $0x10;
	[tilespmem:v1+s26+$0x0] =	vst.idx.add.f32.msk $0xffff, v27  }
0x78d: {  	v6 =	vshrl.u32 v6, $0x10;
	[tilespmem:v3+s26+$0x0] =	vst.idx.add.f32.msk $0xffff, v19  }
0x78e: {  	v11 =	vshrl.u32 v11, $0x10;
	v22 =	vmul.f32 v22, v35;
	v7 =	vld.idx.msk [tilespmem:v7+s30+$0x0], $0xffff  }
0x78f: {  	v45 =	vmul.f32 v23, v36;
	v10 =	vld.idx.msk [tilespmem:v10+s30+$0x0], $0xffff  }
0x790: {  	v46 =	vmul.f32 v25, v37;
	[tilespmem:v4+s3+$0x0] =	vst.idx.add.f32.msk $0xffff, v22  }
0x791: {  	v47 =	vmul.f32 v32, v44;
	[tilespmem:v5+s3+$0x0] =	vst.idx.add.f32.msk $0xffff, v45  }
0x792: {  	v8 =	vshrl.u32 v8, $0x10;
	[tilespmem:v6+s3+$0x0] =	vst.idx.add.f32.msk $0xffff, v46  }
0x793: {  	v9 =	vshrl.u32 v9, $0x10;
	[tilespmem:v11+s3+$0x0] =	vst.idx.add.f32.msk $0xffff, v47;
	v7 =	vmul.f32 v7, v17  }
0x794: {  	v48 =	vld.idx.msk [tilespmem:v14+s25+$0x0], $0xffff;
	v10 =	vmul.f32 v10, v20  }
0x795: {  	[tilespmem:v1+s29+$0x0] =	vst.idx.add.f32.msk $0xffff, v7;
	v1 =	vmul.f32 v30, v38  }
0x796: {  	[tilespmem:v3+s29+$0x0] =	vst.idx.add.f32.msk $0xffff, v10;
	v3 =	vmul.f32 v31, v43  }
0x797: {  	[tilespmem:v8+s3+$0x0] =	vst.idx.add.f32.msk $0xffff, v1  }
0x798: {  	[tilespmem:v9+s3+$0x0] =	vst.idx.add.f32.msk $0xffff, v3  }
0x799: {  	v1 =	vld.idx.msk [tilespmem:v24+s25+$0x0], $0xffff  }
0x79a: {  	v3 =	vld.idx.msk [tilespmem:v12+s25+$0x0], $0xffff  }
0x79b: {  	v49 =	vld.idx.msk [tilespmem:v16+s25+$0x0], $0xffff  }
0x79c: {  	v52 =	vld.idx.msk [tilespmem:v28+s25+$0x0], $0xffff  }
0x79d: {  	v17 =	vld.idx.msk [tilespmem:v18+s25+$0x0], $0xffff  }
0x79e: {  	v50 =	vld.idx.msk [tilespmem:v26+s25+$0x0], $0xffff;
	v1 =	vmul.f32 v1, v33  }
0x79f: {  	v51 =	vld.idx.msk [tilespmem:v41+s25+$0x0], $0xffff;
	v3 =	vmul.f32 v3, v34  }
0x7a0: {  	[tilespmem:v13+s24+$0x0] =	vst.idx.add.f32.msk $0xffff, v1;
	v1 =	vmul.f32 v48, v35  }
0x7a1: {  	[tilespmem:v2+s24+$0x0] =	vst.idx.add.f32.msk $0xffff, v3;
	v3 =	vmul.f32 v49, v36  }
0x7a2: {  	[tilespmem:v4+s24+$0x0] =	vst.idx.add.f32.msk $0xffff, v1  }
0x7a3: {  	v1 =	vmul.f32 v17, v37;
	[tilespmem:v5+s24+$0x0] =	vst.idx.add.f32.msk $0xffff, v3  }
0x7a4: {  	v3 =	vmul.f32 v50, v38;
	v53 =	vld.idx.msk [tilespmem:v14+s28+$0x0], $0xffff  }
0x7a5: {  	[tilespmem:v6+s24+$0x0] =	vst.idx.add.f32.msk $0xffff, v1;
	v1 =	vmul.f32 v51, v43  }
0x7a6: {  	[tilespmem:v8+s24+$0x0] =	vst.idx.add.f32.msk $0xffff, v3;
	v3 =	vmul.f32 v52, v44  }
0x7a7: {  	[tilespmem:v9+s24+$0x0] =	vst.idx.add.f32.msk $0xffff, v1  }
0x7a8: {  	[tilespmem:v11+s24+$0x0] =	vst.idx.add.f32.msk $0xffff, v3  }
0x7a9: {  	v1 =	vld.idx.msk [tilespmem:v24+s28+$0x0], $0xffff  }
0x7aa: {  	v3 =	vld.idx.msk [tilespmem:v12+s28+$0x0], $0xffff  }
0x7ab: {  	v54 =	vld.idx.msk [tilespmem:v16+s28+$0x0], $0xffff  }
0x7ac: {  	v55 =	vld.idx.msk [tilespmem:v18+s28+$0x0], $0xffff  }
0x7ad: {  	v56 =	vld.idx.msk [tilespmem:v26+s28+$0x0], $0xffff  }
0x7ae: {  	v57 =	vld.idx.msk [tilespmem:v41+s28+$0x0], $0xffff;
	v1 =	vmul.f32 v1, v33  }
0x7af: {  	v58 =	vld.idx.msk [tilespmem:v28+s28+$0x0], $0xffff;
	v3 =	vmul.f32 v3, v34  }
0x7b0: {  	[tilespmem:v13+s26+$0x0] =	vst.idx.add.f32.msk $0xffff, v1;
	v1 =	vmul.f32 v53, v35  }
0x7b1: {  	[tilespmem:v2+s26+$0x0] =	vst.idx.add.f32.msk $0xffff, v3;
	v3 =	vmul.f32 v54, v36  }
0x7b2: {  	[tilespmem:v4+s26+$0x0] =	vst.idx.add.f32.msk $0xffff, v1  }
0x7b3: {  	v1 =	vmul.f32 v55, v37;
	[tilespmem:v5+s26+$0x0] =	vst.idx.add.f32.msk $0xffff, v3  }
0x7b4: {  	v3 =	vmul.f32 v56, v38;
	v59 =	vld.idx.msk [tilespmem:v14+s30+$0x0], $0xffff  }
0x7b5: {  	[tilespmem:v6+s26+$0x0] =	vst.idx.add.f32.msk $0xffff, v1;
	v1 =	vmul.f32 v57, v43  }
0x7b6: {  	[tilespmem:v8+s26+$0x0] =	vst.idx.add.f32.msk $0xffff, v3;
	v3 =	vmul.f32 v58, v44  }
0x7b7: {  	[tilespmem:v9+s26+$0x0] =	vst.idx.add.f32.msk $0xffff, v1  }
0x7b8: {  	[tilespmem:v11+s26+$0x0] =	vst.idx.add.f32.msk $0xffff, v3  }
0x7b9: {  	v1 =	vld.idx.msk [tilespmem:v24+s30+$0x0], $0xffff  }
0x7ba: {  	v3 =	vld.idx.msk [tilespmem:v12+s30+$0x0], $0xffff  }
0x7bb: {  	v60 =	vld.idx.msk [tilespmem:v16+s30+$0x0], $0xffff  }
0x7bc: {  	v61 =	vld.idx.msk [tilespmem:v18+s30+$0x0], $0xffff  }
0x7bd: {  	v62 =	vld.idx.msk [tilespmem:v26+s30+$0x0], $0xffff  }
0x7be: {  	v15 =	vld.idx.msk [tilespmem:v41+s30+$0x0], $0xffff;
	v1 =	vmul.f32 v1, v33  }
0x7bf: {  	v63 =	vld.idx.msk [tilespmem:v28+s30+$0x0], $0xffff;
	v3 =	vmul.f32 v3, v34  }
0x7c0: {  	[tilespmem:v13+s29+$0x0] =	vst.idx.add.f32.msk $0xffff, v1;
	v1 =	vmul.f32 v59, v35  }
0x7c1: {  	[tilespmem:v2+s29+$0x0] =	vst.idx.add.f32.msk $0xffff, v3;
	v2 =	vmul.f32 v60, v36  }
0x7c2: {  	[tilespmem:v4+s29+$0x0] =	vst.idx.add.f32.msk $0xffff, v1;
	v1 =	vmul.f32 v61, v37  }
0x7c3: {  	[tilespmem:v5+s29+$0x0] =	vst.idx.add.f32.msk $0xffff, v2;
	v2 =	vmul.f32 v62, v38  }
0x7c4: {  	[tilespmem:v6+s29+$0x0] =	vst.idx.add.f32.msk $0xffff, v1;
	v1 =	vmul.f32 v15, v43  }
0x7c5: {  	[tilespmem:v8+s29+$0x0] =	vst.idx.add.f32.msk $0xffff, v2;
	v2 =	vmul.f32 v63, v44  }
0x7c6: {  	[tilespmem:v9+s29+$0x0] =	vst.idx.add.f32.msk $0xffff, v1  }
0x7c7: {  	s8 =	simm.s32 $0x140F0;
	s17 =	simm.s32 $0x0;
	[tilespmem:v11+s29+$0x0] =	vst.idx.add.f32.msk $0xffff, v2  }
.LBB2_36:
0x7c8: {  	v15 =	vld [tilespmem:s8+$0x40];
	s14 =	sadd.s32 $0xA0, s14  }
0x7c9: {  	s17 =	sadd.s32 $0xA, s17;
	v2 =	vld [tilespmem:s8+$0xFFFFFFC0];
	s9 =	sand.u32 $0x1FE0, s14  }
0x7ca: {  	p0 =	slt.u32 s17, $0x1EA;
	v17 =	vld [tilespmem:s9+$0x14080]  }
0x7cb: {  	v3 =	vld [tilespmem:s8+$0xFFFFFFD0]  }
0x7cc: {  	v4 =	vld [tilespmem:s8+$0xFFFFFFE0]  }
0x7cd: {  	v5 =	vld [tilespmem:s8+$0xFFFFFFF0];
	v23 =	vand.u32 $0xFFFF, v15  }
0x7ce: {  	v1 =	vshrl.u32 v2, $0x10;
	v8 =	vand.u32 $0xFFFF, v2;
	v6 =	vld [tilespmem:s8+$0x0]  }
0x7cf: {  	v7 =	vld [tilespmem:s8+$0x10];
	v24 =	vand.u32 $0xFFFF, v17  }
0x7d0: {  	v2 =	vshrl.u32 v3, $0x10;
	v9 =	vand.u32 $0xFFFF, v3;
	v14 =	vld [tilespmem:s8+$0x20]  }
0x7d1: {  	v16 =	vld [tilespmem:s8+$0xFFFFFFB0];
	v3 =	vshrl.u32 v4, $0x10;
	v10 =	vand.u32 $0xFFFF, v4  }
0x7d2: {  	s0 =	sadd.s32 $0xA0, s0;
	v4 =	vshrl.u32 v5, $0x10;
	v11 =	vand.u32 $0xFFFF, v5;
	v18 =	vld.idx.msk [tilespmem:v23+s23+$0x0], $0xffff  }
0x7d3: {  	v5 =	vshrl.u32 v6, $0x10;
	v12 =	vand.u32 $0xFFFF, v6;
	v25 =	vld [tilespmem:s0+$0x40]  }
0x7d4: {  	v6 =	vshrl.u32 v7, $0x10;
	v13 =	vand.u32 $0xFFFF, v7;
	v19 =	vld.idx.msk [tilespmem:v24+s23+$0x0], $0xffff  }
0x7d5: {  	v27 =	vshrl.u32 v15, $0x10;
	v7 =	vshrl.u32 v14, $0x10;
	v14 =	vand.u32 $0xFFFF, v14;
	v26 =	vld [tilespmem:s9+$0x16000]  }
0x7d6: {  	v15 =	vshrl.u32 v16, $0x10;
	v16 =	vand.u32 $0xFFFF, v16;
	v28 =	vld.idx.msk [tilespmem:v8+s23+$0x0], $0xffff  }
0x7d7: {  	v30 =	vshrl.u32 v17, $0x10;
	v29 =	vld.idx.msk [tilespmem:v9+s23+$0x0], $0xffff  }
0x7d8: {  	v31 =	vld.idx.msk [tilespmem:v10+s23+$0x0], $0xffff;
	v17 =	vmul.f32 v18, v25  }
0x7d9: {  	v32 =	vld.idx.msk [tilespmem:v11+s23+$0x0], $0xffff  }
0x7da: {  	v18 =	vmul.f32 v19, v26;
	[tilespmem:v27+s3+$0x0] =	vst.idx.add.f32.msk $0xffff, v17  }
0x7db: {  	v17 =	vld.idx.msk [tilespmem:v23+s25+$0x0], $0xffff  }
0x7dc: {  	[tilespmem:v30+s3+$0x0] =	vst.idx.add.f32.msk $0xffff, v18  }
0x7dd: {  	v18 =	vld.idx.msk [tilespmem:v24+s25+$0x0], $0xffff  }
0x7de: {  	v19 =	vld.idx.msk [tilespmem:v16+s23+$0x0], $0xffff  }
0x7df: {  	v33 =	vld.idx.msk [tilespmem:v12+s23+$0x0], $0xffff  }
0x7e0: {  	v34 =	vld.idx.msk [tilespmem:v13+s23+$0x0], $0xffff  }
0x7e1: {  	v20 =	vmul.f32 v17, v25;
	v35 =	vld.idx.msk [tilespmem:v14+s23+$0x0], $0xffff  }
0x7e2: {  	v17 =	vld [tilespmem:s0+$0xFFFFFFB0]  }
0x7e3: {  	v18 =	vmul.f32 v18, v26;
	[tilespmem:v27+s24+$0x0] =	vst.idx.add.f32.msk $0xffff, v20  }
0x7e4: {  	v36 =	vld.idx.msk [tilespmem:v23+s28+$0x0], $0xffff  }
0x7e5: {  	[tilespmem:v30+s24+$0x0] =	vst.idx.add.f32.msk $0xffff, v18  }
0x7e6: {  	v37 =	vld.idx.msk [tilespmem:v24+s28+$0x0], $0xffff  }
0x7e7: {  	v38 =	vmul.f32 v19, v17;
	v22 =	vld [tilespmem:s0+$0xFFFFFFC0]  }
0x7e8: {  	v21 =	vld [tilespmem:s0+$0xFFFFFFD0]  }
0x7e9: {  	v20 =	vld [tilespmem:s0+$0xFFFFFFE0]  }
0x7ea: {  	v36 =	vmul.f32 v36, v25;
	v18 =	vld [tilespmem:s0+$0xFFFFFFF0]  }
0x7eb: {  	v19 =	vld [tilespmem:s0+$0x0]  }
0x7ec: {  	v37 =	vmul.f32 v37, v26;
	v28 =	vmul.f32 v28, v22;
	[tilespmem:v27+s26+$0x0] =	vst.idx.add.f32.msk $0xffff, v36  }
0x7ed: {  	v29 =	vmul.f32 v29, v21;
	v36 =	vld.idx.msk [tilespmem:v23+s30+$0x0], $0xffff  }
0x7ee: {  	v31 =	vmul.f32 v31, v20;
	[tilespmem:v30+s26+$0x0] =	vst.idx.add.f32.msk $0xffff, v37  }
0x7ef: {  	v32 =	vmul.f32 v32, v18;
	v37 =	vld.idx.msk [tilespmem:v24+s30+$0x0], $0xffff  }
0x7f0: {  	v33 =	vmul.f32 v33, v19;
	v24 =	vld [tilespmem:s0+$0x10]  }
0x7f1: {  	v23 =	vld [tilespmem:s0+$0x20]  }
0x7f2: {  	[tilespmem:v15+s3+$0x0] =	vst.idx.add.f32.msk $0xffff, v38  }
0x7f3: {  	[tilespmem:v1+s3+$0x0] =	vst.idx.add.f32.msk $0xffff, v28  }
0x7f4: {  	v25 =	vmul.f32 v36, v25;
	[tilespmem:v2+s3+$0x0] =	vst.idx.add.f32.msk $0xffff, v29  }
0x7f5: {  	v26 =	vmul.f32 v37, v26;
	[tilespmem:v3+s3+$0x0] =	vst.idx.add.f32.msk $0xffff, v31;
	v28 =	vmul.f32 v34, v24  }
0x7f6: {  	v29 =	vmul.f32 v35, v23;
	[tilespmem:v27+s29+$0x0] =	vst.idx.add.f32.msk $0xffff, v25  }
0x7f7: {  	[tilespmem:v30+s29+$0x0] =	vst.idx.add.f32.msk $0xffff, v26  }
0x7f8: {  	[tilespmem:v4+s3+$0x0] =	vst.idx.add.f32.msk $0xffff, v32  }
0x7f9: {  	[tilespmem:v5+s3+$0x0] =	vst.idx.add.f32.msk $0xffff, v33  }
0x7fa: {  	[tilespmem:v6+s3+$0x0] =	vst.idx.add.f32.msk $0xffff, v28  }
0x7fb: {  	[tilespmem:v7+s3+$0x0] =	vst.idx.add.f32.msk $0xffff, v29  }
0x7fc: {  	v25 =	vld.idx.msk [tilespmem:v16+s25+$0x0], $0xffff  }
0x7fd: {  	v26 =	vld.idx.msk [tilespmem:v8+s25+$0x0], $0xffff  }
0x7fe: {  	v27 =	vld.idx.msk [tilespmem:v9+s25+$0x0], $0xffff  }
0x7ff: {  	v28 =	vld.idx.msk [tilespmem:v10+s25+$0x0], $0xffff  }
0x800: {  	v29 =	vld.idx.msk [tilespmem:v11+s25+$0x0], $0xffff  }
0x801: {  	v30 =	vld.idx.msk [tilespmem:v12+s25+$0x0], $0xffff  }
0x802: {  	v25 =	vmul.f32 v25, v17;
	v31 =	vld.idx.msk [tilespmem:v13+s25+$0x0], $0xffff  }
0x803: {  	v26 =	vmul.f32 v26, v22;
	v32 =	vld.idx.msk [tilespmem:v14+s25+$0x0], $0xffff  }
0x804: {  	[tilespmem:v15+s24+$0x0] =	vst.idx.add.f32.msk $0xffff, v25;
	v25 =	vmul.f32 v27, v21  }
0x805: {  	[tilespmem:v1+s24+$0x0] =	vst.idx.add.f32.msk $0xffff, v26;
	v26 =	vmul.f32 v28, v20  }
0x806: {  	[tilespmem:v2+s24+$0x0] =	vst.idx.add.f32.msk $0xffff, v25;
	v25 =	vmul.f32 v29, v18  }
0x807: {  	[tilespmem:v3+s24+$0x0] =	vst.idx.add.f32.msk $0xffff, v26;
	v26 =	vmul.f32 v30, v19  }
0x808: {  	[tilespmem:v4+s24+$0x0] =	vst.idx.add.f32.msk $0xffff, v25;
	v25 =	vmul.f32 v31, v24  }
0x809: {  	[tilespmem:v5+s24+$0x0] =	vst.idx.add.f32.msk $0xffff, v26;
	v26 =	vmul.f32 v32, v23  }
0x80a: {  	[tilespmem:v6+s24+$0x0] =	vst.idx.add.f32.msk $0xffff, v25  }
0x80b: {  	[tilespmem:v7+s24+$0x0] =	vst.idx.add.f32.msk $0xffff, v26  }
0x80c: {  	v25 =	vld.idx.msk [tilespmem:v16+s28+$0x0], $0xffff  }
0x80d: {  	v26 =	vld.idx.msk [tilespmem:v8+s28+$0x0], $0xffff  }
0x80e: {  	v27 =	vld.idx.msk [tilespmem:v9+s28+$0x0], $0xffff  }
0x80f: {  	v28 =	vld.idx.msk [tilespmem:v10+s28+$0x0], $0xffff  }
0x810: {  	v29 =	vld.idx.msk [tilespmem:v11+s28+$0x0], $0xffff  }
0x811: {  	v30 =	vld.idx.msk [tilespmem:v12+s28+$0x0], $0xffff  }
0x812: {  	v25 =	vmul.f32 v25, v17;
	v31 =	vld.idx.msk [tilespmem:v13+s28+$0x0], $0xffff  }
0x813: {  	v26 =	vmul.f32 v26, v22;
	v32 =	vld.idx.msk [tilespmem:v14+s28+$0x0], $0xffff  }
0x814: {  	[tilespmem:v15+s26+$0x0] =	vst.idx.add.f32.msk $0xffff, v25;
	v25 =	vmul.f32 v27, v21  }
0x815: {  	[tilespmem:v1+s26+$0x0] =	vst.idx.add.f32.msk $0xffff, v26;
	v26 =	vmul.f32 v28, v20  }
0x816: {  	[tilespmem:v2+s26+$0x0] =	vst.idx.add.f32.msk $0xffff, v25;
	v25 =	vmul.f32 v29, v18  }
0x817: {  	[tilespmem:v3+s26+$0x0] =	vst.idx.add.f32.msk $0xffff, v26;
	v26 =	vmul.f32 v30, v19  }
0x818: {  	[tilespmem:v4+s26+$0x0] =	vst.idx.add.f32.msk $0xffff, v25;
	v25 =	vmul.f32 v31, v24  }
0x819: {  	[tilespmem:v5+s26+$0x0] =	vst.idx.add.f32.msk $0xffff, v26;
	v26 =	vmul.f32 v32, v23  }
0x81a: {  	[tilespmem:v6+s26+$0x0] =	vst.idx.add.f32.msk $0xffff, v25  }
0x81b: {  	[tilespmem:v7+s26+$0x0] =	vst.idx.add.f32.msk $0xffff, v26  }
0x81c: {  	v16 =	vld.idx.msk [tilespmem:v16+s30+$0x0], $0xffff  }
0x81d: {  	v8 =	vld.idx.msk [tilespmem:v8+s30+$0x0], $0xffff  }
0x81e: {  	v9 =	vld.idx.msk [tilespmem:v9+s30+$0x0], $0xffff  }
0x81f: {  	v10 =	vld.idx.msk [tilespmem:v10+s30+$0x0], $0xffff  }
0x820: {  	v11 =	vld.idx.msk [tilespmem:v11+s30+$0x0], $0xffff  }
0x821: {  	v12 =	vld.idx.msk [tilespmem:v12+s30+$0x0], $0xffff  }
0x822: {  	v16 =	vmul.f32 v16, v17;
	v13 =	vld.idx.msk [tilespmem:v13+s30+$0x0], $0xffff  }
0x823: {  	v8 =	vmul.f32 v8, v22;
	v14 =	vld.idx.msk [tilespmem:v14+s30+$0x0], $0xffff  }
0x824: {  	v9 =	vmul.f32 v9, v21;
	[tilespmem:v15+s29+$0x0] =	vst.idx.add.f32.msk $0xffff, v16  }
0x825: {  	[tilespmem:v1+s29+$0x0] =	vst.idx.add.f32.msk $0xffff, v8;
	v1 =	vmul.f32 v10, v20  }
0x826: {  	[tilespmem:v2+s29+$0x0] =	vst.idx.add.f32.msk $0xffff, v9;
	v2 =	vmul.f32 v11, v18  }
.Ltmp18:
0x827: {  	[tilespmem:v3+s29+$0x0] =	vst.idx.add.f32.msk $0xffff, v1;
	v1 =	vmul.f32 v12, v19;
	(pc) =	sbr.rel @p0 .LBB2_36-.Ltmp18, $4  }
0x828: {  	[tilespmem:v4+s29+$0x0] =	vst.idx.add.f32.msk $0xffff, v2;
	v2 =	vmul.f32 v13, v24  }
0x829: {  	[tilespmem:v5+s29+$0x0] =	vst.idx.add.f32.msk $0xffff, v1;
	v1 =	vmul.f32 v14, v23  }
0x82a: {  	[tilespmem:v6+s29+$0x0] =	vst.idx.add.f32.msk $0xffff, v2  }
0x82b: {  	s8 =	sadd.s32 $0xA0, s8;
	[tilespmem:v7+s29+$0x0] =	vst.idx.add.f32.msk $0xffff, v1  }
0x82c: {  	_ =	swait.ge [sflag:s31], $0x1F40  }
0x82d: {  	[sflag:s31] =	ssyncset.done $0x0  }
0x82e: {  	p0 =	seq.s32 s11, $0x9;
	[sflag:s31] =	ssyncadd.s32 $0xFFFFE0C0  }
0x82f: {  	s0 =	sshrl.u32 @!p0 s13, $0x3;
	_ =	swait.ge [sflag:s31], $0x1F40  }
0x830: {  	s9 =	simm.s32 @!p0 $0x0;
	s0 =	sadd.s32 @!p0 $0x7D0, s0;
	[sflag:s31] =	ssyncset.done $0x0  }
0x831: {  	s13 =	simm.s32 @!p0 $0x14000;
	s8 =	sadd.s32 @!p0 s4, s0;
	[sflag:s31] =	ssyncadd.s32 $0xFFFFE0C0  }
0x832: {  	[tilespmem:s13], [sflag:$0x1] =	stream.linear.gather @!p0 [hbm4b:s8+s9], $0x1F40, $0x38;
	[tilespmem:$0x1BE00] =	vst v63  }
0x833: {  	s14 =	simm.s32 $0x17F50;
	s0 =	sadd.s32 @!p0 s1, s0;
	s8 =	simm.s32 @!p0 $0x15F80  }
0x834: {  	[tilespmem:s8], [sflag:$0x1] =	stream.linear.gather @!p0 [hbm4b:s0+s9], $0x1F40, $0x38;
	[tilespmem:$0x1BE00] =	vst v63  }
0x835: {  	s13 =	simm.s32 $0x0;
	v1 =	vld [tilespmem:s14+$0x40]  }
0x836: {  	s17 =	sand.u32 $0x1FE0, s13;
	v2 =	vld [tilespmem:s14+$0xFFFFFFC0]  }
0x837: {  	v3 =	vld [tilespmem:s17+$0x17F80]  }
0x838: {  	v4 =	vld [tilespmem:s14+$0xFFFFFFD0]  }
0x839: {  	v5 =	vld [tilespmem:s14+$0xFFFFFFE0]  }
0x83a: {  	v6 =	vld [tilespmem:s14+$0xFFFFFFF0]  }
0x83b: {  	v8 =	vld [tilespmem:s14+$0x0]  }
0x83c: {  	v9 =	vld [tilespmem:s14+$0x10]  }
0x83d: {  	v11 =	vld [tilespmem:s14+$0x20]  }
0x83e: {  	s0 =	simm.s32 $0x19ED0;
	v13 =	vld [tilespmem:s14+$0xFFFFFFB0]  }
0x83f: {  	v17 =	vld [tilespmem:s0+$0x40];
	v7 =	vand.u32 $0xFFFF, v1  }
0x840: {  	v20 =	vld [tilespmem:s17+$0x19F00];
	v10 =	vand.u32 $0xFFFF, v3  }
0x841: {  	v33 =	vld [tilespmem:s0+$0xFFFFFFB0]  }
0x842: {  	v34 =	vld [tilespmem:s0+$0xFFFFFFC0]  }
0x843: {  	v35 =	vld [tilespmem:s0+$0xFFFFFFD0]  }
0x844: {  	v15 =	vld.idx.msk [tilespmem:v7+s23+$0x0], $0xffff  }
0x845: {  	v19 =	vld.idx.msk [tilespmem:v10+s23+$0x0], $0xffff  }
0x846: {  	v36 =	vld [tilespmem:s0+$0xFFFFFFE0];
	v1 =	vshrl.u32 v1, $0x10  }
0x847: {  	v37 =	vld [tilespmem:s0+$0xFFFFFFF0];
	v3 =	vshrl.u32 v3, $0x10  }
0x848: {  	v38 =	vld [tilespmem:s0+$0x0]  }
0x849: {  	v43 =	vld [tilespmem:s0+$0x10];
	v15 =	vmul.f32 v15, v17  }
0x84a: {  	v44 =	vld [tilespmem:s0+$0x20];
	v12 =	vand.u32 $0xFFFF, v2;
	v19 =	vmul.f32 v19, v20  }
0x84b: {  	v14 =	vand.u32 $0xFFFF, v4;
	[tilespmem:v1+s3+$0x0] =	vst.idx.add.f32.msk $0xffff, v15  }
0x84c: {  	v16 =	vand.u32 $0xFFFF, v5;
	[tilespmem:v3+s3+$0x0] =	vst.idx.add.f32.msk $0xffff, v19  }
0x84d: {  	v18 =	vand.u32 $0xFFFF, v6;
	v27 =	vld.idx.msk [tilespmem:v7+s25+$0x0], $0xffff  }
0x84e: {  	v24 =	vand.u32 $0xFFFF, v13;
	v19 =	vld.idx.msk [tilespmem:v10+s25+$0x0], $0xffff  }
0x84f: {  	v21 =	vld.idx.msk [tilespmem:v12+s23+$0x0], $0xffff  }
0x850: {  	v22 =	vld.idx.msk [tilespmem:v14+s23+$0x0], $0xffff  }
0x851: {  	v23 =	vld.idx.msk [tilespmem:v16+s23+$0x0], $0xffff  }
0x852: {  	v25 =	vld.idx.msk [tilespmem:v18+s23+$0x0], $0xffff;
	v27 =	vmul.f32 v27, v17  }
0x853: {  	v26 =	vand.u32 $0xFFFF, v8;
	v29 =	vld.idx.msk [tilespmem:v24+s23+$0x0], $0xffff;
	v19 =	vmul.f32 v19, v20  }
0x854: {  	v41 =	vand.u32 $0xFFFF, v9;
	[tilespmem:v1+s24+$0x0] =	vst.idx.add.f32.msk $0xffff, v27  }
0x855: {  	v28 =	vand.u32 $0xFFFF, v11;
	[tilespmem:v3+s24+$0x0] =	vst.idx.add.f32.msk $0xffff, v19  }
0x856: {  	v13 =	vshrl.u32 v13, $0x10;
	v27 =	vld.idx.msk [tilespmem:v7+s28+$0x0], $0xffff  }
0x857: {  	v2 =	vshrl.u32 v2, $0x10;
	v19 =	vld.idx.msk [tilespmem:v10+s28+$0x0], $0xffff  }
0x858: {  	v30 =	vld.idx.msk [tilespmem:v26+s23+$0x0], $0xffff  }
0x859: {  	v31 =	vld.idx.msk [tilespmem:v41+s23+$0x0], $0xffff;
	v42 =	vmul.f32 v29, v33  }
0x85a: {  	v32 =	vld.idx.msk [tilespmem:v28+s23+$0x0], $0xffff;
	v21 =	vmul.f32 v21, v34  }
0x85b: {  	[tilespmem:v13+s3+$0x0] =	vst.idx.add.f32.msk $0xffff, v42;
	v27 =	vmul.f32 v27, v17  }
0x85c: {  	v4 =	vshrl.u32 v4, $0x10;
	[tilespmem:v2+s3+$0x0] =	vst.idx.add.f32.msk $0xffff, v21;
	v19 =	vmul.f32 v19, v20  }
0x85d: {  	v5 =	vshrl.u32 v5, $0x10;
	[tilespmem:v1+s26+$0x0] =	vst.idx.add.f32.msk $0xffff, v27  }
0x85e: {  	v6 =	vshrl.u32 v6, $0x10;
	[tilespmem:v3+s26+$0x0] =	vst.idx.add.f32.msk $0xffff, v19  }
0x85f: {  	v11 =	vshrl.u32 v11, $0x10;
	v22 =	vmul.f32 v22, v35;
	v7 =	vld.idx.msk [tilespmem:v7+s30+$0x0], $0xffff  }
0x860: {  	v45 =	vmul.f32 v23, v36;
	v10 =	vld.idx.msk [tilespmem:v10+s30+$0x0], $0xffff  }
0x861: {  	v46 =	vmul.f32 v25, v37;
	[tilespmem:v4+s3+$0x0] =	vst.idx.add.f32.msk $0xffff, v22  }
0x862: {  	v47 =	vmul.f32 v32, v44;
	[tilespmem:v5+s3+$0x0] =	vst.idx.add.f32.msk $0xffff, v45  }
0x863: {  	v8 =	vshrl.u32 v8, $0x10;
	[tilespmem:v6+s3+$0x0] =	vst.idx.add.f32.msk $0xffff, v46  }
0x864: {  	v9 =	vshrl.u32 v9, $0x10;
	[tilespmem:v11+s3+$0x0] =	vst.idx.add.f32.msk $0xffff, v47;
	v7 =	vmul.f32 v7, v17  }
0x865: {  	v48 =	vld.idx.msk [tilespmem:v14+s25+$0x0], $0xffff;
	v10 =	vmul.f32 v10, v20  }
0x866: {  	[tilespmem:v1+s29+$0x0] =	vst.idx.add.f32.msk $0xffff, v7;
	v1 =	vmul.f32 v30, v38  }
0x867: {  	[tilespmem:v3+s29+$0x0] =	vst.idx.add.f32.msk $0xffff, v10;
	v3 =	vmul.f32 v31, v43  }
0x868: {  	[tilespmem:v8+s3+$0x0] =	vst.idx.add.f32.msk $0xffff, v1  }
0x869: {  	[tilespmem:v9+s3+$0x0] =	vst.idx.add.f32.msk $0xffff, v3  }
0x86a: {  	v1 =	vld.idx.msk [tilespmem:v24+s25+$0x0], $0xffff  }
0x86b: {  	v3 =	vld.idx.msk [tilespmem:v12+s25+$0x0], $0xffff  }
0x86c: {  	v49 =	vld.idx.msk [tilespmem:v16+s25+$0x0], $0xffff  }
0x86d: {  	v52 =	vld.idx.msk [tilespmem:v28+s25+$0x0], $0xffff  }
0x86e: {  	v17 =	vld.idx.msk [tilespmem:v18+s25+$0x0], $0xffff  }
0x86f: {  	v50 =	vld.idx.msk [tilespmem:v26+s25+$0x0], $0xffff;
	v1 =	vmul.f32 v1, v33  }
0x870: {  	v51 =	vld.idx.msk [tilespmem:v41+s25+$0x0], $0xffff;
	v3 =	vmul.f32 v3, v34  }
0x871: {  	[tilespmem:v13+s24+$0x0] =	vst.idx.add.f32.msk $0xffff, v1;
	v1 =	vmul.f32 v48, v35  }
0x872: {  	[tilespmem:v2+s24+$0x0] =	vst.idx.add.f32.msk $0xffff, v3;
	v3 =	vmul.f32 v49, v36  }
0x873: {  	[tilespmem:v4+s24+$0x0] =	vst.idx.add.f32.msk $0xffff, v1  }
0x874: {  	v1 =	vmul.f32 v17, v37;
	[tilespmem:v5+s24+$0x0] =	vst.idx.add.f32.msk $0xffff, v3  }
0x875: {  	v3 =	vmul.f32 v50, v38;
	v53 =	vld.idx.msk [tilespmem:v14+s28+$0x0], $0xffff  }
0x876: {  	[tilespmem:v6+s24+$0x0] =	vst.idx.add.f32.msk $0xffff, v1;
	v1 =	vmul.f32 v51, v43  }
0x877: {  	[tilespmem:v8+s24+$0x0] =	vst.idx.add.f32.msk $0xffff, v3;
	v3 =	vmul.f32 v52, v44  }
0x878: {  	[tilespmem:v9+s24+$0x0] =	vst.idx.add.f32.msk $0xffff, v1  }
0x879: {  	[tilespmem:v11+s24+$0x0] =	vst.idx.add.f32.msk $0xffff, v3  }
0x87a: {  	v1 =	vld.idx.msk [tilespmem:v24+s28+$0x0], $0xffff  }
0x87b: {  	v3 =	vld.idx.msk [tilespmem:v12+s28+$0x0], $0xffff  }
0x87c: {  	v54 =	vld.idx.msk [tilespmem:v16+s28+$0x0], $0xffff  }
0x87d: {  	v55 =	vld.idx.msk [tilespmem:v18+s28+$0x0], $0xffff  }
0x87e: {  	v56 =	vld.idx.msk [tilespmem:v26+s28+$0x0], $0xffff  }
0x87f: {  	v57 =	vld.idx.msk [tilespmem:v41+s28+$0x0], $0xffff;
	v1 =	vmul.f32 v1, v33  }
0x880: {  	v58 =	vld.idx.msk [tilespmem:v28+s28+$0x0], $0xffff;
	v3 =	vmul.f32 v3, v34  }
0x881: {  	[tilespmem:v13+s26+$0x0] =	vst.idx.add.f32.msk $0xffff, v1;
	v1 =	vmul.f32 v53, v35  }
0x882: {  	[tilespmem:v2+s26+$0x0] =	vst.idx.add.f32.msk $0xffff, v3;
	v3 =	vmul.f32 v54, v36  }
0x883: {  	[tilespmem:v4+s26+$0x0] =	vst.idx.add.f32.msk $0xffff, v1  }
0x884: {  	v1 =	vmul.f32 v55, v37;
	[tilespmem:v5+s26+$0x0] =	vst.idx.add.f32.msk $0xffff, v3  }
0x885: {  	v3 =	vmul.f32 v56, v38;
	v59 =	vld.idx.msk [tilespmem:v14+s30+$0x0], $0xffff  }
0x886: {  	[tilespmem:v6+s26+$0x0] =	vst.idx.add.f32.msk $0xffff, v1;
	v1 =	vmul.f32 v57, v43  }
0x887: {  	[tilespmem:v8+s26+$0x0] =	vst.idx.add.f32.msk $0xffff, v3;
	v3 =	vmul.f32 v58, v44  }
0x888: {  	[tilespmem:v9+s26+$0x0] =	vst.idx.add.f32.msk $0xffff, v1  }
0x889: {  	[tilespmem:v11+s26+$0x0] =	vst.idx.add.f32.msk $0xffff, v3  }
0x88a: {  	v1 =	vld.idx.msk [tilespmem:v24+s30+$0x0], $0xffff  }
0x88b: {  	v3 =	vld.idx.msk [tilespmem:v12+s30+$0x0], $0xffff  }
0x88c: {  	v60 =	vld.idx.msk [tilespmem:v16+s30+$0x0], $0xffff  }
0x88d: {  	v61 =	vld.idx.msk [tilespmem:v18+s30+$0x0], $0xffff  }
0x88e: {  	v62 =	vld.idx.msk [tilespmem:v26+s30+$0x0], $0xffff  }
0x88f: {  	v15 =	vld.idx.msk [tilespmem:v41+s30+$0x0], $0xffff;
	v1 =	vmul.f32 v1, v33  }
0x890: {  	v63 =	vld.idx.msk [tilespmem:v28+s30+$0x0], $0xffff;
	v3 =	vmul.f32 v3, v34  }
0x891: {  	[tilespmem:v13+s29+$0x0] =	vst.idx.add.f32.msk $0xffff, v1;
	v1 =	vmul.f32 v59, v35  }
0x892: {  	[tilespmem:v2+s29+$0x0] =	vst.idx.add.f32.msk $0xffff, v3;
	v2 =	vmul.f32 v60, v36  }
0x893: {  	[tilespmem:v4+s29+$0x0] =	vst.idx.add.f32.msk $0xffff, v1;
	v1 =	vmul.f32 v61, v37  }
0x894: {  	[tilespmem:v5+s29+$0x0] =	vst.idx.add.f32.msk $0xffff, v2;
	v2 =	vmul.f32 v62, v38  }
0x895: {  	[tilespmem:v6+s29+$0x0] =	vst.idx.add.f32.msk $0xffff, v1;
	v1 =	vmul.f32 v15, v43  }
0x896: {  	[tilespmem:v8+s29+$0x0] =	vst.idx.add.f32.msk $0xffff, v2;
	v2 =	vmul.f32 v63, v44  }
0x897: {  	[tilespmem:v9+s29+$0x0] =	vst.idx.add.f32.msk $0xffff, v1  }
0x898: {  	s8 =	simm.s32 $0x17FF0;
	s14 =	simm.s32 $0x0;
	[tilespmem:v11+s29+$0x0] =	vst.idx.add.f32.msk $0xffff, v2  }
.LBB2_38:
0x899: {  	v15 =	vld [tilespmem:s8+$0x40];
	s13 =	sadd.s32 $0xA0, s13  }
0x89a: {  	s14 =	sadd.s32 $0xA, s14;
	v2 =	vld [tilespmem:s8+$0xFFFFFFC0];
	s9 =	sand.u32 $0x1FE0, s13  }
0x89b: {  	p0 =	slt.u32 s14, $0x1EA;
	v17 =	vld [tilespmem:s9+$0x17F80]  }
0x89c: {  	v3 =	vld [tilespmem:s8+$0xFFFFFFD0]  }
0x89d: {  	v4 =	vld [tilespmem:s8+$0xFFFFFFE0]  }
0x89e: {  	v5 =	vld [tilespmem:s8+$0xFFFFFFF0];
	v23 =	vand.u32 $0xFFFF, v15  }
0x89f: {  	v1 =	vshrl.u32 v2, $0x10;
	v8 =	vand.u32 $0xFFFF, v2;
	v6 =	vld [tilespmem:s8+$0x0]  }
0x8a0: {  	v7 =	vld [tilespmem:s8+$0x10];
	v24 =	vand.u32 $0xFFFF, v17  }
0x8a1: {  	v2 =	vshrl.u32 v3, $0x10;
	v9 =	vand.u32 $0xFFFF, v3;
	v14 =	vld [tilespmem:s8+$0x20]  }
0x8a2: {  	v16 =	vld [tilespmem:s8+$0xFFFFFFB0];
	v3 =	vshrl.u32 v4, $0x10;
	v10 =	vand.u32 $0xFFFF, v4  }
0x8a3: {  	s0 =	sadd.s32 $0xA0, s0;
	v4 =	vshrl.u32 v5, $0x10;
	v11 =	vand.u32 $0xFFFF, v5;
	v18 =	vld.idx.msk [tilespmem:v23+s23+$0x0], $0xffff  }
0x8a4: {  	v5 =	vshrl.u32 v6, $0x10;
	v12 =	vand.u32 $0xFFFF, v6;
	v25 =	vld [tilespmem:s0+$0x40]  }
0x8a5: {  	v6 =	vshrl.u32 v7, $0x10;
	v13 =	vand.u32 $0xFFFF, v7;
	v19 =	vld.idx.msk [tilespmem:v24+s23+$0x0], $0xffff  }
0x8a6: {  	v27 =	vshrl.u32 v15, $0x10;
	v7 =	vshrl.u32 v14, $0x10;
	v14 =	vand.u32 $0xFFFF, v14;
	v26 =	vld [tilespmem:s9+$0x19F00]  }
0x8a7: {  	v15 =	vshrl.u32 v16, $0x10;
	v16 =	vand.u32 $0xFFFF, v16;
	v28 =	vld.idx.msk [tilespmem:v8+s23+$0x0], $0xffff  }
0x8a8: {  	v30 =	vshrl.u32 v17, $0x10;
	v29 =	vld.idx.msk [tilespmem:v9+s23+$0x0], $0xffff  }
0x8a9: {  	v31 =	vld.idx.msk [tilespmem:v10+s23+$0x0], $0xffff;
	v17 =	vmul.f32 v18, v25  }
0x8aa: {  	v32 =	vld.idx.msk [tilespmem:v11+s23+$0x0], $0xffff  }
0x8ab: {  	v18 =	vmul.f32 v19, v26;
	[tilespmem:v27+s3+$0x0] =	vst.idx.add.f32.msk $0xffff, v17  }
0x8ac: {  	v17 =	vld.idx.msk [tilespmem:v23+s25+$0x0], $0xffff  }
0x8ad: {  	[tilespmem:v30+s3+$0x0] =	vst.idx.add.f32.msk $0xffff, v18  }
0x8ae: {  	v18 =	vld.idx.msk [tilespmem:v24+s25+$0x0], $0xffff  }
0x8af: {  	v19 =	vld.idx.msk [tilespmem:v16+s23+$0x0], $0xffff  }
0x8b0: {  	v33 =	vld.idx.msk [tilespmem:v12+s23+$0x0], $0xffff  }
0x8b1: {  	v34 =	vld.idx.msk [tilespmem:v13+s23+$0x0], $0xffff  }
0x8b2: {  	v20 =	vmul.f32 v17, v25;
	v35 =	vld.idx.msk [tilespmem:v14+s23+$0x0], $0xffff  }
0x8b3: {  	v17 =	vld [tilespmem:s0+$0xFFFFFFB0]  }
0x8b4: {  	v18 =	vmul.f32 v18, v26;
	[tilespmem:v27+s24+$0x0] =	vst.idx.add.f32.msk $0xffff, v20  }
0x8b5: {  	v36 =	vld.idx.msk [tilespmem:v23+s28+$0x0], $0xffff  }
0x8b6: {  	[tilespmem:v30+s24+$0x0] =	vst.idx.add.f32.msk $0xffff, v18  }
0x8b7: {  	v37 =	vld.idx.msk [tilespmem:v24+s28+$0x0], $0xffff  }
0x8b8: {  	v38 =	vmul.f32 v19, v17;
	v22 =	vld [tilespmem:s0+$0xFFFFFFC0]  }
0x8b9: {  	v21 =	vld [tilespmem:s0+$0xFFFFFFD0]  }
0x8ba: {  	v20 =	vld [tilespmem:s0+$0xFFFFFFE0]  }
0x8bb: {  	v36 =	vmul.f32 v36, v25;
	v18 =	vld [tilespmem:s0+$0xFFFFFFF0]  }
0x8bc: {  	v19 =	vld [tilespmem:s0+$0x0]  }
0x8bd: {  	v37 =	vmul.f32 v37, v26;
	v28 =	vmul.f32 v28, v22;
	[tilespmem:v27+s26+$0x0] =	vst.idx.add.f32.msk $0xffff, v36  }
0x8be: {  	v29 =	vmul.f32 v29, v21;
	v36 =	vld.idx.msk [tilespmem:v23+s30+$0x0], $0xffff  }
0x8bf: {  	v31 =	vmul.f32 v31, v20;
	[tilespmem:v30+s26+$0x0] =	vst.idx.add.f32.msk $0xffff, v37  }
0x8c0: {  	v32 =	vmul.f32 v32, v18;
	v37 =	vld.idx.msk [tilespmem:v24+s30+$0x0], $0xffff  }
0x8c1: {  	v33 =	vmul.f32 v33, v19;
	v24 =	vld [tilespmem:s0+$0x10]  }
0x8c2: {  	v23 =	vld [tilespmem:s0+$0x20]  }
0x8c3: {  	[tilespmem:v15+s3+$0x0] =	vst.idx.add.f32.msk $0xffff, v38  }
0x8c4: {  	[tilespmem:v1+s3+$0x0] =	vst.idx.add.f32.msk $0xffff, v28  }
0x8c5: {  	v25 =	vmul.f32 v36, v25;
	[tilespmem:v2+s3+$0x0] =	vst.idx.add.f32.msk $0xffff, v29  }
0x8c6: {  	v26 =	vmul.f32 v37, v26;
	[tilespmem:v3+s3+$0x0] =	vst.idx.add.f32.msk $0xffff, v31;
	v28 =	vmul.f32 v34, v24  }
0x8c7: {  	v29 =	vmul.f32 v35, v23;
	[tilespmem:v27+s29+$0x0] =	vst.idx.add.f32.msk $0xffff, v25  }
0x8c8: {  	[tilespmem:v30+s29+$0x0] =	vst.idx.add.f32.msk $0xffff, v26  }
0x8c9: {  	[tilespmem:v4+s3+$0x0] =	vst.idx.add.f32.msk $0xffff, v32  }
0x8ca: {  	[tilespmem:v5+s3+$0x0] =	vst.idx.add.f32.msk $0xffff, v33  }
0x8cb: {  	[tilespmem:v6+s3+$0x0] =	vst.idx.add.f32.msk $0xffff, v28  }
0x8cc: {  	[tilespmem:v7+s3+$0x0] =	vst.idx.add.f32.msk $0xffff, v29  }
0x8cd: {  	v25 =	vld.idx.msk [tilespmem:v16+s25+$0x0], $0xffff  }
0x8ce: {  	v26 =	vld.idx.msk [tilespmem:v8+s25+$0x0], $0xffff  }
0x8cf: {  	v27 =	vld.idx.msk [tilespmem:v9+s25+$0x0], $0xffff  }
0x8d0: {  	v28 =	vld.idx.msk [tilespmem:v10+s25+$0x0], $0xffff  }
0x8d1: {  	v29 =	vld.idx.msk [tilespmem:v11+s25+$0x0], $0xffff  }
0x8d2: {  	v30 =	vld.idx.msk [tilespmem:v12+s25+$0x0], $0xffff  }
0x8d3: {  	v25 =	vmul.f32 v25, v17;
	v31 =	vld.idx.msk [tilespmem:v13+s25+$0x0], $0xffff  }
0x8d4: {  	v26 =	vmul.f32 v26, v22;
	v32 =	vld.idx.msk [tilespmem:v14+s25+$0x0], $0xffff  }
0x8d5: {  	[tilespmem:v15+s24+$0x0] =	vst.idx.add.f32.msk $0xffff, v25;
	v25 =	vmul.f32 v27, v21  }
0x8d6: {  	[tilespmem:v1+s24+$0x0] =	vst.idx.add.f32.msk $0xffff, v26;
	v26 =	vmul.f32 v28, v20  }
0x8d7: {  	[tilespmem:v2+s24+$0x0] =	vst.idx.add.f32.msk $0xffff, v25;
	v25 =	vmul.f32 v29, v18  }
0x8d8: {  	[tilespmem:v3+s24+$0x0] =	vst.idx.add.f32.msk $0xffff, v26;
	v26 =	vmul.f32 v30, v19  }
0x8d9: {  	[tilespmem:v4+s24+$0x0] =	vst.idx.add.f32.msk $0xffff, v25;
	v25 =	vmul.f32 v31, v24  }
0x8da: {  	[tilespmem:v5+s24+$0x0] =	vst.idx.add.f32.msk $0xffff, v26;
	v26 =	vmul.f32 v32, v23  }
0x8db: {  	[tilespmem:v6+s24+$0x0] =	vst.idx.add.f32.msk $0xffff, v25  }
0x8dc: {  	[tilespmem:v7+s24+$0x0] =	vst.idx.add.f32.msk $0xffff, v26  }
0x8dd: {  	v25 =	vld.idx.msk [tilespmem:v16+s28+$0x0], $0xffff  }
0x8de: {  	v26 =	vld.idx.msk [tilespmem:v8+s28+$0x0], $0xffff  }
0x8df: {  	v27 =	vld.idx.msk [tilespmem:v9+s28+$0x0], $0xffff  }
0x8e0: {  	v28 =	vld.idx.msk [tilespmem:v10+s28+$0x0], $0xffff  }
0x8e1: {  	v29 =	vld.idx.msk [tilespmem:v11+s28+$0x0], $0xffff  }
0x8e2: {  	v30 =	vld.idx.msk [tilespmem:v12+s28+$0x0], $0xffff  }
0x8e3: {  	v25 =	vmul.f32 v25, v17;
	v31 =	vld.idx.msk [tilespmem:v13+s28+$0x0], $0xffff  }
0x8e4: {  	v26 =	vmul.f32 v26, v22;
	v32 =	vld.idx.msk [tilespmem:v14+s28+$0x0], $0xffff  }
0x8e5: {  	[tilespmem:v15+s26+$0x0] =	vst.idx.add.f32.msk $0xffff, v25;
	v25 =	vmul.f32 v27, v21  }
0x8e6: {  	[tilespmem:v1+s26+$0x0] =	vst.idx.add.f32.msk $0xffff, v26;
	v26 =	vmul.f32 v28, v20  }
0x8e7: {  	[tilespmem:v2+s26+$0x0] =	vst.idx.add.f32.msk $0xffff, v25;
	v25 =	vmul.f32 v29, v18  }
0x8e8: {  	[tilespmem:v3+s26+$0x0] =	vst.idx.add.f32.msk $0xffff, v26;
	v26 =	vmul.f32 v30, v19  }
0x8e9: {  	[tilespmem:v4+s26+$0x0] =	vst.idx.add.f32.msk $0xffff, v25;
	v25 =	vmul.f32 v31, v24  }
0x8ea: {  	[tilespmem:v5+s26+$0x0] =	vst.idx.add.f32.msk $0xffff, v26;
	v26 =	vmul.f32 v32, v23  }
0x8eb: {  	[tilespmem:v6+s26+$0x0] =	vst.idx.add.f32.msk $0xffff, v25  }
0x8ec: {  	[tilespmem:v7+s26+$0x0] =	vst.idx.add.f32.msk $0xffff, v26  }
0x8ed: {  	v16 =	vld.idx.msk [tilespmem:v16+s30+$0x0], $0xffff  }
0x8ee: {  	v8 =	vld.idx.msk [tilespmem:v8+s30+$0x0], $0xffff  }
0x8ef: {  	v9 =	vld.idx.msk [tilespmem:v9+s30+$0x0], $0xffff  }
0x8f0: {  	v10 =	vld.idx.msk [tilespmem:v10+s30+$0x0], $0xffff  }
0x8f1: {  	v11 =	vld.idx.msk [tilespmem:v11+s30+$0x0], $0xffff  }
0x8f2: {  	v12 =	vld.idx.msk [tilespmem:v12+s30+$0x0], $0xffff  }
0x8f3: {  	v16 =	vmul.f32 v16, v17;
	v13 =	vld.idx.msk [tilespmem:v13+s30+$0x0], $0xffff  }
0x8f4: {  	v8 =	vmul.f32 v8, v22;
	v14 =	vld.idx.msk [tilespmem:v14+s30+$0x0], $0xffff  }
0x8f5: {  	v9 =	vmul.f32 v9, v21;
	[tilespmem:v15+s29+$0x0] =	vst.idx.add.f32.msk $0xffff, v16  }
0x8f6: {  	[tilespmem:v1+s29+$0x0] =	vst.idx.add.f32.msk $0xffff, v8;
	v1 =	vmul.f32 v10, v20  }
0x8f7: {  	[tilespmem:v2+s29+$0x0] =	vst.idx.add.f32.msk $0xffff, v9;
	v2 =	vmul.f32 v11, v18  }
.Ltmp19:
0x8f8: {  	[tilespmem:v3+s29+$0x0] =	vst.idx.add.f32.msk $0xffff, v1;
	v1 =	vmul.f32 v12, v19;
	(pc) =	sbr.rel @p0 .LBB2_38-.Ltmp19, $4  }
0x8f9: {  	[tilespmem:v4+s29+$0x0] =	vst.idx.add.f32.msk $0xffff, v2;
	v2 =	vmul.f32 v13, v24  }
0x8fa: {  	[tilespmem:v5+s29+$0x0] =	vst.idx.add.f32.msk $0xffff, v1;
	v1 =	vmul.f32 v14, v23  }
0x8fb: {  	[tilespmem:v6+s29+$0x0] =	vst.idx.add.f32.msk $0xffff, v2  }
0x8fc: {  	s8 =	sadd.s32 $0xA0, s8;
	[tilespmem:v7+s29+$0x0] =	vst.idx.add.f32.msk $0xffff, v1  }
0x8fd: {  	s11 =	sadd.s32 $0x1, s11  }
0x8fe: {  	p0 =	sne.s32 s11, $0xA  }
.Ltmp20:
0x8ff: {  	_ = 	snop;
	(pc) =	sbr.rel @p0 .LBB2_35-.Ltmp20, $1  }
0x900: {  	_ =	sdelay $0x3  }
0x901: {  	s7 =	sadd.s32 $0x1, s7  }
0x902: {  	p0 =	sne.s32 s7, $0xE  }
.Ltmp21:
0x903: {  	s0 =	rddreg [dreg:$0x7];
	(pc) =	sbr.rel @p0 .LBB2_25-.Ltmp21, $4  }
0x904: {  	s0 =	sadd.s32 s10, s0  }
0x905: {  	s0 =	sshrl.u32 s0, $0x3  }
0x906: {  	s0 =	sadd.s32 s6, s0  }
0x907: {  	[hbm4b:s0+s15] =	stream.strided.scatter [tilespmem:s3], [sflag:$0x3], $0xA000, s16, s15, $0x38;
	[tilespmem:$0x1BE00] =	vst v63  }
0x908: {  	s13 =	simm.s32 $0x3  }
0x909: {  	_ =	swait.ge [sflag:s13], $0xA000  }
0x90a: {  	[sflag:s13] =	ssyncset.done $0x0  }
0x90b: {  	s2 =	simm.s32 $0x0;
	[sflag:s13] =	ssyncadd.s32 $0xFFFF6000  }
0x90c: {  	[tilespmem:s18], [sflag:$0x1] =	stream.linear.gather [hbm4b:s4+s2], $0x1F40, $0x38;
	[tilespmem:$0x1BE00] =	vst v63  }
0x90d: {  	s0 =	simm.s32 $0xA050  }
0x90e: {  	[tilespmem:s19], [sflag:$0x1] =	stream.linear.gather [hbm4b:s1+s2], $0x1F40, $0x38;
	[tilespmem:$0x1BE00] =	vst v63  }
0x90f: {  	[tilespmem:s0+$0xFFFFFFC0] =	vst v0  }
0x910: {  	[tilespmem:s0+$0xFFFFFFD0] =	vst v0  }
0x911: {  	[tilespmem:s0+$0xFFFFFFE0] =	vst v0  }
0x912: {  	[tilespmem:s0+$0xFFFFFFF0] =	vst v0  }
0x913: {  	[tilespmem:s0+$0x0] =	vst v0  }
0x914: {  	[tilespmem:s0+$0x10] =	vst v0  }
0x915: {  	[tilespmem:s0+$0x20] =	vst v0  }
0x916: {  	[tilespmem:s0+$0x40] =	vst v0  }
0x917: {  	s7 =	sand.u32 $0xFFE0, s2;
	[tilespmem:s0+$0xFFFFFFB0] =	vst v0  }
0x918: {  	s8 =	simm.s32 $0x0;
	s0 =	simm.s32 $0x0;
	[tilespmem:s7+$0xA080] =	vst v0;
	s7 =	simm.s32 $0xA0F0  }
.LBB2_42:
0x919: {  	[tilespmem:s7+$0xFFFFFFC0] =	vst v0  }
0x91a: {  	[tilespmem:s7+$0xFFFFFFD0] =	vst v0  }
0x91b: {  	[tilespmem:s7+$0xFFFFFFE0] =	vst v0  }
0x91c: {  	s0 =	sadd.s32 $0xA, s0;
	[tilespmem:s7+$0xFFFFFFF0] =	vst v0  }
0x91d: {  	p0 =	slt.u32 s0, $0x9F6;
	[tilespmem:s7+$0x0] =	vst v0  }
.Ltmp22:
0x91e: {  	[tilespmem:s7+$0x10] =	vst v0;
	(pc) =	sbr.rel @p0 .LBB2_42-.Ltmp22, $4  }
0x91f: {  	[tilespmem:s7+$0x20] =	vst v0  }
0x920: {  	s8 =	sadd.s32 $0xA0, s8;
	[tilespmem:s7+$0x40] =	vst v0  }
0x921: {  	s9 =	sand.u32 $0xFFE0, s8;
	[tilespmem:s7+$0xFFFFFFB0] =	vst v0  }
0x922: {  	s7 =	sadd.s32 $0xA0, s7;
	[tilespmem:s9+$0xA080] =	vst v0  }
.LBB2_43:
0x923: {  	_ =	swait.ge [sflag:s20], $0x1F40  }
0x924: {  	s7 =	smul.u32 $0x3E80, s2;
	[sflag:s20] =	ssyncset.done $0x0  }
0x925: {  	[sflag:s20] =	ssyncadd.s32 $0xFFFFE0C0  }
0x926: {  	s0 =	sshrl.u32 s7, $0x3;
	_ =	swait.ge [sflag:s20], $0x1F40  }
0x927: {  	s0 =	sadd.s32 $0x3E8, s0;
	[sflag:s20] =	ssyncset.done $0x0  }
0x928: {  	s10 =	simm.s32 $0x0;
	s8 =	sadd.s32 s4, s0;
	[sflag:s20] =	ssyncadd.s32 $0xFFFFE0C0  }
0x929: {  	[tilespmem:s21], [sflag:$0x2] =	stream.linear.gather [hbm4b:s8+s10], $0x1F40, $0x38;
	[tilespmem:$0x1BE00] =	vst v63  }
0x92a: {  	s14 =	simm.s32 $0x14050;
	s0 =	sadd.s32 s1, s0  }
0x92b: {  	[tilespmem:s22], [sflag:$0x2] =	stream.linear.gather [hbm4b:s0+s10], $0x1F40, $0x38;
	[tilespmem:$0x1BE00] =	vst v63  }
0x92c: {  	v1 =	vld [tilespmem:s14+$0x40]  }
0x92d: {  	s17 =	sand.u32 $0x1FE0, s10;
	v2 =	vld [tilespmem:s14+$0xFFFFFFC0]  }
0x92e: {  	v3 =	vld [tilespmem:s17+$0x14080]  }
0x92f: {  	v4 =	vld [tilespmem:s14+$0xFFFFFFD0]  }
0x930: {  	v5 =	vld [tilespmem:s14+$0xFFFFFFE0]  }
0x931: {  	v6 =	vld [tilespmem:s14+$0xFFFFFFF0]  }
0x932: {  	v8 =	vld [tilespmem:s14+$0x0]  }
0x933: {  	v9 =	vld [tilespmem:s14+$0x10]  }
0x934: {  	v11 =	vld [tilespmem:s14+$0x20]  }
0x935: {  	s0 =	simm.s32 $0x15FD0;
	v13 =	vld [tilespmem:s14+$0xFFFFFFB0]  }
0x936: {  	v17 =	vld [tilespmem:s0+$0x40];
	v7 =	vand.u32 $0xFFFF, v1  }
0x937: {  	v20 =	vld [tilespmem:s17+$0x16000];
	v10 =	vand.u32 $0xFFFF, v3  }
0x938: {  	v33 =	vld [tilespmem:s0+$0xFFFFFFB0]  }
0x939: {  	v34 =	vld [tilespmem:s0+$0xFFFFFFC0]  }
0x93a: {  	v35 =	vld [tilespmem:s0+$0xFFFFFFD0]  }
0x93b: {  	v15 =	vld.idx.msk [tilespmem:v7+s3+$0x0], $0xffff  }
0x93c: {  	v19 =	vld.idx.msk [tilespmem:v10+s3+$0x0], $0xffff  }
0x93d: {  	v36 =	vld [tilespmem:s0+$0xFFFFFFE0];
	v1 =	vshrl.u32 v1, $0x10  }
0x93e: {  	v37 =	vld [tilespmem:s0+$0xFFFFFFF0];
	v3 =	vshrl.u32 v3, $0x10  }
0x93f: {  	v38 =	vld [tilespmem:s0+$0x0]  }
0x940: {  	v43 =	vld [tilespmem:s0+$0x10];
	v15 =	vmul.f32 v15, v17  }
0x941: {  	v44 =	vld [tilespmem:s0+$0x20];
	v12 =	vand.u32 $0xFFFF, v2;
	v19 =	vmul.f32 v19, v20  }
0x942: {  	v14 =	vand.u32 $0xFFFF, v4;
	[tilespmem:v1+s23+$0x0] =	vst.idx.add.f32.msk $0xffff, v15  }
0x943: {  	v16 =	vand.u32 $0xFFFF, v5;
	[tilespmem:v3+s23+$0x0] =	vst.idx.add.f32.msk $0xffff, v19  }
0x944: {  	v18 =	vand.u32 $0xFFFF, v6;
	v27 =	vld.idx.msk [tilespmem:v7+s24+$0x0], $0xffff  }
0x945: {  	v24 =	vand.u32 $0xFFFF, v13;
	v19 =	vld.idx.msk [tilespmem:v10+s24+$0x0], $0xffff  }
0x946: {  	v21 =	vld.idx.msk [tilespmem:v12+s3+$0x0], $0xffff  }
0x947: {  	v22 =	vld.idx.msk [tilespmem:v14+s3+$0x0], $0xffff  }
0x948: {  	v23 =	vld.idx.msk [tilespmem:v16+s3+$0x0], $0xffff  }
0x949: {  	v25 =	vld.idx.msk [tilespmem:v18+s3+$0x0], $0xffff;
	v27 =	vmul.f32 v27, v17  }
0x94a: {  	v26 =	vand.u32 $0xFFFF, v8;
	v29 =	vld.idx.msk [tilespmem:v24+s3+$0x0], $0xffff;
	v19 =	vmul.f32 v19, v20  }
0x94b: {  	v41 =	vand.u32 $0xFFFF, v9;
	[tilespmem:v1+s25+$0x0] =	vst.idx.add.f32.msk $0xffff, v27  }
0x94c: {  	v28 =	vand.u32 $0xFFFF, v11;
	[tilespmem:v3+s25+$0x0] =	vst.idx.add.f32.msk $0xffff, v19  }
0x94d: {  	v13 =	vshrl.u32 v13, $0x10;
	v27 =	vld.idx.msk [tilespmem:v7+s26+$0x0], $0xffff  }
0x94e: {  	v2 =	vshrl.u32 v2, $0x10;
	v19 =	vld.idx.msk [tilespmem:v10+s26+$0x0], $0xffff  }
0x94f: {  	v30 =	vld.idx.msk [tilespmem:v26+s3+$0x0], $0xffff  }
0x950: {  	v31 =	vld.idx.msk [tilespmem:v41+s3+$0x0], $0xffff;
	v42 =	vmul.f32 v29, v33  }
0x951: {  	v32 =	vld.idx.msk [tilespmem:v28+s3+$0x0], $0xffff;
	v21 =	vmul.f32 v21, v34  }
0x952: {  	[tilespmem:v13+s23+$0x0] =	vst.idx.add.f32.msk $0xffff, v42;
	v27 =	vmul.f32 v27, v17  }
0x953: {  	v4 =	vshrl.u32 v4, $0x10;
	[tilespmem:v2+s23+$0x0] =	vst.idx.add.f32.msk $0xffff, v21;
	v19 =	vmul.f32 v19, v20  }
0x954: {  	v5 =	vshrl.u32 v5, $0x10;
	[tilespmem:v1+s28+$0x0] =	vst.idx.add.f32.msk $0xffff, v27  }
0x955: {  	v6 =	vshrl.u32 v6, $0x10;
	[tilespmem:v3+s28+$0x0] =	vst.idx.add.f32.msk $0xffff, v19  }
0x956: {  	v11 =	vshrl.u32 v11, $0x10;
	v22 =	vmul.f32 v22, v35;
	v7 =	vld.idx.msk [tilespmem:v7+s29+$0x0], $0xffff  }
0x957: {  	v45 =	vmul.f32 v23, v36;
	v10 =	vld.idx.msk [tilespmem:v10+s29+$0x0], $0xffff  }
0x958: {  	v46 =	vmul.f32 v25, v37;
	[tilespmem:v4+s23+$0x0] =	vst.idx.add.f32.msk $0xffff, v22  }
0x959: {  	v47 =	vmul.f32 v32, v44;
	[tilespmem:v5+s23+$0x0] =	vst.idx.add.f32.msk $0xffff, v45  }
0x95a: {  	v8 =	vshrl.u32 v8, $0x10;
	[tilespmem:v6+s23+$0x0] =	vst.idx.add.f32.msk $0xffff, v46  }
0x95b: {  	v9 =	vshrl.u32 v9, $0x10;
	[tilespmem:v11+s23+$0x0] =	vst.idx.add.f32.msk $0xffff, v47;
	v7 =	vmul.f32 v7, v17  }
0x95c: {  	v48 =	vld.idx.msk [tilespmem:v14+s24+$0x0], $0xffff;
	v10 =	vmul.f32 v10, v20  }
0x95d: {  	[tilespmem:v1+s30+$0x0] =	vst.idx.add.f32.msk $0xffff, v7;
	v1 =	vmul.f32 v30, v38  }
0x95e: {  	[tilespmem:v3+s30+$0x0] =	vst.idx.add.f32.msk $0xffff, v10;
	v3 =	vmul.f32 v31, v43  }
0x95f: {  	[tilespmem:v8+s23+$0x0] =	vst.idx.add.f32.msk $0xffff, v1  }
0x960: {  	[tilespmem:v9+s23+$0x0] =	vst.idx.add.f32.msk $0xffff, v3  }
0x961: {  	v1 =	vld.idx.msk [tilespmem:v24+s24+$0x0], $0xffff  }
0x962: {  	v3 =	vld.idx.msk [tilespmem:v12+s24+$0x0], $0xffff  }
0x963: {  	v49 =	vld.idx.msk [tilespmem:v16+s24+$0x0], $0xffff  }
0x964: {  	v52 =	vld.idx.msk [tilespmem:v28+s24+$0x0], $0xffff  }
0x965: {  	v17 =	vld.idx.msk [tilespmem:v18+s24+$0x0], $0xffff  }
0x966: {  	v50 =	vld.idx.msk [tilespmem:v26+s24+$0x0], $0xffff;
	v1 =	vmul.f32 v1, v33  }
0x967: {  	v51 =	vld.idx.msk [tilespmem:v41+s24+$0x0], $0xffff;
	v3 =	vmul.f32 v3, v34  }
0x968: {  	[tilespmem:v13+s25+$0x0] =	vst.idx.add.f32.msk $0xffff, v1;
	v1 =	vmul.f32 v48, v35  }
0x969: {  	[tilespmem:v2+s25+$0x0] =	vst.idx.add.f32.msk $0xffff, v3;
	v3 =	vmul.f32 v49, v36  }
0x96a: {  	[tilespmem:v4+s25+$0x0] =	vst.idx.add.f32.msk $0xffff, v1  }
0x96b: {  	v1 =	vmul.f32 v17, v37;
	[tilespmem:v5+s25+$0x0] =	vst.idx.add.f32.msk $0xffff, v3  }
0x96c: {  	v3 =	vmul.f32 v50, v38;
	v53 =	vld.idx.msk [tilespmem:v14+s26+$0x0], $0xffff  }
0x96d: {  	[tilespmem:v6+s25+$0x0] =	vst.idx.add.f32.msk $0xffff, v1;
	v1 =	vmul.f32 v51, v43  }
0x96e: {  	[tilespmem:v8+s25+$0x0] =	vst.idx.add.f32.msk $0xffff, v3;
	v3 =	vmul.f32 v52, v44  }
0x96f: {  	[tilespmem:v9+s25+$0x0] =	vst.idx.add.f32.msk $0xffff, v1  }
0x970: {  	[tilespmem:v11+s25+$0x0] =	vst.idx.add.f32.msk $0xffff, v3  }
0x971: {  	v1 =	vld.idx.msk [tilespmem:v24+s26+$0x0], $0xffff  }
0x972: {  	v3 =	vld.idx.msk [tilespmem:v12+s26+$0x0], $0xffff  }
0x973: {  	v54 =	vld.idx.msk [tilespmem:v16+s26+$0x0], $0xffff  }
0x974: {  	v55 =	vld.idx.msk [tilespmem:v18+s26+$0x0], $0xffff  }
0x975: {  	v56 =	vld.idx.msk [tilespmem:v26+s26+$0x0], $0xffff  }
0x976: {  	v57 =	vld.idx.msk [tilespmem:v41+s26+$0x0], $0xffff;
	v1 =	vmul.f32 v1, v33  }
0x977: {  	v58 =	vld.idx.msk [tilespmem:v28+s26+$0x0], $0xffff;
	v3 =	vmul.f32 v3, v34  }
0x978: {  	[tilespmem:v13+s28+$0x0] =	vst.idx.add.f32.msk $0xffff, v1;
	v1 =	vmul.f32 v53, v35  }
0x979: {  	[tilespmem:v2+s28+$0x0] =	vst.idx.add.f32.msk $0xffff, v3;
	v3 =	vmul.f32 v54, v36  }
0x97a: {  	[tilespmem:v4+s28+$0x0] =	vst.idx.add.f32.msk $0xffff, v1  }
0x97b: {  	v1 =	vmul.f32 v55, v37;
	[tilespmem:v5+s28+$0x0] =	vst.idx.add.f32.msk $0xffff, v3  }
0x97c: {  	v3 =	vmul.f32 v56, v38;
	v59 =	vld.idx.msk [tilespmem:v14+s29+$0x0], $0xffff  }
0x97d: {  	[tilespmem:v6+s28+$0x0] =	vst.idx.add.f32.msk $0xffff, v1;
	v1 =	vmul.f32 v57, v43  }
0x97e: {  	[tilespmem:v8+s28+$0x0] =	vst.idx.add.f32.msk $0xffff, v3;
	v3 =	vmul.f32 v58, v44  }
0x97f: {  	[tilespmem:v9+s28+$0x0] =	vst.idx.add.f32.msk $0xffff, v1  }
0x980: {  	[tilespmem:v11+s28+$0x0] =	vst.idx.add.f32.msk $0xffff, v3  }
0x981: {  	v1 =	vld.idx.msk [tilespmem:v24+s29+$0x0], $0xffff  }
0x982: {  	v3 =	vld.idx.msk [tilespmem:v12+s29+$0x0], $0xffff  }
0x983: {  	v60 =	vld.idx.msk [tilespmem:v16+s29+$0x0], $0xffff  }
0x984: {  	v61 =	vld.idx.msk [tilespmem:v18+s29+$0x0], $0xffff  }
0x985: {  	v62 =	vld.idx.msk [tilespmem:v26+s29+$0x0], $0xffff  }
0x986: {  	v15 =	vld.idx.msk [tilespmem:v41+s29+$0x0], $0xffff;
	v1 =	vmul.f32 v1, v33  }
0x987: {  	v63 =	vld.idx.msk [tilespmem:v28+s29+$0x0], $0xffff;
	v3 =	vmul.f32 v3, v34  }
0x988: {  	[tilespmem:v13+s30+$0x0] =	vst.idx.add.f32.msk $0xffff, v1;
	v1 =	vmul.f32 v59, v35  }
0x989: {  	[tilespmem:v2+s30+$0x0] =	vst.idx.add.f32.msk $0xffff, v3;
	v2 =	vmul.f32 v60, v36  }
0x98a: {  	[tilespmem:v4+s30+$0x0] =	vst.idx.add.f32.msk $0xffff, v1;
	v1 =	vmul.f32 v61, v37  }
0x98b: {  	[tilespmem:v5+s30+$0x0] =	vst.idx.add.f32.msk $0xffff, v2;
	v2 =	vmul.f32 v62, v38  }
0x98c: {  	[tilespmem:v6+s30+$0x0] =	vst.idx.add.f32.msk $0xffff, v1;
	v1 =	vmul.f32 v15, v43  }
0x98d: {  	[tilespmem:v8+s30+$0x0] =	vst.idx.add.f32.msk $0xffff, v2;
	v2 =	vmul.f32 v63, v44  }
0x98e: {  	[tilespmem:v9+s30+$0x0] =	vst.idx.add.f32.msk $0xffff, v1  }
0x98f: {  	s11 =	simm.s32 $0x0;
	s8 =	simm.s32 $0x140F0;
	[tilespmem:v11+s30+$0x0] =	vst.idx.add.f32.msk $0xffff, v2  }
.LBB2_44:
0x990: {  	v15 =	vld [tilespmem:s8+$0x40];
	s10 =	sadd.s32 $0xA0, s10  }
0x991: {  	s11 =	sadd.s32 $0xA, s11;
	v2 =	vld [tilespmem:s8+$0xFFFFFFC0];
	s9 =	sand.u32 $0x1FE0, s10  }
0x992: {  	p0 =	slt.u32 s11, $0x1EA;
	v17 =	vld [tilespmem:s9+$0x14080]  }
0x993: {  	v3 =	vld [tilespmem:s8+$0xFFFFFFD0]  }
0x994: {  	v4 =	vld [tilespmem:s8+$0xFFFFFFE0]  }
0x995: {  	v5 =	vld [tilespmem:s8+$0xFFFFFFF0];
	v23 =	vand.u32 $0xFFFF, v15  }
0x996: {  	v1 =	vshrl.u32 v2, $0x10;
	v8 =	vand.u32 $0xFFFF, v2;
	v6 =	vld [tilespmem:s8+$0x0]  }
0x997: {  	v7 =	vld [tilespmem:s8+$0x10];
	v24 =	vand.u32 $0xFFFF, v17  }
0x998: {  	v2 =	vshrl.u32 v3, $0x10;
	v9 =	vand.u32 $0xFFFF, v3;
	v14 =	vld [tilespmem:s8+$0x20]  }
0x999: {  	v16 =	vld [tilespmem:s8+$0xFFFFFFB0];
	v3 =	vshrl.u32 v4, $0x10;
	v10 =	vand.u32 $0xFFFF, v4  }
0x99a: {  	s0 =	sadd.s32 $0xA0, s0;
	v4 =	vshrl.u32 v5, $0x10;
	v11 =	vand.u32 $0xFFFF, v5;
	v18 =	vld.idx.msk [tilespmem:v23+s3+$0x0], $0xffff  }
0x99b: {  	v5 =	vshrl.u32 v6, $0x10;
	v12 =	vand.u32 $0xFFFF, v6;
	v25 =	vld [tilespmem:s0+$0x40]  }
0x99c: {  	v6 =	vshrl.u32 v7, $0x10;
	v13 =	vand.u32 $0xFFFF, v7;
	v19 =	vld.idx.msk [tilespmem:v24+s3+$0x0], $0xffff  }
0x99d: {  	v27 =	vshrl.u32 v15, $0x10;
	v7 =	vshrl.u32 v14, $0x10;
	v14 =	vand.u32 $0xFFFF, v14;
	v26 =	vld [tilespmem:s9+$0x16000]  }
0x99e: {  	v15 =	vshrl.u32 v16, $0x10;
	v16 =	vand.u32 $0xFFFF, v16;
	v28 =	vld.idx.msk [tilespmem:v8+s3+$0x0], $0xffff  }
0x99f: {  	v30 =	vshrl.u32 v17, $0x10;
	v29 =	vld.idx.msk [tilespmem:v9+s3+$0x0], $0xffff  }
0x9a0: {  	v31 =	vld.idx.msk [tilespmem:v10+s3+$0x0], $0xffff;
	v17 =	vmul.f32 v18, v25  }
0x9a1: {  	v32 =	vld.idx.msk [tilespmem:v11+s3+$0x0], $0xffff  }
0x9a2: {  	v18 =	vmul.f32 v19, v26;
	[tilespmem:v27+s23+$0x0] =	vst.idx.add.f32.msk $0xffff, v17  }
0x9a3: {  	v17 =	vld.idx.msk [tilespmem:v23+s24+$0x0], $0xffff  }
0x9a4: {  	[tilespmem:v30+s23+$0x0] =	vst.idx.add.f32.msk $0xffff, v18  }
0x9a5: {  	v18 =	vld.idx.msk [tilespmem:v24+s24+$0x0], $0xffff  }
0x9a6: {  	v19 =	vld.idx.msk [tilespmem:v16+s3+$0x0], $0xffff  }
0x9a7: {  	v33 =	vld.idx.msk [tilespmem:v12+s3+$0x0], $0xffff  }
0x9a8: {  	v34 =	vld.idx.msk [tilespmem:v13+s3+$0x0], $0xffff  }
0x9a9: {  	v20 =	vmul.f32 v17, v25;
	v35 =	vld.idx.msk [tilespmem:v14+s3+$0x0], $0xffff  }
0x9aa: {  	v17 =	vld [tilespmem:s0+$0xFFFFFFB0]  }
0x9ab: {  	v18 =	vmul.f32 v18, v26;
	[tilespmem:v27+s25+$0x0] =	vst.idx.add.f32.msk $0xffff, v20  }
0x9ac: {  	v36 =	vld.idx.msk [tilespmem:v23+s26+$0x0], $0xffff  }
0x9ad: {  	[tilespmem:v30+s25+$0x0] =	vst.idx.add.f32.msk $0xffff, v18  }
0x9ae: {  	v37 =	vld.idx.msk [tilespmem:v24+s26+$0x0], $0xffff  }
0x9af: {  	v38 =	vmul.f32 v19, v17;
	v22 =	vld [tilespmem:s0+$0xFFFFFFC0]  }
0x9b0: {  	v21 =	vld [tilespmem:s0+$0xFFFFFFD0]  }
0x9b1: {  	v20 =	vld [tilespmem:s0+$0xFFFFFFE0]  }
0x9b2: {  	v36 =	vmul.f32 v36, v25;
	v18 =	vld [tilespmem:s0+$0xFFFFFFF0]  }
0x9b3: {  	v19 =	vld [tilespmem:s0+$0x0]  }
0x9b4: {  	v37 =	vmul.f32 v37, v26;
	v28 =	vmul.f32 v28, v22;
	[tilespmem:v27+s28+$0x0] =	vst.idx.add.f32.msk $0xffff, v36  }
0x9b5: {  	v29 =	vmul.f32 v29, v21;
	v36 =	vld.idx.msk [tilespmem:v23+s29+$0x0], $0xffff  }
0x9b6: {  	v31 =	vmul.f32 v31, v20;
	[tilespmem:v30+s28+$0x0] =	vst.idx.add.f32.msk $0xffff, v37  }
0x9b7: {  	v32 =	vmul.f32 v32, v18;
	v37 =	vld.idx.msk [tilespmem:v24+s29+$0x0], $0xffff  }
0x9b8: {  	v33 =	vmul.f32 v33, v19;
	v24 =	vld [tilespmem:s0+$0x10]  }
0x9b9: {  	v23 =	vld [tilespmem:s0+$0x20]  }
0x9ba: {  	[tilespmem:v15+s23+$0x0] =	vst.idx.add.f32.msk $0xffff, v38  }
0x9bb: {  	[tilespmem:v1+s23+$0x0] =	vst.idx.add.f32.msk $0xffff, v28  }
0x9bc: {  	v25 =	vmul.f32 v36, v25;
	[tilespmem:v2+s23+$0x0] =	vst.idx.add.f32.msk $0xffff, v29  }
0x9bd: {  	v26 =	vmul.f32 v37, v26;
	[tilespmem:v3+s23+$0x0] =	vst.idx.add.f32.msk $0xffff, v31;
	v28 =	vmul.f32 v34, v24  }
0x9be: {  	v29 =	vmul.f32 v35, v23;
	[tilespmem:v27+s30+$0x0] =	vst.idx.add.f32.msk $0xffff, v25  }
0x9bf: {  	[tilespmem:v30+s30+$0x0] =	vst.idx.add.f32.msk $0xffff, v26  }
0x9c0: {  	[tilespmem:v4+s23+$0x0] =	vst.idx.add.f32.msk $0xffff, v32  }
0x9c1: {  	[tilespmem:v5+s23+$0x0] =	vst.idx.add.f32.msk $0xffff, v33  }
0x9c2: {  	[tilespmem:v6+s23+$0x0] =	vst.idx.add.f32.msk $0xffff, v28  }
0x9c3: {  	[tilespmem:v7+s23+$0x0] =	vst.idx.add.f32.msk $0xffff, v29  }
0x9c4: {  	v25 =	vld.idx.msk [tilespmem:v16+s24+$0x0], $0xffff  }
0x9c5: {  	v26 =	vld.idx.msk [tilespmem:v8+s24+$0x0], $0xffff  }
0x9c6: {  	v27 =	vld.idx.msk [tilespmem:v9+s24+$0x0], $0xffff  }
0x9c7: {  	v28 =	vld.idx.msk [tilespmem:v10+s24+$0x0], $0xffff  }
0x9c8: {  	v29 =	vld.idx.msk [tilespmem:v11+s24+$0x0], $0xffff  }
0x9c9: {  	v30 =	vld.idx.msk [tilespmem:v12+s24+$0x0], $0xffff  }
0x9ca: {  	v25 =	vmul.f32 v25, v17;
	v31 =	vld.idx.msk [tilespmem:v13+s24+$0x0], $0xffff  }
0x9cb: {  	v26 =	vmul.f32 v26, v22;
	v32 =	vld.idx.msk [tilespmem:v14+s24+$0x0], $0xffff  }
0x9cc: {  	[tilespmem:v15+s25+$0x0] =	vst.idx.add.f32.msk $0xffff, v25;
	v25 =	vmul.f32 v27, v21  }
0x9cd: {  	[tilespmem:v1+s25+$0x0] =	vst.idx.add.f32.msk $0xffff, v26;
	v26 =	vmul.f32 v28, v20  }
0x9ce: {  	[tilespmem:v2+s25+$0x0] =	vst.idx.add.f32.msk $0xffff, v25;
	v25 =	vmul.f32 v29, v18  }
0x9cf: {  	[tilespmem:v3+s25+$0x0] =	vst.idx.add.f32.msk $0xffff, v26;
	v26 =	vmul.f32 v30, v19  }
0x9d0: {  	[tilespmem:v4+s25+$0x0] =	vst.idx.add.f32.msk $0xffff, v25;
	v25 =	vmul.f32 v31, v24  }
0x9d1: {  	[tilespmem:v5+s25+$0x0] =	vst.idx.add.f32.msk $0xffff, v26;
	v26 =	vmul.f32 v32, v23  }
0x9d2: {  	[tilespmem:v6+s25+$0x0] =	vst.idx.add.f32.msk $0xffff, v25  }
0x9d3: {  	[tilespmem:v7+s25+$0x0] =	vst.idx.add.f32.msk $0xffff, v26  }
0x9d4: {  	v25 =	vld.idx.msk [tilespmem:v16+s26+$0x0], $0xffff  }
0x9d5: {  	v26 =	vld.idx.msk [tilespmem:v8+s26+$0x0], $0xffff  }
0x9d6: {  	v27 =	vld.idx.msk [tilespmem:v9+s26+$0x0], $0xffff  }
0x9d7: {  	v28 =	vld.idx.msk [tilespmem:v10+s26+$0x0], $0xffff  }
0x9d8: {  	v29 =	vld.idx.msk [tilespmem:v11+s26+$0x0], $0xffff  }
0x9d9: {  	v30 =	vld.idx.msk [tilespmem:v12+s26+$0x0], $0xffff  }
0x9da: {  	v25 =	vmul.f32 v25, v17;
	v31 =	vld.idx.msk [tilespmem:v13+s26+$0x0], $0xffff  }
0x9db: {  	v26 =	vmul.f32 v26, v22;
	v32 =	vld.idx.msk [tilespmem:v14+s26+$0x0], $0xffff  }
0x9dc: {  	[tilespmem:v15+s28+$0x0] =	vst.idx.add.f32.msk $0xffff, v25;
	v25 =	vmul.f32 v27, v21  }
0x9dd: {  	[tilespmem:v1+s28+$0x0] =	vst.idx.add.f32.msk $0xffff, v26;
	v26 =	vmul.f32 v28, v20  }
0x9de: {  	[tilespmem:v2+s28+$0x0] =	vst.idx.add.f32.msk $0xffff, v25;
	v25 =	vmul.f32 v29, v18  }
0x9df: {  	[tilespmem:v3+s28+$0x0] =	vst.idx.add.f32.msk $0xffff, v26;
	v26 =	vmul.f32 v30, v19  }
0x9e0: {  	[tilespmem:v4+s28+$0x0] =	vst.idx.add.f32.msk $0xffff, v25;
	v25 =	vmul.f32 v31, v24  }
0x9e1: {  	[tilespmem:v5+s28+$0x0] =	vst.idx.add.f32.msk $0xffff, v26;
	v26 =	vmul.f32 v32, v23  }
0x9e2: {  	[tilespmem:v6+s28+$0x0] =	vst.idx.add.f32.msk $0xffff, v25  }
0x9e3: {  	[tilespmem:v7+s28+$0x0] =	vst.idx.add.f32.msk $0xffff, v26  }
0x9e4: {  	v16 =	vld.idx.msk [tilespmem:v16+s29+$0x0], $0xffff  }
0x9e5: {  	v8 =	vld.idx.msk [tilespmem:v8+s29+$0x0], $0xffff  }
0x9e6: {  	v9 =	vld.idx.msk [tilespmem:v9+s29+$0x0], $0xffff  }
0x9e7: {  	v10 =	vld.idx.msk [tilespmem:v10+s29+$0x0], $0xffff  }
0x9e8: {  	v11 =	vld.idx.msk [tilespmem:v11+s29+$0x0], $0xffff  }
0x9e9: {  	v12 =	vld.idx.msk [tilespmem:v12+s29+$0x0], $0xffff  }
0x9ea: {  	v16 =	vmul.f32 v16, v17;
	v13 =	vld.idx.msk [tilespmem:v13+s29+$0x0], $0xffff  }
0x9eb: {  	v8 =	vmul.f32 v8, v22;
	v14 =	vld.idx.msk [tilespmem:v14+s29+$0x0], $0xffff  }
0x9ec: {  	v9 =	vmul.f32 v9, v21;
	[tilespmem:v15+s30+$0x0] =	vst.idx.add.f32.msk $0xffff, v16  }
0x9ed: {  	[tilespmem:v1+s30+$0x0] =	vst.idx.add.f32.msk $0xffff, v8;
	v1 =	vmul.f32 v10, v20  }
0x9ee: {  	[tilespmem:v2+s30+$0x0] =	vst.idx.add.f32.msk $0xffff, v9;
	v2 =	vmul.f32 v11, v18  }
.Ltmp23:
0x9ef: {  	[tilespmem:v3+s30+$0x0] =	vst.idx.add.f32.msk $0xffff, v1;
	v1 =	vmul.f32 v12, v19;
	(pc) =	sbr.rel @p0 .LBB2_44-.Ltmp23, $4  }
0x9f0: {  	[tilespmem:v4+s30+$0x0] =	vst.idx.add.f32.msk $0xffff, v2;
	v2 =	vmul.f32 v13, v24  }
0x9f1: {  	[tilespmem:v5+s30+$0x0] =	vst.idx.add.f32.msk $0xffff, v1;
	v1 =	vmul.f32 v14, v23  }
0x9f2: {  	[tilespmem:v6+s30+$0x0] =	vst.idx.add.f32.msk $0xffff, v2  }
0x9f3: {  	s8 =	sadd.s32 $0xA0, s8;
	[tilespmem:v7+s30+$0x0] =	vst.idx.add.f32.msk $0xffff, v1  }
0x9f4: {  	_ =	swait.ge [sflag:s31], $0x1F40  }
0x9f5: {  	[sflag:s31] =	ssyncset.done $0x0  }
0x9f6: {  	p0 =	seq.s32 s2, $0x9;
	[sflag:s31] =	ssyncadd.s32 $0xFFFFE0C0  }
0x9f7: {  	s0 =	sshrl.u32 @!p0 s7, $0x3;
	_ =	swait.ge [sflag:s31], $0x1F40  }
0x9f8: {  	s8 =	simm.s32 @!p0 $0x0;
	s0 =	sadd.s32 @!p0 $0x7D0, s0;
	[sflag:s31] =	ssyncset.done $0x0  }
0x9f9: {  	s9 =	simm.s32 @!p0 $0x14000;
	s7 =	sadd.s32 @!p0 s4, s0;
	[sflag:s31] =	ssyncadd.s32 $0xFFFFE0C0  }
0x9fa: {  	[tilespmem:s9], [sflag:$0x1] =	stream.linear.gather @!p0 [hbm4b:s7+s8], $0x1F40, $0x38;
	[tilespmem:$0x1BE00] =	vst v63  }
0x9fb: {  	s14 =	simm.s32 $0x17F50;
	s0 =	sadd.s32 @!p0 s1, s0;
	s7 =	simm.s32 @!p0 $0x15F80  }
0x9fc: {  	[tilespmem:s7], [sflag:$0x1] =	stream.linear.gather @!p0 [hbm4b:s0+s8], $0x1F40, $0x38;
	[tilespmem:$0x1BE00] =	vst v63  }
0x9fd: {  	v1 =	vld [tilespmem:s14+$0x40]  }
0x9fe: {  	v2 =	vld [tilespmem:s14+$0xFFFFFFC0]  }
0x9ff: {  	v4 =	vld [tilespmem:s14+$0xFFFFFFD0]  }
0xa00: {  	v5 =	vld [tilespmem:s14+$0xFFFFFFE0]  }
0xa01: {  	v6 =	vld [tilespmem:s14+$0xFFFFFFF0]  }
0xa02: {  	v8 =	vld [tilespmem:s14+$0x0]  }
0xa03: {  	v9 =	vld [tilespmem:s14+$0x10]  }
0xa04: {  	s7 =	simm.s32 $0x0;
	v11 =	vld [tilespmem:s14+$0x20]  }
0xa05: {  	s17 =	sand.u32 $0x1FE0, s7;
	v13 =	vld [tilespmem:s14+$0xFFFFFFB0]  }
0xa06: {  	s0 =	simm.s32 $0x19ED0;
	v3 =	vld [tilespmem:s17+$0x17F80]  }
0xa07: {  	v17 =	vld [tilespmem:s0+$0x40]  }
0xa08: {  	v33 =	vld [tilespmem:s0+$0xFFFFFFB0]  }
0xa09: {  	v34 =	vld [tilespmem:s0+$0xFFFFFFC0];
	v7 =	vand.u32 $0xFFFF, v1  }
0xa0a: {  	v35 =	vld [tilespmem:s0+$0xFFFFFFD0]  }
0xa0b: {  	v36 =	vld [tilespmem:s0+$0xFFFFFFE0];
	v10 =	vand.u32 $0xFFFF, v3  }
0xa0c: {  	v37 =	vld [tilespmem:s0+$0xFFFFFFF0]  }
0xa0d: {  	v38 =	vld [tilespmem:s0+$0x0]  }
0xa0e: {  	v12 =	vand.u32 $0xFFFF, v2;
	v15 =	vld.idx.msk [tilespmem:v7+s3+$0x0], $0xffff  }
0xa0f: {  	v20 =	vld [tilespmem:s17+$0x19F00];
	v14 =	vand.u32 $0xFFFF, v4  }
0xa10: {  	v1 =	vshrl.u32 v1, $0x10;
	v19 =	vld.idx.msk [tilespmem:v10+s3+$0x0], $0xffff  }
0xa11: {  	v43 =	vld [tilespmem:s0+$0x10]  }
0xa12: {  	v44 =	vld [tilespmem:s0+$0x20];
	v3 =	vshrl.u32 v3, $0x10  }
0xa13: {  	v21 =	vld.idx.msk [tilespmem:v12+s3+$0x0], $0xffff;
	v15 =	vmul.f32 v15, v17  }
0xa14: {  	v16 =	vand.u32 $0xFFFF, v5;
	v22 =	vld.idx.msk [tilespmem:v14+s3+$0x0], $0xffff  }
0xa15: {  	v18 =	vand.u32 $0xFFFF, v6;
	v19 =	vmul.f32 v19, v20;
	[tilespmem:v1+s23+$0x0] =	vst.idx.add.f32.msk $0xffff, v15  }
0xa16: {  	v24 =	vand.u32 $0xFFFF, v13;
	v27 =	vld.idx.msk [tilespmem:v7+s24+$0x0], $0xffff  }
0xa17: {  	v26 =	vand.u32 $0xFFFF, v8;
	[tilespmem:v3+s23+$0x0] =	vst.idx.add.f32.msk $0xffff, v19  }
0xa18: {  	v19 =	vld.idx.msk [tilespmem:v10+s24+$0x0], $0xffff  }
0xa19: {  	v23 =	vld.idx.msk [tilespmem:v16+s3+$0x0], $0xffff  }
0xa1a: {  	v25 =	vld.idx.msk [tilespmem:v18+s3+$0x0], $0xffff  }
0xa1b: {  	v29 =	vld.idx.msk [tilespmem:v24+s3+$0x0], $0xffff;
	v27 =	vmul.f32 v27, v17  }
0xa1c: {  	v41 =	vand.u32 $0xFFFF, v9;
	v30 =	vld.idx.msk [tilespmem:v26+s3+$0x0], $0xffff  }
0xa1d: {  	v28 =	vand.u32 $0xFFFF, v11;
	v19 =	vmul.f32 v19, v20;
	[tilespmem:v1+s25+$0x0] =	vst.idx.add.f32.msk $0xffff, v27  }
0xa1e: {  	v13 =	vshrl.u32 v13, $0x10;
	v27 =	vld.idx.msk [tilespmem:v7+s26+$0x0], $0xffff  }
0xa1f: {  	v2 =	vshrl.u32 v2, $0x10;
	[tilespmem:v3+s25+$0x0] =	vst.idx.add.f32.msk $0xffff, v19  }
0xa20: {  	v19 =	vld.idx.msk [tilespmem:v10+s26+$0x0], $0xffff  }
0xa21: {  	v31 =	vld.idx.msk [tilespmem:v41+s3+$0x0], $0xffff;
	v42 =	vmul.f32 v29, v33  }
0xa22: {  	v32 =	vld.idx.msk [tilespmem:v28+s3+$0x0], $0xffff;
	v21 =	vmul.f32 v21, v34  }
0xa23: {  	[tilespmem:v13+s23+$0x0] =	vst.idx.add.f32.msk $0xffff, v42;
	v27 =	vmul.f32 v27, v17  }
0xa24: {  	v4 =	vshrl.u32 v4, $0x10;
	[tilespmem:v2+s23+$0x0] =	vst.idx.add.f32.msk $0xffff, v21  }
0xa25: {  	v5 =	vshrl.u32 v5, $0x10;
	v19 =	vmul.f32 v19, v20;
	[tilespmem:v1+s28+$0x0] =	vst.idx.add.f32.msk $0xffff, v27  }
0xa26: {  	v6 =	vshrl.u32 v6, $0x10;
	v7 =	vld.idx.msk [tilespmem:v7+s29+$0x0], $0xffff  }
0xa27: {  	v11 =	vshrl.u32 v11, $0x10;
	v22 =	vmul.f32 v22, v35;
	[tilespmem:v3+s28+$0x0] =	vst.idx.add.f32.msk $0xffff, v19  }
0xa28: {  	v45 =	vmul.f32 v23, v36;
	v10 =	vld.idx.msk [tilespmem:v10+s29+$0x0], $0xffff  }
0xa29: {  	v46 =	vmul.f32 v25, v37;
	[tilespmem:v4+s23+$0x0] =	vst.idx.add.f32.msk $0xffff, v22  }
0xa2a: {  	v47 =	vmul.f32 v32, v44;
	[tilespmem:v5+s23+$0x0] =	vst.idx.add.f32.msk $0xffff, v45  }
0xa2b: {  	v8 =	vshrl.u32 v8, $0x10;
	[tilespmem:v6+s23+$0x0] =	vst.idx.add.f32.msk $0xffff, v46  }
0xa2c: {  	[tilespmem:v11+s23+$0x0] =	vst.idx.add.f32.msk $0xffff, v47;
	v7 =	vmul.f32 v7, v17  }
0xa2d: {  	v9 =	vshrl.u32 v9, $0x10;
	v48 =	vld.idx.msk [tilespmem:v14+s24+$0x0], $0xffff;
	v10 =	vmul.f32 v10, v20  }
0xa2e: {  	[tilespmem:v1+s30+$0x0] =	vst.idx.add.f32.msk $0xffff, v7;
	v1 =	vmul.f32 v30, v38  }
0xa2f: {  	[tilespmem:v3+s30+$0x0] =	vst.idx.add.f32.msk $0xffff, v10  }
0xa30: {  	v3 =	vmul.f32 v31, v43;
	[tilespmem:v8+s23+$0x0] =	vst.idx.add.f32.msk $0xffff, v1  }
0xa31: {  	v1 =	vld.idx.msk [tilespmem:v24+s24+$0x0], $0xffff  }
0xa32: {  	[tilespmem:v9+s23+$0x0] =	vst.idx.add.f32.msk $0xffff, v3  }
0xa33: {  	v3 =	vld.idx.msk [tilespmem:v12+s24+$0x0], $0xffff  }
0xa34: {  	v49 =	vld.idx.msk [tilespmem:v16+s24+$0x0], $0xffff  }
0xa35: {  	v52 =	vld.idx.msk [tilespmem:v28+s24+$0x0], $0xffff  }
0xa36: {  	v17 =	vld.idx.msk [tilespmem:v18+s24+$0x0], $0xffff  }
0xa37: {  	v50 =	vld.idx.msk [tilespmem:v26+s24+$0x0], $0xffff;
	v1 =	vmul.f32 v1, v33  }
0xa38: {  	v51 =	vld.idx.msk [tilespmem:v41+s24+$0x0], $0xffff;
	v3 =	vmul.f32 v3, v34  }
0xa39: {  	[tilespmem:v13+s25+$0x0] =	vst.idx.add.f32.msk $0xffff, v1;
	v1 =	vmul.f32 v48, v35  }
0xa3a: {  	[tilespmem:v2+s25+$0x0] =	vst.idx.add.f32.msk $0xffff, v3;
	v3 =	vmul.f32 v49, v36  }
0xa3b: {  	[tilespmem:v4+s25+$0x0] =	vst.idx.add.f32.msk $0xffff, v1  }
0xa3c: {  	v1 =	vmul.f32 v17, v37;
	[tilespmem:v5+s25+$0x0] =	vst.idx.add.f32.msk $0xffff, v3  }
0xa3d: {  	v3 =	vmul.f32 v50, v38;
	v53 =	vld.idx.msk [tilespmem:v14+s26+$0x0], $0xffff  }
0xa3e: {  	[tilespmem:v6+s25+$0x0] =	vst.idx.add.f32.msk $0xffff, v1;
	v1 =	vmul.f32 v51, v43  }
0xa3f: {  	[tilespmem:v8+s25+$0x0] =	vst.idx.add.f32.msk $0xffff, v3  }
0xa40: {  	v3 =	vmul.f32 v52, v44;
	[tilespmem:v9+s25+$0x0] =	vst.idx.add.f32.msk $0xffff, v1  }
0xa41: {  	v1 =	vld.idx.msk [tilespmem:v24+s26+$0x0], $0xffff  }
0xa42: {  	[tilespmem:v11+s25+$0x0] =	vst.idx.add.f32.msk $0xffff, v3  }
0xa43: {  	v3 =	vld.idx.msk [tilespmem:v12+s26+$0x0], $0xffff  }
0xa44: {  	v54 =	vld.idx.msk [tilespmem:v16+s26+$0x0], $0xffff  }
0xa45: {  	v55 =	vld.idx.msk [tilespmem:v18+s26+$0x0], $0xffff  }
0xa46: {  	v56 =	vld.idx.msk [tilespmem:v26+s26+$0x0], $0xffff  }
0xa47: {  	v57 =	vld.idx.msk [tilespmem:v41+s26+$0x0], $0xffff;
	v1 =	vmul.f32 v1, v33  }
0xa48: {  	v58 =	vld.idx.msk [tilespmem:v28+s26+$0x0], $0xffff;
	v3 =	vmul.f32 v3, v34  }
0xa49: {  	[tilespmem:v13+s28+$0x0] =	vst.idx.add.f32.msk $0xffff, v1;
	v1 =	vmul.f32 v53, v35  }
0xa4a: {  	[tilespmem:v2+s28+$0x0] =	vst.idx.add.f32.msk $0xffff, v3;
	v3 =	vmul.f32 v54, v36  }
0xa4b: {  	[tilespmem:v4+s28+$0x0] =	vst.idx.add.f32.msk $0xffff, v1  }
0xa4c: {  	v1 =	vmul.f32 v55, v37;
	[tilespmem:v5+s28+$0x0] =	vst.idx.add.f32.msk $0xffff, v3  }
0xa4d: {  	v3 =	vmul.f32 v56, v38;
	v59 =	vld.idx.msk [tilespmem:v14+s29+$0x0], $0xffff  }
0xa4e: {  	[tilespmem:v6+s28+$0x0] =	vst.idx.add.f32.msk $0xffff, v1;
	v1 =	vmul.f32 v57, v43  }
0xa4f: {  	[tilespmem:v8+s28+$0x0] =	vst.idx.add.f32.msk $0xffff, v3  }
0xa50: {  	v3 =	vmul.f32 v58, v44;
	[tilespmem:v9+s28+$0x0] =	vst.idx.add.f32.msk $0xffff, v1  }
0xa51: {  	v1 =	vld.idx.msk [tilespmem:v24+s29+$0x0], $0xffff  }
0xa52: {  	[tilespmem:v11+s28+$0x0] =	vst.idx.add.f32.msk $0xffff, v3  }
0xa53: {  	v3 =	vld.idx.msk [tilespmem:v12+s29+$0x0], $0xffff  }
0xa54: {  	v60 =	vld.idx.msk [tilespmem:v16+s29+$0x0], $0xffff  }
0xa55: {  	v61 =	vld.idx.msk [tilespmem:v18+s29+$0x0], $0xffff  }
0xa56: {  	v62 =	vld.idx.msk [tilespmem:v26+s29+$0x0], $0xffff  }
0xa57: {  	v15 =	vld.idx.msk [tilespmem:v41+s29+$0x0], $0xffff;
	v1 =	vmul.f32 v1, v33  }
0xa58: {  	v63 =	vld.idx.msk [tilespmem:v28+s29+$0x0], $0xffff;
	v3 =	vmul.f32 v3, v34  }
0xa59: {  	[tilespmem:v13+s30+$0x0] =	vst.idx.add.f32.msk $0xffff, v1;
	v1 =	vmul.f32 v59, v35  }
0xa5a: {  	[tilespmem:v2+s30+$0x0] =	vst.idx.add.f32.msk $0xffff, v3;
	v2 =	vmul.f32 v60, v36  }
0xa5b: {  	[tilespmem:v4+s30+$0x0] =	vst.idx.add.f32.msk $0xffff, v1;
	v1 =	vmul.f32 v61, v37  }
0xa5c: {  	[tilespmem:v5+s30+$0x0] =	vst.idx.add.f32.msk $0xffff, v2;
	v2 =	vmul.f32 v62, v38  }
0xa5d: {  	[tilespmem:v6+s30+$0x0] =	vst.idx.add.f32.msk $0xffff, v1;
	v1 =	vmul.f32 v15, v43  }
0xa5e: {  	[tilespmem:v8+s30+$0x0] =	vst.idx.add.f32.msk $0xffff, v2;
	v2 =	vmul.f32 v63, v44  }
0xa5f: {  	[tilespmem:v9+s30+$0x0] =	vst.idx.add.f32.msk $0xffff, v1  }
0xa60: {  	s10 =	simm.s32 $0x0;
	s8 =	simm.s32 $0x17FF0;
	[tilespmem:v11+s30+$0x0] =	vst.idx.add.f32.msk $0xffff, v2  }
.LBB2_46:
0xa61: {  	v15 =	vld [tilespmem:s8+$0x40];
	s7 =	sadd.s32 $0xA0, s7  }
0xa62: {  	s10 =	sadd.s32 $0xA, s10;
	v2 =	vld [tilespmem:s8+$0xFFFFFFC0];
	s9 =	sand.u32 $0x1FE0, s7  }
0xa63: {  	p0 =	slt.u32 s10, $0x1EA;
	v17 =	vld [tilespmem:s9+$0x17F80]  }
0xa64: {  	v3 =	vld [tilespmem:s8+$0xFFFFFFD0]  }
0xa65: {  	v4 =	vld [tilespmem:s8+$0xFFFFFFE0]  }
0xa66: {  	v5 =	vld [tilespmem:s8+$0xFFFFFFF0];
	v23 =	vand.u32 $0xFFFF, v15  }
0xa67: {  	v1 =	vshrl.u32 v2, $0x10;
	v8 =	vand.u32 $0xFFFF, v2;
	v6 =	vld [tilespmem:s8+$0x0]  }
0xa68: {  	v7 =	vld [tilespmem:s8+$0x10];
	v24 =	vand.u32 $0xFFFF, v17  }
0xa69: {  	v2 =	vshrl.u32 v3, $0x10;
	v9 =	vand.u32 $0xFFFF, v3;
	v14 =	vld [tilespmem:s8+$0x20]  }
0xa6a: {  	v16 =	vld [tilespmem:s8+$0xFFFFFFB0];
	v3 =	vshrl.u32 v4, $0x10;
	v10 =	vand.u32 $0xFFFF, v4  }
0xa6b: {  	s0 =	sadd.s32 $0xA0, s0;
	v4 =	vshrl.u32 v5, $0x10;
	v11 =	vand.u32 $0xFFFF, v5;
	v18 =	vld.idx.msk [tilespmem:v23+s3+$0x0], $0xffff  }
0xa6c: {  	v5 =	vshrl.u32 v6, $0x10;
	v12 =	vand.u32 $0xFFFF, v6;
	v25 =	vld [tilespmem:s0+$0x40]  }
0xa6d: {  	v6 =	vshrl.u32 v7, $0x10;
	v13 =	vand.u32 $0xFFFF, v7;
	v19 =	vld.idx.msk [tilespmem:v24+s3+$0x0], $0xffff  }
0xa6e: {  	v27 =	vshrl.u32 v15, $0x10;
	v7 =	vshrl.u32 v14, $0x10;
	v14 =	vand.u32 $0xFFFF, v14;
	v26 =	vld [tilespmem:s9+$0x19F00]  }
0xa6f: {  	v15 =	vshrl.u32 v16, $0x10;
	v16 =	vand.u32 $0xFFFF, v16;
	v28 =	vld.idx.msk [tilespmem:v8+s3+$0x0], $0xffff  }
0xa70: {  	v30 =	vshrl.u32 v17, $0x10;
	v29 =	vld.idx.msk [tilespmem:v9+s3+$0x0], $0xffff  }
0xa71: {  	v31 =	vld.idx.msk [tilespmem:v10+s3+$0x0], $0xffff;
	v17 =	vmul.f32 v18, v25  }
0xa72: {  	v32 =	vld.idx.msk [tilespmem:v11+s3+$0x0], $0xffff  }
0xa73: {  	v18 =	vmul.f32 v19, v26;
	[tilespmem:v27+s23+$0x0] =	vst.idx.add.f32.msk $0xffff, v17  }
0xa74: {  	v17 =	vld.idx.msk [tilespmem:v23+s24+$0x0], $0xffff  }
0xa75: {  	[tilespmem:v30+s23+$0x0] =	vst.idx.add.f32.msk $0xffff, v18  }
0xa76: {  	v18 =	vld.idx.msk [tilespmem:v24+s24+$0x0], $0xffff  }
0xa77: {  	v19 =	vld.idx.msk [tilespmem:v16+s3+$0x0], $0xffff  }
0xa78: {  	v33 =	vld.idx.msk [tilespmem:v12+s3+$0x0], $0xffff  }
0xa79: {  	v34 =	vld.idx.msk [tilespmem:v13+s3+$0x0], $0xffff  }
0xa7a: {  	v20 =	vmul.f32 v17, v25;
	v35 =	vld.idx.msk [tilespmem:v14+s3+$0x0], $0xffff  }
0xa7b: {  	v17 =	vld [tilespmem:s0+$0xFFFFFFB0]  }
0xa7c: {  	v18 =	vmul.f32 v18, v26;
	[tilespmem:v27+s25+$0x0] =	vst.idx.add.f32.msk $0xffff, v20  }
0xa7d: {  	v36 =	vld.idx.msk [tilespmem:v23+s26+$0x0], $0xffff  }
0xa7e: {  	[tilespmem:v30+s25+$0x0] =	vst.idx.add.f32.msk $0xffff, v18  }
0xa7f: {  	v37 =	vld.idx.msk [tilespmem:v24+s26+$0x0], $0xffff  }
0xa80: {  	v38 =	vmul.f32 v19, v17;
	v22 =	vld [tilespmem:s0+$0xFFFFFFC0]  }
0xa81: {  	v21 =	vld [tilespmem:s0+$0xFFFFFFD0]  }
0xa82: {  	v20 =	vld [tilespmem:s0+$0xFFFFFFE0]  }
0xa83: {  	v36 =	vmul.f32 v36, v25;
	v18 =	vld [tilespmem:s0+$0xFFFFFFF0]  }
0xa84: {  	v19 =	vld [tilespmem:s0+$0x0]  }
0xa85: {  	v37 =	vmul.f32 v37, v26;
	v28 =	vmul.f32 v28, v22;
	[tilespmem:v27+s28+$0x0] =	vst.idx.add.f32.msk $0xffff, v36  }
0xa86: {  	v29 =	vmul.f32 v29, v21;
	v36 =	vld.idx.msk [tilespmem:v23+s29+$0x0], $0xffff  }
0xa87: {  	v31 =	vmul.f32 v31, v20;
	[tilespmem:v30+s28+$0x0] =	vst.idx.add.f32.msk $0xffff, v37  }
0xa88: {  	v32 =	vmul.f32 v32, v18;
	v37 =	vld.idx.msk [tilespmem:v24+s29+$0x0], $0xffff  }
0xa89: {  	v33 =	vmul.f32 v33, v19;
	v24 =	vld [tilespmem:s0+$0x10]  }
0xa8a: {  	v23 =	vld [tilespmem:s0+$0x20]  }
0xa8b: {  	[tilespmem:v15+s23+$0x0] =	vst.idx.add.f32.msk $0xffff, v38  }
0xa8c: {  	[tilespmem:v1+s23+$0x0] =	vst.idx.add.f32.msk $0xffff, v28  }
0xa8d: {  	v25 =	vmul.f32 v36, v25;
	[tilespmem:v2+s23+$0x0] =	vst.idx.add.f32.msk $0xffff, v29  }
0xa8e: {  	v26 =	vmul.f32 v37, v26;
	[tilespmem:v3+s23+$0x0] =	vst.idx.add.f32.msk $0xffff, v31;
	v28 =	vmul.f32 v34, v24  }
0xa8f: {  	v29 =	vmul.f32 v35, v23;
	[tilespmem:v27+s30+$0x0] =	vst.idx.add.f32.msk $0xffff, v25  }
0xa90: {  	[tilespmem:v30+s30+$0x0] =	vst.idx.add.f32.msk $0xffff, v26  }
0xa91: {  	[tilespmem:v4+s23+$0x0] =	vst.idx.add.f32.msk $0xffff, v32  }
0xa92: {  	[tilespmem:v5+s23+$0x0] =	vst.idx.add.f32.msk $0xffff, v33  }
0xa93: {  	[tilespmem:v6+s23+$0x0] =	vst.idx.add.f32.msk $0xffff, v28  }
0xa94: {  	[tilespmem:v7+s23+$0x0] =	vst.idx.add.f32.msk $0xffff, v29  }
0xa95: {  	v25 =	vld.idx.msk [tilespmem:v16+s24+$0x0], $0xffff  }
0xa96: {  	v26 =	vld.idx.msk [tilespmem:v8+s24+$0x0], $0xffff  }
0xa97: {  	v27 =	vld.idx.msk [tilespmem:v9+s24+$0x0], $0xffff  }
0xa98: {  	v28 =	vld.idx.msk [tilespmem:v10+s24+$0x0], $0xffff  }
0xa99: {  	v29 =	vld.idx.msk [tilespmem:v11+s24+$0x0], $0xffff  }
0xa9a: {  	v30 =	vld.idx.msk [tilespmem:v12+s24+$0x0], $0xffff  }
0xa9b: {  	v25 =	vmul.f32 v25, v17;
	v31 =	vld.idx.msk [tilespmem:v13+s24+$0x0], $0xffff  }
0xa9c: {  	v26 =	vmul.f32 v26, v22;
	v32 =	vld.idx.msk [tilespmem:v14+s24+$0x0], $0xffff  }
0xa9d: {  	[tilespmem:v15+s25+$0x0] =	vst.idx.add.f32.msk $0xffff, v25;
	v25 =	vmul.f32 v27, v21  }
0xa9e: {  	[tilespmem:v1+s25+$0x0] =	vst.idx.add.f32.msk $0xffff, v26;
	v26 =	vmul.f32 v28, v20  }
0xa9f: {  	[tilespmem:v2+s25+$0x0] =	vst.idx.add.f32.msk $0xffff, v25;
	v25 =	vmul.f32 v29, v18  }
0xaa0: {  	[tilespmem:v3+s25+$0x0] =	vst.idx.add.f32.msk $0xffff, v26;
	v26 =	vmul.f32 v30, v19  }
0xaa1: {  	[tilespmem:v4+s25+$0x0] =	vst.idx.add.f32.msk $0xffff, v25;
	v25 =	vmul.f32 v31, v24  }
0xaa2: {  	[tilespmem:v5+s25+$0x0] =	vst.idx.add.f32.msk $0xffff, v26;
	v26 =	vmul.f32 v32, v23  }
0xaa3: {  	[tilespmem:v6+s25+$0x0] =	vst.idx.add.f32.msk $0xffff, v25  }
0xaa4: {  	[tilespmem:v7+s25+$0x0] =	vst.idx.add.f32.msk $0xffff, v26  }
0xaa5: {  	v25 =	vld.idx.msk [tilespmem:v16+s26+$0x0], $0xffff  }
0xaa6: {  	v26 =	vld.idx.msk [tilespmem:v8+s26+$0x0], $0xffff  }
0xaa7: {  	v27 =	vld.idx.msk [tilespmem:v9+s26+$0x0], $0xffff  }
0xaa8: {  	v28 =	vld.idx.msk [tilespmem:v10+s26+$0x0], $0xffff  }
0xaa9: {  	v29 =	vld.idx.msk [tilespmem:v11+s26+$0x0], $0xffff  }
0xaaa: {  	v30 =	vld.idx.msk [tilespmem:v12+s26+$0x0], $0xffff  }
0xaab: {  	v25 =	vmul.f32 v25, v17;
	v31 =	vld.idx.msk [tilespmem:v13+s26+$0x0], $0xffff  }
0xaac: {  	v26 =	vmul.f32 v26, v22;
	v32 =	vld.idx.msk [tilespmem:v14+s26+$0x0], $0xffff  }
0xaad: {  	[tilespmem:v15+s28+$0x0] =	vst.idx.add.f32.msk $0xffff, v25;
	v25 =	vmul.f32 v27, v21  }
0xaae: {  	[tilespmem:v1+s28+$0x0] =	vst.idx.add.f32.msk $0xffff, v26;
	v26 =	vmul.f32 v28, v20  }
0xaaf: {  	[tilespmem:v2+s28+$0x0] =	vst.idx.add.f32.msk $0xffff, v25;
	v25 =	vmul.f32 v29, v18  }
0xab0: {  	[tilespmem:v3+s28+$0x0] =	vst.idx.add.f32.msk $0xffff, v26;
	v26 =	vmul.f32 v30, v19  }
0xab1: {  	[tilespmem:v4+s28+$0x0] =	vst.idx.add.f32.msk $0xffff, v25;
	v25 =	vmul.f32 v31, v24  }
0xab2: {  	[tilespmem:v5+s28+$0x0] =	vst.idx.add.f32.msk $0xffff, v26;
	v26 =	vmul.f32 v32, v23  }
0xab3: {  	[tilespmem:v6+s28+$0x0] =	vst.idx.add.f32.msk $0xffff, v25  }
0xab4: {  	[tilespmem:v7+s28+$0x0] =	vst.idx.add.f32.msk $0xffff, v26  }
0xab5: {  	v16 =	vld.idx.msk [tilespmem:v16+s29+$0x0], $0xffff  }
0xab6: {  	v8 =	vld.idx.msk [tilespmem:v8+s29+$0x0], $0xffff  }
0xab7: {  	v9 =	vld.idx.msk [tilespmem:v9+s29+$0x0], $0xffff  }
0xab8: {  	v10 =	vld.idx.msk [tilespmem:v10+s29+$0x0], $0xffff  }
0xab9: {  	v11 =	vld.idx.msk [tilespmem:v11+s29+$0x0], $0xffff  }
0xaba: {  	v12 =	vld.idx.msk [tilespmem:v12+s29+$0x0], $0xffff  }
0xabb: {  	v16 =	vmul.f32 v16, v17;
	v13 =	vld.idx.msk [tilespmem:v13+s29+$0x0], $0xffff  }
0xabc: {  	v8 =	vmul.f32 v8, v22;
	v14 =	vld.idx.msk [tilespmem:v14+s29+$0x0], $0xffff  }
0xabd: {  	v9 =	vmul.f32 v9, v21;
	[tilespmem:v15+s30+$0x0] =	vst.idx.add.f32.msk $0xffff, v16  }
0xabe: {  	[tilespmem:v1+s30+$0x0] =	vst.idx.add.f32.msk $0xffff, v8;
	v1 =	vmul.f32 v10, v20  }
0xabf: {  	[tilespmem:v2+s30+$0x0] =	vst.idx.add.f32.msk $0xffff, v9;
	v2 =	vmul.f32 v11, v18  }
.Ltmp24:
0xac0: {  	[tilespmem:v3+s30+$0x0] =	vst.idx.add.f32.msk $0xffff, v1;
	v1 =	vmul.f32 v12, v19;
	(pc) =	sbr.rel @p0 .LBB2_46-.Ltmp24, $4  }
0xac1: {  	[tilespmem:v4+s30+$0x0] =	vst.idx.add.f32.msk $0xffff, v2;
	v2 =	vmul.f32 v13, v24  }
0xac2: {  	[tilespmem:v5+s30+$0x0] =	vst.idx.add.f32.msk $0xffff, v1;
	v1 =	vmul.f32 v14, v23  }
0xac3: {  	[tilespmem:v6+s30+$0x0] =	vst.idx.add.f32.msk $0xffff, v2  }
0xac4: {  	s8 =	sadd.s32 $0xA0, s8;
	[tilespmem:v7+s30+$0x0] =	vst.idx.add.f32.msk $0xffff, v1  }
0xac5: {  	s2 =	sadd.s32 $0x1, s2  }
0xac6: {  	p0 =	sne.s32 s2, $0xA  }
.Ltmp25:
0xac7: {  	_ = 	snop;
	(pc) =	sbr.rel @p0 .LBB2_43-.Ltmp25, $1  }
0xac8: {  	_ =	sdelay $0x3  }
0xac9: {  	s0 =	rddreg [dreg:$0x8]  }
0xaca: {  	[hbm4b:s0+s15] =	stream.strided.scatter [tilespmem:s23], [sflag:$0x3], $0xA000, s16, s15, $0x38;
	[tilespmem:$0x1BE00] =	vst v63  }
0xacb: {  	_ =	swait.ge [sflag:s13], $0xA000  }
0xacc: {  	[sflag:s13] =	ssyncset.done $0x0  }
0xacd: {  	[sflag:s13] =	ssyncadd.s32 $0xFFFF6000  }
0xace: {  	_ =	swait.ge [sflag:s13], $0xA000  }
0xacf: {  	s2 =	rddreg [dreg:$0xa]  }
0xad0: {  	s17 =	rddreg [dreg:$0x9];
	s2 =	sadd.s32 $0x1, s2  }
0xad1: {  	p0 =	sne.s32 s2, s17  }
.Ltmp26:
0xad2: {  	_ = 	snop;
	(pc) =	sbr.rel @p0 .LBB2_1-.Ltmp26, $3  }
0xad3: {  	_ =	sdelay $0x1  }
0xad4: {  	[sflag:s13] =	ssyncset.done $0x0  }
0xad5: {  	s9 =	rddreg [dreg:$0x4];
	[sflag:s13] =	ssyncadd.s32 $0xFFFF6000  }
0xad6: {  	_ =	sfence.sel $0x180000  }
0xad7: {  	[bflag:$0x0] =	sbarrier.arrive $0xFFFF  }
0xad8: {  	_ =	strace $0x90000047  }
0xad9: {  	s0 =	stileid.u32;
	[bflag:$0x2] =	sbarrier.arrive $0xFFFF  }
0xada: {  	p0 =	sne.s32 s0, $0x0;
	s0 =	rddreg [dreg:$0x2]  }
0xadb: {  	s0 =	sadd.s32 @!p0 $0x100000, s0  }
0xadc: {  	[sflag:s0] =	ssyncadd.tile.s32 @!p0 $0x1;
	_ =	shalt  }
.Lfunc_end2:
_tile_overlayer_lowered:
.L_overlay_start_2:
0xadd: {  	(tag) =	ssettag $0x2  }
0xade: {  	s0 =	rddreg [dreg:$0x0];
	s2 =	stileid.u32  }
0xadf: {  	s1 =	rddreg [dreg:$0x1];
	p0 =	sne.s32 s2, $0x0  }
0xae0: {  	s3 =	rddreg [dreg:$0x2];
	[bflag:$0x3] =	sbarrier.arrive $0xFFFF;
	s2 =	simm.s32 @!p0 $0x1C04  }
0xae1: {  	[timem:s3], [sflag:s2] =	dma.local @!p0 [hbm:s0], s1  }
0xae2: {  	s0 =	simm.s32 @!p0 $0x4  }
0xae3: {  	_ =	swait.ge @!p0 [sflag:s0], s1  }
0xae4: {  	s1 =	ssub.s32 @!p0 $0x0, s1;
	[sflag:s0] =	ssyncset.done @!p0 $0x0  }
0xae5: {  	[sflag:s0] =	ssyncadd.s32 @!p0 s1  }
0xae6: {  	[bflag:$0x3] =	sbarrier.arrive $0xFFFF  }
0xae7: {  	_ =	shalt  }

</sc_bundles>
